<compile_context>
chip_gen: v7x
topology: tpu7x:2x2x1
jax: 0.10.2.dev20260603
libtpu: 0.0.44.dev20260713+nightly
codegen_flags: <defaults>
</compile_context>

<pallas_src>
import functools

import jax
import jax.numpy as jnp
from jax import lax
from jax.experimental import pallas as pl
from jax.experimental.pallas import tpu as pltpu
from jax.experimental.pallas import tpu_sc as plsc

B = 16384
N_FIELDS = 26
VOCAB = 100000
EMB = 16
DOMAINS = 4
BOTTOM = 128
TOWER = 8

NC = 2
NS = 16
NW = NC * NS

BPW = B // NW
CH = 128
G = BPW // CH


NBUF = 3


def _sc_gather_body(nf, idx_hbm, table_hbm, out_hbm, idx_v, rows_v, *gsems):
    wid = lax.axis_index("s") * NC + lax.axis_index("c")
    pltpu.sync_copy(idx_hbm.at[wid], idx_v)

    def drain_and_write(f, sem):
        dst = out_hbm.at[pl.ds(f * EMB, EMB), pl.ds(wid * BPW, BPW)]
        pltpu.make_async_copy(dst, rows_v.at[f % NBUF], sem).wait()
        pltpu.sync_copy(rows_v.at[f % NBUF], dst)

    def fire(f, sem):
        def comp(e, carry2):
            row = table_hbm.at[f * EMB + e]
            for j in range(G):
                pltpu.async_copy(
                    row.at[idx_v.at[f, j]],
                    rows_v.at[f % NBUF, e, pl.ds(j * CH, CH)],
                    sem,
                )
            return carry2

        lax.fori_loop(0, EMB, comp, 0)

    def field(f, carry):
        for k in range(NBUF):
            @pl.when(f % NBUF == k)
            def _(k=k):
                fire(f, gsems[k])

        for k in range(NBUF):
            @pl.when((f % NBUF == (k + NBUF - 1) % NBUF) & (f >= NBUF - 1))
            def _(k=k):
                drain_and_write(f - (NBUF - 1), gsems[k])

        return carry

    lax.fori_loop(0, nf, field, 0)
    for f in range(max(nf - NBUF + 1, 0), nf):
        drain_and_write(f, gsems[f % NBUF])


@functools.cache
def _make_sc_gather(nf):
    return pl.kernel(
        functools.partial(_sc_gather_body, nf),
        out_type=jax.ShapeDtypeStruct((nf * EMB, B), jnp.float32),
        mesh=plsc.VectorSubcoreMesh(
            core_axis_name="c", subcore_axis_name="s",
            num_cores=NC, num_subcores=NS),
        scratch_types=[
            pltpu.VMEM((nf, G, CH), jnp.int32),
            pltpu.VMEM((NBUF, EMB, BPW), jnp.float32),
        ] + [pltpu.SemaphoreType.DMA] * NBUF,
        compiler_params=pltpu.CompilerParams(use_tc_tiling_on_sc=False),
    )


BLK = 1024
NBLK = B // BLK


def _tc_body(*refs):
    nchunks = (len(refs) - 7) // 2
    flatT_refs = refs[:nchunks]
    w1_refs = refs[nchunks:2 * nchunks]
    dom_ref, b1_ref, tw1_ref, tb1_ref, tw2_ref, tb2_ref, out_ref = \
        refs[2 * nchunks:]
    hT = b1_ref[...]
    for fr, wr in zip(flatT_refs, w1_refs):
        hT = hT + lax.dot_general(wr[...], fr[...], (((0,), (0,)), ((), ())),
                                  preferred_element_type=jnp.float32)
    hT = jnp.maximum(hT, 0.0)
    tT = lax.dot_general(tw1_ref[...], hT, (((0,), (0,)), ((), ())),
                         preferred_element_type=jnp.float32)
    tT = jnp.maximum(tT + tb1_ref[...], 0.0)
    logitsT = lax.dot_general(tw2_ref[...], tT, (((0,), (0,)), ((), ())),
                              preferred_element_type=jnp.float32)
    logitsT = logitsT + tb2_ref[...]
    dom = dom_ref[...].reshape(1, BLK)
    onehot = dom == lax.broadcasted_iota(jnp.int32, (DOMAINS, 1), 0)
    logit = jnp.sum(jnp.where(onehot, logitsT, 0.0), axis=0)
    out_ref[...] = (1.0 / (1.0 + jnp.exp(-logit))).reshape(1, 1, BLK)


FIELD_CHUNKS = (7, 7, 6, 6)


def kernel(x_sparse, domain_indicator, tables, W1, b1, TW1, Tb1, TW2, Tb2):
    tableT = tables.transpose(0, 2, 1).reshape(N_FIELDS * EMB, VOCAB)

    idx4 = x_sparse.reshape(NW, BPW, N_FIELDS).transpose(0, 2, 1).reshape(
        NW, N_FIELDS, G, CH)

    flatT_chunks = []
    w1_chunks = []
    f0 = 0
    for nf in FIELD_CHUNKS:
        flatT_chunks.append(_make_sc_gather(nf)(
            idx4[:, f0:f0 + nf], tableT[f0 * EMB:(f0 + nf) * EMB]))
        w1_chunks.append(W1[f0 * EMB:(f0 + nf) * EMB])
        f0 += nf

    tw1c = TW1.transpose(1, 0, 2).reshape(BOTTOM, DOMAINS * TOWER)
    tb1c = Tb1.reshape(DOMAINS * TOWER, 1)
    eye = jnp.eye(DOMAINS, dtype=TW2.dtype)
    tw2bd = (TW2[:, :, 0][:, :, None] * eye[:, None, :]).reshape(
        DOMAINS * TOWER, DOMAINS)
    tb2c = Tb2.reshape(DOMAINS, 1)

    dom3 = domain_indicator.reshape(NBLK, 1, BLK)

    out3 = pl.pallas_call(
        _tc_body,
        grid=(NBLK,),
        in_specs=(
            [pl.BlockSpec((nf * EMB, BLK), lambda i: (0, i))
             for nf in FIELD_CHUNKS]
            + [pl.BlockSpec((nf * EMB, BOTTOM), lambda i: (0, 0))
               for nf in FIELD_CHUNKS]
            + [
                pl.BlockSpec((1, 1, BLK), lambda i: (i, 0, 0)),
                pl.BlockSpec((BOTTOM, 1), lambda i: (0, 0)),
                pl.BlockSpec((BOTTOM, DOMAINS * TOWER), lambda i: (0, 0)),
                pl.BlockSpec((DOMAINS * TOWER, 1), lambda i: (0, 0)),
                pl.BlockSpec((DOMAINS * TOWER, DOMAINS), lambda i: (0, 0)),
                pl.BlockSpec((DOMAINS, 1), lambda i: (0, 0)),
            ]
        ),
        out_specs=pl.BlockSpec((1, 1, BLK), lambda i: (i, 0, 0)),
        out_shape=jax.ShapeDtypeStruct((NBLK, 1, BLK), jnp.float32),
        compiler_params=pltpu.CompilerParams(
            dimension_semantics=("arbitrary",),
        ),
    )(*flatT_chunks, *w1_chunks, dom3, b1.reshape(BOTTOM, 1), tw1c, tb1c,
      tw2bd, tb2c)

    return out3.reshape(B)

# --- scband reference (transcript-rebuilt; emitter-appended) ---
"""Pipeline reference for scband-shared-bottom-framework-82025285419694 (READ-ONLY COPY).

The authoritative reference and input builder live on the scoring server;
editing this copy changes nothing except your own understanding.
"""

import jax, jax.numpy as jnp
import numpy as np

B = 16384
N_FIELDS = 26
VOCAB = 100000
EMB = 16
DOMAINS = 4
BOTTOM = 128
TOWER = 8


def setup_inputs(seed: int = 0) -> dict:
    key = jax.random.key(seed)
    ks = jax.random.split(key, 10)
    x_sparse = jax.random.randint(ks[0], (B, N_FIELDS), 0, VOCAB, dtype=jnp.int32)
    domain_indicator = jax.random.randint(ks[1], (B,), 0, DOMAINS, dtype=jnp.int32)
    # learned parameters
    tables = jax.random.normal(ks[2], (N_FIELDS, VOCAB, EMB), dtype=jnp.float32) * 0.01
    in_dim = N_FIELDS * EMB
    W1 = jax.random.normal(ks[3], (in_dim, BOTTOM), dtype=jnp.float32) * (1.0 / np.sqrt(in_dim))
    b1 = jnp.zeros((BOTTOM,), dtype=jnp.float32)
    TW1 = jax.random.normal(ks[4], (DOMAINS, BOTTOM, TOWER), dtype=jnp.float32) * (1.0 / np.sqrt(BOTTOM))
    Tb1 = jnp.zeros((DOMAINS, TOWER), dtype=jnp.float32)
    TW2 = jax.random.normal(ks[5], (DOMAINS, TOWER, 1), dtype=jnp.float32) * (1.0 / np.sqrt(TOWER))
    Tb2 = jnp.zeros((DOMAINS, 1), dtype=jnp.float32)
    return {
        "x_sparse": x_sparse,
        "domain_indicator": domain_indicator,
        "tables": tables,
        "W1": W1,
        "b1": b1,
        "TW1": TW1,
        "Tb1": Tb1,
        "TW2": TW2,
        "Tb2": Tb2,
    }


def reference(x_sparse, domain_indicator, tables, W1, b1, TW1, Tb1, TW2, Tb2):
    # EmbeddingLayer: per-field embedding gather, then flatten (squeeze_dim=True)
    n_fields = tables.shape[0]
    emb = jnp.stack([tables[f][x_sparse[:, f]] for f in range(n_fields)], axis=1)  # (B, F, D)
    flat = emb.reshape(emb.shape[0], -1)  # (B, F*D)
    # shared bottom MLP: Linear -> ReLU
    h = jax.nn.relu(flat @ W1 + b1)  # (B, BOTTOM)
    # per-domain towers routed by domain_indicator; aux_logit is zero in fcn path
    result = jnp.zeros((h.shape[0],), dtype=h.dtype)
    n_domains = TW1.shape[0]
    for d in range(n_domains):
        t = jax.nn.relu(h @ TW1[d] + Tb1[d])  # (B, TOWER)
        logit = (t @ TW2[d] + Tb2[d])[:, 0]  # (B,)
        result = jnp.where(domain_indicator == d, jax.nn.sigmoid(logit), result)
    return result

if __name__ == "__main__":
    import jax
    _d = setup_inputs()
    print(jax.jit(kernel)(*tuple(_d.values())))

</pallas_src>

<mosaic_0001>
#map = affine_map<(d0, d1) -> (0, 0, 0, 0)>
#map1 = affine_map<(d0, d1) -> (0, 0)>
module attributes {stable_mosaic.version = 14 : i64} {
  func.func @_sc_gather_body(%arg0: i32, %arg1: i32, %arg2: memref<32x6x4x128xi32, #tpu.memory_space<hbm>>, %arg3: memref<96x100000xf32, #tpu.memory_space<hbm>>, %arg4: memref<96x16384xf32, #tpu.memory_space<hbm>>, %arg5: memref<6x4x128xi32, #tpu.memory_space<vmem>>, %arg6: memref<3x16x512xf32, #tpu.memory_space<vmem>>, %arg7: memref<!tpu.dma_semaphore, #tpu.memory_space<semaphore_mem>>, %arg8: memref<!tpu.dma_semaphore, #tpu.memory_space<semaphore_mem>>, %arg9: memref<!tpu.dma_semaphore, #tpu.memory_space<semaphore_mem>>) attributes {dimension_semantics = [#tpu.dimension_semantics<core_parallel>, #tpu.dimension_semantics<subcore_parallel>], iteration_bounds = array<i64: 2, 16>, scalar_prefetch = 0 : i64, scratch_operands = 5 : i64, tpu.core_type = #tpu.core_type<sc_vector_subcore>, window_params = [{transform_indices = #map}, {transform_indices = #map1}, {transform_indices = #map1}]} {
    %mul3A = arith.constant 2 : i32
    %mul3A_0 = arith.muli %arg1, %mul3A : i32
    %add3A = arith.addi %mul3A_0, %arg0 : i32
    "tpu.region"() ({
      %run_scoped3A_36 = tpu.sem_alloc : memref<!tpu.dma_semaphore, #tpu.memory_space<semaphore_mem>>
      %dma_start3A = arith.constant 0 : i32
      %dma_start3A_37 = arith.constant 0 : i32
      %dma_start3A_38 = arith.constant 0 : i32
      %dma_start3A_39 = tpu.memref_slice %arg2[%add3A, %dma_start3A, %dma_start3A_37, %dma_start3A_38] : memref<32x6x4x128xi32, #tpu.memory_space<hbm>> -> memref<1x6x4x128xi32, #tpu.memory_space<hbm>>
      %dma_start3A_40 = tpu.memref_squeeze %dma_start3A_39 : memref<1x6x4x128xi32, #tpu.memory_space<hbm>> -> memref<6x4x128xi32, #tpu.memory_space<hbm>>
      %dma_start3A_41 = arith.constant 0 : i32
      %dma_start3A_42 = arith.constant 0 : i32
      %dma_start3A_43 = arith.constant 0 : i32
      %dma_start3A_44 = tpu.memref_slice %arg2[%add3A, %dma_start3A_41, %dma_start3A_42, %dma_start3A_43] : memref<32x6x4x128xi32, #tpu.memory_space<hbm>> -> memref<1x6x4x128xi32, #tpu.memory_space<hbm>>
      %dma_start3A_45 = tpu.memref_squeeze %dma_start3A_44 : memref<1x6x4x128xi32, #tpu.memory_space<hbm>> -> memref<6x4x128xi32, #tpu.memory_space<hbm>>
      tpu.enqueue_dma source(%dma_start3A_45 : memref<6x4x128xi32, #tpu.memory_space<hbm>>) target(%arg5 : memref<6x4x128xi32, #tpu.memory_space<vmem>>) target_semaphore(%run_scoped3A_36 : memref<!tpu.dma_semaphore, #tpu.memory_space<semaphore_mem>>)
      %dma_wait3A_46 = arith.constant 0 : i32
      %dma_wait3A_47 = arith.constant 0 : i32
      %dma_wait3A_48 = arith.constant 0 : i32
      %dma_wait3A_49 = tpu.memref_slice %arg2[%add3A, %dma_wait3A_46, %dma_wait3A_47, %dma_wait3A_48] : memref<32x6x4x128xi32, #tpu.memory_space<hbm>> -> memref<1x6x4x128xi32, #tpu.memory_space<hbm>>
      %dma_wait3A_50 = tpu.memref_squeeze %dma_wait3A_49 : memref<1x6x4x128xi32, #tpu.memory_space<hbm>> -> memref<6x4x128xi32, #tpu.memory_space<hbm>>
      %dma_wait3A_51 = arith.constant 0 : i32
      %dma_wait3A_52 = arith.constant 0 : i32
      %dma_wait3A_53 = arith.constant 0 : i32
      %dma_wait3A_54 = tpu.memref_slice %arg2[%add3A, %dma_wait3A_51, %dma_wait3A_52, %dma_wait3A_53] : memref<32x6x4x128xi32, #tpu.memory_space<hbm>> -> memref<1x6x4x128xi32, #tpu.memory_space<hbm>>
      %dma_wait3A_55 = tpu.memref_squeeze %dma_wait3A_54 : memref<1x6x4x128xi32, #tpu.memory_space<hbm>> -> memref<6x4x128xi32, #tpu.memory_space<hbm>>
      tpu.wait_dma2 semaphore(%run_scoped3A_36 : memref<!tpu.dma_semaphore, #tpu.memory_space<semaphore_mem>>) src(%dma_wait3A_55 : memref<6x4x128xi32, #tpu.memory_space<hbm>>) dst(%arg5 : memref<6x4x128xi32, #tpu.memory_space<vmem>>)
      tpu.yield
    }) : () -> ()
    %scan3A = arith.constant 0 : i32
    %scan3A_1 = arith.constant 0 : i32
    %scan3A_2 = arith.constant 6 : i32
    %scan3A_3 = arith.addi %scan3A_1, %scan3A_2 : i32
    %scan3A_4 = arith.constant 1 : i32
    scf.for %scan3A_36 = %scan3A_1 to %scan3A_3 step %scan3A_4  : i32 {
      %jit3A = arith.constant 3 : i32
      %eq3A = arith.constant 0 : i32
      %eq3A_37 = arith.cmpi eq, %jit3A, %eq3A : i32
      %jit3A_38 = arith.constant 1 : i32
      %select_n3A = arith.select %eq3A_37, %jit3A_38, %jit3A : i32
      %rem3A = arith.remsi %scan3A_36, %select_n3A : i32
      %ne3A = arith.constant 0 : i32
      %ne3A_39 = arith.cmpi ne, %rem3A, %ne3A : i32
      %lt3A = arith.constant 0 : i32
      %lt3A_40 = arith.cmpi slt, %rem3A, %lt3A : i32
      %lt3A_41 = arith.constant 0 : i32
      %lt3A_42 = arith.cmpi slt, %select_n3A, %lt3A_41 : i32
      %ne3A_43 = arith.xori %lt3A_40, %lt3A_42 : i1
      %and3A = arith.andi %ne3A_43, %ne3A_39 : i1
      %add3A_44 = arith.addi %rem3A, %select_n3A : i32
      %select_n3A_45 = arith.select %and3A, %add3A_44, %rem3A : i32
      %eq3A_46 = arith.constant 0 : i32
      %eq3A_47 = arith.cmpi eq, %select_n3A_45, %eq3A_46 : i32
      %convert_element_type3A = arith.extui %eq3A_47 : i1 to i32
      %cond3A = arith.constant 0 : i32
      %cond3A_48 = arith.cmpi ne, %convert_element_type3A, %cond3A : i32
      scf.if %cond3A_48 {
        %scan3A_162 = arith.constant 0 : i32
        %scan3A_163 = arith.constant 0 : i32
        %scan3A_164 = arith.constant 16 : i32
        %scan3A_165 = arith.addi %scan3A_163, %scan3A_164 : i32
        %scan3A_166 = arith.constant 1 : i32
        scf.for %scan3A_168 = %scan3A_163 to %scan3A_165 step %scan3A_166  : i32 {
          %mul3A_169 = arith.constant 16 : i32
          %mul3A_170 = arith.muli %scan3A_36, %mul3A_169 : i32
          %add3A_171 = arith.addi %mul3A_170, %scan3A_168 : i32
          %jit3A_172 = arith.constant 3 : i32
          %eq3A_173 = arith.constant 0 : i32
          %eq3A_174 = arith.cmpi eq, %jit3A_172, %eq3A_173 : i32
          %jit3A_175 = arith.constant 1 : i32
          %select_n3A_176 = arith.select %eq3A_174, %jit3A_175, %jit3A_172 : i32
          %rem3A_177 = arith.remsi %scan3A_36, %select_n3A_176 : i32
          %ne3A_178 = arith.constant 0 : i32
          %ne3A_179 = arith.cmpi ne, %rem3A_177, %ne3A_178 : i32
          %lt3A_180 = arith.constant 0 : i32
          %lt3A_181 = arith.cmpi slt, %rem3A_177, %lt3A_180 : i32
          %lt3A_182 = arith.constant 0 : i32
          %lt3A_183 = arith.cmpi slt, %select_n3A_176, %lt3A_182 : i32
          %ne3A_184 = arith.xori %lt3A_181, %lt3A_183 : i1
          %and3A_185 = arith.andi %ne3A_184, %ne3A_179 : i1
          %add3A_186 = arith.addi %rem3A_177, %select_n3A_176 : i32
          %select_n3A_187 = arith.select %and3A_185, %add3A_186, %rem3A_177 : i32
          %dma_start3A = arith.constant 0 : i32
          %dma_start3A_188 = arith.constant 0 : i32
          %dma_start3A_189 = tpu.memref_slice %arg6[%select_n3A_187, %scan3A_168, %dma_start3A_188] : memref<3x16x512xf32, #tpu.memory_space<vmem>> -> memref<1x1x128xf32, #tpu.memory_space<vmem>>
          %dma_start3A_190 = tpu.memref_squeeze %dma_start3A_189 : memref<1x1x128xf32, #tpu.memory_space<vmem>> -> memref<128xf32, #tpu.memory_space<vmem>>
          %dma_start3A_191 = arith.constant 0 : i32
          %dma_start3A_192 = tpu.memref_slice %arg5[%scan3A_36, %dma_start3A, %dma_start3A_191] : memref<6x4x128xi32, #tpu.memory_space<vmem>> -> memref<1x1x128xi32, #tpu.memory_space<vmem>>
          %dma_start3A_193 = tpu.memref_squeeze %dma_start3A_192 : memref<1x1x128xi32, #tpu.memory_space<vmem>> -> memref<128xi32, #tpu.memory_space<vmem>>
          %dma_start3A_194 = arith.constant 0 : i32
          %dma_start3A_195 = tpu.memref_slice %arg3[%add3A_171, %dma_start3A_194] : memref<96x100000xf32, #tpu.memory_space<hbm>> -> memref<1x100000xf32, #tpu.memory_space<hbm>>
          %dma_start3A_196 = tpu.memref_squeeze %dma_start3A_195 : memref<1x100000xf32, #tpu.memory_space<hbm>> -> memref<100000xf32, #tpu.memory_space<hbm>>
          %dma_start3A_197 = arith.constant 0 : i32
          %dma_start3A_198 = tpu.memref_slice %dma_start3A_196[%dma_start3A_197] : memref<100000xf32, #tpu.memory_space<hbm>> -> memref<100000xf32, #tpu.memory_space<hbm>>
          tpu.enqueue_indirect_dma source(%dma_start3A_198 : memref<100000xf32, #tpu.memory_space<hbm>>) target(%dma_start3A_190 : memref<128xf32, #tpu.memory_space<vmem>>) offsets(%dma_start3A_193 : memref<128xi32, #tpu.memory_space<vmem>>) semaphore(%arg7 : memref<!tpu.dma_semaphore, #tpu.memory_space<semaphore_mem>>)
          %jit3A_199 = arith.constant 3 : i32
          %eq3A_200 = arith.constant 0 : i32
          %eq3A_201 = arith.cmpi eq, %jit3A_199, %eq3A_200 : i32
          %jit3A_202 = arith.constant 1 : i32
          %select_n3A_203 = arith.select %eq3A_201, %jit3A_202, %jit3A_199 : i32
          %rem3A_204 = arith.remsi %scan3A_36, %select_n3A_203 : i32
          %ne3A_205 = arith.constant 0 : i32
          %ne3A_206 = arith.cmpi ne, %rem3A_204, %ne3A_205 : i32
          %lt3A_207 = arith.constant 0 : i32
          %lt3A_208 = arith.cmpi slt, %rem3A_204, %lt3A_207 : i32
          %lt3A_209 = arith.constant 0 : i32
          %lt3A_210 = arith.cmpi slt, %select_n3A_203, %lt3A_209 : i32
          %ne3A_211 = arith.xori %lt3A_208, %lt3A_210 : i1
          %and3A_212 = arith.andi %ne3A_211, %ne3A_206 : i1
          %add3A_213 = arith.addi %rem3A_204, %select_n3A_203 : i32
          %select_n3A_214 = arith.select %and3A_212, %add3A_213, %rem3A_204 : i32
          %dma_start3A_215 = arith.constant 1 : i32
          %dma_start3A_216 = arith.constant 128 : i32
          %dma_start3A_217 = tpu.memref_slice %arg6[%select_n3A_214, %scan3A_168, %dma_start3A_216] : memref<3x16x512xf32, #tpu.memory_space<vmem>> -> memref<1x1x128xf32, #tpu.memory_space<vmem>>
          %dma_start3A_218 = tpu.memref_squeeze %dma_start3A_217 : memref<1x1x128xf32, #tpu.memory_space<vmem>> -> memref<128xf32, #tpu.memory_space<vmem>>
          %dma_start3A_219 = arith.constant 0 : i32
          %dma_start3A_220 = tpu.memref_slice %arg5[%scan3A_36, %dma_start3A_215, %dma_start3A_219] : memref<6x4x128xi32, #tpu.memory_space<vmem>> -> memref<1x1x128xi32, #tpu.memory_space<vmem>>
          %dma_start3A_221 = tpu.memref_squeeze %dma_start3A_220 : memref<1x1x128xi32, #tpu.memory_space<vmem>> -> memref<128xi32, #tpu.memory_space<vmem>>
          %dma_start3A_222 = arith.constant 0 : i32
          %dma_start3A_223 = tpu.memref_slice %arg3[%add3A_171, %dma_start3A_222] : memref<96x100000xf32, #tpu.memory_space<hbm>> -> memref<1x100000xf32, #tpu.memory_space<hbm>>
          %dma_start3A_224 = tpu.memref_squeeze %dma_start3A_223 : memref<1x100000xf32, #tpu.memory_space<hbm>> -> memref<100000xf32, #tpu.memory_space<hbm>>
          %dma_start3A_225 = arith.constant 0 : i32
          %dma_start3A_226 = tpu.memref_slice %dma_start3A_224[%dma_start3A_225] : memref<100000xf32, #tpu.memory_space<hbm>> -> memref<100000xf32, #tpu.memory_space<hbm>>
          tpu.enqueue_indirect_dma source(%dma_start3A_226 : memref<100000xf32, #tpu.memory_space<hbm>>) target(%dma_start3A_218 : memref<128xf32, #tpu.memory_space<vmem>>) offsets(%dma_start3A_221 : memref<128xi32, #tpu.memory_space<vmem>>) semaphore(%arg7 : memref<!tpu.dma_semaphore, #tpu.memory_space<semaphore_mem>>)
          %jit3A_227 = arith.constant 3 : i32
          %eq3A_228 = arith.constant 0 : i32
          %eq3A_229 = arith.cmpi eq, %jit3A_227, %eq3A_228 : i32
          %jit3A_230 = arith.constant 1 : i32
          %select_n3A_231 = arith.select %eq3A_229, %jit3A_230, %jit3A_227 : i32
          %rem3A_232 = arith.remsi %scan3A_36, %select_n3A_231 : i32
          %ne3A_233 = arith.constant 0 : i32
          %ne3A_234 = arith.cmpi ne, %rem3A_232, %ne3A_233 : i32
          %lt3A_235 = arith.constant 0 : i32
          %lt3A_236 = arith.cmpi slt, %rem3A_232, %lt3A_235 : i32
          %lt3A_237 = arith.constant 0 : i32
          %lt3A_238 = arith.cmpi slt, %select_n3A_231, %lt3A_237 : i32
          %ne3A_239 = arith.xori %lt3A_236, %lt3A_238 : i1
          %and3A_240 = arith.andi %ne3A_239, %ne3A_234 : i1
          %add3A_241 = arith.addi %rem3A_232, %select_n3A_231 : i32
          %select_n3A_242 = arith.select %and3A_240, %add3A_241, %rem3A_232 : i32
          %dma_start3A_243 = arith.constant 2 : i32
          %dma_start3A_244 = arith.constant 256 : i32
          %dma_start3A_245 = tpu.memref_slice %arg6[%select_n3A_242, %scan3A_168, %dma_start3A_244] : memref<3x16x512xf32, #tpu.memory_space<vmem>> -> memref<1x1x128xf32, #tpu.memory_space<vmem>>
          %dma_start3A_246 = tpu.memref_squeeze %dma_start3A_245 : memref<1x1x128xf32, #tpu.memory_space<vmem>> -> memref<128xf32, #tpu.memory_space<vmem>>
          %dma_start3A_247 = arith.constant 0 : i32
          %dma_start3A_248 = tpu.memref_slice %arg5[%scan3A_36, %dma_start3A_243, %dma_start3A_247] : memref<6x4x128xi32, #tpu.memory_space<vmem>> -> memref<1x1x128xi32, #tpu.memory_space<vmem>>
          %dma_start3A_249 = tpu.memref_squeeze %dma_start3A_248 : memref<1x1x128xi32, #tpu.memory_space<vmem>> -> memref<128xi32, #tpu.memory_space<vmem>>
          %dma_start3A_250 = arith.constant 0 : i32
          %dma_start3A_251 = tpu.memref_slice %arg3[%add3A_171, %dma_start3A_250] : memref<96x100000xf32, #tpu.memory_space<hbm>> -> memref<1x100000xf32, #tpu.memory_space<hbm>>
          %dma_start3A_252 = tpu.memref_squeeze %dma_start3A_251 : memref<1x100000xf32, #tpu.memory_space<hbm>> -> memref<100000xf32, #tpu.memory_space<hbm>>
          %dma_start3A_253 = arith.constant 0 : i32
          %dma_start3A_254 = tpu.memref_slice %dma_start3A_252[%dma_start3A_253] : memref<100000xf32, #tpu.memory_space<hbm>> -> memref<100000xf32, #tpu.memory_space<hbm>>
          tpu.enqueue_indirect_dma source(%dma_start3A_254 : memref<100000xf32, #tpu.memory_space<hbm>>) target(%dma_start3A_246 : memref<128xf32, #tpu.memory_space<vmem>>) offsets(%dma_start3A_249 : memref<128xi32, #tpu.memory_space<vmem>>) semaphore(%arg7 : memref<!tpu.dma_semaphore, #tpu.memory_space<semaphore_mem>>)
          %jit3A_255 = arith.constant 3 : i32
          %eq3A_256 = arith.constant 0 : i32
          %eq3A_257 = arith.cmpi eq, %jit3A_255, %eq3A_256 : i32
          %jit3A_258 = arith.constant 1 : i32
          %select_n3A_259 = arith.select %eq3A_257, %jit3A_258, %jit3A_255 : i32
          %rem3A_260 = arith.remsi %scan3A_36, %select_n3A_259 : i32
          %ne3A_261 = arith.constant 0 : i32
          %ne3A_262 = arith.cmpi ne, %rem3A_260, %ne3A_261 : i32
          %lt3A_263 = arith.constant 0 : i32
          %lt3A_264 = arith.cmpi slt, %rem3A_260, %lt3A_263 : i32
          %lt3A_265 = arith.constant 0 : i32
          %lt3A_266 = arith.cmpi slt, %select_n3A_259, %lt3A_265 : i32
          %ne3A_267 = arith.xori %lt3A_264, %lt3A_266 : i1
          %and3A_268 = arith.andi %ne3A_267, %ne3A_262 : i1
          %add3A_269 = arith.addi %rem3A_260, %select_n3A_259 : i32
          %select_n3A_270 = arith.select %and3A_268, %add3A_269, %rem3A_260 : i32
          %dma_start3A_271 = arith.constant 3 : i32
          %dma_start3A_272 = arith.constant 384 : i32
          %dma_start3A_273 = tpu.memref_slice %arg6[%select_n3A_270, %scan3A_168, %dma_start3A_272] : memref<3x16x512xf32, #tpu.memory_space<vmem>> -> memref<1x1x128xf32, #tpu.memory_space<vmem>>
          %dma_start3A_274 = tpu.memref_squeeze %dma_start3A_273 : memref<1x1x128xf32, #tpu.memory_space<vmem>> -> memref<128xf32, #tpu.memory_space<vmem>>
          %dma_start3A_275 = arith.constant 0 : i32
          %dma_start3A_276 = tpu.memref_slice %arg5[%scan3A_36, %dma_start3A_271, %dma_start3A_275] : memref<6x4x128xi32, #tpu.memory_space<vmem>> -> memref<1x1x128xi32, #tpu.memory_space<vmem>>
          %dma_start3A_277 = tpu.memref_squeeze %dma_start3A_276 : memref<1x1x128xi32, #tpu.memory_space<vmem>> -> memref<128xi32, #tpu.memory_space<vmem>>
          %dma_start3A_278 = arith.constant 0 : i32
          %dma_start3A_279 = tpu.memref_slice %arg3[%add3A_171, %dma_start3A_278] : memref<96x100000xf32, #tpu.memory_space<hbm>> -> memref<1x100000xf32, #tpu.memory_space<hbm>>
          %dma_start3A_280 = tpu.memref_squeeze %dma_start3A_279 : memref<1x100000xf32, #tpu.memory_space<hbm>> -> memref<100000xf32, #tpu.memory_space<hbm>>
          %dma_start3A_281 = arith.constant 0 : i32
          %dma_start3A_282 = tpu.memref_slice %dma_start3A_280[%dma_start3A_281] : memref<100000xf32, #tpu.memory_space<hbm>> -> memref<100000xf32, #tpu.memory_space<hbm>>
          tpu.enqueue_indirect_dma source(%dma_start3A_282 : memref<100000xf32, #tpu.memory_space<hbm>>) target(%dma_start3A_274 : memref<128xf32, #tpu.memory_space<vmem>>) offsets(%dma_start3A_277 : memref<128xi32, #tpu.memory_space<vmem>>) semaphore(%arg7 : memref<!tpu.dma_semaphore, #tpu.memory_space<semaphore_mem>>)
        }
        %scan3A_167 = arith.constant 16 : i32
      } else {
      }
      %jit3A_49 = arith.constant 3 : i32
      %eq3A_50 = arith.constant 0 : i32
      %eq3A_51 = arith.cmpi eq, %jit3A_49, %eq3A_50 : i32
      %jit3A_52 = arith.constant 1 : i32
      %select_n3A_53 = arith.select %eq3A_51, %jit3A_52, %jit3A_49 : i32
      %rem3A_54 = arith.remsi %scan3A_36, %select_n3A_53 : i32
      %ne3A_55 = arith.constant 0 : i32
      %ne3A_56 = arith.cmpi ne, %rem3A_54, %ne3A_55 : i32
      %lt3A_57 = arith.constant 0 : i32
      %lt3A_58 = arith.cmpi slt, %rem3A_54, %lt3A_57 : i32
      %lt3A_59 = arith.constant 0 : i32
      %lt3A_60 = arith.cmpi slt, %select_n3A_53, %lt3A_59 : i32
      %ne3A_61 = arith.xori %lt3A_58, %lt3A_60 : i1
      %and3A_62 = arith.andi %ne3A_61, %ne3A_56 : i1
      %add3A_63 = arith.addi %rem3A_54, %select_n3A_53 : i32
      %select_n3A_64 = arith.select %and3A_62, %add3A_63, %rem3A_54 : i32
      %eq3A_65 = arith.constant 1 : i32
      %eq3A_66 = arith.cmpi eq, %select_n3A_64, %eq3A_65 : i32
      %convert_element_type3A_67 = arith.extui %eq3A_66 : i1 to i32
      %cond3A_68 = arith.constant 0 : i32
      %cond3A_69 = arith.cmpi ne, %convert_element_type3A_67, %cond3A_68 : i32
      scf.if %cond3A_69 {
        %scan3A_162 = arith.constant 0 : i32
        %scan3A_163 = arith.constant 0 : i32
        %scan3A_164 = arith.constant 16 : i32
        %scan3A_165 = arith.addi %scan3A_163, %scan3A_164 : i32
        %scan3A_166 = arith.constant 1 : i32
        scf.for %scan3A_168 = %scan3A_163 to %scan3A_165 step %scan3A_166  : i32 {
          %mul3A_169 = arith.constant 16 : i32
          %mul3A_170 = arith.muli %scan3A_36, %mul3A_169 : i32
          %add3A_171 = arith.addi %mul3A_170, %scan3A_168 : i32
          %jit3A_172 = arith.constant 3 : i32
          %eq3A_173 = arith.constant 0 : i32
          %eq3A_174 = arith.cmpi eq, %jit3A_172, %eq3A_173 : i32
          %jit3A_175 = arith.constant 1 : i32
          %select_n3A_176 = arith.select %eq3A_174, %jit3A_175, %jit3A_172 : i32
          %rem3A_177 = arith.remsi %scan3A_36, %select_n3A_176 : i32
          %ne3A_178 = arith.constant 0 : i32
          %ne3A_179 = arith.cmpi ne, %rem3A_177, %ne3A_178 : i32
          %lt3A_180 = arith.constant 0 : i32
          %lt3A_181 = arith.cmpi slt, %rem3A_177, %lt3A_180 : i32
          %lt3A_182 = arith.constant 0 : i32
          %lt3A_183 = arith.cmpi slt, %select_n3A_176, %lt3A_182 : i32
          %ne3A_184 = arith.xori %lt3A_181, %lt3A_183 : i1
          %and3A_185 = arith.andi %ne3A_184, %ne3A_179 : i1
          %add3A_186 = arith.addi %rem3A_177, %select_n3A_176 : i32
          %select_n3A_187 = arith.select %and3A_185, %add3A_186, %rem3A_177 : i32
          %dma_start3A = arith.constant 0 : i32
          %dma_start3A_188 = arith.constant 0 : i32
          %dma_start3A_189 = tpu.memref_slice %arg6[%select_n3A_187, %scan3A_168, %dma_start3A_188] : memref<3x16x512xf32, #tpu.memory_space<vmem>> -> memref<1x1x128xf32, #tpu.memory_space<vmem>>
          %dma_start3A_190 = tpu.memref_squeeze %dma_start3A_189 : memref<1x1x128xf32, #tpu.memory_space<vmem>> -> memref<128xf32, #tpu.memory_space<vmem>>
          %dma_start3A_191 = arith.constant 0 : i32
          %dma_start3A_192 = tpu.memref_slice %arg5[%scan3A_36, %dma_start3A, %dma_start3A_191] : memref<6x4x128xi32, #tpu.memory_space<vmem>> -> memref<1x1x128xi32, #tpu.memory_space<vmem>>
          %dma_start3A_193 = tpu.memref_squeeze %dma_start3A_192 : memref<1x1x128xi32, #tpu.memory_space<vmem>> -> memref<128xi32, #tpu.memory_space<vmem>>
          %dma_start3A_194 = arith.constant 0 : i32
          %dma_start3A_195 = tpu.memref_slice %arg3[%add3A_171, %dma_start3A_194] : memref<96x100000xf32, #tpu.memory_space<hbm>> -> memref<1x100000xf32, #tpu.memory_space<hbm>>
          %dma_start3A_196 = tpu.memref_squeeze %dma_start3A_195 : memref<1x100000xf32, #tpu.memory_space<hbm>> -> memref<100000xf32, #tpu.memory_space<hbm>>
          %dma_start3A_197 = arith.constant 0 : i32
          %dma_start3A_198 = tpu.memref_slice %dma_start3A_196[%dma_start3A_197] : memref<100000xf32, #tpu.memory_space<hbm>> -> memref<100000xf32, #tpu.memory_space<hbm>>
          tpu.enqueue_indirect_dma source(%dma_start3A_198 : memref<100000xf32, #tpu.memory_space<hbm>>) target(%dma_start3A_190 : memref<128xf32, #tpu.memory_space<vmem>>) offsets(%dma_start3A_193 : memref<128xi32, #tpu.memory_space<vmem>>) semaphore(%arg8 : memref<!tpu.dma_semaphore, #tpu.memory_space<semaphore_mem>>)
          %jit3A_199 = arith.constant 3 : i32
          %eq3A_200 = arith.constant 0 : i32
          %eq3A_201 = arith.cmpi eq, %jit3A_199, %eq3A_200 : i32
          %jit3A_202 = arith.constant 1 : i32
          %select_n3A_203 = arith.select %eq3A_201, %jit3A_202, %jit3A_199 : i32
          %rem3A_204 = arith.remsi %scan3A_36, %select_n3A_203 : i32
          %ne3A_205 = arith.constant 0 : i32
          %ne3A_206 = arith.cmpi ne, %rem3A_204, %ne3A_205 : i32
          %lt3A_207 = arith.constant 0 : i32
          %lt3A_208 = arith.cmpi slt, %rem3A_204, %lt3A_207 : i32
          %lt3A_209 = arith.constant 0 : i32
          %lt3A_210 = arith.cmpi slt, %select_n3A_203, %lt3A_209 : i32
          %ne3A_211 = arith.xori %lt3A_208, %lt3A_210 : i1
          %and3A_212 = arith.andi %ne3A_211, %ne3A_206 : i1
          %add3A_213 = arith.addi %rem3A_204, %select_n3A_203 : i32
          %select_n3A_214 = arith.select %and3A_212, %add3A_213, %rem3A_204 : i32
          %dma_start3A_215 = arith.constant 1 : i32
          %dma_start3A_216 = arith.constant 128 : i32
          %dma_start3A_217 = tpu.memref_slice %arg6[%select_n3A_214, %scan3A_168, %dma_start3A_216] : memref<3x16x512xf32, #tpu.memory_space<vmem>> -> memref<1x1x128xf32, #tpu.memory_space<vmem>>
          %dma_start3A_218 = tpu.memref_squeeze %dma_start3A_217 : memref<1x1x128xf32, #tpu.memory_space<vmem>> -> memref<128xf32, #tpu.memory_space<vmem>>
          %dma_start3A_219 = arith.constant 0 : i32
          %dma_start3A_220 = tpu.memref_slice %arg5[%scan3A_36, %dma_start3A_215, %dma_start3A_219] : memref<6x4x128xi32, #tpu.memory_space<vmem>> -> memref<1x1x128xi32, #tpu.memory_space<vmem>>
          %dma_start3A_221 = tpu.memref_squeeze %dma_start3A_220 : memref<1x1x128xi32, #tpu.memory_space<vmem>> -> memref<128xi32, #tpu.memory_space<vmem>>
          %dma_start3A_222 = arith.constant 0 : i32
          %dma_start3A_223 = tpu.memref_slice %arg3[%add3A_171, %dma_start3A_222] : memref<96x100000xf32, #tpu.memory_space<hbm>> -> memref<1x100000xf32, #tpu.memory_space<hbm>>
          %dma_start3A_224 = tpu.memref_squeeze %dma_start3A_223 : memref<1x100000xf32, #tpu.memory_space<hbm>> -> memref<100000xf32, #tpu.memory_space<hbm>>
          %dma_start3A_225 = arith.constant 0 : i32
          %dma_start3A_226 = tpu.memref_slice %dma_start3A_224[%dma_start3A_225] : memref<100000xf32, #tpu.memory_space<hbm>> -> memref<100000xf32, #tpu.memory_space<hbm>>
          tpu.enqueue_indirect_dma source(%dma_start3A_226 : memref<100000xf32, #tpu.memory_space<hbm>>) target(%dma_start3A_218 : memref<128xf32, #tpu.memory_space<vmem>>) offsets(%dma_start3A_221 : memref<128xi32, #tpu.memory_space<vmem>>) semaphore(%arg8 : memref<!tpu.dma_semaphore, #tpu.memory_space<semaphore_mem>>)
          %jit3A_227 = arith.constant 3 : i32
          %eq3A_228 = arith.constant 0 : i32
          %eq3A_229 = arith.cmpi eq, %jit3A_227, %eq3A_228 : i32
          %jit3A_230 = arith.constant 1 : i32
          %select_n3A_231 = arith.select %eq3A_229, %jit3A_230, %jit3A_227 : i32
          %rem3A_232 = arith.remsi %scan3A_36, %select_n3A_231 : i32
          %ne3A_233 = arith.constant 0 : i32
          %ne3A_234 = arith.cmpi ne, %rem3A_232, %ne3A_233 : i32
          %lt3A_235 = arith.constant 0 : i32
          %lt3A_236 = arith.cmpi slt, %rem3A_232, %lt3A_235 : i32
          %lt3A_237 = arith.constant 0 : i32
          %lt3A_238 = arith.cmpi slt, %select_n3A_231, %lt3A_237 : i32
          %ne3A_239 = arith.xori %lt3A_236, %lt3A_238 : i1
          %and3A_240 = arith.andi %ne3A_239, %ne3A_234 : i1
          %add3A_241 = arith.addi %rem3A_232, %select_n3A_231 : i32
          %select_n3A_242 = arith.select %and3A_240, %add3A_241, %rem3A_232 : i32
          %dma_start3A_243 = arith.constant 2 : i32
          %dma_start3A_244 = arith.constant 256 : i32
          %dma_start3A_245 = tpu.memref_slice %arg6[%select_n3A_242, %scan3A_168, %dma_start3A_244] : memref<3x16x512xf32, #tpu.memory_space<vmem>> -> memref<1x1x128xf32, #tpu.memory_space<vmem>>
          %dma_start3A_246 = tpu.memref_squeeze %dma_start3A_245 : memref<1x1x128xf32, #tpu.memory_space<vmem>> -> memref<128xf32, #tpu.memory_space<vmem>>
          %dma_start3A_247 = arith.constant 0 : i32
          %dma_start3A_248 = tpu.memref_slice %arg5[%scan3A_36, %dma_start3A_243, %dma_start3A_247] : memref<6x4x128xi32, #tpu.memory_space<vmem>> -> memref<1x1x128xi32, #tpu.memory_space<vmem>>
          %dma_start3A_249 = tpu.memref_squeeze %dma_start3A_248 : memref<1x1x128xi32, #tpu.memory_space<vmem>> -> memref<128xi32, #tpu.memory_space<vmem>>
          %dma_start3A_250 = arith.constant 0 : i32
          %dma_start3A_251 = tpu.memref_slice %arg3[%add3A_171, %dma_start3A_250] : memref<96x100000xf32, #tpu.memory_space<hbm>> -> memref<1x100000xf32, #tpu.memory_space<hbm>>
          %dma_start3A_252 = tpu.memref_squeeze %dma_start3A_251 : memref<1x100000xf32, #tpu.memory_space<hbm>> -> memref<100000xf32, #tpu.memory_space<hbm>>
          %dma_start3A_253 = arith.constant 0 : i32
          %dma_start3A_254 = tpu.memref_slice %dma_start3A_252[%dma_start3A_253] : memref<100000xf32, #tpu.memory_space<hbm>> -> memref<100000xf32, #tpu.memory_space<hbm>>
          tpu.enqueue_indirect_dma source(%dma_start3A_254 : memref<100000xf32, #tpu.memory_space<hbm>>) target(%dma_start3A_246 : memref<128xf32, #tpu.memory_space<vmem>>) offsets(%dma_start3A_249 : memref<128xi32, #tpu.memory_space<vmem>>) semaphore(%arg8 : memref<!tpu.dma_semaphore, #tpu.memory_space<semaphore_mem>>)
          %jit3A_255 = arith.constant 3 : i32
          %eq3A_256 = arith.constant 0 : i32
          %eq3A_257 = arith.cmpi eq, %jit3A_255, %eq3A_256 : i32
          %jit3A_258 = arith.constant 1 : i32
          %select_n3A_259 = arith.select %eq3A_257, %jit3A_258, %jit3A_255 : i32
          %rem3A_260 = arith.remsi %scan3A_36, %select_n3A_259 : i32
          %ne3A_261 = arith.constant 0 : i32
          %ne3A_262 = arith.cmpi ne, %rem3A_260, %ne3A_261 : i32
          %lt3A_263 = arith.constant 0 : i32
          %lt3A_264 = arith.cmpi slt, %rem3A_260, %lt3A_263 : i32
          %lt3A_265 = arith.constant 0 : i32
          %lt3A_266 = arith.cmpi slt, %select_n3A_259, %lt3A_265 : i32
          %ne3A_267 = arith.xori %lt3A_264, %lt3A_266 : i1
          %and3A_268 = arith.andi %ne3A_267, %ne3A_262 : i1
          %add3A_269 = arith.addi %rem3A_260, %select_n3A_259 : i32
          %select_n3A_270 = arith.select %and3A_268, %add3A_269, %rem3A_260 : i32
          %dma_start3A_271 = arith.constant 3 : i32
          %dma_start3A_272 = arith.constant 384 : i32
          %dma_start3A_273 = tpu.memref_slice %arg6[%select_n3A_270, %scan3A_168, %dma_start3A_272] : memref<3x16x512xf32, #tpu.memory_space<vmem>> -> memref<1x1x128xf32, #tpu.memory_space<vmem>>
          %dma_start3A_274 = tpu.memref_squeeze %dma_start3A_273 : memref<1x1x128xf32, #tpu.memory_space<vmem>> -> memref<128xf32, #tpu.memory_space<vmem>>
          %dma_start3A_275 = arith.constant 0 : i32
          %dma_start3A_276 = tpu.memref_slice %arg5[%scan3A_36, %dma_start3A_271, %dma_start3A_275] : memref<6x4x128xi32, #tpu.memory_space<vmem>> -> memref<1x1x128xi32, #tpu.memory_space<vmem>>
          %dma_start3A_277 = tpu.memref_squeeze %dma_start3A_276 : memref<1x1x128xi32, #tpu.memory_space<vmem>> -> memref<128xi32, #tpu.memory_space<vmem>>
          %dma_start3A_278 = arith.constant 0 : i32
          %dma_start3A_279 = tpu.memref_slice %arg3[%add3A_171, %dma_start3A_278] : memref<96x100000xf32, #tpu.memory_space<hbm>> -> memref<1x100000xf32, #tpu.memory_space<hbm>>
          %dma_start3A_280 = tpu.memref_squeeze %dma_start3A_279 : memref<1x100000xf32, #tpu.memory_space<hbm>> -> memref<100000xf32, #tpu.memory_space<hbm>>
          %dma_start3A_281 = arith.constant 0 : i32
          %dma_start3A_282 = tpu.memref_slice %dma_start3A_280[%dma_start3A_281] : memref<100000xf32, #tpu.memory_space<hbm>> -> memref<100000xf32, #tpu.memory_space<hbm>>
          tpu.enqueue_indirect_dma source(%dma_start3A_282 : memref<100000xf32, #tpu.memory_space<hbm>>) target(%dma_start3A_274 : memref<128xf32, #tpu.memory_space<vmem>>) offsets(%dma_start3A_277 : memref<128xi32, #tpu.memory_space<vmem>>) semaphore(%arg8 : memref<!tpu.dma_semaphore, #tpu.memory_space<semaphore_mem>>)
        }
        %scan3A_167 = arith.constant 16 : i32
      } else {
      }
      %jit3A_70 = arith.constant 3 : i32
      %eq3A_71 = arith.constant 0 : i32
      %eq3A_72 = arith.cmpi eq, %jit3A_70, %eq3A_71 : i32
      %jit3A_73 = arith.constant 1 : i32
      %select_n3A_74 = arith.select %eq3A_72, %jit3A_73, %jit3A_70 : i32
      %rem3A_75 = arith.remsi %scan3A_36, %select_n3A_74 : i32
      %ne3A_76 = arith.constant 0 : i32
      %ne3A_77 = arith.cmpi ne, %rem3A_75, %ne3A_76 : i32
      %lt3A_78 = arith.constant 0 : i32
      %lt3A_79 = arith.cmpi slt, %rem3A_75, %lt3A_78 : i32
      %lt3A_80 = arith.constant 0 : i32
      %lt3A_81 = arith.cmpi slt, %select_n3A_74, %lt3A_80 : i32
      %ne3A_82 = arith.xori %lt3A_79, %lt3A_81 : i1
      %and3A_83 = arith.andi %ne3A_82, %ne3A_77 : i1
      %add3A_84 = arith.addi %rem3A_75, %select_n3A_74 : i32
      %select_n3A_85 = arith.select %and3A_83, %add3A_84, %rem3A_75 : i32
      %eq3A_86 = arith.constant 2 : i32
      %eq3A_87 = arith.cmpi eq, %select_n3A_85, %eq3A_86 : i32
      %convert_element_type3A_88 = arith.extui %eq3A_87 : i1 to i32
      %cond3A_89 = arith.constant 0 : i32
      %cond3A_90 = arith.cmpi ne, %convert_element_type3A_88, %cond3A_89 : i32
      scf.if %cond3A_90 {
        %scan3A_162 = arith.constant 0 : i32
        %scan3A_163 = arith.constant 0 : i32
        %scan3A_164 = arith.constant 16 : i32
        %scan3A_165 = arith.addi %scan3A_163, %scan3A_164 : i32
        %scan3A_166 = arith.constant 1 : i32
        scf.for %scan3A_168 = %scan3A_163 to %scan3A_165 step %scan3A_166  : i32 {
          %mul3A_169 = arith.constant 16 : i32
          %mul3A_170 = arith.muli %scan3A_36, %mul3A_169 : i32
          %add3A_171 = arith.addi %mul3A_170, %scan3A_168 : i32
          %jit3A_172 = arith.constant 3 : i32
          %eq3A_173 = arith.constant 0 : i32
          %eq3A_174 = arith.cmpi eq, %jit3A_172, %eq3A_173 : i32
          %jit3A_175 = arith.constant 1 : i32
          %select_n3A_176 = arith.select %eq3A_174, %jit3A_175, %jit3A_172 : i32
          %rem3A_177 = arith.remsi %scan3A_36, %select_n3A_176 : i32
          %ne3A_178 = arith.constant 0 : i32
          %ne3A_179 = arith.cmpi ne, %rem3A_177, %ne3A_178 : i32
          %lt3A_180 = arith.constant 0 : i32
          %lt3A_181 = arith.cmpi slt, %rem3A_177, %lt3A_180 : i32
          %lt3A_182 = arith.constant 0 : i32
          %lt3A_183 = arith.cmpi slt, %select_n3A_176, %lt3A_182 : i32
          %ne3A_184 = arith.xori %lt3A_181, %lt3A_183 : i1
          %and3A_185 = arith.andi %ne3A_184, %ne3A_179 : i1
          %add3A_186 = arith.addi %rem3A_177, %select_n3A_176 : i32
          %select_n3A_187 = arith.select %and3A_185, %add3A_186, %rem3A_177 : i32
          %dma_start3A = arith.constant 0 : i32
          %dma_start3A_188 = arith.constant 0 : i32
          %dma_start3A_189 = tpu.memref_slice %arg6[%select_n3A_187, %scan3A_168, %dma_start3A_188] : memref<3x16x512xf32, #tpu.memory_space<vmem>> -> memref<1x1x128xf32, #tpu.memory_space<vmem>>
          %dma_start3A_190 = tpu.memref_squeeze %dma_start3A_189 : memref<1x1x128xf32, #tpu.memory_space<vmem>> -> memref<128xf32, #tpu.memory_space<vmem>>
          %dma_start3A_191 = arith.constant 0 : i32
          %dma_start3A_192 = tpu.memref_slice %arg5[%scan3A_36, %dma_start3A, %dma_start3A_191] : memref<6x4x128xi32, #tpu.memory_space<vmem>> -> memref<1x1x128xi32, #tpu.memory_space<vmem>>
          %dma_start3A_193 = tpu.memref_squeeze %dma_start3A_192 : memref<1x1x128xi32, #tpu.memory_space<vmem>> -> memref<128xi32, #tpu.memory_space<vmem>>
          %dma_start3A_194 = arith.constant 0 : i32
          %dma_start3A_195 = tpu.memref_slice %arg3[%add3A_171, %dma_start3A_194] : memref<96x100000xf32, #tpu.memory_space<hbm>> -> memref<1x100000xf32, #tpu.memory_space<hbm>>
          %dma_start3A_196 = tpu.memref_squeeze %dma_start3A_195 : memref<1x100000xf32, #tpu.memory_space<hbm>> -> memref<100000xf32, #tpu.memory_space<hbm>>
          %dma_start3A_197 = arith.constant 0 : i32
          %dma_start3A_198 = tpu.memref_slice %dma_start3A_196[%dma_start3A_197] : memref<100000xf32, #tpu.memory_space<hbm>> -> memref<100000xf32, #tpu.memory_space<hbm>>
          tpu.enqueue_indirect_dma source(%dma_start3A_198 : memref<100000xf32, #tpu.memory_space<hbm>>) target(%dma_start3A_190 : memref<128xf32, #tpu.memory_space<vmem>>) offsets(%dma_start3A_193 : memref<128xi32, #tpu.memory_space<vmem>>) semaphore(%arg9 : memref<!tpu.dma_semaphore, #tpu.memory_space<semaphore_mem>>)
          %jit3A_199 = arith.constant 3 : i32
          %eq3A_200 = arith.constant 0 : i32
          %eq3A_201 = arith.cmpi eq, %jit3A_199, %eq3A_200 : i32
          %jit3A_202 = arith.constant 1 : i32
          %select_n3A_203 = arith.select %eq3A_201, %jit3A_202, %jit3A_199 : i32
          %rem3A_204 = arith.remsi %scan3A_36, %select_n3A_203 : i32
          %ne3A_205 = arith.constant 0 : i32
          %ne3A_206 = arith.cmpi ne, %rem3A_204, %ne3A_205 : i32
          %lt3A_207 = arith.constant 0 : i32
          %lt3A_208 = arith.cmpi slt, %rem3A_204, %lt3A_207 : i32
          %lt3A_209 = arith.constant 0 : i32
          %lt3A_210 = arith.cmpi slt, %select_n3A_203, %lt3A_209 : i32
          %ne3A_211 = arith.xori %lt3A_208, %lt3A_210 : i1
          %and3A_212 = arith.andi %ne3A_211, %ne3A_206 : i1
          %add3A_213 = arith.addi %rem3A_204, %select_n3A_203 : i32
          %select_n3A_214 = arith.select %and3A_212, %add3A_213, %rem3A_204 : i32
          %dma_start3A_215 = arith.constant 1 : i32
          %dma_start3A_216 = arith.constant 128 : i32
          %dma_start3A_217 = tpu.memref_slice %arg6[%select_n3A_214, %scan3A_168, %dma_start3A_216] : memref<3x16x512xf32, #tpu.memory_space<vmem>> -> memref<1x1x128xf32, #tpu.memory_space<vmem>>
          %dma_start3A_218 = tpu.memref_squeeze %dma_start3A_217 : memref<1x1x128xf32, #tpu.memory_space<vmem>> -> memref<128xf32, #tpu.memory_space<vmem>>
          %dma_start3A_219 = arith.constant 0 : i32
          %dma_start3A_220 = tpu.memref_slice %arg5[%scan3A_36, %dma_start3A_215, %dma_start3A_219] : memref<6x4x128xi32, #tpu.memory_space<vmem>> -> memref<1x1x128xi32, #tpu.memory_space<vmem>>
          %dma_start3A_221 = tpu.memref_squeeze %dma_start3A_220 : memref<1x1x128xi32, #tpu.memory_space<vmem>> -> memref<128xi32, #tpu.memory_space<vmem>>
          %dma_start3A_222 = arith.constant 0 : i32
          %dma_start3A_223 = tpu.memref_slice %arg3[%add3A_171, %dma_start3A_222] : memref<96x100000xf32, #tpu.memory_space<hbm>> -> memref<1x100000xf32, #tpu.memory_space<hbm>>
          %dma_start3A_224 = tpu.memref_squeeze %dma_start3A_223 : memref<1x100000xf32, #tpu.memory_space<hbm>> -> memref<100000xf32, #tpu.memory_space<hbm>>
          %dma_start3A_225 = arith.constant 0 : i32
          %dma_start3A_226 = tpu.memref_slice %dma_start3A_224[%dma_start3A_225] : memref<100000xf32, #tpu.memory_space<hbm>> -> memref<100000xf32, #tpu.memory_space<hbm>>
          tpu.enqueue_indirect_dma source(%dma_start3A_226 : memref<100000xf32, #tpu.memory_space<hbm>>) target(%dma_start3A_218 : memref<128xf32, #tpu.memory_space<vmem>>) offsets(%dma_start3A_221 : memref<128xi32, #tpu.memory_space<vmem>>) semaphore(%arg9 : memref<!tpu.dma_semaphore, #tpu.memory_space<semaphore_mem>>)
          %jit3A_227 = arith.constant 3 : i32
          %eq3A_228 = arith.constant 0 : i32
          %eq3A_229 = arith.cmpi eq, %jit3A_227, %eq3A_228 : i32
          %jit3A_230 = arith.constant 1 : i32
          %select_n3A_231 = arith.select %eq3A_229, %jit3A_230, %jit3A_227 : i32
          %rem3A_232 = arith.remsi %scan3A_36, %select_n3A_231 : i32
          %ne3A_233 = arith.constant 0 : i32
          %ne3A_234 = arith.cmpi ne, %rem3A_232, %ne3A_233 : i32
          %lt3A_235 = arith.constant 0 : i32
          %lt3A_236 = arith.cmpi slt, %rem3A_232, %lt3A_235 : i32
          %lt3A_237 = arith.constant 0 : i32
          %lt3A_238 = arith.cmpi slt, %select_n3A_231, %lt3A_237 : i32
          %ne3A_239 = arith.xori %lt3A_236, %lt3A_238 : i1
          %and3A_240 = arith.andi %ne3A_239, %ne3A_234 : i1
          %add3A_241 = arith.addi %rem3A_232, %select_n3A_231 : i32
          %select_n3A_242 = arith.select %and3A_240, %add3A_241, %rem3A_232 : i32
          %dma_start3A_243 = arith.constant 2 : i32
          %dma_start3A_244 = arith.constant 256 : i32
          %dma_start3A_245 = tpu.memref_slice %arg6[%select_n3A_242, %scan3A_168, %dma_start3A_244] : memref<3x16x512xf32, #tpu.memory_space<vmem>> -> memref<1x1x128xf32, #tpu.memory_space<vmem>>
          %dma_start3A_246 = tpu.memref_squeeze %dma_start3A_245 : memref<1x1x128xf32, #tpu.memory_space<vmem>> -> memref<128xf32, #tpu.memory_space<vmem>>
          %dma_start3A_247 = arith.constant 0 : i32
          %dma_start3A_248 = tpu.memref_slice %arg5[%scan3A_36, %dma_start3A_243, %dma_start3A_247] : memref<6x4x128xi32, #tpu.memory_space<vmem>> -> memref<1x1x128xi32, #tpu.memory_space<vmem>>
          %dma_start3A_249 = tpu.memref_squeeze %dma_start3A_248 : memref<1x1x128xi32, #tpu.memory_space<vmem>> -> memref<128xi32, #tpu.memory_space<vmem>>
          %dma_start3A_250 = arith.constant 0 : i32
          %dma_start3A_251 = tpu.memref_slice %arg3[%add3A_171, %dma_start3A_250] : memref<96x100000xf32, #tpu.memory_space<hbm>> -> memref<1x100000xf32, #tpu.memory_space<hbm>>
          %dma_start3A_252 = tpu.memref_squeeze %dma_start3A_251 : memref<1x100000xf32, #tpu.memory_space<hbm>> -> memref<100000xf32, #tpu.memory_space<hbm>>
          %dma_start3A_253 = arith.constant 0 : i32
          %dma_start3A_254 = tpu.memref_slice %dma_start3A_252[%dma_start3A_253] : memref<100000xf32, #tpu.memory_space<hbm>> -> memref<100000xf32, #tpu.memory_space<hbm>>
          tpu.enqueue_indirect_dma source(%dma_start3A_254 : memref<100000xf32, #tpu.memory_space<hbm>>) target(%dma_start3A_246 : memref<128xf32, #tpu.memory_space<vmem>>) offsets(%dma_start3A_249 : memref<128xi32, #tpu.memory_space<vmem>>) semaphore(%arg9 : memref<!tpu.dma_semaphore, #tpu.memory_space<semaphore_mem>>)
          %jit3A_255 = arith.constant 3 : i32
          %eq3A_256 = arith.constant 0 : i32
          %eq3A_257 = arith.cmpi eq, %jit3A_255, %eq3A_256 : i32
          %jit3A_258 = arith.constant 1 : i32
          %select_n3A_259 = arith.select %eq3A_257, %jit3A_258, %jit3A_255 : i32
          %rem3A_260 = arith.remsi %scan3A_36, %select_n3A_259 : i32
          %ne3A_261 = arith.constant 0 : i32
          %ne3A_262 = arith.cmpi ne, %rem3A_260, %ne3A_261 : i32
          %lt3A_263 = arith.constant 0 : i32
          %lt3A_264 = arith.cmpi slt, %rem3A_260, %lt3A_263 : i32
          %lt3A_265 = arith.constant 0 : i32
          %lt3A_266 = arith.cmpi slt, %select_n3A_259, %lt3A_265 : i32
          %ne3A_267 = arith.xori %lt3A_264, %lt3A_266 : i1
          %and3A_268 = arith.andi %ne3A_267, %ne3A_262 : i1
          %add3A_269 = arith.addi %rem3A_260, %select_n3A_259 : i32
          %select_n3A_270 = arith.select %and3A_268, %add3A_269, %rem3A_260 : i32
          %dma_start3A_271 = arith.constant 3 : i32
          %dma_start3A_272 = arith.constant 384 : i32
          %dma_start3A_273 = tpu.memref_slice %arg6[%select_n3A_270, %scan3A_168, %dma_start3A_272] : memref<3x16x512xf32, #tpu.memory_space<vmem>> -> memref<1x1x128xf32, #tpu.memory_space<vmem>>
          %dma_start3A_274 = tpu.memref_squeeze %dma_start3A_273 : memref<1x1x128xf32, #tpu.memory_space<vmem>> -> memref<128xf32, #tpu.memory_space<vmem>>
          %dma_start3A_275 = arith.constant 0 : i32
          %dma_start3A_276 = tpu.memref_slice %arg5[%scan3A_36, %dma_start3A_271, %dma_start3A_275] : memref<6x4x128xi32, #tpu.memory_space<vmem>> -> memref<1x1x128xi32, #tpu.memory_space<vmem>>
          %dma_start3A_277 = tpu.memref_squeeze %dma_start3A_276 : memref<1x1x128xi32, #tpu.memory_space<vmem>> -> memref<128xi32, #tpu.memory_space<vmem>>
          %dma_start3A_278 = arith.constant 0 : i32
          %dma_start3A_279 = tpu.memref_slice %arg3[%add3A_171, %dma_start3A_278] : memref<96x100000xf32, #tpu.memory_space<hbm>> -> memref<1x100000xf32, #tpu.memory_space<hbm>>
          %dma_start3A_280 = tpu.memref_squeeze %dma_start3A_279 : memref<1x100000xf32, #tpu.memory_space<hbm>> -> memref<100000xf32, #tpu.memory_space<hbm>>
          %dma_start3A_281 = arith.constant 0 : i32
          %dma_start3A_282 = tpu.memref_slice %dma_start3A_280[%dma_start3A_281] : memref<100000xf32, #tpu.memory_space<hbm>> -> memref<100000xf32, #tpu.memory_space<hbm>>
          tpu.enqueue_indirect_dma source(%dma_start3A_282 : memref<100000xf32, #tpu.memory_space<hbm>>) target(%dma_start3A_274 : memref<128xf32, #tpu.memory_space<vmem>>) offsets(%dma_start3A_277 : memref<128xi32, #tpu.memory_space<vmem>>) semaphore(%arg9 : memref<!tpu.dma_semaphore, #tpu.memory_space<semaphore_mem>>)
        }
        %scan3A_167 = arith.constant 16 : i32
      } else {
      }
      %jit3A_91 = arith.constant 3 : i32
      %eq3A_92 = arith.constant 0 : i32
      %eq3A_93 = arith.cmpi eq, %jit3A_91, %eq3A_92 : i32
      %jit3A_94 = arith.constant 1 : i32
      %select_n3A_95 = arith.select %eq3A_93, %jit3A_94, %jit3A_91 : i32
      %rem3A_96 = arith.remsi %scan3A_36, %select_n3A_95 : i32
      %ne3A_97 = arith.constant 0 : i32
      %ne3A_98 = arith.cmpi ne, %rem3A_96, %ne3A_97 : i32
      %lt3A_99 = arith.constant 0 : i32
      %lt3A_100 = arith.cmpi slt, %rem3A_96, %lt3A_99 : i32
      %lt3A_101 = arith.constant 0 : i32
      %lt3A_102 = arith.cmpi slt, %select_n3A_95, %lt3A_101 : i32
      %ne3A_103 = arith.xori %lt3A_100, %lt3A_102 : i1
      %and3A_104 = arith.andi %ne3A_103, %ne3A_98 : i1
      %add3A_105 = arith.addi %rem3A_96, %select_n3A_95 : i32
      %select_n3A_106 = arith.select %and3A_104, %add3A_105, %rem3A_96 : i32
      %eq3A_107 = arith.constant 2 : i32
      %eq3A_108 = arith.cmpi eq, %select_n3A_106, %eq3A_107 : i32
      %ge3A = arith.constant 2 : i32
      %ge3A_109 = arith.cmpi sge, %scan3A_36, %ge3A : i32
      %and3A_110 = arith.andi %eq3A_108, %ge3A_109 : i1
      %convert_element_type3A_111 = arith.extui %and3A_110 : i1 to i32
      %cond3A_112 = arith.constant 0 : i32
      %cond3A_113 = arith.cmpi ne, %convert_element_type3A_111, %cond3A_112 : i32
      scf.if %cond3A_113 {
        %sub3A = arith.constant 2 : i32
        %sub3A_162 = arith.subi %scan3A_36, %sub3A : i32
        %mul3A_163 = arith.constant 16 : i32
        %mul3A_164 = arith.muli %sub3A_162, %mul3A_163 : i32
        %mul3A_165 = arith.constant 512 : i32
        %mul3A_166 = arith.muli %add3A, %mul3A_165 : i32
        %jit3A_167 = arith.constant 3 : i32
        %eq3A_168 = arith.constant 0 : i32
        %eq3A_169 = arith.cmpi eq, %jit3A_167, %eq3A_168 : i32
        %jit3A_170 = arith.constant 1 : i32
        %select_n3A_171 = arith.select %eq3A_169, %jit3A_170, %jit3A_167 : i32
        %rem3A_172 = arith.remsi %sub3A_162, %select_n3A_171 : i32
        %ne3A_173 = arith.constant 0 : i32
        %ne3A_174 = arith.cmpi ne, %rem3A_172, %ne3A_173 : i32
        %lt3A_175 = arith.constant 0 : i32
        %lt3A_176 = arith.cmpi slt, %rem3A_172, %lt3A_175 : i32
        %lt3A_177 = arith.constant 0 : i32
        %lt3A_178 = arith.cmpi slt, %select_n3A_171, %lt3A_177 : i32
        %ne3A_179 = arith.xori %lt3A_176, %lt3A_178 : i1
        %and3A_180 = arith.andi %ne3A_179, %ne3A_174 : i1
        %add3A_181 = arith.addi %rem3A_172, %select_n3A_171 : i32
        %select_n3A_182 = arith.select %and3A_180, %add3A_181, %rem3A_172 : i32
        %dma_wait3A_183 = arith.constant 0 : i32
        %dma_wait3A_184 = arith.constant 0 : i32
        %dma_wait3A_185 = tpu.memref_slice %arg6[%select_n3A_182, %dma_wait3A_183, %dma_wait3A_184] : memref<3x16x512xf32, #tpu.memory_space<vmem>> -> memref<1x16x512xf32, #tpu.memory_space<vmem>>
        %dma_wait3A_186 = tpu.memref_squeeze %dma_wait3A_185 : memref<1x16x512xf32, #tpu.memory_space<vmem>> -> memref<16x512xf32, #tpu.memory_space<vmem>>
        %dma_wait3A_187 = tpu.memref_slice %arg4[%mul3A_164, %mul3A_166] : memref<96x16384xf32, #tpu.memory_space<hbm>> -> memref<16x512xf32, #tpu.memory_space<hbm>>
        %dma_wait3A_188 = arith.constant 0 : i32
        %dma_wait3A_189 = arith.constant 0 : i32
        %dma_wait3A_190 = tpu.memref_slice %arg6[%select_n3A_182, %dma_wait3A_188, %dma_wait3A_189] : memref<3x16x512xf32, #tpu.memory_space<vmem>> -> memref<1x16x512xf32, #tpu.memory_space<vmem>>
        %dma_wait3A_191 = tpu.memref_squeeze %dma_wait3A_190 : memref<1x16x512xf32, #tpu.memory_space<vmem>> -> memref<16x512xf32, #tpu.memory_space<vmem>>
        %dma_wait3A_192 = tpu.memref_slice %arg4[%mul3A_164, %mul3A_166] : memref<96x16384xf32, #tpu.memory_space<hbm>> -> memref<16x512xf32, #tpu.memory_space<hbm>>
        tpu.wait_dma2 semaphore(%arg7 : memref<!tpu.dma_semaphore, #tpu.memory_space<semaphore_mem>>) src(%dma_wait3A_192 : memref<16x512xf32, #tpu.memory_space<hbm>>) dst(%dma_wait3A_191 : memref<16x512xf32, #tpu.memory_space<vmem>>)
        %jit3A_193 = arith.constant 3 : i32
        %eq3A_194 = arith.constant 0 : i32
        %eq3A_195 = arith.cmpi eq, %jit3A_193, %eq3A_194 : i32
        %jit3A_196 = arith.constant 1 : i32
        %select_n3A_197 = arith.select %eq3A_195, %jit3A_196, %jit3A_193 : i32
        %rem3A_198 = arith.remsi %sub3A_162, %select_n3A_197 : i32
        %ne3A_199 = arith.constant 0 : i32
        %ne3A_200 = arith.cmpi ne, %rem3A_198, %ne3A_199 : i32
        %lt3A_201 = arith.constant 0 : i32
        %lt3A_202 = arith.cmpi slt, %rem3A_198, %lt3A_201 : i32
        %lt3A_203 = arith.constant 0 : i32
        %lt3A_204 = arith.cmpi slt, %select_n3A_197, %lt3A_203 : i32
        %ne3A_205 = arith.xori %lt3A_202, %lt3A_204 : i1
        %and3A_206 = arith.andi %ne3A_205, %ne3A_200 : i1
        %add3A_207 = arith.addi %rem3A_198, %select_n3A_197 : i32
        %select_n3A_208 = arith.select %and3A_206, %add3A_207, %rem3A_198 : i32
        "tpu.region"() ({
          %run_scoped3A_209 = tpu.sem_alloc : memref<!tpu.dma_semaphore, #tpu.memory_space<semaphore_mem>>
          %dma_start3A = arith.constant 0 : i32
          %dma_start3A_210 = arith.constant 0 : i32
          %dma_start3A_211 = tpu.memref_slice %arg6[%select_n3A_208, %dma_start3A, %dma_start3A_210] : memref<3x16x512xf32, #tpu.memory_space<vmem>> -> memref<1x16x512xf32, #tpu.memory_space<vmem>>
          %dma_start3A_212 = tpu.memref_squeeze %dma_start3A_211 : memref<1x16x512xf32, #tpu.memory_space<vmem>> -> memref<16x512xf32, #tpu.memory_space<vmem>>
          %dma_start3A_213 = tpu.memref_slice %arg4[%mul3A_164, %mul3A_166] : memref<96x16384xf32, #tpu.memory_space<hbm>> -> memref<16x512xf32, #tpu.memory_space<hbm>>
          %dma_start3A_214 = tpu.memref_slice %arg4[%mul3A_164, %mul3A_166] : memref<96x16384xf32, #tpu.memory_space<hbm>> -> memref<16x512xf32, #tpu.memory_space<hbm>>
          %dma_start3A_215 = arith.constant 0 : i32
          %dma_start3A_216 = arith.constant 0 : i32
          %dma_start3A_217 = tpu.memref_slice %arg6[%select_n3A_208, %dma_start3A_215, %dma_start3A_216] : memref<3x16x512xf32, #tpu.memory_space<vmem>> -> memref<1x16x512xf32, #tpu.memory_space<vmem>>
          %dma_start3A_218 = tpu.memref_squeeze %dma_start3A_217 : memref<1x16x512xf32, #tpu.memory_space<vmem>> -> memref<16x512xf32, #tpu.memory_space<vmem>>
          tpu.enqueue_dma source(%dma_start3A_218 : memref<16x512xf32, #tpu.memory_space<vmem>>) target(%dma_start3A_214 : memref<16x512xf32, #tpu.memory_space<hbm>>) target_semaphore(%run_scoped3A_209 : memref<!tpu.dma_semaphore, #tpu.memory_space<semaphore_mem>>)
          %dma_wait3A_219 = arith.constant 0 : i32
          %dma_wait3A_220 = arith.constant 0 : i32
          %dma_wait3A_221 = tpu.memref_slice %arg6[%select_n3A_208, %dma_wait3A_219, %dma_wait3A_220] : memref<3x16x512xf32, #tpu.memory_space<vmem>> -> memref<1x16x512xf32, #tpu.memory_space<vmem>>
          %dma_wait3A_222 = tpu.memref_squeeze %dma_wait3A_221 : memref<1x16x512xf32, #tpu.memory_space<vmem>> -> memref<16x512xf32, #tpu.memory_space<vmem>>
          %dma_wait3A_223 = tpu.memref_slice %arg4[%mul3A_164, %mul3A_166] : memref<96x16384xf32, #tpu.memory_space<hbm>> -> memref<16x512xf32, #tpu.memory_space<hbm>>
          %dma_wait3A_224 = tpu.memref_slice %arg4[%mul3A_164, %mul3A_166] : memref<96x16384xf32, #tpu.memory_space<hbm>> -> memref<16x512xf32, #tpu.memory_space<hbm>>
          %dma_wait3A_225 = arith.constant 0 : i32
          %dma_wait3A_226 = arith.constant 0 : i32
          %dma_wait3A_227 = tpu.memref_slice %arg6[%select_n3A_208, %dma_wait3A_225, %dma_wait3A_226] : memref<3x16x512xf32, #tpu.memory_space<vmem>> -> memref<1x16x512xf32, #tpu.memory_space<vmem>>
          %dma_wait3A_228 = tpu.memref_squeeze %dma_wait3A_227 : memref<1x16x512xf32, #tpu.memory_space<vmem>> -> memref<16x512xf32, #tpu.memory_space<vmem>>
          tpu.wait_dma2 semaphore(%run_scoped3A_209 : memref<!tpu.dma_semaphore, #tpu.memory_space<semaphore_mem>>) src(%dma_wait3A_228 : memref<16x512xf32, #tpu.memory_space<vmem>>) dst(%dma_wait3A_224 : memref<16x512xf32, #tpu.memory_space<hbm>>)
          tpu.yield
        }) : () -> ()
      } else {
      }
      %jit3A_114 = arith.constant 3 : i32
      %eq3A_115 = arith.constant 0 : i32
      %eq3A_116 = arith.cmpi eq, %jit3A_114, %eq3A_115 : i32
      %jit3A_117 = arith.constant 1 : i32
      %select_n3A_118 = arith.select %eq3A_116, %jit3A_117, %jit3A_114 : i32
      %rem3A_119 = arith.remsi %scan3A_36, %select_n3A_118 : i32
      %ne3A_120 = arith.constant 0 : i32
      %ne3A_121 = arith.cmpi ne, %rem3A_119, %ne3A_120 : i32
      %lt3A_122 = arith.constant 0 : i32
      %lt3A_123 = arith.cmpi slt, %rem3A_119, %lt3A_122 : i32
      %lt3A_124 = arith.constant 0 : i32
      %lt3A_125 = arith.cmpi slt, %select_n3A_118, %lt3A_124 : i32
      %ne3A_126 = arith.xori %lt3A_123, %lt3A_125 : i1
      %and3A_127 = arith.andi %ne3A_126, %ne3A_121 : i1
      %add3A_128 = arith.addi %rem3A_119, %select_n3A_118 : i32
      %select_n3A_129 = arith.select %and3A_127, %add3A_128, %rem3A_119 : i32
      %eq3A_130 = arith.constant 0 : i32
      %eq3A_131 = arith.cmpi eq, %select_n3A_129, %eq3A_130 : i32
      %ge3A_132 = arith.constant 2 : i32
      %ge3A_133 = arith.cmpi sge, %scan3A_36, %ge3A_132 : i32
      %and3A_134 = arith.andi %eq3A_131, %ge3A_133 : i1
      %convert_element_type3A_135 = arith.extui %and3A_134 : i1 to i32
      %cond3A_136 = arith.constant 0 : i32
      %cond3A_137 = arith.cmpi ne, %convert_element_type3A_135, %cond3A_136 : i32
      scf.if %cond3A_137 {
        %sub3A = arith.constant 2 : i32
        %sub3A_162 = arith.subi %scan3A_36, %sub3A : i32
        %mul3A_163 = arith.constant 16 : i32
        %mul3A_164 = arith.muli %sub3A_162, %mul3A_163 : i32
        %mul3A_165 = arith.constant 512 : i32
        %mul3A_166 = arith.muli %add3A, %mul3A_165 : i32
        %jit3A_167 = arith.constant 3 : i32
        %eq3A_168 = arith.constant 0 : i32
        %eq3A_169 = arith.cmpi eq, %jit3A_167, %eq3A_168 : i32
        %jit3A_170 = arith.constant 1 : i32
        %select_n3A_171 = arith.select %eq3A_169, %jit3A_170, %jit3A_167 : i32
        %rem3A_172 = arith.remsi %sub3A_162, %select_n3A_171 : i32
        %ne3A_173 = arith.constant 0 : i32
        %ne3A_174 = arith.cmpi ne, %rem3A_172, %ne3A_173 : i32
        %lt3A_175 = arith.constant 0 : i32
        %lt3A_176 = arith.cmpi slt, %rem3A_172, %lt3A_175 : i32
        %lt3A_177 = arith.constant 0 : i32
        %lt3A_178 = arith.cmpi slt, %select_n3A_171, %lt3A_177 : i32
        %ne3A_179 = arith.xori %lt3A_176, %lt3A_178 : i1
        %and3A_180 = arith.andi %ne3A_179, %ne3A_174 : i1
        %add3A_181 = arith.addi %rem3A_172, %select_n3A_171 : i32
        %select_n3A_182 = arith.select %and3A_180, %add3A_181, %rem3A_172 : i32
        %dma_wait3A_183 = arith.constant 0 : i32
        %dma_wait3A_184 = arith.constant 0 : i32
        %dma_wait3A_185 = tpu.memref_slice %arg6[%select_n3A_182, %dma_wait3A_183, %dma_wait3A_184] : memref<3x16x512xf32, #tpu.memory_space<vmem>> -> memref<1x16x512xf32, #tpu.memory_space<vmem>>
        %dma_wait3A_186 = tpu.memref_squeeze %dma_wait3A_185 : memref<1x16x512xf32, #tpu.memory_space<vmem>> -> memref<16x512xf32, #tpu.memory_space<vmem>>
        %dma_wait3A_187 = tpu.memref_slice %arg4[%mul3A_164, %mul3A_166] : memref<96x16384xf32, #tpu.memory_space<hbm>> -> memref<16x512xf32, #tpu.memory_space<hbm>>
        %dma_wait3A_188 = arith.constant 0 : i32
        %dma_wait3A_189 = arith.constant 0 : i32
        %dma_wait3A_190 = tpu.memref_slice %arg6[%select_n3A_182, %dma_wait3A_188, %dma_wait3A_189] : memref<3x16x512xf32, #tpu.memory_space<vmem>> -> memref<1x16x512xf32, #tpu.memory_space<vmem>>
        %dma_wait3A_191 = tpu.memref_squeeze %dma_wait3A_190 : memref<1x16x512xf32, #tpu.memory_space<vmem>> -> memref<16x512xf32, #tpu.memory_space<vmem>>
        %dma_wait3A_192 = tpu.memref_slice %arg4[%mul3A_164, %mul3A_166] : memref<96x16384xf32, #tpu.memory_space<hbm>> -> memref<16x512xf32, #tpu.memory_space<hbm>>
        tpu.wait_dma2 semaphore(%arg8 : memref<!tpu.dma_semaphore, #tpu.memory_space<semaphore_mem>>) src(%dma_wait3A_192 : memref<16x512xf32, #tpu.memory_space<hbm>>) dst(%dma_wait3A_191 : memref<16x512xf32, #tpu.memory_space<vmem>>)
        %jit3A_193 = arith.constant 3 : i32
        %eq3A_194 = arith.constant 0 : i32
        %eq3A_195 = arith.cmpi eq, %jit3A_193, %eq3A_194 : i32
        %jit3A_196 = arith.constant 1 : i32
        %select_n3A_197 = arith.select %eq3A_195, %jit3A_196, %jit3A_193 : i32
        %rem3A_198 = arith.remsi %sub3A_162, %select_n3A_197 : i32
        %ne3A_199 = arith.constant 0 : i32
        %ne3A_200 = arith.cmpi ne, %rem3A_198, %ne3A_199 : i32
        %lt3A_201 = arith.constant 0 : i32
        %lt3A_202 = arith.cmpi slt, %rem3A_198, %lt3A_201 : i32
        %lt3A_203 = arith.constant 0 : i32
        %lt3A_204 = arith.cmpi slt, %select_n3A_197, %lt3A_203 : i32
        %ne3A_205 = arith.xori %lt3A_202, %lt3A_204 : i1
        %and3A_206 = arith.andi %ne3A_205, %ne3A_200 : i1
        %add3A_207 = arith.addi %rem3A_198, %select_n3A_197 : i32
        %select_n3A_208 = arith.select %and3A_206, %add3A_207, %rem3A_198 : i32
        "tpu.region"() ({
          %run_scoped3A_209 = tpu.sem_alloc : memref<!tpu.dma_semaphore, #tpu.memory_space<semaphore_mem>>
          %dma_start3A = arith.constant 0 : i32
          %dma_start3A_210 = arith.constant 0 : i32
          %dma_start3A_211 = tpu.memref_slice %arg6[%select_n3A_208, %dma_start3A, %dma_start3A_210] : memref<3x16x512xf32, #tpu.memory_space<vmem>> -> memref<1x16x512xf32, #tpu.memory_space<vmem>>
          %dma_start3A_212 = tpu.memref_squeeze %dma_start3A_211 : memref<1x16x512xf32, #tpu.memory_space<vmem>> -> memref<16x512xf32, #tpu.memory_space<vmem>>
          %dma_start3A_213 = tpu.memref_slice %arg4[%mul3A_164, %mul3A_166] : memref<96x16384xf32, #tpu.memory_space<hbm>> -> memref<16x512xf32, #tpu.memory_space<hbm>>
          %dma_start3A_214 = tpu.memref_slice %arg4[%mul3A_164, %mul3A_166] : memref<96x16384xf32, #tpu.memory_space<hbm>> -> memref<16x512xf32, #tpu.memory_space<hbm>>
          %dma_start3A_215 = arith.constant 0 : i32
          %dma_start3A_216 = arith.constant 0 : i32
          %dma_start3A_217 = tpu.memref_slice %arg6[%select_n3A_208, %dma_start3A_215, %dma_start3A_216] : memref<3x16x512xf32, #tpu.memory_space<vmem>> -> memref<1x16x512xf32, #tpu.memory_space<vmem>>
          %dma_start3A_218 = tpu.memref_squeeze %dma_start3A_217 : memref<1x16x512xf32, #tpu.memory_space<vmem>> -> memref<16x512xf32, #tpu.memory_space<vmem>>
          tpu.enqueue_dma source(%dma_start3A_218 : memref<16x512xf32, #tpu.memory_space<vmem>>) target(%dma_start3A_214 : memref<16x512xf32, #tpu.memory_space<hbm>>) target_semaphore(%run_scoped3A_209 : memref<!tpu.dma_semaphore, #tpu.memory_space<semaphore_mem>>)
          %dma_wait3A_219 = arith.constant 0 : i32
          %dma_wait3A_220 = arith.constant 0 : i32
          %dma_wait3A_221 = tpu.memref_slice %arg6[%select_n3A_208, %dma_wait3A_219, %dma_wait3A_220] : memref<3x16x512xf32, #tpu.memory_space<vmem>> -> memref<1x16x512xf32, #tpu.memory_space<vmem>>
          %dma_wait3A_222 = tpu.memref_squeeze %dma_wait3A_221 : memref<1x16x512xf32, #tpu.memory_space<vmem>> -> memref<16x512xf32, #tpu.memory_space<vmem>>
          %dma_wait3A_223 = tpu.memref_slice %arg4[%mul3A_164, %mul3A_166] : memref<96x16384xf32, #tpu.memory_space<hbm>> -> memref<16x512xf32, #tpu.memory_space<hbm>>
          %dma_wait3A_224 = tpu.memref_slice %arg4[%mul3A_164, %mul3A_166] : memref<96x16384xf32, #tpu.memory_space<hbm>> -> memref<16x512xf32, #tpu.memory_space<hbm>>
          %dma_wait3A_225 = arith.constant 0 : i32
          %dma_wait3A_226 = arith.constant 0 : i32
          %dma_wait3A_227 = tpu.memref_slice %arg6[%select_n3A_208, %dma_wait3A_225, %dma_wait3A_226] : memref<3x16x512xf32, #tpu.memory_space<vmem>> -> memref<1x16x512xf32, #tpu.memory_space<vmem>>
          %dma_wait3A_228 = tpu.memref_squeeze %dma_wait3A_227 : memref<1x16x512xf32, #tpu.memory_space<vmem>> -> memref<16x512xf32, #tpu.memory_space<vmem>>
          tpu.wait_dma2 semaphore(%run_scoped3A_209 : memref<!tpu.dma_semaphore, #tpu.memory_space<semaphore_mem>>) src(%dma_wait3A_228 : memref<16x512xf32, #tpu.memory_space<vmem>>) dst(%dma_wait3A_224 : memref<16x512xf32, #tpu.memory_space<hbm>>)
          tpu.yield
        }) : () -> ()
      } else {
      }
      %jit3A_138 = arith.constant 3 : i32
      %eq3A_139 = arith.constant 0 : i32
      %eq3A_140 = arith.cmpi eq, %jit3A_138, %eq3A_139 : i32
      %jit3A_141 = arith.constant 1 : i32
      %select_n3A_142 = arith.select %eq3A_140, %jit3A_141, %jit3A_138 : i32
      %rem3A_143 = arith.remsi %scan3A_36, %select_n3A_142 : i32
      %ne3A_144 = arith.constant 0 : i32
      %ne3A_145 = arith.cmpi ne, %rem3A_143, %ne3A_144 : i32
      %lt3A_146 = arith.constant 0 : i32
      %lt3A_147 = arith.cmpi slt, %rem3A_143, %lt3A_146 : i32
      %lt3A_148 = arith.constant 0 : i32
      %lt3A_149 = arith.cmpi slt, %select_n3A_142, %lt3A_148 : i32
      %ne3A_150 = arith.xori %lt3A_147, %lt3A_149 : i1
      %and3A_151 = arith.andi %ne3A_150, %ne3A_145 : i1
      %add3A_152 = arith.addi %rem3A_143, %select_n3A_142 : i32
      %select_n3A_153 = arith.select %and3A_151, %add3A_152, %rem3A_143 : i32
      %eq3A_154 = arith.constant 1 : i32
      %eq3A_155 = arith.cmpi eq, %select_n3A_153, %eq3A_154 : i32
      %ge3A_156 = arith.constant 2 : i32
      %ge3A_157 = arith.cmpi sge, %scan3A_36, %ge3A_156 : i32
      %and3A_158 = arith.andi %eq3A_155, %ge3A_157 : i1
      %convert_element_type3A_159 = arith.extui %and3A_158 : i1 to i32
      %cond3A_160 = arith.constant 0 : i32
      %cond3A_161 = arith.cmpi ne, %convert_element_type3A_159, %cond3A_160 : i32
      scf.if %cond3A_161 {
        %sub3A = arith.constant 2 : i32
        %sub3A_162 = arith.subi %scan3A_36, %sub3A : i32
        %mul3A_163 = arith.constant 16 : i32
        %mul3A_164 = arith.muli %sub3A_162, %mul3A_163 : i32
        %mul3A_165 = arith.constant 512 : i32
        %mul3A_166 = arith.muli %add3A, %mul3A_165 : i32
        %jit3A_167 = arith.constant 3 : i32
        %eq3A_168 = arith.constant 0 : i32
        %eq3A_169 = arith.cmpi eq, %jit3A_167, %eq3A_168 : i32
        %jit3A_170 = arith.constant 1 : i32
        %select_n3A_171 = arith.select %eq3A_169, %jit3A_170, %jit3A_167 : i32
        %rem3A_172 = arith.remsi %sub3A_162, %select_n3A_171 : i32
        %ne3A_173 = arith.constant 0 : i32
        %ne3A_174 = arith.cmpi ne, %rem3A_172, %ne3A_173 : i32
        %lt3A_175 = arith.constant 0 : i32
        %lt3A_176 = arith.cmpi slt, %rem3A_172, %lt3A_175 : i32
        %lt3A_177 = arith.constant 0 : i32
        %lt3A_178 = arith.cmpi slt, %select_n3A_171, %lt3A_177 : i32
        %ne3A_179 = arith.xori %lt3A_176, %lt3A_178 : i1
        %and3A_180 = arith.andi %ne3A_179, %ne3A_174 : i1
        %add3A_181 = arith.addi %rem3A_172, %select_n3A_171 : i32
        %select_n3A_182 = arith.select %and3A_180, %add3A_181, %rem3A_172 : i32
        %dma_wait3A_183 = arith.constant 0 : i32
        %dma_wait3A_184 = arith.constant 0 : i32
        %dma_wait3A_185 = tpu.memref_slice %arg6[%select_n3A_182, %dma_wait3A_183, %dma_wait3A_184] : memref<3x16x512xf32, #tpu.memory_space<vmem>> -> memref<1x16x512xf32, #tpu.memory_space<vmem>>
        %dma_wait3A_186 = tpu.memref_squeeze %dma_wait3A_185 : memref<1x16x512xf32, #tpu.memory_space<vmem>> -> memref<16x512xf32, #tpu.memory_space<vmem>>
        %dma_wait3A_187 = tpu.memref_slice %arg4[%mul3A_164, %mul3A_166] : memref<96x16384xf32, #tpu.memory_space<hbm>> -> memref<16x512xf32, #tpu.memory_space<hbm>>
        %dma_wait3A_188 = arith.constant 0 : i32
        %dma_wait3A_189 = arith.constant 0 : i32
        %dma_wait3A_190 = tpu.memref_slice %arg6[%select_n3A_182, %dma_wait3A_188, %dma_wait3A_189] : memref<3x16x512xf32, #tpu.memory_space<vmem>> -> memref<1x16x512xf32, #tpu.memory_space<vmem>>
        %dma_wait3A_191 = tpu.memref_squeeze %dma_wait3A_190 : memref<1x16x512xf32, #tpu.memory_space<vmem>> -> memref<16x512xf32, #tpu.memory_space<vmem>>
        %dma_wait3A_192 = tpu.memref_slice %arg4[%mul3A_164, %mul3A_166] : memref<96x16384xf32, #tpu.memory_space<hbm>> -> memref<16x512xf32, #tpu.memory_space<hbm>>
        tpu.wait_dma2 semaphore(%arg9 : memref<!tpu.dma_semaphore, #tpu.memory_space<semaphore_mem>>) src(%dma_wait3A_192 : memref<16x512xf32, #tpu.memory_space<hbm>>) dst(%dma_wait3A_191 : memref<16x512xf32, #tpu.memory_space<vmem>>)
        %jit3A_193 = arith.constant 3 : i32
        %eq3A_194 = arith.constant 0 : i32
        %eq3A_195 = arith.cmpi eq, %jit3A_193, %eq3A_194 : i32
        %jit3A_196 = arith.constant 1 : i32
        %select_n3A_197 = arith.select %eq3A_195, %jit3A_196, %jit3A_193 : i32
        %rem3A_198 = arith.remsi %sub3A_162, %select_n3A_197 : i32
        %ne3A_199 = arith.constant 0 : i32
        %ne3A_200 = arith.cmpi ne, %rem3A_198, %ne3A_199 : i32
        %lt3A_201 = arith.constant 0 : i32
        %lt3A_202 = arith.cmpi slt, %rem3A_198, %lt3A_201 : i32
        %lt3A_203 = arith.constant 0 : i32
        %lt3A_204 = arith.cmpi slt, %select_n3A_197, %lt3A_203 : i32
        %ne3A_205 = arith.xori %lt3A_202, %lt3A_204 : i1
        %and3A_206 = arith.andi %ne3A_205, %ne3A_200 : i1
        %add3A_207 = arith.addi %rem3A_198, %select_n3A_197 : i32
        %select_n3A_208 = arith.select %and3A_206, %add3A_207, %rem3A_198 : i32
        "tpu.region"() ({
          %run_scoped3A_209 = tpu.sem_alloc : memref<!tpu.dma_semaphore, #tpu.memory_space<semaphore_mem>>
          %dma_start3A = arith.constant 0 : i32
          %dma_start3A_210 = arith.constant 0 : i32
          %dma_start3A_211 = tpu.memref_slice %arg6[%select_n3A_208, %dma_start3A, %dma_start3A_210] : memref<3x16x512xf32, #tpu.memory_space<vmem>> -> memref<1x16x512xf32, #tpu.memory_space<vmem>>
          %dma_start3A_212 = tpu.memref_squeeze %dma_start3A_211 : memref<1x16x512xf32, #tpu.memory_space<vmem>> -> memref<16x512xf32, #tpu.memory_space<vmem>>
          %dma_start3A_213 = tpu.memref_slice %arg4[%mul3A_164, %mul3A_166] : memref<96x16384xf32, #tpu.memory_space<hbm>> -> memref<16x512xf32, #tpu.memory_space<hbm>>
          %dma_start3A_214 = tpu.memref_slice %arg4[%mul3A_164, %mul3A_166] : memref<96x16384xf32, #tpu.memory_space<hbm>> -> memref<16x512xf32, #tpu.memory_space<hbm>>
          %dma_start3A_215 = arith.constant 0 : i32
          %dma_start3A_216 = arith.constant 0 : i32
          %dma_start3A_217 = tpu.memref_slice %arg6[%select_n3A_208, %dma_start3A_215, %dma_start3A_216] : memref<3x16x512xf32, #tpu.memory_space<vmem>> -> memref<1x16x512xf32, #tpu.memory_space<vmem>>
          %dma_start3A_218 = tpu.memref_squeeze %dma_start3A_217 : memref<1x16x512xf32, #tpu.memory_space<vmem>> -> memref<16x512xf32, #tpu.memory_space<vmem>>
          tpu.enqueue_dma source(%dma_start3A_218 : memref<16x512xf32, #tpu.memory_space<vmem>>) target(%dma_start3A_214 : memref<16x512xf32, #tpu.memory_space<hbm>>) target_semaphore(%run_scoped3A_209 : memref<!tpu.dma_semaphore, #tpu.memory_space<semaphore_mem>>)
          %dma_wait3A_219 = arith.constant 0 : i32
          %dma_wait3A_220 = arith.constant 0 : i32
          %dma_wait3A_221 = tpu.memref_slice %arg6[%select_n3A_208, %dma_wait3A_219, %dma_wait3A_220] : memref<3x16x512xf32, #tpu.memory_space<vmem>> -> memref<1x16x512xf32, #tpu.memory_space<vmem>>
          %dma_wait3A_222 = tpu.memref_squeeze %dma_wait3A_221 : memref<1x16x512xf32, #tpu.memory_space<vmem>> -> memref<16x512xf32, #tpu.memory_space<vmem>>
          %dma_wait3A_223 = tpu.memref_slice %arg4[%mul3A_164, %mul3A_166] : memref<96x16384xf32, #tpu.memory_space<hbm>> -> memref<16x512xf32, #tpu.memory_space<hbm>>
          %dma_wait3A_224 = tpu.memref_slice %arg4[%mul3A_164, %mul3A_166] : memref<96x16384xf32, #tpu.memory_space<hbm>> -> memref<16x512xf32, #tpu.memory_space<hbm>>
          %dma_wait3A_225 = arith.constant 0 : i32
          %dma_wait3A_226 = arith.constant 0 : i32
          %dma_wait3A_227 = tpu.memref_slice %arg6[%select_n3A_208, %dma_wait3A_225, %dma_wait3A_226] : memref<3x16x512xf32, #tpu.memory_space<vmem>> -> memref<1x16x512xf32, #tpu.memory_space<vmem>>
          %dma_wait3A_228 = tpu.memref_squeeze %dma_wait3A_227 : memref<1x16x512xf32, #tpu.memory_space<vmem>> -> memref<16x512xf32, #tpu.memory_space<vmem>>
          tpu.wait_dma2 semaphore(%run_scoped3A_209 : memref<!tpu.dma_semaphore, #tpu.memory_space<semaphore_mem>>) src(%dma_wait3A_228 : memref<16x512xf32, #tpu.memory_space<vmem>>) dst(%dma_wait3A_224 : memref<16x512xf32, #tpu.memory_space<hbm>>)
          tpu.yield
        }) : () -> ()
      } else {
      }
    }
    %scan3A_5 = arith.constant 6 : i32
    %mul3A_6 = arith.constant 512 : i32
    %mul3A_7 = arith.muli %add3A, %mul3A_6 : i32
    %dma_wait3A = arith.constant 1 : i32
    %dma_wait3A_8 = arith.constant 0 : i32
    %dma_wait3A_9 = arith.constant 0 : i32
    %dma_wait3A_10 = tpu.memref_slice %arg6[%dma_wait3A, %dma_wait3A_8, %dma_wait3A_9] : memref<3x16x512xf32, #tpu.memory_space<vmem>> -> memref<1x16x512xf32, #tpu.memory_space<vmem>>
    %dma_wait3A_11 = tpu.memref_squeeze %dma_wait3A_10 : memref<1x16x512xf32, #tpu.memory_space<vmem>> -> memref<16x512xf32, #tpu.memory_space<vmem>>
    %dma_wait3A_12 = arith.constant 64 : i32
    %dma_wait3A_13 = tpu.memref_slice %arg4[%dma_wait3A_12, %mul3A_7] : memref<96x16384xf32, #tpu.memory_space<hbm>> -> memref<16x512xf32, #tpu.memory_space<hbm>>
    %dma_wait3A_14 = arith.constant 0 : i32
    %dma_wait3A_15 = arith.constant 0 : i32
    %dma_wait3A_16 = tpu.memref_slice %arg6[%dma_wait3A, %dma_wait3A_14, %dma_wait3A_15] : memref<3x16x512xf32, #tpu.memory_space<vmem>> -> memref<1x16x512xf32, #tpu.memory_space<vmem>>
    %dma_wait3A_17 = tpu.memref_squeeze %dma_wait3A_16 : memref<1x16x512xf32, #tpu.memory_space<vmem>> -> memref<16x512xf32, #tpu.memory_space<vmem>>
    %dma_wait3A_18 = arith.constant 64 : i32
    %dma_wait3A_19 = tpu.memref_slice %arg4[%dma_wait3A_18, %mul3A_7] : memref<96x16384xf32, #tpu.memory_space<hbm>> -> memref<16x512xf32, #tpu.memory_space<hbm>>
    tpu.wait_dma2 semaphore(%arg8 : memref<!tpu.dma_semaphore, #tpu.memory_space<semaphore_mem>>) src(%dma_wait3A_19 : memref<16x512xf32, #tpu.memory_space<hbm>>) dst(%dma_wait3A_17 : memref<16x512xf32, #tpu.memory_space<vmem>>)
    %run_scoped3A = arith.constant 1 : i32
    "tpu.region"() ({
      %run_scoped3A_36 = tpu.sem_alloc : memref<!tpu.dma_semaphore, #tpu.memory_space<semaphore_mem>>
      %dma_start3A = arith.constant 0 : i32
      %dma_start3A_37 = arith.constant 0 : i32
      %dma_start3A_38 = tpu.memref_slice %arg6[%run_scoped3A, %dma_start3A, %dma_start3A_37] : memref<3x16x512xf32, #tpu.memory_space<vmem>> -> memref<1x16x512xf32, #tpu.memory_space<vmem>>
      %dma_start3A_39 = tpu.memref_squeeze %dma_start3A_38 : memref<1x16x512xf32, #tpu.memory_space<vmem>> -> memref<16x512xf32, #tpu.memory_space<vmem>>
      %dma_start3A_40 = arith.constant 64 : i32
      %dma_start3A_41 = tpu.memref_slice %arg4[%dma_start3A_40, %mul3A_7] : memref<96x16384xf32, #tpu.memory_space<hbm>> -> memref<16x512xf32, #tpu.memory_space<hbm>>
      %dma_start3A_42 = arith.constant 64 : i32
      %dma_start3A_43 = tpu.memref_slice %arg4[%dma_start3A_42, %mul3A_7] : memref<96x16384xf32, #tpu.memory_space<hbm>> -> memref<16x512xf32, #tpu.memory_space<hbm>>
      %dma_start3A_44 = arith.constant 0 : i32
      %dma_start3A_45 = arith.constant 0 : i32
      %dma_start3A_46 = tpu.memref_slice %arg6[%run_scoped3A, %dma_start3A_44, %dma_start3A_45] : memref<3x16x512xf32, #tpu.memory_space<vmem>> -> memref<1x16x512xf32, #tpu.memory_space<vmem>>
      %dma_start3A_47 = tpu.memref_squeeze %dma_start3A_46 : memref<1x16x512xf32, #tpu.memory_space<vmem>> -> memref<16x512xf32, #tpu.memory_space<vmem>>
      tpu.enqueue_dma source(%dma_start3A_47 : memref<16x512xf32, #tpu.memory_space<vmem>>) target(%dma_start3A_43 : memref<16x512xf32, #tpu.memory_space<hbm>>) target_semaphore(%run_scoped3A_36 : memref<!tpu.dma_semaphore, #tpu.memory_space<semaphore_mem>>)
      %dma_wait3A_48 = arith.constant 0 : i32
      %dma_wait3A_49 = arith.constant 0 : i32
      %dma_wait3A_50 = tpu.memref_slice %arg6[%run_scoped3A, %dma_wait3A_48, %dma_wait3A_49] : memref<3x16x512xf32, #tpu.memory_space<vmem>> -> memref<1x16x512xf32, #tpu.memory_space<vmem>>
      %dma_wait3A_51 = tpu.memref_squeeze %dma_wait3A_50 : memref<1x16x512xf32, #tpu.memory_space<vmem>> -> memref<16x512xf32, #tpu.memory_space<vmem>>
      %dma_wait3A_52 = arith.constant 64 : i32
      %dma_wait3A_53 = tpu.memref_slice %arg4[%dma_wait3A_52, %mul3A_7] : memref<96x16384xf32, #tpu.memory_space<hbm>> -> memref<16x512xf32, #tpu.memory_space<hbm>>
      %dma_wait3A_54 = arith.constant 64 : i32
      %dma_wait3A_55 = tpu.memref_slice %arg4[%dma_wait3A_54, %mul3A_7] : memref<96x16384xf32, #tpu.memory_space<hbm>> -> memref<16x512xf32, #tpu.memory_space<hbm>>
      %dma_wait3A_56 = arith.constant 0 : i32
      %dma_wait3A_57 = arith.constant 0 : i32
      %dma_wait3A_58 = tpu.memref_slice %arg6[%run_scoped3A, %dma_wait3A_56, %dma_wait3A_57] : memref<3x16x512xf32, #tpu.memory_space<vmem>> -> memref<1x16x512xf32, #tpu.memory_space<vmem>>
      %dma_wait3A_59 = tpu.memref_squeeze %dma_wait3A_58 : memref<1x16x512xf32, #tpu.memory_space<vmem>> -> memref<16x512xf32, #tpu.memory_space<vmem>>
      tpu.wait_dma2 semaphore(%run_scoped3A_36 : memref<!tpu.dma_semaphore, #tpu.memory_space<semaphore_mem>>) src(%dma_wait3A_59 : memref<16x512xf32, #tpu.memory_space<vmem>>) dst(%dma_wait3A_55 : memref<16x512xf32, #tpu.memory_space<hbm>>)
      tpu.yield
    }) : () -> ()
    %mul3A_20 = arith.constant 512 : i32
    %mul3A_21 = arith.muli %add3A, %mul3A_20 : i32
    %dma_wait3A_22 = arith.constant 2 : i32
    %dma_wait3A_23 = arith.constant 0 : i32
    %dma_wait3A_24 = arith.constant 0 : i32
    %dma_wait3A_25 = tpu.memref_slice %arg6[%dma_wait3A_22, %dma_wait3A_23, %dma_wait3A_24] : memref<3x16x512xf32, #tpu.memory_space<vmem>> -> memref<1x16x512xf32, #tpu.memory_space<vmem>>
    %dma_wait3A_26 = tpu.memref_squeeze %dma_wait3A_25 : memref<1x16x512xf32, #tpu.memory_space<vmem>> -> memref<16x512xf32, #tpu.memory_space<vmem>>
    %dma_wait3A_27 = arith.constant 80 : i32
    %dma_wait3A_28 = tpu.memref_slice %arg4[%dma_wait3A_27, %mul3A_21] : memref<96x16384xf32, #tpu.memory_space<hbm>> -> memref<16x512xf32, #tpu.memory_space<hbm>>
    %dma_wait3A_29 = arith.constant 0 : i32
    %dma_wait3A_30 = arith.constant 0 : i32
    %dma_wait3A_31 = tpu.memref_slice %arg6[%dma_wait3A_22, %dma_wait3A_29, %dma_wait3A_30] : memref<3x16x512xf32, #tpu.memory_space<vmem>> -> memref<1x16x512xf32, #tpu.memory_space<vmem>>
    %dma_wait3A_32 = tpu.memref_squeeze %dma_wait3A_31 : memref<1x16x512xf32, #tpu.memory_space<vmem>> -> memref<16x512xf32, #tpu.memory_space<vmem>>
    %dma_wait3A_33 = arith.constant 80 : i32
    %dma_wait3A_34 = tpu.memref_slice %arg4[%dma_wait3A_33, %mul3A_21] : memref<96x16384xf32, #tpu.memory_space<hbm>> -> memref<16x512xf32, #tpu.memory_space<hbm>>
    tpu.wait_dma2 semaphore(%arg9 : memref<!tpu.dma_semaphore, #tpu.memory_space<semaphore_mem>>) src(%dma_wait3A_34 : memref<16x512xf32, #tpu.memory_space<hbm>>) dst(%dma_wait3A_32 : memref<16x512xf32, #tpu.memory_space<vmem>>)
    %run_scoped3A_35 = arith.constant 2 : i32
    "tpu.region"() ({
      %run_scoped3A_36 = tpu.sem_alloc : memref<!tpu.dma_semaphore, #tpu.memory_space<semaphore_mem>>
      %dma_start3A = arith.constant 0 : i32
      %dma_start3A_37 = arith.constant 0 : i32
      %dma_start3A_38 = tpu.memref_slice %arg6[%run_scoped3A_35, %dma_start3A, %dma_start3A_37] : memref<3x16x512xf32, #tpu.memory_space<vmem>> -> memref<1x16x512xf32, #tpu.memory_space<vmem>>
      %dma_start3A_39 = tpu.memref_squeeze %dma_start3A_38 : memref<1x16x512xf32, #tpu.memory_space<vmem>> -> memref<16x512xf32, #tpu.memory_space<vmem>>
      %dma_start3A_40 = arith.constant 80 : i32
      %dma_start3A_41 = tpu.memref_slice %arg4[%dma_start3A_40, %mul3A_21] : memref<96x16384xf32, #tpu.memory_space<hbm>> -> memref<16x512xf32, #tpu.memory_space<hbm>>
      %dma_start3A_42 = arith.constant 80 : i32
      %dma_start3A_43 = tpu.memref_slice %arg4[%dma_start3A_42, %mul3A_21] : memref<96x16384xf32, #tpu.memory_space<hbm>> -> memref<16x512xf32, #tpu.memory_space<hbm>>
      %dma_start3A_44 = arith.constant 0 : i32
      %dma_start3A_45 = arith.constant 0 : i32
      %dma_start3A_46 = tpu.memref_slice %arg6[%run_scoped3A_35, %dma_start3A_44, %dma_start3A_45] : memref<3x16x512xf32, #tpu.memory_space<vmem>> -> memref<1x16x512xf32, #tpu.memory_space<vmem>>
      %dma_start3A_47 = tpu.memref_squeeze %dma_start3A_46 : memref<1x16x512xf32, #tpu.memory_space<vmem>> -> memref<16x512xf32, #tpu.memory_space<vmem>>
      tpu.enqueue_dma source(%dma_start3A_47 : memref<16x512xf32, #tpu.memory_space<vmem>>) target(%dma_start3A_43 : memref<16x512xf32, #tpu.memory_space<hbm>>) target_semaphore(%run_scoped3A_36 : memref<!tpu.dma_semaphore, #tpu.memory_space<semaphore_mem>>)
      %dma_wait3A_48 = arith.constant 0 : i32
      %dma_wait3A_49 = arith.constant 0 : i32
      %dma_wait3A_50 = tpu.memref_slice %arg6[%run_scoped3A_35, %dma_wait3A_48, %dma_wait3A_49] : memref<3x16x512xf32, #tpu.memory_space<vmem>> -> memref<1x16x512xf32, #tpu.memory_space<vmem>>
      %dma_wait3A_51 = tpu.memref_squeeze %dma_wait3A_50 : memref<1x16x512xf32, #tpu.memory_space<vmem>> -> memref<16x512xf32, #tpu.memory_space<vmem>>
      %dma_wait3A_52 = arith.constant 80 : i32
      %dma_wait3A_53 = tpu.memref_slice %arg4[%dma_wait3A_52, %mul3A_21] : memref<96x16384xf32, #tpu.memory_space<hbm>> -> memref<16x512xf32, #tpu.memory_space<hbm>>
      %dma_wait3A_54 = arith.constant 80 : i32
      %dma_wait3A_55 = tpu.memref_slice %arg4[%dma_wait3A_54, %mul3A_21] : memref<96x16384xf32, #tpu.memory_space<hbm>> -> memref<16x512xf32, #tpu.memory_space<hbm>>
      %dma_wait3A_56 = arith.constant 0 : i32
      %dma_wait3A_57 = arith.constant 0 : i32
      %dma_wait3A_58 = tpu.memref_slice %arg6[%run_scoped3A_35, %dma_wait3A_56, %dma_wait3A_57] : memref<3x16x512xf32, #tpu.memory_space<vmem>> -> memref<1x16x512xf32, #tpu.memory_space<vmem>>
      %dma_wait3A_59 = tpu.memref_squeeze %dma_wait3A_58 : memref<1x16x512xf32, #tpu.memory_space<vmem>> -> memref<16x512xf32, #tpu.memory_space<vmem>>
      tpu.wait_dma2 semaphore(%run_scoped3A_36 : memref<!tpu.dma_semaphore, #tpu.memory_space<semaphore_mem>>) src(%dma_wait3A_59 : memref<16x512xf32, #tpu.memory_space<vmem>>) dst(%dma_wait3A_55 : memref<16x512xf32, #tpu.memory_space<hbm>>)
      tpu.yield
    }) : () -> ()
    return
  }
}

#map = affine_map<(d0, d1) -> (0, 0, 0, 0)>
#map1 = affine_map<(d0, d1) -> (0, 0)>
module attributes {stable_mosaic.version = 14 : i64} {
  func.func @_sc_gather_body(%arg0: i32, %arg1: i32, %arg2: memref<32x7x4x128xi32, #tpu.memory_space<hbm>>, %arg3: memref<112x100000xf32, #tpu.memory_space<hbm>>, %arg4: memref<112x16384xf32, #tpu.memory_space<hbm>>, %arg5: memref<7x4x128xi32, #tpu.memory_space<vmem>>, %arg6: memref<3x16x512xf32, #tpu.memory_space<vmem>>, %arg7: memref<!tpu.dma_semaphore, #tpu.memory_space<semaphore_mem>>, %arg8: memref<!tpu.dma_semaphore, #tpu.memory_space<semaphore_mem>>, %arg9: memref<!tpu.dma_semaphore, #tpu.memory_space<semaphore_mem>>) attributes {dimension_semantics = [#tpu.dimension_semantics<core_parallel>, #tpu.dimension_semantics<subcore_parallel>], iteration_bounds = array<i64: 2, 16>, scalar_prefetch = 0 : i64, scratch_operands = 5 : i64, tpu.core_type = #tpu.core_type<sc_vector_subcore>, window_params = [{transform_indices = #map}, {transform_indices = #map1}, {transform_indices = #map1}]} {
    %mul3A = arith.constant 2 : i32
    %mul3A_0 = arith.muli %arg1, %mul3A : i32
    %add3A = arith.addi %mul3A_0, %arg0 : i32
    "tpu.region"() ({
      %run_scoped3A_36 = tpu.sem_alloc : memref<!tpu.dma_semaphore, #tpu.memory_space<semaphore_mem>>
      %dma_start3A = arith.constant 0 : i32
      %dma_start3A_37 = arith.constant 0 : i32
      %dma_start3A_38 = arith.constant 0 : i32
      %dma_start3A_39 = tpu.memref_slice %arg2[%add3A, %dma_start3A, %dma_start3A_37, %dma_start3A_38] : memref<32x7x4x128xi32, #tpu.memory_space<hbm>> -> memref<1x7x4x128xi32, #tpu.memory_space<hbm>>
      %dma_start3A_40 = tpu.memref_squeeze %dma_start3A_39 : memref<1x7x4x128xi32, #tpu.memory_space<hbm>> -> memref<7x4x128xi32, #tpu.memory_space<hbm>>
      %dma_start3A_41 = arith.constant 0 : i32
      %dma_start3A_42 = arith.constant 0 : i32
      %dma_start3A_43 = arith.constant 0 : i32
      %dma_start3A_44 = tpu.memref_slice %arg2[%add3A, %dma_start3A_41, %dma_start3A_42, %dma_start3A_43] : memref<32x7x4x128xi32, #tpu.memory_space<hbm>> -> memref<1x7x4x128xi32, #tpu.memory_space<hbm>>
      %dma_start3A_45 = tpu.memref_squeeze %dma_start3A_44 : memref<1x7x4x128xi32, #tpu.memory_space<hbm>> -> memref<7x4x128xi32, #tpu.memory_space<hbm>>
      tpu.enqueue_dma source(%dma_start3A_45 : memref<7x4x128xi32, #tpu.memory_space<hbm>>) target(%arg5 : memref<7x4x128xi32, #tpu.memory_space<vmem>>) target_semaphore(%run_scoped3A_36 : memref<!tpu.dma_semaphore, #tpu.memory_space<semaphore_mem>>)
      %dma_wait3A_46 = arith.constant 0 : i32
      %dma_wait3A_47 = arith.constant 0 : i32
      %dma_wait3A_48 = arith.constant 0 : i32
      %dma_wait3A_49 = tpu.memref_slice %arg2[%add3A, %dma_wait3A_46, %dma_wait3A_47, %dma_wait3A_48] : memref<32x7x4x128xi32, #tpu.memory_space<hbm>> -> memref<1x7x4x128xi32, #tpu.memory_space<hbm>>
      %dma_wait3A_50 = tpu.memref_squeeze %dma_wait3A_49 : memref<1x7x4x128xi32, #tpu.memory_space<hbm>> -> memref<7x4x128xi32, #tpu.memory_space<hbm>>
      %dma_wait3A_51 = arith.constant 0 : i32
      %dma_wait3A_52 = arith.constant 0 : i32
      %dma_wait3A_53 = arith.constant 0 : i32
      %dma_wait3A_54 = tpu.memref_slice %arg2[%add3A, %dma_wait3A_51, %dma_wait3A_52, %dma_wait3A_53] : memref<32x7x4x128xi32, #tpu.memory_space<hbm>> -> memref<1x7x4x128xi32, #tpu.memory_space<hbm>>
      %dma_wait3A_55 = tpu.memref_squeeze %dma_wait3A_54 : memref<1x7x4x128xi32, #tpu.memory_space<hbm>> -> memref<7x4x128xi32, #tpu.memory_space<hbm>>
      tpu.wait_dma2 semaphore(%run_scoped3A_36 : memref<!tpu.dma_semaphore, #tpu.memory_space<semaphore_mem>>) src(%dma_wait3A_55 : memref<7x4x128xi32, #tpu.memory_space<hbm>>) dst(%arg5 : memref<7x4x128xi32, #tpu.memory_space<vmem>>)
      tpu.yield
    }) : () -> ()
    %scan3A = arith.constant 0 : i32
    %scan3A_1 = arith.constant 0 : i32
    %scan3A_2 = arith.constant 7 : i32
    %scan3A_3 = arith.addi %scan3A_1, %scan3A_2 : i32
    %scan3A_4 = arith.constant 1 : i32
    scf.for %scan3A_36 = %scan3A_1 to %scan3A_3 step %scan3A_4  : i32 {
      %jit3A = arith.constant 3 : i32
      %eq3A = arith.constant 0 : i32
      %eq3A_37 = arith.cmpi eq, %jit3A, %eq3A : i32
      %jit3A_38 = arith.constant 1 : i32
      %select_n3A = arith.select %eq3A_37, %jit3A_38, %jit3A : i32
      %rem3A = arith.remsi %scan3A_36, %select_n3A : i32
      %ne3A = arith.constant 0 : i32
      %ne3A_39 = arith.cmpi ne, %rem3A, %ne3A : i32
      %lt3A = arith.constant 0 : i32
      %lt3A_40 = arith.cmpi slt, %rem3A, %lt3A : i32
      %lt3A_41 = arith.constant 0 : i32
      %lt3A_42 = arith.cmpi slt, %select_n3A, %lt3A_41 : i32
      %ne3A_43 = arith.xori %lt3A_40, %lt3A_42 : i1
      %and3A = arith.andi %ne3A_43, %ne3A_39 : i1
      %add3A_44 = arith.addi %rem3A, %select_n3A : i32
      %select_n3A_45 = arith.select %and3A, %add3A_44, %rem3A : i32
      %eq3A_46 = arith.constant 0 : i32
      %eq3A_47 = arith.cmpi eq, %select_n3A_45, %eq3A_46 : i32
      %convert_element_type3A = arith.extui %eq3A_47 : i1 to i32
      %cond3A = arith.constant 0 : i32
      %cond3A_48 = arith.cmpi ne, %convert_element_type3A, %cond3A : i32
      scf.if %cond3A_48 {
        %scan3A_162 = arith.constant 0 : i32
        %scan3A_163 = arith.constant 0 : i32
        %scan3A_164 = arith.constant 16 : i32
        %scan3A_165 = arith.addi %scan3A_163, %scan3A_164 : i32
        %scan3A_166 = arith.constant 1 : i32
        scf.for %scan3A_168 = %scan3A_163 to %scan3A_165 step %scan3A_166  : i32 {
          %mul3A_169 = arith.constant 16 : i32
          %mul3A_170 = arith.muli %scan3A_36, %mul3A_169 : i32
          %add3A_171 = arith.addi %mul3A_170, %scan3A_168 : i32
          %jit3A_172 = arith.constant 3 : i32
          %eq3A_173 = arith.constant 0 : i32
          %eq3A_174 = arith.cmpi eq, %jit3A_172, %eq3A_173 : i32
          %jit3A_175 = arith.constant 1 : i32
          %select_n3A_176 = arith.select %eq3A_174, %jit3A_175, %jit3A_172 : i32
          %rem3A_177 = arith.remsi %scan3A_36, %select_n3A_176 : i32
          %ne3A_178 = arith.constant 0 : i32
          %ne3A_179 = arith.cmpi ne, %rem3A_177, %ne3A_178 : i32
          %lt3A_180 = arith.constant 0 : i32
          %lt3A_181 = arith.cmpi slt, %rem3A_177, %lt3A_180 : i32
          %lt3A_182 = arith.constant 0 : i32
          %lt3A_183 = arith.cmpi slt, %select_n3A_176, %lt3A_182 : i32
          %ne3A_184 = arith.xori %lt3A_181, %lt3A_183 : i1
          %and3A_185 = arith.andi %ne3A_184, %ne3A_179 : i1
          %add3A_186 = arith.addi %rem3A_177, %select_n3A_176 : i32
          %select_n3A_187 = arith.select %and3A_185, %add3A_186, %rem3A_177 : i32
          %dma_start3A = arith.constant 0 : i32
          %dma_start3A_188 = arith.constant 0 : i32
          %dma_start3A_189 = tpu.memref_slice %arg6[%select_n3A_187, %scan3A_168, %dma_start3A_188] : memref<3x16x512xf32, #tpu.memory_space<vmem>> -> memref<1x1x128xf32, #tpu.memory_space<vmem>>
          %dma_start3A_190 = tpu.memref_squeeze %dma_start3A_189 : memref<1x1x128xf32, #tpu.memory_space<vmem>> -> memref<128xf32, #tpu.memory_space<vmem>>
          %dma_start3A_191 = arith.constant 0 : i32
          %dma_start3A_192 = tpu.memref_slice %arg5[%scan3A_36, %dma_start3A, %dma_start3A_191] : memref<7x4x128xi32, #tpu.memory_space<vmem>> -> memref<1x1x128xi32, #tpu.memory_space<vmem>>
          %dma_start3A_193 = tpu.memref_squeeze %dma_start3A_192 : memref<1x1x128xi32, #tpu.memory_space<vmem>> -> memref<128xi32, #tpu.memory_space<vmem>>
          %dma_start3A_194 = arith.constant 0 : i32
          %dma_start3A_195 = tpu.memref_slice %arg3[%add3A_171, %dma_start3A_194] : memref<112x100000xf32, #tpu.memory_space<hbm>> -> memref<1x100000xf32, #tpu.memory_space<hbm>>
          %dma_start3A_196 = tpu.memref_squeeze %dma_start3A_195 : memref<1x100000xf32, #tpu.memory_space<hbm>> -> memref<100000xf32, #tpu.memory_space<hbm>>
          %dma_start3A_197 = arith.constant 0 : i32
          %dma_start3A_198 = tpu.memref_slice %dma_start3A_196[%dma_start3A_197] : memref<100000xf32, #tpu.memory_space<hbm>> -> memref<100000xf32, #tpu.memory_space<hbm>>
          tpu.enqueue_indirect_dma source(%dma_start3A_198 : memref<100000xf32, #tpu.memory_space<hbm>>) target(%dma_start3A_190 : memref<128xf32, #tpu.memory_space<vmem>>) offsets(%dma_start3A_193 : memref<128xi32, #tpu.memory_space<vmem>>) semaphore(%arg7 : memref<!tpu.dma_semaphore, #tpu.memory_space<semaphore_mem>>)
          %jit3A_199 = arith.constant 3 : i32
          %eq3A_200 = arith.constant 0 : i32
          %eq3A_201 = arith.cmpi eq, %jit3A_199, %eq3A_200 : i32
          %jit3A_202 = arith.constant 1 : i32
          %select_n3A_203 = arith.select %eq3A_201, %jit3A_202, %jit3A_199 : i32
          %rem3A_204 = arith.remsi %scan3A_36, %select_n3A_203 : i32
          %ne3A_205 = arith.constant 0 : i32
          %ne3A_206 = arith.cmpi ne, %rem3A_204, %ne3A_205 : i32
          %lt3A_207 = arith.constant 0 : i32
          %lt3A_208 = arith.cmpi slt, %rem3A_204, %lt3A_207 : i32
          %lt3A_209 = arith.constant 0 : i32
          %lt3A_210 = arith.cmpi slt, %select_n3A_203, %lt3A_209 : i32
          %ne3A_211 = arith.xori %lt3A_208, %lt3A_210 : i1
          %and3A_212 = arith.andi %ne3A_211, %ne3A_206 : i1
          %add3A_213 = arith.addi %rem3A_204, %select_n3A_203 : i32
          %select_n3A_214 = arith.select %and3A_212, %add3A_213, %rem3A_204 : i32
          %dma_start3A_215 = arith.constant 1 : i32
          %dma_start3A_216 = arith.constant 128 : i32
          %dma_start3A_217 = tpu.memref_slice %arg6[%select_n3A_214, %scan3A_168, %dma_start3A_216] : memref<3x16x512xf32, #tpu.memory_space<vmem>> -> memref<1x1x128xf32, #tpu.memory_space<vmem>>
          %dma_start3A_218 = tpu.memref_squeeze %dma_start3A_217 : memref<1x1x128xf32, #tpu.memory_space<vmem>> -> memref<128xf32, #tpu.memory_space<vmem>>
          %dma_start3A_219 = arith.constant 0 : i32
          %dma_start3A_220 = tpu.memref_slice %arg5[%scan3A_36, %dma_start3A_215, %dma_start3A_219] : memref<7x4x128xi32, #tpu.memory_space<vmem>> -> memref<1x1x128xi32, #tpu.memory_space<vmem>>
          %dma_start3A_221 = tpu.memref_squeeze %dma_start3A_220 : memref<1x1x128xi32, #tpu.memory_space<vmem>> -> memref<128xi32, #tpu.memory_space<vmem>>
          %dma_start3A_222 = arith.constant 0 : i32
          %dma_start3A_223 = tpu.memref_slice %arg3[%add3A_171, %dma_start3A_222] : memref<112x100000xf32, #tpu.memory_space<hbm>> -> memref<1x100000xf32, #tpu.memory_space<hbm>>
          %dma_start3A_224 = tpu.memref_squeeze %dma_start3A_223 : memref<1x100000xf32, #tpu.memory_space<hbm>> -> memref<100000xf32, #tpu.memory_space<hbm>>
          %dma_start3A_225 = arith.constant 0 : i32
          %dma_start3A_226 = tpu.memref_slice %dma_start3A_224[%dma_start3A_225] : memref<100000xf32, #tpu.memory_space<hbm>> -> memref<100000xf32, #tpu.memory_space<hbm>>
          tpu.enqueue_indirect_dma source(%dma_start3A_226 : memref<100000xf32, #tpu.memory_space<hbm>>) target(%dma_start3A_218 : memref<128xf32, #tpu.memory_space<vmem>>) offsets(%dma_start3A_221 : memref<128xi32, #tpu.memory_space<vmem>>) semaphore(%arg7 : memref<!tpu.dma_semaphore, #tpu.memory_space<semaphore_mem>>)
          %jit3A_227 = arith.constant 3 : i32
          %eq3A_228 = arith.constant 0 : i32
          %eq3A_229 = arith.cmpi eq, %jit3A_227, %eq3A_228 : i32
          %jit3A_230 = arith.constant 1 : i32
          %select_n3A_231 = arith.select %eq3A_229, %jit3A_230, %jit3A_227 : i32
          %rem3A_232 = arith.remsi %scan3A_36, %select_n3A_231 : i32
          %ne3A_233 = arith.constant 0 : i32
          %ne3A_234 = arith.cmpi ne, %rem3A_232, %ne3A_233 : i32
          %lt3A_235 = arith.constant 0 : i32
          %lt3A_236 = arith.cmpi slt, %rem3A_232, %lt3A_235 : i32
          %lt3A_237 = arith.constant 0 : i32
          %lt3A_238 = arith.cmpi slt, %select_n3A_231, %lt3A_237 : i32
          %ne3A_239 = arith.xori %lt3A_236, %lt3A_238 : i1
          %and3A_240 = arith.andi %ne3A_239, %ne3A_234 : i1
          %add3A_241 = arith.addi %rem3A_232, %select_n3A_231 : i32
          %select_n3A_242 = arith.select %and3A_240, %add3A_241, %rem3A_232 : i32
          %dma_start3A_243 = arith.constant 2 : i32
          %dma_start3A_244 = arith.constant 256 : i32
          %dma_start3A_245 = tpu.memref_slice %arg6[%select_n3A_242, %scan3A_168, %dma_start3A_244] : memref<3x16x512xf32, #tpu.memory_space<vmem>> -> memref<1x1x128xf32, #tpu.memory_space<vmem>>
          %dma_start3A_246 = tpu.memref_squeeze %dma_start3A_245 : memref<1x1x128xf32, #tpu.memory_space<vmem>> -> memref<128xf32, #tpu.memory_space<vmem>>
          %dma_start3A_247 = arith.constant 0 : i32
          %dma_start3A_248 = tpu.memref_slice %arg5[%scan3A_36, %dma_start3A_243, %dma_start3A_247] : memref<7x4x128xi32, #tpu.memory_space<vmem>> -> memref<1x1x128xi32, #tpu.memory_space<vmem>>
          %dma_start3A_249 = tpu.memref_squeeze %dma_start3A_248 : memref<1x1x128xi32, #tpu.memory_space<vmem>> -> memref<128xi32, #tpu.memory_space<vmem>>
          %dma_start3A_250 = arith.constant 0 : i32
          %dma_start3A_251 = tpu.memref_slice %arg3[%add3A_171, %dma_start3A_250] : memref<112x100000xf32, #tpu.memory_space<hbm>> -> memref<1x100000xf32, #tpu.memory_space<hbm>>
          %dma_start3A_252 = tpu.memref_squeeze %dma_start3A_251 : memref<1x100000xf32, #tpu.memory_space<hbm>> -> memref<100000xf32, #tpu.memory_space<hbm>>
          %dma_start3A_253 = arith.constant 0 : i32
          %dma_start3A_254 = tpu.memref_slice %dma_start3A_252[%dma_start3A_253] : memref<100000xf32, #tpu.memory_space<hbm>> -> memref<100000xf32, #tpu.memory_space<hbm>>
          tpu.enqueue_indirect_dma source(%dma_start3A_254 : memref<100000xf32, #tpu.memory_space<hbm>>) target(%dma_start3A_246 : memref<128xf32, #tpu.memory_space<vmem>>) offsets(%dma_start3A_249 : memref<128xi32, #tpu.memory_space<vmem>>) semaphore(%arg7 : memref<!tpu.dma_semaphore, #tpu.memory_space<semaphore_mem>>)
          %jit3A_255 = arith.constant 3 : i32
          %eq3A_256 = arith.constant 0 : i32
          %eq3A_257 = arith.cmpi eq, %jit3A_255, %eq3A_256 : i32
          %jit3A_258 = arith.constant 1 : i32
          %select_n3A_259 = arith.select %eq3A_257, %jit3A_258, %jit3A_255 : i32
          %rem3A_260 = arith.remsi %scan3A_36, %select_n3A_259 : i32
          %ne3A_261 = arith.constant 0 : i32
          %ne3A_262 = arith.cmpi ne, %rem3A_260, %ne3A_261 : i32
          %lt3A_263 = arith.constant 0 : i32
          %lt3A_264 = arith.cmpi slt, %rem3A_260, %lt3A_263 : i32
          %lt3A_265 = arith.constant 0 : i32
          %lt3A_266 = arith.cmpi slt, %select_n3A_259, %lt3A_265 : i32
          %ne3A_267 = arith.xori %lt3A_264, %lt3A_266 : i1
          %and3A_268 = arith.andi %ne3A_267, %ne3A_262 : i1
          %add3A_269 = arith.addi %rem3A_260, %select_n3A_259 : i32
          %select_n3A_270 = arith.select %and3A_268, %add3A_269, %rem3A_260 : i32
          %dma_start3A_271 = arith.constant 3 : i32
          %dma_start3A_272 = arith.constant 384 : i32
          %dma_start3A_273 = tpu.memref_slice %arg6[%select_n3A_270, %scan3A_168, %dma_start3A_272] : memref<3x16x512xf32, #tpu.memory_space<vmem>> -> memref<1x1x128xf32, #tpu.memory_space<vmem>>
          %dma_start3A_274 = tpu.memref_squeeze %dma_start3A_273 : memref<1x1x128xf32, #tpu.memory_space<vmem>> -> memref<128xf32, #tpu.memory_space<vmem>>
          %dma_start3A_275 = arith.constant 0 : i32
          %dma_start3A_276 = tpu.memref_slice %arg5[%scan3A_36, %dma_start3A_271, %dma_start3A_275] : memref<7x4x128xi32, #tpu.memory_space<vmem>> -> memref<1x1x128xi32, #tpu.memory_space<vmem>>
          %dma_start3A_277 = tpu.memref_squeeze %dma_start3A_276 : memref<1x1x128xi32, #tpu.memory_space<vmem>> -> memref<128xi32, #tpu.memory_space<vmem>>
          %dma_start3A_278 = arith.constant 0 : i32
          %dma_start3A_279 = tpu.memref_slice %arg3[%add3A_171, %dma_start3A_278] : memref<112x100000xf32, #tpu.memory_space<hbm>> -> memref<1x100000xf32, #tpu.memory_space<hbm>>
          %dma_start3A_280 = tpu.memref_squeeze %dma_start3A_279 : memref<1x100000xf32, #tpu.memory_space<hbm>> -> memref<100000xf32, #tpu.memory_space<hbm>>
          %dma_start3A_281 = arith.constant 0 : i32
          %dma_start3A_282 = tpu.memref_slice %dma_start3A_280[%dma_start3A_281] : memref<100000xf32, #tpu.memory_space<hbm>> -> memref<100000xf32, #tpu.memory_space<hbm>>
          tpu.enqueue_indirect_dma source(%dma_start3A_282 : memref<100000xf32, #tpu.memory_space<hbm>>) target(%dma_start3A_274 : memref<128xf32, #tpu.memory_space<vmem>>) offsets(%dma_start3A_277 : memref<128xi32, #tpu.memory_space<vmem>>) semaphore(%arg7 : memref<!tpu.dma_semaphore, #tpu.memory_space<semaphore_mem>>)
        }
        %scan3A_167 = arith.constant 16 : i32
      } else {
      }
      %jit3A_49 = arith.constant 3 : i32
      %eq3A_50 = arith.constant 0 : i32
      %eq3A_51 = arith.cmpi eq, %jit3A_49, %eq3A_50 : i32
      %jit3A_52 = arith.constant 1 : i32
      %select_n3A_53 = arith.select %eq3A_51, %jit3A_52, %jit3A_49 : i32
      %rem3A_54 = arith.remsi %scan3A_36, %select_n3A_53 : i32
      %ne3A_55 = arith.constant 0 : i32
      %ne3A_56 = arith.cmpi ne, %rem3A_54, %ne3A_55 : i32
      %lt3A_57 = arith.constant 0 : i32
      %lt3A_58 = arith.cmpi slt, %rem3A_54, %lt3A_57 : i32
      %lt3A_59 = arith.constant 0 : i32
      %lt3A_60 = arith.cmpi slt, %select_n3A_53, %lt3A_59 : i32
      %ne3A_61 = arith.xori %lt3A_58, %lt3A_60 : i1
      %and3A_62 = arith.andi %ne3A_61, %ne3A_56 : i1
      %add3A_63 = arith.addi %rem3A_54, %select_n3A_53 : i32
      %select_n3A_64 = arith.select %and3A_62, %add3A_63, %rem3A_54 : i32
      %eq3A_65 = arith.constant 1 : i32
      %eq3A_66 = arith.cmpi eq, %select_n3A_64, %eq3A_65 : i32
      %convert_element_type3A_67 = arith.extui %eq3A_66 : i1 to i32
      %cond3A_68 = arith.constant 0 : i32
      %cond3A_69 = arith.cmpi ne, %convert_element_type3A_67, %cond3A_68 : i32
      scf.if %cond3A_69 {
        %scan3A_162 = arith.constant 0 : i32
        %scan3A_163 = arith.constant 0 : i32
        %scan3A_164 = arith.constant 16 : i32
        %scan3A_165 = arith.addi %scan3A_163, %scan3A_164 : i32
        %scan3A_166 = arith.constant 1 : i32
        scf.for %scan3A_168 = %scan3A_163 to %scan3A_165 step %scan3A_166  : i32 {
          %mul3A_169 = arith.constant 16 : i32
          %mul3A_170 = arith.muli %scan3A_36, %mul3A_169 : i32
          %add3A_171 = arith.addi %mul3A_170, %scan3A_168 : i32
          %jit3A_172 = arith.constant 3 : i32
          %eq3A_173 = arith.constant 0 : i32
          %eq3A_174 = arith.cmpi eq, %jit3A_172, %eq3A_173 : i32
          %jit3A_175 = arith.constant 1 : i32
          %select_n3A_176 = arith.select %eq3A_174, %jit3A_175, %jit3A_172 : i32
          %rem3A_177 = arith.remsi %scan3A_36, %select_n3A_176 : i32
          %ne3A_178 = arith.constant 0 : i32
          %ne3A_179 = arith.cmpi ne, %rem3A_177, %ne3A_178 : i32
          %lt3A_180 = arith.constant 0 : i32
          %lt3A_181 = arith.cmpi slt, %rem3A_177, %lt3A_180 : i32
          %lt3A_182 = arith.constant 0 : i32
          %lt3A_183 = arith.cmpi slt, %select_n3A_176, %lt3A_182 : i32
          %ne3A_184 = arith.xori %lt3A_181, %lt3A_183 : i1
          %and3A_185 = arith.andi %ne3A_184, %ne3A_179 : i1
          %add3A_186 = arith.addi %rem3A_177, %select_n3A_176 : i32
          %select_n3A_187 = arith.select %and3A_185, %add3A_186, %rem3A_177 : i32
          %dma_start3A = arith.constant 0 : i32
          %dma_start3A_188 = arith.constant 0 : i32
          %dma_start3A_189 = tpu.memref_slice %arg6[%select_n3A_187, %scan3A_168, %dma_start3A_188] : memref<3x16x512xf32, #tpu.memory_space<vmem>> -> memref<1x1x128xf32, #tpu.memory_space<vmem>>
          %dma_start3A_190 = tpu.memref_squeeze %dma_start3A_189 : memref<1x1x128xf32, #tpu.memory_space<vmem>> -> memref<128xf32, #tpu.memory_space<vmem>>
          %dma_start3A_191 = arith.constant 0 : i32
          %dma_start3A_192 = tpu.memref_slice %arg5[%scan3A_36, %dma_start3A, %dma_start3A_191] : memref<7x4x128xi32, #tpu.memory_space<vmem>> -> memref<1x1x128xi32, #tpu.memory_space<vmem>>
          %dma_start3A_193 = tpu.memref_squeeze %dma_start3A_192 : memref<1x1x128xi32, #tpu.memory_space<vmem>> -> memref<128xi32, #tpu.memory_space<vmem>>
          %dma_start3A_194 = arith.constant 0 : i32
          %dma_start3A_195 = tpu.memref_slice %arg3[%add3A_171, %dma_start3A_194] : memref<112x100000xf32, #tpu.memory_space<hbm>> -> memref<1x100000xf32, #tpu.memory_space<hbm>>
          %dma_start3A_196 = tpu.memref_squeeze %dma_start3A_195 : memref<1x100000xf32, #tpu.memory_space<hbm>> -> memref<100000xf32, #tpu.memory_space<hbm>>
          %dma_start3A_197 = arith.constant 0 : i32
          %dma_start3A_198 = tpu.memref_slice %dma_start3A_196[%dma_start3A_197] : memref<100000xf32, #tpu.memory_space<hbm>> -> memref<100000xf32, #tpu.memory_space<hbm>>
          tpu.enqueue_indirect_dma source(%dma_start3A_198 : memref<100000xf32, #tpu.memory_space<hbm>>) target(%dma_start3A_190 : memref<128xf32, #tpu.memory_space<vmem>>) offsets(%dma_start3A_193 : memref<128xi32, #tpu.memory_space<vmem>>) semaphore(%arg8 : memref<!tpu.dma_semaphore, #tpu.memory_space<semaphore_mem>>)
          %jit3A_199 = arith.constant 3 : i32
          %eq3A_200 = arith.constant 0 : i32
          %eq3A_201 = arith.cmpi eq, %jit3A_199, %eq3A_200 : i32
          %jit3A_202 = arith.constant 1 : i32
          %select_n3A_203 = arith.select %eq3A_201, %jit3A_202, %jit3A_199 : i32
          %rem3A_204 = arith.remsi %scan3A_36, %select_n3A_203 : i32
          %ne3A_205 = arith.constant 0 : i32
          %ne3A_206 = arith.cmpi ne, %rem3A_204, %ne3A_205 : i32
          %lt3A_207 = arith.constant 0 : i32
          %lt3A_208 = arith.cmpi slt, %rem3A_204, %lt3A_207 : i32
          %lt3A_209 = arith.constant 0 : i32
          %lt3A_210 = arith.cmpi slt, %select_n3A_203, %lt3A_209 : i32
          %ne3A_211 = arith.xori %lt3A_208, %lt3A_210 : i1
          %and3A_212 = arith.andi %ne3A_211, %ne3A_206 : i1
          %add3A_213 = arith.addi %rem3A_204, %select_n3A_203 : i32
          %select_n3A_214 = arith.select %and3A_212, %add3A_213, %rem3A_204 : i32
          %dma_start3A_215 = arith.constant 1 : i32
          %dma_start3A_216 = arith.constant 128 : i32
          %dma_start3A_217 = tpu.memref_slice %arg6[%select_n3A_214, %scan3A_168, %dma_start3A_216] : memref<3x16x512xf32, #tpu.memory_space<vmem>> -> memref<1x1x128xf32, #tpu.memory_space<vmem>>
          %dma_start3A_218 = tpu.memref_squeeze %dma_start3A_217 : memref<1x1x128xf32, #tpu.memory_space<vmem>> -> memref<128xf32, #tpu.memory_space<vmem>>
          %dma_start3A_219 = arith.constant 0 : i32
          %dma_start3A_220 = tpu.memref_slice %arg5[%scan3A_36, %dma_start3A_215, %dma_start3A_219] : memref<7x4x128xi32, #tpu.memory_space<vmem>> -> memref<1x1x128xi32, #tpu.memory_space<vmem>>
          %dma_start3A_221 = tpu.memref_squeeze %dma_start3A_220 : memref<1x1x128xi32, #tpu.memory_space<vmem>> -> memref<128xi32, #tpu.memory_space<vmem>>
          %dma_start3A_222 = arith.constant 0 : i32
          %dma_start3A_223 = tpu.memref_slice %arg3[%add3A_171, %dma_start3A_222] : memref<112x100000xf32, #tpu.memory_space<hbm>> -> memref<1x100000xf32, #tpu.memory_space<hbm>>
          %dma_start3A_224 = tpu.memref_squeeze %dma_start3A_223 : memref<1x100000xf32, #tpu.memory_space<hbm>> -> memref<100000xf32, #tpu.memory_space<hbm>>
          %dma_start3A_225 = arith.constant 0 : i32
          %dma_start3A_226 = tpu.memref_slice %dma_start3A_224[%dma_start3A_225] : memref<100000xf32, #tpu.memory_space<hbm>> -> memref<100000xf32, #tpu.memory_space<hbm>>
          tpu.enqueue_indirect_dma source(%dma_start3A_226 : memref<100000xf32, #tpu.memory_space<hbm>>) target(%dma_start3A_218 : memref<128xf32, #tpu.memory_space<vmem>>) offsets(%dma_start3A_221 : memref<128xi32, #tpu.memory_space<vmem>>) semaphore(%arg8 : memref<!tpu.dma_semaphore, #tpu.memory_space<semaphore_mem>>)
          %jit3A_227 = arith.constant 3 : i32
          %eq3A_228 = arith.constant 0 : i32
          %eq3A_229 = arith.cmpi eq, %jit3A_227, %eq3A_228 : i32
          %jit3A_230 = arith.constant 1 : i32
          %select_n3A_231 = arith.select %eq3A_229, %jit3A_230, %jit3A_227 : i32
          %rem3A_232 = arith.remsi %scan3A_36, %select_n3A_231 : i32
          %ne3A_233 = arith.constant 0 : i32
          %ne3A_234 = arith.cmpi ne, %rem3A_232, %ne3A_233 : i32
          %lt3A_235 = arith.constant 0 : i32
          %lt3A_236 = arith.cmpi slt, %rem3A_232, %lt3A_235 : i32
          %lt3A_237 = arith.constant 0 : i32
          %lt3A_238 = arith.cmpi slt, %select_n3A_231, %lt3A_237 : i32
          %ne3A_239 = arith.xori %lt3A_236, %lt3A_238 : i1
          %and3A_240 = arith.andi %ne3A_239, %ne3A_234 : i1
          %add3A_241 = arith.addi %rem3A_232, %select_n3A_231 : i32
          %select_n3A_242 = arith.select %and3A_240, %add3A_241, %rem3A_232 : i32
          %dma_start3A_243 = arith.constant 2 : i32
          %dma_start3A_244 = arith.constant 256 : i32
          %dma_start3A_245 = tpu.memref_slice %arg6[%select_n3A_242, %scan3A_168, %dma_start3A_244] : memref<3x16x512xf32, #tpu.memory_space<vmem>> -> memref<1x1x128xf32, #tpu.memory_space<vmem>>
          %dma_start3A_246 = tpu.memref_squeeze %dma_start3A_245 : memref<1x1x128xf32, #tpu.memory_space<vmem>> -> memref<128xf32, #tpu.memory_space<vmem>>
          %dma_start3A_247 = arith.constant 0 : i32
          %dma_start3A_248 = tpu.memref_slice %arg5[%scan3A_36, %dma_start3A_243, %dma_start3A_247] : memref<7x4x128xi32, #tpu.memory_space<vmem>> -> memref<1x1x128xi32, #tpu.memory_space<vmem>>
          %dma_start3A_249 = tpu.memref_squeeze %dma_start3A_248 : memref<1x1x128xi32, #tpu.memory_space<vmem>> -> memref<128xi32, #tpu.memory_space<vmem>>
          %dma_start3A_250 = arith.constant 0 : i32
          %dma_start3A_251 = tpu.memref_slice %arg3[%add3A_171, %dma_start3A_250] : memref<112x100000xf32, #tpu.memory_space<hbm>> -> memref<1x100000xf32, #tpu.memory_space<hbm>>
          %dma_start3A_252 = tpu.memref_squeeze %dma_start3A_251 : memref<1x100000xf32, #tpu.memory_space<hbm>> -> memref<100000xf32, #tpu.memory_space<hbm>>
          %dma_start3A_253 = arith.constant 0 : i32
          %dma_start3A_254 = tpu.memref_slice %dma_start3A_252[%dma_start3A_253] : memref<100000xf32, #tpu.memory_space<hbm>> -> memref<100000xf32, #tpu.memory_space<hbm>>
          tpu.enqueue_indirect_dma source(%dma_start3A_254 : memref<100000xf32, #tpu.memory_space<hbm>>) target(%dma_start3A_246 : memref<128xf32, #tpu.memory_space<vmem>>) offsets(%dma_start3A_249 : memref<128xi32, #tpu.memory_space<vmem>>) semaphore(%arg8 : memref<!tpu.dma_semaphore, #tpu.memory_space<semaphore_mem>>)
          %jit3A_255 = arith.constant 3 : i32
          %eq3A_256 = arith.constant 0 : i32
          %eq3A_257 = arith.cmpi eq, %jit3A_255, %eq3A_256 : i32
          %jit3A_258 = arith.constant 1 : i32
          %select_n3A_259 = arith.select %eq3A_257, %jit3A_258, %jit3A_255 : i32
          %rem3A_260 = arith.remsi %scan3A_36, %select_n3A_259 : i32
          %ne3A_261 = arith.constant 0 : i32
          %ne3A_262 = arith.cmpi ne, %rem3A_260, %ne3A_261 : i32
          %lt3A_263 = arith.constant 0 : i32
          %lt3A_264 = arith.cmpi slt, %rem3A_260, %lt3A_263 : i32
          %lt3A_265 = arith.constant 0 : i32
          %lt3A_266 = arith.cmpi slt, %select_n3A_259, %lt3A_265 : i32
          %ne3A_267 = arith.xori %lt3A_264, %lt3A_266 : i1
          %and3A_268 = arith.andi %ne3A_267, %ne3A_262 : i1
          %add3A_269 = arith.addi %rem3A_260, %select_n3A_259 : i32
          %select_n3A_270 = arith.select %and3A_268, %add3A_269, %rem3A_260 : i32
          %dma_start3A_271 = arith.constant 3 : i32
          %dma_start3A_272 = arith.constant 384 : i32
          %dma_start3A_273 = tpu.memref_slice %arg6[%select_n3A_270, %scan3A_168, %dma_start3A_272] : memref<3x16x512xf32, #tpu.memory_space<vmem>> -> memref<1x1x128xf32, #tpu.memory_space<vmem>>
          %dma_start3A_274 = tpu.memref_squeeze %dma_start3A_273 : memref<1x1x128xf32, #tpu.memory_space<vmem>> -> memref<128xf32, #tpu.memory_space<vmem>>
          %dma_start3A_275 = arith.constant 0 : i32
          %dma_start3A_276 = tpu.memref_slice %arg5[%scan3A_36, %dma_start3A_271, %dma_start3A_275] : memref<7x4x128xi32, #tpu.memory_space<vmem>> -> memref<1x1x128xi32, #tpu.memory_space<vmem>>
          %dma_start3A_277 = tpu.memref_squeeze %dma_start3A_276 : memref<1x1x128xi32, #tpu.memory_space<vmem>> -> memref<128xi32, #tpu.memory_space<vmem>>
          %dma_start3A_278 = arith.constant 0 : i32
          %dma_start3A_279 = tpu.memref_slice %arg3[%add3A_171, %dma_start3A_278] : memref<112x100000xf32, #tpu.memory_space<hbm>> -> memref<1x100000xf32, #tpu.memory_space<hbm>>
          %dma_start3A_280 = tpu.memref_squeeze %dma_start3A_279 : memref<1x100000xf32, #tpu.memory_space<hbm>> -> memref<100000xf32, #tpu.memory_space<hbm>>
          %dma_start3A_281 = arith.constant 0 : i32
          %dma_start3A_282 = tpu.memref_slice %dma_start3A_280[%dma_start3A_281] : memref<100000xf32, #tpu.memory_space<hbm>> -> memref<100000xf32, #tpu.memory_space<hbm>>
          tpu.enqueue_indirect_dma source(%dma_start3A_282 : memref<100000xf32, #tpu.memory_space<hbm>>) target(%dma_start3A_274 : memref<128xf32, #tpu.memory_space<vmem>>) offsets(%dma_start3A_277 : memref<128xi32, #tpu.memory_space<vmem>>) semaphore(%arg8 : memref<!tpu.dma_semaphore, #tpu.memory_space<semaphore_mem>>)
        }
        %scan3A_167 = arith.constant 16 : i32
      } else {
      }
      %jit3A_70 = arith.constant 3 : i32
      %eq3A_71 = arith.constant 0 : i32
      %eq3A_72 = arith.cmpi eq, %jit3A_70, %eq3A_71 : i32
      %jit3A_73 = arith.constant 1 : i32
      %select_n3A_74 = arith.select %eq3A_72, %jit3A_73, %jit3A_70 : i32
      %rem3A_75 = arith.remsi %scan3A_36, %select_n3A_74 : i32
      %ne3A_76 = arith.constant 0 : i32
      %ne3A_77 = arith.cmpi ne, %rem3A_75, %ne3A_76 : i32
      %lt3A_78 = arith.constant 0 : i32
      %lt3A_79 = arith.cmpi slt, %rem3A_75, %lt3A_78 : i32
      %lt3A_80 = arith.constant 0 : i32
      %lt3A_81 = arith.cmpi slt, %select_n3A_74, %lt3A_80 : i32
      %ne3A_82 = arith.xori %lt3A_79, %lt3A_81 : i1
      %and3A_83 = arith.andi %ne3A_82, %ne3A_77 : i1
      %add3A_84 = arith.addi %rem3A_75, %select_n3A_74 : i32
      %select_n3A_85 = arith.select %and3A_83, %add3A_84, %rem3A_75 : i32
      %eq3A_86 = arith.constant 2 : i32
      %eq3A_87 = arith.cmpi eq, %select_n3A_85, %eq3A_86 : i32
      %convert_element_type3A_88 = arith.extui %eq3A_87 : i1 to i32
      %cond3A_89 = arith.constant 0 : i32
      %cond3A_90 = arith.cmpi ne, %convert_element_type3A_88, %cond3A_89 : i32
      scf.if %cond3A_90 {
        %scan3A_162 = arith.constant 0 : i32
        %scan3A_163 = arith.constant 0 : i32
        %scan3A_164 = arith.constant 16 : i32
        %scan3A_165 = arith.addi %scan3A_163, %scan3A_164 : i32
        %scan3A_166 = arith.constant 1 : i32
        scf.for %scan3A_168 = %scan3A_163 to %scan3A_165 step %scan3A_166  : i32 {
          %mul3A_169 = arith.constant 16 : i32
          %mul3A_170 = arith.muli %scan3A_36, %mul3A_169 : i32
          %add3A_171 = arith.addi %mul3A_170, %scan3A_168 : i32
          %jit3A_172 = arith.constant 3 : i32
          %eq3A_173 = arith.constant 0 : i32
          %eq3A_174 = arith.cmpi eq, %jit3A_172, %eq3A_173 : i32
          %jit3A_175 = arith.constant 1 : i32
          %select_n3A_176 = arith.select %eq3A_174, %jit3A_175, %jit3A_172 : i32
          %rem3A_177 = arith.remsi %scan3A_36, %select_n3A_176 : i32
          %ne3A_178 = arith.constant 0 : i32
          %ne3A_179 = arith.cmpi ne, %rem3A_177, %ne3A_178 : i32
          %lt3A_180 = arith.constant 0 : i32
          %lt3A_181 = arith.cmpi slt, %rem3A_177, %lt3A_180 : i32
          %lt3A_182 = arith.constant 0 : i32
          %lt3A_183 = arith.cmpi slt, %select_n3A_176, %lt3A_182 : i32
          %ne3A_184 = arith.xori %lt3A_181, %lt3A_183 : i1
          %and3A_185 = arith.andi %ne3A_184, %ne3A_179 : i1
          %add3A_186 = arith.addi %rem3A_177, %select_n3A_176 : i32
          %select_n3A_187 = arith.select %and3A_185, %add3A_186, %rem3A_177 : i32
          %dma_start3A = arith.constant 0 : i32
          %dma_start3A_188 = arith.constant 0 : i32
          %dma_start3A_189 = tpu.memref_slice %arg6[%select_n3A_187, %scan3A_168, %dma_start3A_188] : memref<3x16x512xf32, #tpu.memory_space<vmem>> -> memref<1x1x128xf32, #tpu.memory_space<vmem>>
          %dma_start3A_190 = tpu.memref_squeeze %dma_start3A_189 : memref<1x1x128xf32, #tpu.memory_space<vmem>> -> memref<128xf32, #tpu.memory_space<vmem>>
          %dma_start3A_191 = arith.constant 0 : i32
          %dma_start3A_192 = tpu.memref_slice %arg5[%scan3A_36, %dma_start3A, %dma_start3A_191] : memref<7x4x128xi32, #tpu.memory_space<vmem>> -> memref<1x1x128xi32, #tpu.memory_space<vmem>>
          %dma_start3A_193 = tpu.memref_squeeze %dma_start3A_192 : memref<1x1x128xi32, #tpu.memory_space<vmem>> -> memref<128xi32, #tpu.memory_space<vmem>>
          %dma_start3A_194 = arith.constant 0 : i32
          %dma_start3A_195 = tpu.memref_slice %arg3[%add3A_171, %dma_start3A_194] : memref<112x100000xf32, #tpu.memory_space<hbm>> -> memref<1x100000xf32, #tpu.memory_space<hbm>>
          %dma_start3A_196 = tpu.memref_squeeze %dma_start3A_195 : memref<1x100000xf32, #tpu.memory_space<hbm>> -> memref<100000xf32, #tpu.memory_space<hbm>>
          %dma_start3A_197 = arith.constant 0 : i32
          %dma_start3A_198 = tpu.memref_slice %dma_start3A_196[%dma_start3A_197] : memref<100000xf32, #tpu.memory_space<hbm>> -> memref<100000xf32, #tpu.memory_space<hbm>>
          tpu.enqueue_indirect_dma source(%dma_start3A_198 : memref<100000xf32, #tpu.memory_space<hbm>>) target(%dma_start3A_190 : memref<128xf32, #tpu.memory_space<vmem>>) offsets(%dma_start3A_193 : memref<128xi32, #tpu.memory_space<vmem>>) semaphore(%arg9 : memref<!tpu.dma_semaphore, #tpu.memory_space<semaphore_mem>>)
          %jit3A_199 = arith.constant 3 : i32
          %eq3A_200 = arith.constant 0 : i32
          %eq3A_201 = arith.cmpi eq, %jit3A_199, %eq3A_200 : i32
          %jit3A_202 = arith.constant 1 : i32
          %select_n3A_203 = arith.select %eq3A_201, %jit3A_202, %jit3A_199 : i32
          %rem3A_204 = arith.remsi %scan3A_36, %select_n3A_203 : i32
          %ne3A_205 = arith.constant 0 : i32
          %ne3A_206 = arith.cmpi ne, %rem3A_204, %ne3A_205 : i32
          %lt3A_207 = arith.constant 0 : i32
          %lt3A_208 = arith.cmpi slt, %rem3A_204, %lt3A_207 : i32
          %lt3A_209 = arith.constant 0 : i32
          %lt3A_210 = arith.cmpi slt, %select_n3A_203, %lt3A_209 : i32
          %ne3A_211 = arith.xori %lt3A_208, %lt3A_210 : i1
          %and3A_212 = arith.andi %ne3A_211, %ne3A_206 : i1
          %add3A_213 = arith.addi %rem3A_204, %select_n3A_203 : i32
          %select_n3A_214 = arith.select %and3A_212, %add3A_213, %rem3A_204 : i32
          %dma_start3A_215 = arith.constant 1 : i32
          %dma_start3A_216 = arith.constant 128 : i32
          %dma_start3A_217 = tpu.memref_slice %arg6[%select_n3A_214, %scan3A_168, %dma_start3A_216] : memref<3x16x512xf32, #tpu.memory_space<vmem>> -> memref<1x1x128xf32, #tpu.memory_space<vmem>>
          %dma_start3A_218 = tpu.memref_squeeze %dma_start3A_217 : memref<1x1x128xf32, #tpu.memory_space<vmem>> -> memref<128xf32, #tpu.memory_space<vmem>>
          %dma_start3A_219 = arith.constant 0 : i32
          %dma_start3A_220 = tpu.memref_slice %arg5[%scan3A_36, %dma_start3A_215, %dma_start3A_219] : memref<7x4x128xi32, #tpu.memory_space<vmem>> -> memref<1x1x128xi32, #tpu.memory_space<vmem>>
          %dma_start3A_221 = tpu.memref_squeeze %dma_start3A_220 : memref<1x1x128xi32, #tpu.memory_space<vmem>> -> memref<128xi32, #tpu.memory_space<vmem>>
          %dma_start3A_222 = arith.constant 0 : i32
          %dma_start3A_223 = tpu.memref_slice %arg3[%add3A_171, %dma_start3A_222] : memref<112x100000xf32, #tpu.memory_space<hbm>> -> memref<1x100000xf32, #tpu.memory_space<hbm>>
          %dma_start3A_224 = tpu.memref_squeeze %dma_start3A_223 : memref<1x100000xf32, #tpu.memory_space<hbm>> -> memref<100000xf32, #tpu.memory_space<hbm>>
          %dma_start3A_225 = arith.constant 0 : i32
          %dma_start3A_226 = tpu.memref_slice %dma_start3A_224[%dma_start3A_225] : memref<100000xf32, #tpu.memory_space<hbm>> -> memref<100000xf32, #tpu.memory_space<hbm>>
          tpu.enqueue_indirect_dma source(%dma_start3A_226 : memref<100000xf32, #tpu.memory_space<hbm>>) target(%dma_start3A_218 : memref<128xf32, #tpu.memory_space<vmem>>) offsets(%dma_start3A_221 : memref<128xi32, #tpu.memory_space<vmem>>) semaphore(%arg9 : memref<!tpu.dma_semaphore, #tpu.memory_space<semaphore_mem>>)
          %jit3A_227 = arith.constant 3 : i32
          %eq3A_228 = arith.constant 0 : i32
          %eq3A_229 = arith.cmpi eq, %jit3A_227, %eq3A_228 : i32
          %jit3A_230 = arith.constant 1 : i32
          %select_n3A_231 = arith.select %eq3A_229, %jit3A_230, %jit3A_227 : i32
          %rem3A_232 = arith.remsi %scan3A_36, %select_n3A_231 : i32
          %ne3A_233 = arith.constant 0 : i32
          %ne3A_234 = arith.cmpi ne, %rem3A_232, %ne3A_233 : i32
          %lt3A_235 = arith.constant 0 : i32
          %lt3A_236 = arith.cmpi slt, %rem3A_232, %lt3A_235 : i32
          %lt3A_237 = arith.constant 0 : i32
          %lt3A_238 = arith.cmpi slt, %select_n3A_231, %lt3A_237 : i32
          %ne3A_239 = arith.xori %lt3A_236, %lt3A_238 : i1
          %and3A_240 = arith.andi %ne3A_239, %ne3A_234 : i1
          %add3A_241 = arith.addi %rem3A_232, %select_n3A_231 : i32
          %select_n3A_242 = arith.select %and3A_240, %add3A_241, %rem3A_232 : i32
          %dma_start3A_243 = arith.constant 2 : i32
          %dma_start3A_244 = arith.constant 256 : i32
          %dma_start3A_245 = tpu.memref_slice %arg6[%select_n3A_242, %scan3A_168, %dma_start3A_244] : memref<3x16x512xf32, #tpu.memory_space<vmem>> -> memref<1x1x128xf32, #tpu.memory_space<vmem>>
          %dma_start3A_246 = tpu.memref_squeeze %dma_start3A_245 : memref<1x1x128xf32, #tpu.memory_space<vmem>> -> memref<128xf32, #tpu.memory_space<vmem>>
          %dma_start3A_247 = arith.constant 0 : i32
          %dma_start3A_248 = tpu.memref_slice %arg5[%scan3A_36, %dma_start3A_243, %dma_start3A_247] : memref<7x4x128xi32, #tpu.memory_space<vmem>> -> memref<1x1x128xi32, #tpu.memory_space<vmem>>
          %dma_start3A_249 = tpu.memref_squeeze %dma_start3A_248 : memref<1x1x128xi32, #tpu.memory_space<vmem>> -> memref<128xi32, #tpu.memory_space<vmem>>
          %dma_start3A_250 = arith.constant 0 : i32
          %dma_start3A_251 = tpu.memref_slice %arg3[%add3A_171, %dma_start3A_250] : memref<112x100000xf32, #tpu.memory_space<hbm>> -> memref<1x100000xf32, #tpu.memory_space<hbm>>
          %dma_start3A_252 = tpu.memref_squeeze %dma_start3A_251 : memref<1x100000xf32, #tpu.memory_space<hbm>> -> memref<100000xf32, #tpu.memory_space<hbm>>
          %dma_start3A_253 = arith.constant 0 : i32
          %dma_start3A_254 = tpu.memref_slice %dma_start3A_252[%dma_start3A_253] : memref<100000xf32, #tpu.memory_space<hbm>> -> memref<100000xf32, #tpu.memory_space<hbm>>
          tpu.enqueue_indirect_dma source(%dma_start3A_254 : memref<100000xf32, #tpu.memory_space<hbm>>) target(%dma_start3A_246 : memref<128xf32, #tpu.memory_space<vmem>>) offsets(%dma_start3A_249 : memref<128xi32, #tpu.memory_space<vmem>>) semaphore(%arg9 : memref<!tpu.dma_semaphore, #tpu.memory_space<semaphore_mem>>)
          %jit3A_255 = arith.constant 3 : i32
          %eq3A_256 = arith.constant 0 : i32
          %eq3A_257 = arith.cmpi eq, %jit3A_255, %eq3A_256 : i32
          %jit3A_258 = arith.constant 1 : i32
          %select_n3A_259 = arith.select %eq3A_257, %jit3A_258, %jit3A_255 : i32
          %rem3A_260 = arith.remsi %scan3A_36, %select_n3A_259 : i32
          %ne3A_261 = arith.constant 0 : i32
          %ne3A_262 = arith.cmpi ne, %rem3A_260, %ne3A_261 : i32
          %lt3A_263 = arith.constant 0 : i32
          %lt3A_264 = arith.cmpi slt, %rem3A_260, %lt3A_263 : i32
          %lt3A_265 = arith.constant 0 : i32
          %lt3A_266 = arith.cmpi slt, %select_n3A_259, %lt3A_265 : i32
          %ne3A_267 = arith.xori %lt3A_264, %lt3A_266 : i1
          %and3A_268 = arith.andi %ne3A_267, %ne3A_262 : i1
          %add3A_269 = arith.addi %rem3A_260, %select_n3A_259 : i32
          %select_n3A_270 = arith.select %and3A_268, %add3A_269, %rem3A_260 : i32
          %dma_start3A_271 = arith.constant 3 : i32
          %dma_start3A_272 = arith.constant 384 : i32
          %dma_start3A_273 = tpu.memref_slice %arg6[%select_n3A_270, %scan3A_168, %dma_start3A_272] : memref<3x16x512xf32, #tpu.memory_space<vmem>> -> memref<1x1x128xf32, #tpu.memory_space<vmem>>
          %dma_start3A_274 = tpu.memref_squeeze %dma_start3A_273 : memref<1x1x128xf32, #tpu.memory_space<vmem>> -> memref<128xf32, #tpu.memory_space<vmem>>
          %dma_start3A_275 = arith.constant 0 : i32
          %dma_start3A_276 = tpu.memref_slice %arg5[%scan3A_36, %dma_start3A_271, %dma_start3A_275] : memref<7x4x128xi32, #tpu.memory_space<vmem>> -> memref<1x1x128xi32, #tpu.memory_space<vmem>>
          %dma_start3A_277 = tpu.memref_squeeze %dma_start3A_276 : memref<1x1x128xi32, #tpu.memory_space<vmem>> -> memref<128xi32, #tpu.memory_space<vmem>>
          %dma_start3A_278 = arith.constant 0 : i32
          %dma_start3A_279 = tpu.memref_slice %arg3[%add3A_171, %dma_start3A_278] : memref<112x100000xf32, #tpu.memory_space<hbm>> -> memref<1x100000xf32, #tpu.memory_space<hbm>>
          %dma_start3A_280 = tpu.memref_squeeze %dma_start3A_279 : memref<1x100000xf32, #tpu.memory_space<hbm>> -> memref<100000xf32, #tpu.memory_space<hbm>>
          %dma_start3A_281 = arith.constant 0 : i32
          %dma_start3A_282 = tpu.memref_slice %dma_start3A_280[%dma_start3A_281] : memref<100000xf32, #tpu.memory_space<hbm>> -> memref<100000xf32, #tpu.memory_space<hbm>>
          tpu.enqueue_indirect_dma source(%dma_start3A_282 : memref<100000xf32, #tpu.memory_space<hbm>>) target(%dma_start3A_274 : memref<128xf32, #tpu.memory_space<vmem>>) offsets(%dma_start3A_277 : memref<128xi32, #tpu.memory_space<vmem>>) semaphore(%arg9 : memref<!tpu.dma_semaphore, #tpu.memory_space<semaphore_mem>>)
        }
        %scan3A_167 = arith.constant 16 : i32
      } else {
      }
      %jit3A_91 = arith.constant 3 : i32
      %eq3A_92 = arith.constant 0 : i32
      %eq3A_93 = arith.cmpi eq, %jit3A_91, %eq3A_92 : i32
      %jit3A_94 = arith.constant 1 : i32
      %select_n3A_95 = arith.select %eq3A_93, %jit3A_94, %jit3A_91 : i32
      %rem3A_96 = arith.remsi %scan3A_36, %select_n3A_95 : i32
      %ne3A_97 = arith.constant 0 : i32
      %ne3A_98 = arith.cmpi ne, %rem3A_96, %ne3A_97 : i32
      %lt3A_99 = arith.constant 0 : i32
      %lt3A_100 = arith.cmpi slt, %rem3A_96, %lt3A_99 : i32
      %lt3A_101 = arith.constant 0 : i32
      %lt3A_102 = arith.cmpi slt, %select_n3A_95, %lt3A_101 : i32
      %ne3A_103 = arith.xori %lt3A_100, %lt3A_102 : i1
      %and3A_104 = arith.andi %ne3A_103, %ne3A_98 : i1
      %add3A_105 = arith.addi %rem3A_96, %select_n3A_95 : i32
      %select_n3A_106 = arith.select %and3A_104, %add3A_105, %rem3A_96 : i32
      %eq3A_107 = arith.constant 2 : i32
      %eq3A_108 = arith.cmpi eq, %select_n3A_106, %eq3A_107 : i32
      %ge3A = arith.constant 2 : i32
      %ge3A_109 = arith.cmpi sge, %scan3A_36, %ge3A : i32
      %and3A_110 = arith.andi %eq3A_108, %ge3A_109 : i1
      %convert_element_type3A_111 = arith.extui %and3A_110 : i1 to i32
      %cond3A_112 = arith.constant 0 : i32
      %cond3A_113 = arith.cmpi ne, %convert_element_type3A_111, %cond3A_112 : i32
      scf.if %cond3A_113 {
        %sub3A = arith.constant 2 : i32
        %sub3A_162 = arith.subi %scan3A_36, %sub3A : i32
        %mul3A_163 = arith.constant 16 : i32
        %mul3A_164 = arith.muli %sub3A_162, %mul3A_163 : i32
        %mul3A_165 = arith.constant 512 : i32
        %mul3A_166 = arith.muli %add3A, %mul3A_165 : i32
        %jit3A_167 = arith.constant 3 : i32
        %eq3A_168 = arith.constant 0 : i32
        %eq3A_169 = arith.cmpi eq, %jit3A_167, %eq3A_168 : i32
        %jit3A_170 = arith.constant 1 : i32
        %select_n3A_171 = arith.select %eq3A_169, %jit3A_170, %jit3A_167 : i32
        %rem3A_172 = arith.remsi %sub3A_162, %select_n3A_171 : i32
        %ne3A_173 = arith.constant 0 : i32
        %ne3A_174 = arith.cmpi ne, %rem3A_172, %ne3A_173 : i32
        %lt3A_175 = arith.constant 0 : i32
        %lt3A_176 = arith.cmpi slt, %rem3A_172, %lt3A_175 : i32
        %lt3A_177 = arith.constant 0 : i32
        %lt3A_178 = arith.cmpi slt, %select_n3A_171, %lt3A_177 : i32
        %ne3A_179 = arith.xori %lt3A_176, %lt3A_178 : i1
        %and3A_180 = arith.andi %ne3A_179, %ne3A_174 : i1
        %add3A_181 = arith.addi %rem3A_172, %select_n3A_171 : i32
        %select_n3A_182 = arith.select %and3A_180, %add3A_181, %rem3A_172 : i32
        %dma_wait3A_183 = arith.constant 0 : i32
        %dma_wait3A_184 = arith.constant 0 : i32
        %dma_wait3A_185 = tpu.memref_slice %arg6[%select_n3A_182, %dma_wait3A_183, %dma_wait3A_184] : memref<3x16x512xf32, #tpu.memory_space<vmem>> -> memref<1x16x512xf32, #tpu.memory_space<vmem>>
        %dma_wait3A_186 = tpu.memref_squeeze %dma_wait3A_185 : memref<1x16x512xf32, #tpu.memory_space<vmem>> -> memref<16x512xf32, #tpu.memory_space<vmem>>
        %dma_wait3A_187 = tpu.memref_slice %arg4[%mul3A_164, %mul3A_166] : memref<112x16384xf32, #tpu.memory_space<hbm>> -> memref<16x512xf32, #tpu.memory_space<hbm>>
        %dma_wait3A_188 = arith.constant 0 : i32
        %dma_wait3A_189 = arith.constant 0 : i32
        %dma_wait3A_190 = tpu.memref_slice %arg6[%select_n3A_182, %dma_wait3A_188, %dma_wait3A_189] : memref<3x16x512xf32, #tpu.memory_space<vmem>> -> memref<1x16x512xf32, #tpu.memory_space<vmem>>
        %dma_wait3A_191 = tpu.memref_squeeze %dma_wait3A_190 : memref<1x16x512xf32, #tpu.memory_space<vmem>> -> memref<16x512xf32, #tpu.memory_space<vmem>>
        %dma_wait3A_192 = tpu.memref_slice %arg4[%mul3A_164, %mul3A_166] : memref<112x16384xf32, #tpu.memory_space<hbm>> -> memref<16x512xf32, #tpu.memory_space<hbm>>
        tpu.wait_dma2 semaphore(%arg7 : memref<!tpu.dma_semaphore, #tpu.memory_space<semaphore_mem>>) src(%dma_wait3A_192 : memref<16x512xf32, #tpu.memory_space<hbm>>) dst(%dma_wait3A_191 : memref<16x512xf32, #tpu.memory_space<vmem>>)
        %jit3A_193 = arith.constant 3 : i32
        %eq3A_194 = arith.constant 0 : i32
        %eq3A_195 = arith.cmpi eq, %jit3A_193, %eq3A_194 : i32
        %jit3A_196 = arith.constant 1 : i32
        %select_n3A_197 = arith.select %eq3A_195, %jit3A_196, %jit3A_193 : i32
        %rem3A_198 = arith.remsi %sub3A_162, %select_n3A_197 : i32
        %ne3A_199 = arith.constant 0 : i32
        %ne3A_200 = arith.cmpi ne, %rem3A_198, %ne3A_199 : i32
        %lt3A_201 = arith.constant 0 : i32
        %lt3A_202 = arith.cmpi slt, %rem3A_198, %lt3A_201 : i32
        %lt3A_203 = arith.constant 0 : i32
        %lt3A_204 = arith.cmpi slt, %select_n3A_197, %lt3A_203 : i32
        %ne3A_205 = arith.xori %lt3A_202, %lt3A_204 : i1
        %and3A_206 = arith.andi %ne3A_205, %ne3A_200 : i1
        %add3A_207 = arith.addi %rem3A_198, %select_n3A_197 : i32
        %select_n3A_208 = arith.select %and3A_206, %add3A_207, %rem3A_198 : i32
        "tpu.region"() ({
          %run_scoped3A_209 = tpu.sem_alloc : memref<!tpu.dma_semaphore, #tpu.memory_space<semaphore_mem>>
          %dma_start3A = arith.constant 0 : i32
          %dma_start3A_210 = arith.constant 0 : i32
          %dma_start3A_211 = tpu.memref_slice %arg6[%select_n3A_208, %dma_start3A, %dma_start3A_210] : memref<3x16x512xf32, #tpu.memory_space<vmem>> -> memref<1x16x512xf32, #tpu.memory_space<vmem>>
          %dma_start3A_212 = tpu.memref_squeeze %dma_start3A_211 : memref<1x16x512xf32, #tpu.memory_space<vmem>> -> memref<16x512xf32, #tpu.memory_space<vmem>>
          %dma_start3A_213 = tpu.memref_slice %arg4[%mul3A_164, %mul3A_166] : memref<112x16384xf32, #tpu.memory_space<hbm>> -> memref<16x512xf32, #tpu.memory_space<hbm>>
          %dma_start3A_214 = tpu.memref_slice %arg4[%mul3A_164, %mul3A_166] : memref<112x16384xf32, #tpu.memory_space<hbm>> -> memref<16x512xf32, #tpu.memory_space<hbm>>
          %dma_start3A_215 = arith.constant 0 : i32
          %dma_start3A_216 = arith.constant 0 : i32
          %dma_start3A_217 = tpu.memref_slice %arg6[%select_n3A_208, %dma_start3A_215, %dma_start3A_216] : memref<3x16x512xf32, #tpu.memory_space<vmem>> -> memref<1x16x512xf32, #tpu.memory_space<vmem>>
          %dma_start3A_218 = tpu.memref_squeeze %dma_start3A_217 : memref<1x16x512xf32, #tpu.memory_space<vmem>> -> memref<16x512xf32, #tpu.memory_space<vmem>>
          tpu.enqueue_dma source(%dma_start3A_218 : memref<16x512xf32, #tpu.memory_space<vmem>>) target(%dma_start3A_214 : memref<16x512xf32, #tpu.memory_space<hbm>>) target_semaphore(%run_scoped3A_209 : memref<!tpu.dma_semaphore, #tpu.memory_space<semaphore_mem>>)
          %dma_wait3A_219 = arith.constant 0 : i32
          %dma_wait3A_220 = arith.constant 0 : i32
          %dma_wait3A_221 = tpu.memref_slice %arg6[%select_n3A_208, %dma_wait3A_219, %dma_wait3A_220] : memref<3x16x512xf32, #tpu.memory_space<vmem>> -> memref<1x16x512xf32, #tpu.memory_space<vmem>>
          %dma_wait3A_222 = tpu.memref_squeeze %dma_wait3A_221 : memref<1x16x512xf32, #tpu.memory_space<vmem>> -> memref<16x512xf32, #tpu.memory_space<vmem>>
          %dma_wait3A_223 = tpu.memref_slice %arg4[%mul3A_164, %mul3A_166] : memref<112x16384xf32, #tpu.memory_space<hbm>> -> memref<16x512xf32, #tpu.memory_space<hbm>>
          %dma_wait3A_224 = tpu.memref_slice %arg4[%mul3A_164, %mul3A_166] : memref<112x16384xf32, #tpu.memory_space<hbm>> -> memref<16x512xf32, #tpu.memory_space<hbm>>
          %dma_wait3A_225 = arith.constant 0 : i32
          %dma_wait3A_226 = arith.constant 0 : i32
          %dma_wait3A_227 = tpu.memref_slice %arg6[%select_n3A_208, %dma_wait3A_225, %dma_wait3A_226] : memref<3x16x512xf32, #tpu.memory_space<vmem>> -> memref<1x16x512xf32, #tpu.memory_space<vmem>>
          %dma_wait3A_228 = tpu.memref_squeeze %dma_wait3A_227 : memref<1x16x512xf32, #tpu.memory_space<vmem>> -> memref<16x512xf32, #tpu.memory_space<vmem>>
          tpu.wait_dma2 semaphore(%run_scoped3A_209 : memref<!tpu.dma_semaphore, #tpu.memory_space<semaphore_mem>>) src(%dma_wait3A_228 : memref<16x512xf32, #tpu.memory_space<vmem>>) dst(%dma_wait3A_224 : memref<16x512xf32, #tpu.memory_space<hbm>>)
          tpu.yield
        }) : () -> ()
      } else {
      }
      %jit3A_114 = arith.constant 3 : i32
      %eq3A_115 = arith.constant 0 : i32
      %eq3A_116 = arith.cmpi eq, %jit3A_114, %eq3A_115 : i32
      %jit3A_117 = arith.constant 1 : i32
      %select_n3A_118 = arith.select %eq3A_116, %jit3A_117, %jit3A_114 : i32
      %rem3A_119 = arith.remsi %scan3A_36, %select_n3A_118 : i32
      %ne3A_120 = arith.constant 0 : i32
      %ne3A_121 = arith.cmpi ne, %rem3A_119, %ne3A_120 : i32
      %lt3A_122 = arith.constant 0 : i32
      %lt3A_123 = arith.cmpi slt, %rem3A_119, %lt3A_122 : i32
      %lt3A_124 = arith.constant 0 : i32
      %lt3A_125 = arith.cmpi slt, %select_n3A_118, %lt3A_124 : i32
      %ne3A_126 = arith.xori %lt3A_123, %lt3A_125 : i1
      %and3A_127 = arith.andi %ne3A_126, %ne3A_121 : i1
      %add3A_128 = arith.addi %rem3A_119, %select_n3A_118 : i32
      %select_n3A_129 = arith.select %and3A_127, %add3A_128, %rem3A_119 : i32
      %eq3A_130 = arith.constant 0 : i32
      %eq3A_131 = arith.cmpi eq, %select_n3A_129, %eq3A_130 : i32
      %ge3A_132 = arith.constant 2 : i32
      %ge3A_133 = arith.cmpi sge, %scan3A_36, %ge3A_132 : i32
      %and3A_134 = arith.andi %eq3A_131, %ge3A_133 : i1
      %convert_element_type3A_135 = arith.extui %and3A_134 : i1 to i32
      %cond3A_136 = arith.constant 0 : i32
      %cond3A_137 = arith.cmpi ne, %convert_element_type3A_135, %cond3A_136 : i32
      scf.if %cond3A_137 {
        %sub3A = arith.constant 2 : i32
        %sub3A_162 = arith.subi %scan3A_36, %sub3A : i32
        %mul3A_163 = arith.constant 16 : i32
        %mul3A_164 = arith.muli %sub3A_162, %mul3A_163 : i32
        %mul3A_165 = arith.constant 512 : i32
        %mul3A_166 = arith.muli %add3A, %mul3A_165 : i32
        %jit3A_167 = arith.constant 3 : i32
        %eq3A_168 = arith.constant 0 : i32
        %eq3A_169 = arith.cmpi eq, %jit3A_167, %eq3A_168 : i32
        %jit3A_170 = arith.constant 1 : i32
        %select_n3A_171 = arith.select %eq3A_169, %jit3A_170, %jit3A_167 : i32
        %rem3A_172 = arith.remsi %sub3A_162, %select_n3A_171 : i32
        %ne3A_173 = arith.constant 0 : i32
        %ne3A_174 = arith.cmpi ne, %rem3A_172, %ne3A_173 : i32
        %lt3A_175 = arith.constant 0 : i32
        %lt3A_176 = arith.cmpi slt, %rem3A_172, %lt3A_175 : i32
        %lt3A_177 = arith.constant 0 : i32
        %lt3A_178 = arith.cmpi slt, %select_n3A_171, %lt3A_177 : i32
        %ne3A_179 = arith.xori %lt3A_176, %lt3A_178 : i1
        %and3A_180 = arith.andi %ne3A_179, %ne3A_174 : i1
        %add3A_181 = arith.addi %rem3A_172, %select_n3A_171 : i32
        %select_n3A_182 = arith.select %and3A_180, %add3A_181, %rem3A_172 : i32
        %dma_wait3A_183 = arith.constant 0 : i32
        %dma_wait3A_184 = arith.constant 0 : i32
        %dma_wait3A_185 = tpu.memref_slice %arg6[%select_n3A_182, %dma_wait3A_183, %dma_wait3A_184] : memref<3x16x512xf32, #tpu.memory_space<vmem>> -> memref<1x16x512xf32, #tpu.memory_space<vmem>>
        %dma_wait3A_186 = tpu.memref_squeeze %dma_wait3A_185 : memref<1x16x512xf32, #tpu.memory_space<vmem>> -> memref<16x512xf32, #tpu.memory_space<vmem>>
        %dma_wait3A_187 = tpu.memref_slice %arg4[%mul3A_164, %mul3A_166] : memref<112x16384xf32, #tpu.memory_space<hbm>> -> memref<16x512xf32, #tpu.memory_space<hbm>>
        %dma_wait3A_188 = arith.constant 0 : i32
        %dma_wait3A_189 = arith.constant 0 : i32
        %dma_wait3A_190 = tpu.memref_slice %arg6[%select_n3A_182, %dma_wait3A_188, %dma_wait3A_189] : memref<3x16x512xf32, #tpu.memory_space<vmem>> -> memref<1x16x512xf32, #tpu.memory_space<vmem>>
        %dma_wait3A_191 = tpu.memref_squeeze %dma_wait3A_190 : memref<1x16x512xf32, #tpu.memory_space<vmem>> -> memref<16x512xf32, #tpu.memory_space<vmem>>
        %dma_wait3A_192 = tpu.memref_slice %arg4[%mul3A_164, %mul3A_166] : memref<112x16384xf32, #tpu.memory_space<hbm>> -> memref<16x512xf32, #tpu.memory_space<hbm>>
        tpu.wait_dma2 semaphore(%arg8 : memref<!tpu.dma_semaphore, #tpu.memory_space<semaphore_mem>>) src(%dma_wait3A_192 : memref<16x512xf32, #tpu.memory_space<hbm>>) dst(%dma_wait3A_191 : memref<16x512xf32, #tpu.memory_space<vmem>>)
        %jit3A_193 = arith.constant 3 : i32
        %eq3A_194 = arith.constant 0 : i32
        %eq3A_195 = arith.cmpi eq, %jit3A_193, %eq3A_194 : i32
        %jit3A_196 = arith.constant 1 : i32
        %select_n3A_197 = arith.select %eq3A_195, %jit3A_196, %jit3A_193 : i32
        %rem3A_198 = arith.remsi %sub3A_162, %select_n3A_197 : i32
        %ne3A_199 = arith.constant 0 : i32
        %ne3A_200 = arith.cmpi ne, %rem3A_198, %ne3A_199 : i32
        %lt3A_201 = arith.constant 0 : i32
        %lt3A_202 = arith.cmpi slt, %rem3A_198, %lt3A_201 : i32
        %lt3A_203 = arith.constant 0 : i32
        %lt3A_204 = arith.cmpi slt, %select_n3A_197, %lt3A_203 : i32
        %ne3A_205 = arith.xori %lt3A_202, %lt3A_204 : i1
        %and3A_206 = arith.andi %ne3A_205, %ne3A_200 : i1
        %add3A_207 = arith.addi %rem3A_198, %select_n3A_197 : i32
        %select_n3A_208 = arith.select %and3A_206, %add3A_207, %rem3A_198 : i32
        "tpu.region"() ({
          %run_scoped3A_209 = tpu.sem_alloc : memref<!tpu.dma_semaphore, #tpu.memory_space<semaphore_mem>>
          %dma_start3A = arith.constant 0 : i32
          %dma_start3A_210 = arith.constant 0 : i32
          %dma_start3A_211 = tpu.memref_slice %arg6[%select_n3A_208, %dma_start3A, %dma_start3A_210] : memref<3x16x512xf32, #tpu.memory_space<vmem>> -> memref<1x16x512xf32, #tpu.memory_space<vmem>>
          %dma_start3A_212 = tpu.memref_squeeze %dma_start3A_211 : memref<1x16x512xf32, #tpu.memory_space<vmem>> -> memref<16x512xf32, #tpu.memory_space<vmem>>
          %dma_start3A_213 = tpu.memref_slice %arg4[%mul3A_164, %mul3A_166] : memref<112x16384xf32, #tpu.memory_space<hbm>> -> memref<16x512xf32, #tpu.memory_space<hbm>>
          %dma_start3A_214 = tpu.memref_slice %arg4[%mul3A_164, %mul3A_166] : memref<112x16384xf32, #tpu.memory_space<hbm>> -> memref<16x512xf32, #tpu.memory_space<hbm>>
          %dma_start3A_215 = arith.constant 0 : i32
          %dma_start3A_216 = arith.constant 0 : i32
          %dma_start3A_217 = tpu.memref_slice %arg6[%select_n3A_208, %dma_start3A_215, %dma_start3A_216] : memref<3x16x512xf32, #tpu.memory_space<vmem>> -> memref<1x16x512xf32, #tpu.memory_space<vmem>>
          %dma_start3A_218 = tpu.memref_squeeze %dma_start3A_217 : memref<1x16x512xf32, #tpu.memory_space<vmem>> -> memref<16x512xf32, #tpu.memory_space<vmem>>
          tpu.enqueue_dma source(%dma_start3A_218 : memref<16x512xf32, #tpu.memory_space<vmem>>) target(%dma_start3A_214 : memref<16x512xf32, #tpu.memory_space<hbm>>) target_semaphore(%run_scoped3A_209 : memref<!tpu.dma_semaphore, #tpu.memory_space<semaphore_mem>>)
          %dma_wait3A_219 = arith.constant 0 : i32
          %dma_wait3A_220 = arith.constant 0 : i32
          %dma_wait3A_221 = tpu.memref_slice %arg6[%select_n3A_208, %dma_wait3A_219, %dma_wait3A_220] : memref<3x16x512xf32, #tpu.memory_space<vmem>> -> memref<1x16x512xf32, #tpu.memory_space<vmem>>
          %dma_wait3A_222 = tpu.memref_squeeze %dma_wait3A_221 : memref<1x16x512xf32, #tpu.memory_space<vmem>> -> memref<16x512xf32, #tpu.memory_space<vmem>>
          %dma_wait3A_223 = tpu.memref_slice %arg4[%mul3A_164, %mul3A_166] : memref<112x16384xf32, #tpu.memory_space<hbm>> -> memref<16x512xf32, #tpu.memory_space<hbm>>
          %dma_wait3A_224 = tpu.memref_slice %arg4[%mul3A_164, %mul3A_166] : memref<112x16384xf32, #tpu.memory_space<hbm>> -> memref<16x512xf32, #tpu.memory_space<hbm>>
          %dma_wait3A_225 = arith.constant 0 : i32
          %dma_wait3A_226 = arith.constant 0 : i32
          %dma_wait3A_227 = tpu.memref_slice %arg6[%select_n3A_208, %dma_wait3A_225, %dma_wait3A_226] : memref<3x16x512xf32, #tpu.memory_space<vmem>> -> memref<1x16x512xf32, #tpu.memory_space<vmem>>
          %dma_wait3A_228 = tpu.memref_squeeze %dma_wait3A_227 : memref<1x16x512xf32, #tpu.memory_space<vmem>> -> memref<16x512xf32, #tpu.memory_space<vmem>>
          tpu.wait_dma2 semaphore(%run_scoped3A_209 : memref<!tpu.dma_semaphore, #tpu.memory_space<semaphore_mem>>) src(%dma_wait3A_228 : memref<16x512xf32, #tpu.memory_space<vmem>>) dst(%dma_wait3A_224 : memref<16x512xf32, #tpu.memory_space<hbm>>)
          tpu.yield
        }) : () -> ()
      } else {
      }
      %jit3A_138 = arith.constant 3 : i32
      %eq3A_139 = arith.constant 0 : i32
      %eq3A_140 = arith.cmpi eq, %jit3A_138, %eq3A_139 : i32
      %jit3A_141 = arith.constant 1 : i32
      %select_n3A_142 = arith.select %eq3A_140, %jit3A_141, %jit3A_138 : i32
      %rem3A_143 = arith.remsi %scan3A_36, %select_n3A_142 : i32
      %ne3A_144 = arith.constant 0 : i32
      %ne3A_145 = arith.cmpi ne, %rem3A_143, %ne3A_144 : i32
      %lt3A_146 = arith.constant 0 : i32
      %lt3A_147 = arith.cmpi slt, %rem3A_143, %lt3A_146 : i32
      %lt3A_148 = arith.constant 0 : i32
      %lt3A_149 = arith.cmpi slt, %select_n3A_142, %lt3A_148 : i32
      %ne3A_150 = arith.xori %lt3A_147, %lt3A_149 : i1
      %and3A_151 = arith.andi %ne3A_150, %ne3A_145 : i1
      %add3A_152 = arith.addi %rem3A_143, %select_n3A_142 : i32
      %select_n3A_153 = arith.select %and3A_151, %add3A_152, %rem3A_143 : i32
      %eq3A_154 = arith.constant 1 : i32
      %eq3A_155 = arith.cmpi eq, %select_n3A_153, %eq3A_154 : i32
      %ge3A_156 = arith.constant 2 : i32
      %ge3A_157 = arith.cmpi sge, %scan3A_36, %ge3A_156 : i32
      %and3A_158 = arith.andi %eq3A_155, %ge3A_157 : i1
      %convert_element_type3A_159 = arith.extui %and3A_158 : i1 to i32
      %cond3A_160 = arith.constant 0 : i32
      %cond3A_161 = arith.cmpi ne, %convert_element_type3A_159, %cond3A_160 : i32
      scf.if %cond3A_161 {
        %sub3A = arith.constant 2 : i32
        %sub3A_162 = arith.subi %scan3A_36, %sub3A : i32
        %mul3A_163 = arith.constant 16 : i32
        %mul3A_164 = arith.muli %sub3A_162, %mul3A_163 : i32
        %mul3A_165 = arith.constant 512 : i32
        %mul3A_166 = arith.muli %add3A, %mul3A_165 : i32
        %jit3A_167 = arith.constant 3 : i32
        %eq3A_168 = arith.constant 0 : i32
        %eq3A_169 = arith.cmpi eq, %jit3A_167, %eq3A_168 : i32
        %jit3A_170 = arith.constant 1 : i32
        %select_n3A_171 = arith.select %eq3A_169, %jit3A_170, %jit3A_167 : i32
        %rem3A_172 = arith.remsi %sub3A_162, %select_n3A_171 : i32
        %ne3A_173 = arith.constant 0 : i32
        %ne3A_174 = arith.cmpi ne, %rem3A_172, %ne3A_173 : i32
        %lt3A_175 = arith.constant 0 : i32
        %lt3A_176 = arith.cmpi slt, %rem3A_172, %lt3A_175 : i32
        %lt3A_177 = arith.constant 0 : i32
        %lt3A_178 = arith.cmpi slt, %select_n3A_171, %lt3A_177 : i32
        %ne3A_179 = arith.xori %lt3A_176, %lt3A_178 : i1
        %and3A_180 = arith.andi %ne3A_179, %ne3A_174 : i1
        %add3A_181 = arith.addi %rem3A_172, %select_n3A_171 : i32
        %select_n3A_182 = arith.select %and3A_180, %add3A_181, %rem3A_172 : i32
        %dma_wait3A_183 = arith.constant 0 : i32
        %dma_wait3A_184 = arith.constant 0 : i32
        %dma_wait3A_185 = tpu.memref_slice %arg6[%select_n3A_182, %dma_wait3A_183, %dma_wait3A_184] : memref<3x16x512xf32, #tpu.memory_space<vmem>> -> memref<1x16x512xf32, #tpu.memory_space<vmem>>
        %dma_wait3A_186 = tpu.memref_squeeze %dma_wait3A_185 : memref<1x16x512xf32, #tpu.memory_space<vmem>> -> memref<16x512xf32, #tpu.memory_space<vmem>>
        %dma_wait3A_187 = tpu.memref_slice %arg4[%mul3A_164, %mul3A_166] : memref<112x16384xf32, #tpu.memory_space<hbm>> -> memref<16x512xf32, #tpu.memory_space<hbm>>
        %dma_wait3A_188 = arith.constant 0 : i32
        %dma_wait3A_189 = arith.constant 0 : i32
        %dma_wait3A_190 = tpu.memref_slice %arg6[%select_n3A_182, %dma_wait3A_188, %dma_wait3A_189] : memref<3x16x512xf32, #tpu.memory_space<vmem>> -> memref<1x16x512xf32, #tpu.memory_space<vmem>>
        %dma_wait3A_191 = tpu.memref_squeeze %dma_wait3A_190 : memref<1x16x512xf32, #tpu.memory_space<vmem>> -> memref<16x512xf32, #tpu.memory_space<vmem>>
        %dma_wait3A_192 = tpu.memref_slice %arg4[%mul3A_164, %mul3A_166] : memref<112x16384xf32, #tpu.memory_space<hbm>> -> memref<16x512xf32, #tpu.memory_space<hbm>>
        tpu.wait_dma2 semaphore(%arg9 : memref<!tpu.dma_semaphore, #tpu.memory_space<semaphore_mem>>) src(%dma_wait3A_192 : memref<16x512xf32, #tpu.memory_space<hbm>>) dst(%dma_wait3A_191 : memref<16x512xf32, #tpu.memory_space<vmem>>)
        %jit3A_193 = arith.constant 3 : i32
        %eq3A_194 = arith.constant 0 : i32
        %eq3A_195 = arith.cmpi eq, %jit3A_193, %eq3A_194 : i32
        %jit3A_196 = arith.constant 1 : i32
        %select_n3A_197 = arith.select %eq3A_195, %jit3A_196, %jit3A_193 : i32
        %rem3A_198 = arith.remsi %sub3A_162, %select_n3A_197 : i32
        %ne3A_199 = arith.constant 0 : i32
        %ne3A_200 = arith.cmpi ne, %rem3A_198, %ne3A_199 : i32
        %lt3A_201 = arith.constant 0 : i32
        %lt3A_202 = arith.cmpi slt, %rem3A_198, %lt3A_201 : i32
        %lt3A_203 = arith.constant 0 : i32
        %lt3A_204 = arith.cmpi slt, %select_n3A_197, %lt3A_203 : i32
        %ne3A_205 = arith.xori %lt3A_202, %lt3A_204 : i1
        %and3A_206 = arith.andi %ne3A_205, %ne3A_200 : i1
        %add3A_207 = arith.addi %rem3A_198, %select_n3A_197 : i32
        %select_n3A_208 = arith.select %and3A_206, %add3A_207, %rem3A_198 : i32
        "tpu.region"() ({
          %run_scoped3A_209 = tpu.sem_alloc : memref<!tpu.dma_semaphore, #tpu.memory_space<semaphore_mem>>
          %dma_start3A = arith.constant 0 : i32
          %dma_start3A_210 = arith.constant 0 : i32
          %dma_start3A_211 = tpu.memref_slice %arg6[%select_n3A_208, %dma_start3A, %dma_start3A_210] : memref<3x16x512xf32, #tpu.memory_space<vmem>> -> memref<1x16x512xf32, #tpu.memory_space<vmem>>
          %dma_start3A_212 = tpu.memref_squeeze %dma_start3A_211 : memref<1x16x512xf32, #tpu.memory_space<vmem>> -> memref<16x512xf32, #tpu.memory_space<vmem>>
          %dma_start3A_213 = tpu.memref_slice %arg4[%mul3A_164, %mul3A_166] : memref<112x16384xf32, #tpu.memory_space<hbm>> -> memref<16x512xf32, #tpu.memory_space<hbm>>
          %dma_start3A_214 = tpu.memref_slice %arg4[%mul3A_164, %mul3A_166] : memref<112x16384xf32, #tpu.memory_space<hbm>> -> memref<16x512xf32, #tpu.memory_space<hbm>>
          %dma_start3A_215 = arith.constant 0 : i32
          %dma_start3A_216 = arith.constant 0 : i32
          %dma_start3A_217 = tpu.memref_slice %arg6[%select_n3A_208, %dma_start3A_215, %dma_start3A_216] : memref<3x16x512xf32, #tpu.memory_space<vmem>> -> memref<1x16x512xf32, #tpu.memory_space<vmem>>
          %dma_start3A_218 = tpu.memref_squeeze %dma_start3A_217 : memref<1x16x512xf32, #tpu.memory_space<vmem>> -> memref<16x512xf32, #tpu.memory_space<vmem>>
          tpu.enqueue_dma source(%dma_start3A_218 : memref<16x512xf32, #tpu.memory_space<vmem>>) target(%dma_start3A_214 : memref<16x512xf32, #tpu.memory_space<hbm>>) target_semaphore(%run_scoped3A_209 : memref<!tpu.dma_semaphore, #tpu.memory_space<semaphore_mem>>)
          %dma_wait3A_219 = arith.constant 0 : i32
          %dma_wait3A_220 = arith.constant 0 : i32
          %dma_wait3A_221 = tpu.memref_slice %arg6[%select_n3A_208, %dma_wait3A_219, %dma_wait3A_220] : memref<3x16x512xf32, #tpu.memory_space<vmem>> -> memref<1x16x512xf32, #tpu.memory_space<vmem>>
          %dma_wait3A_222 = tpu.memref_squeeze %dma_wait3A_221 : memref<1x16x512xf32, #tpu.memory_space<vmem>> -> memref<16x512xf32, #tpu.memory_space<vmem>>
          %dma_wait3A_223 = tpu.memref_slice %arg4[%mul3A_164, %mul3A_166] : memref<112x16384xf32, #tpu.memory_space<hbm>> -> memref<16x512xf32, #tpu.memory_space<hbm>>
          %dma_wait3A_224 = tpu.memref_slice %arg4[%mul3A_164, %mul3A_166] : memref<112x16384xf32, #tpu.memory_space<hbm>> -> memref<16x512xf32, #tpu.memory_space<hbm>>
          %dma_wait3A_225 = arith.constant 0 : i32
          %dma_wait3A_226 = arith.constant 0 : i32
          %dma_wait3A_227 = tpu.memref_slice %arg6[%select_n3A_208, %dma_wait3A_225, %dma_wait3A_226] : memref<3x16x512xf32, #tpu.memory_space<vmem>> -> memref<1x16x512xf32, #tpu.memory_space<vmem>>
          %dma_wait3A_228 = tpu.memref_squeeze %dma_wait3A_227 : memref<1x16x512xf32, #tpu.memory_space<vmem>> -> memref<16x512xf32, #tpu.memory_space<vmem>>
          tpu.wait_dma2 semaphore(%run_scoped3A_209 : memref<!tpu.dma_semaphore, #tpu.memory_space<semaphore_mem>>) src(%dma_wait3A_228 : memref<16x512xf32, #tpu.memory_space<vmem>>) dst(%dma_wait3A_224 : memref<16x512xf32, #tpu.memory_space<hbm>>)
          tpu.yield
        }) : () -> ()
      } else {
      }
    }
    %scan3A_5 = arith.constant 7 : i32
    %mul3A_6 = arith.constant 512 : i32
    %mul3A_7 = arith.muli %add3A, %mul3A_6 : i32
    %dma_wait3A = arith.constant 2 : i32
    %dma_wait3A_8 = arith.constant 0 : i32
    %dma_wait3A_9 = arith.constant 0 : i32
    %dma_wait3A_10 = tpu.memref_slice %arg6[%dma_wait3A, %dma_wait3A_8, %dma_wait3A_9] : memref<3x16x512xf32, #tpu.memory_space<vmem>> -> memref<1x16x512xf32, #tpu.memory_space<vmem>>
    %dma_wait3A_11 = tpu.memref_squeeze %dma_wait3A_10 : memref<1x16x512xf32, #tpu.memory_space<vmem>> -> memref<16x512xf32, #tpu.memory_space<vmem>>
    %dma_wait3A_12 = arith.constant 80 : i32
    %dma_wait3A_13 = tpu.memref_slice %arg4[%dma_wait3A_12, %mul3A_7] : memref<112x16384xf32, #tpu.memory_space<hbm>> -> memref<16x512xf32, #tpu.memory_space<hbm>>
    %dma_wait3A_14 = arith.constant 0 : i32
    %dma_wait3A_15 = arith.constant 0 : i32
    %dma_wait3A_16 = tpu.memref_slice %arg6[%dma_wait3A, %dma_wait3A_14, %dma_wait3A_15] : memref<3x16x512xf32, #tpu.memory_space<vmem>> -> memref<1x16x512xf32, #tpu.memory_space<vmem>>
    %dma_wait3A_17 = tpu.memref_squeeze %dma_wait3A_16 : memref<1x16x512xf32, #tpu.memory_space<vmem>> -> memref<16x512xf32, #tpu.memory_space<vmem>>
    %dma_wait3A_18 = arith.constant 80 : i32
    %dma_wait3A_19 = tpu.memref_slice %arg4[%dma_wait3A_18, %mul3A_7] : memref<112x16384xf32, #tpu.memory_space<hbm>> -> memref<16x512xf32, #tpu.memory_space<hbm>>
    tpu.wait_dma2 semaphore(%arg9 : memref<!tpu.dma_semaphore, #tpu.memory_space<semaphore_mem>>) src(%dma_wait3A_19 : memref<16x512xf32, #tpu.memory_space<hbm>>) dst(%dma_wait3A_17 : memref<16x512xf32, #tpu.memory_space<vmem>>)
    %run_scoped3A = arith.constant 2 : i32
    "tpu.region"() ({
      %run_scoped3A_36 = tpu.sem_alloc : memref<!tpu.dma_semaphore, #tpu.memory_space<semaphore_mem>>
      %dma_start3A = arith.constant 0 : i32
      %dma_start3A_37 = arith.constant 0 : i32
      %dma_start3A_38 = tpu.memref_slice %arg6[%run_scoped3A, %dma_start3A, %dma_start3A_37] : memref<3x16x512xf32, #tpu.memory_space<vmem>> -> memref<1x16x512xf32, #tpu.memory_space<vmem>>
      %dma_start3A_39 = tpu.memref_squeeze %dma_start3A_38 : memref<1x16x512xf32, #tpu.memory_space<vmem>> -> memref<16x512xf32, #tpu.memory_space<vmem>>
      %dma_start3A_40 = arith.constant 80 : i32
      %dma_start3A_41 = tpu.memref_slice %arg4[%dma_start3A_40, %mul3A_7] : memref<112x16384xf32, #tpu.memory_space<hbm>> -> memref<16x512xf32, #tpu.memory_space<hbm>>
      %dma_start3A_42 = arith.constant 80 : i32
      %dma_start3A_43 = tpu.memref_slice %arg4[%dma_start3A_42, %mul3A_7] : memref<112x16384xf32, #tpu.memory_space<hbm>> -> memref<16x512xf32, #tpu.memory_space<hbm>>
      %dma_start3A_44 = arith.constant 0 : i32
      %dma_start3A_45 = arith.constant 0 : i32
      %dma_start3A_46 = tpu.memref_slice %arg6[%run_scoped3A, %dma_start3A_44, %dma_start3A_45] : memref<3x16x512xf32, #tpu.memory_space<vmem>> -> memref<1x16x512xf32, #tpu.memory_space<vmem>>
      %dma_start3A_47 = tpu.memref_squeeze %dma_start3A_46 : memref<1x16x512xf32, #tpu.memory_space<vmem>> -> memref<16x512xf32, #tpu.memory_space<vmem>>
      tpu.enqueue_dma source(%dma_start3A_47 : memref<16x512xf32, #tpu.memory_space<vmem>>) target(%dma_start3A_43 : memref<16x512xf32, #tpu.memory_space<hbm>>) target_semaphore(%run_scoped3A_36 : memref<!tpu.dma_semaphore, #tpu.memory_space<semaphore_mem>>)
      %dma_wait3A_48 = arith.constant 0 : i32
      %dma_wait3A_49 = arith.constant 0 : i32
      %dma_wait3A_50 = tpu.memref_slice %arg6[%run_scoped3A, %dma_wait3A_48, %dma_wait3A_49] : memref<3x16x512xf32, #tpu.memory_space<vmem>> -> memref<1x16x512xf32, #tpu.memory_space<vmem>>
      %dma_wait3A_51 = tpu.memref_squeeze %dma_wait3A_50 : memref<1x16x512xf32, #tpu.memory_space<vmem>> -> memref<16x512xf32, #tpu.memory_space<vmem>>
      %dma_wait3A_52 = arith.constant 80 : i32
      %dma_wait3A_53 = tpu.memref_slice %arg4[%dma_wait3A_52, %mul3A_7] : memref<112x16384xf32, #tpu.memory_space<hbm>> -> memref<16x512xf32, #tpu.memory_space<hbm>>
      %dma_wait3A_54 = arith.constant 80 : i32
      %dma_wait3A_55 = tpu.memref_slice %arg4[%dma_wait3A_54, %mul3A_7] : memref<112x16384xf32, #tpu.memory_space<hbm>> -> memref<16x512xf32, #tpu.memory_space<hbm>>
      %dma_wait3A_56 = arith.constant 0 : i32
      %dma_wait3A_57 = arith.constant 0 : i32
      %dma_wait3A_58 = tpu.memref_slice %arg6[%run_scoped3A, %dma_wait3A_56, %dma_wait3A_57] : memref<3x16x512xf32, #tpu.memory_space<vmem>> -> memref<1x16x512xf32, #tpu.memory_space<vmem>>
      %dma_wait3A_59 = tpu.memref_squeeze %dma_wait3A_58 : memref<1x16x512xf32, #tpu.memory_space<vmem>> -> memref<16x512xf32, #tpu.memory_space<vmem>>
      tpu.wait_dma2 semaphore(%run_scoped3A_36 : memref<!tpu.dma_semaphore, #tpu.memory_space<semaphore_mem>>) src(%dma_wait3A_59 : memref<16x512xf32, #tpu.memory_space<vmem>>) dst(%dma_wait3A_55 : memref<16x512xf32, #tpu.memory_space<hbm>>)
      tpu.yield
    }) : () -> ()
    %mul3A_20 = arith.constant 512 : i32
    %mul3A_21 = arith.muli %add3A, %mul3A_20 : i32
    %dma_wait3A_22 = arith.constant 0 : i32
    %dma_wait3A_23 = arith.constant 0 : i32
    %dma_wait3A_24 = arith.constant 0 : i32
    %dma_wait3A_25 = tpu.memref_slice %arg6[%dma_wait3A_22, %dma_wait3A_23, %dma_wait3A_24] : memref<3x16x512xf32, #tpu.memory_space<vmem>> -> memref<1x16x512xf32, #tpu.memory_space<vmem>>
    %dma_wait3A_26 = tpu.memref_squeeze %dma_wait3A_25 : memref<1x16x512xf32, #tpu.memory_space<vmem>> -> memref<16x512xf32, #tpu.memory_space<vmem>>
    %dma_wait3A_27 = arith.constant 96 : i32
    %dma_wait3A_28 = tpu.memref_slice %arg4[%dma_wait3A_27, %mul3A_21] : memref<112x16384xf32, #tpu.memory_space<hbm>> -> memref<16x512xf32, #tpu.memory_space<hbm>>
    %dma_wait3A_29 = arith.constant 0 : i32
    %dma_wait3A_30 = arith.constant 0 : i32
    %dma_wait3A_31 = tpu.memref_slice %arg6[%dma_wait3A_22, %dma_wait3A_29, %dma_wait3A_30] : memref<3x16x512xf32, #tpu.memory_space<vmem>> -> memref<1x16x512xf32, #tpu.memory_space<vmem>>
    %dma_wait3A_32 = tpu.memref_squeeze %dma_wait3A_31 : memref<1x16x512xf32, #tpu.memory_space<vmem>> -> memref<16x512xf32, #tpu.memory_space<vmem>>
    %dma_wait3A_33 = arith.constant 96 : i32
    %dma_wait3A_34 = tpu.memref_slice %arg4[%dma_wait3A_33, %mul3A_21] : memref<112x16384xf32, #tpu.memory_space<hbm>> -> memref<16x512xf32, #tpu.memory_space<hbm>>
    tpu.wait_dma2 semaphore(%arg7 : memref<!tpu.dma_semaphore, #tpu.memory_space<semaphore_mem>>) src(%dma_wait3A_34 : memref<16x512xf32, #tpu.memory_space<hbm>>) dst(%dma_wait3A_32 : memref<16x512xf32, #tpu.memory_space<vmem>>)
    %run_scoped3A_35 = arith.constant 0 : i32
    "tpu.region"() ({
      %run_scoped3A_36 = tpu.sem_alloc : memref<!tpu.dma_semaphore, #tpu.memory_space<semaphore_mem>>
      %dma_start3A = arith.constant 0 : i32
      %dma_start3A_37 = arith.constant 0 : i32
      %dma_start3A_38 = tpu.memref_slice %arg6[%run_scoped3A_35, %dma_start3A, %dma_start3A_37] : memref<3x16x512xf32, #tpu.memory_space<vmem>> -> memref<1x16x512xf32, #tpu.memory_space<vmem>>
      %dma_start3A_39 = tpu.memref_squeeze %dma_start3A_38 : memref<1x16x512xf32, #tpu.memory_space<vmem>> -> memref<16x512xf32, #tpu.memory_space<vmem>>
      %dma_start3A_40 = arith.constant 96 : i32
      %dma_start3A_41 = tpu.memref_slice %arg4[%dma_start3A_40, %mul3A_21] : memref<112x16384xf32, #tpu.memory_space<hbm>> -> memref<16x512xf32, #tpu.memory_space<hbm>>
      %dma_start3A_42 = arith.constant 96 : i32
      %dma_start3A_43 = tpu.memref_slice %arg4[%dma_start3A_42, %mul3A_21] : memref<112x16384xf32, #tpu.memory_space<hbm>> -> memref<16x512xf32, #tpu.memory_space<hbm>>
      %dma_start3A_44 = arith.constant 0 : i32
      %dma_start3A_45 = arith.constant 0 : i32
      %dma_start3A_46 = tpu.memref_slice %arg6[%run_scoped3A_35, %dma_start3A_44, %dma_start3A_45] : memref<3x16x512xf32, #tpu.memory_space<vmem>> -> memref<1x16x512xf32, #tpu.memory_space<vmem>>
      %dma_start3A_47 = tpu.memref_squeeze %dma_start3A_46 : memref<1x16x512xf32, #tpu.memory_space<vmem>> -> memref<16x512xf32, #tpu.memory_space<vmem>>
      tpu.enqueue_dma source(%dma_start3A_47 : memref<16x512xf32, #tpu.memory_space<vmem>>) target(%dma_start3A_43 : memref<16x512xf32, #tpu.memory_space<hbm>>) target_semaphore(%run_scoped3A_36 : memref<!tpu.dma_semaphore, #tpu.memory_space<semaphore_mem>>)
      %dma_wait3A_48 = arith.constant 0 : i32
      %dma_wait3A_49 = arith.constant 0 : i32
      %dma_wait3A_50 = tpu.memref_slice %arg6[%run_scoped3A_35, %dma_wait3A_48, %dma_wait3A_49] : memref<3x16x512xf32, #tpu.memory_space<vmem>> -> memref<1x16x512xf32, #tpu.memory_space<vmem>>
      %dma_wait3A_51 = tpu.memref_squeeze %dma_wait3A_50 : memref<1x16x512xf32, #tpu.memory_space<vmem>> -> memref<16x512xf32, #tpu.memory_space<vmem>>
      %dma_wait3A_52 = arith.constant 96 : i32
      %dma_wait3A_53 = tpu.memref_slice %arg4[%dma_wait3A_52, %mul3A_21] : memref<112x16384xf32, #tpu.memory_space<hbm>> -> memref<16x512xf32, #tpu.memory_space<hbm>>
      %dma_wait3A_54 = arith.constant 96 : i32
      %dma_wait3A_55 = tpu.memref_slice %arg4[%dma_wait3A_54, %mul3A_21] : memref<112x16384xf32, #tpu.memory_space<hbm>> -> memref<16x512xf32, #tpu.memory_space<hbm>>
      %dma_wait3A_56 = arith.constant 0 : i32
      %dma_wait3A_57 = arith.constant 0 : i32
      %dma_wait3A_58 = tpu.memref_slice %arg6[%run_scoped3A_35, %dma_wait3A_56, %dma_wait3A_57] : memref<3x16x512xf32, #tpu.memory_space<vmem>> -> memref<1x16x512xf32, #tpu.memory_space<vmem>>
      %dma_wait3A_59 = tpu.memref_squeeze %dma_wait3A_58 : memref<1x16x512xf32, #tpu.memory_space<vmem>> -> memref<16x512xf32, #tpu.memory_space<vmem>>
      tpu.wait_dma2 semaphore(%run_scoped3A_36 : memref<!tpu.dma_semaphore, #tpu.memory_space<semaphore_mem>>) src(%dma_wait3A_59 : memref<16x512xf32, #tpu.memory_space<vmem>>) dst(%dma_wait3A_55 : memref<16x512xf32, #tpu.memory_space<hbm>>)
      tpu.yield
    }) : () -> ()
    return
  }
}

#map = affine_map<(d0, d1) -> (0, 0, 0, 0)>
#map1 = affine_map<(d0, d1) -> (0, 0)>
module attributes {stable_mosaic.version = 14 : i64} {
  func.func @_sc_gather_body(%arg0: i32, %arg1: i32, %arg2: memref<32x6x4x128xi32, #tpu.memory_space<hbm>>, %arg3: memref<96x100000xf32, #tpu.memory_space<hbm>>, %arg4: memref<96x16384xf32, #tpu.memory_space<hbm>>, %arg5: memref<6x4x128xi32, #tpu.memory_space<vmem>>, %arg6: memref<3x16x512xf32, #tpu.memory_space<vmem>>, %arg7: memref<!tpu.dma_semaphore, #tpu.memory_space<semaphore_mem>>, %arg8: memref<!tpu.dma_semaphore, #tpu.memory_space<semaphore_mem>>, %arg9: memref<!tpu.dma_semaphore, #tpu.memory_space<semaphore_mem>>) attributes {dimension_semantics = [#tpu.dimension_semantics<core_parallel>, #tpu.dimension_semantics<subcore_parallel>], iteration_bounds = array<i64: 2, 16>, scalar_prefetch = 0 : i64, scratch_operands = 5 : i64, tpu.core_type = #tpu.core_type<sc_vector_subcore>, window_params = [{transform_indices = #map}, {transform_indices = #map1}, {transform_indices = #map1}]} {
    %mul3A = arith.constant 2 : i32
    %mul3A_0 = arith.muli %arg1, %mul3A : i32
    %add3A = arith.addi %mul3A_0, %arg0 : i32
    "tpu.region"() ({
      %run_scoped3A_36 = tpu.sem_alloc : memref<!tpu.dma_semaphore, #tpu.memory_space<semaphore_mem>>
      %dma_start3A = arith.constant 0 : i32
      %dma_start3A_37 = arith.constant 0 : i32
      %dma_start3A_38 = arith.constant 0 : i32
      %dma_start3A_39 = tpu.memref_slice %arg2[%add3A, %dma_start3A, %dma_start3A_37, %dma_start3A_38] : memref<32x6x4x128xi32, #tpu.memory_space<hbm>> -> memref<1x6x4x128xi32, #tpu.memory_space<hbm>>
      %dma_start3A_40 = tpu.memref_squeeze %dma_start3A_39 : memref<1x6x4x128xi32, #tpu.memory_space<hbm>> -> memref<6x4x128xi32, #tpu.memory_space<hbm>>
      %dma_start3A_41 = arith.constant 0 : i32
      %dma_start3A_42 = arith.constant 0 : i32
      %dma_start3A_43 = arith.constant 0 : i32
      %dma_start3A_44 = tpu.memref_slice %arg2[%add3A, %dma_start3A_41, %dma_start3A_42, %dma_start3A_43] : memref<32x6x4x128xi32, #tpu.memory_space<hbm>> -> memref<1x6x4x128xi32, #tpu.memory_space<hbm>>
      %dma_start3A_45 = tpu.memref_squeeze %dma_start3A_44 : memref<1x6x4x128xi32, #tpu.memory_space<hbm>> -> memref<6x4x128xi32, #tpu.memory_space<hbm>>
      tpu.enqueue_dma source(%dma_start3A_45 : memref<6x4x128xi32, #tpu.memory_space<hbm>>) target(%arg5 : memref<6x4x128xi32, #tpu.memory_space<vmem>>) target_semaphore(%run_scoped3A_36 : memref<!tpu.dma_semaphore, #tpu.memory_space<semaphore_mem>>)
      %dma_wait3A_46 = arith.constant 0 : i32
      %dma_wait3A_47 = arith.constant 0 : i32
      %dma_wait3A_48 = arith.constant 0 : i32
      %dma_wait3A_49 = tpu.memref_slice %arg2[%add3A, %dma_wait3A_46, %dma_wait3A_47, %dma_wait3A_48] : memref<32x6x4x128xi32, #tpu.memory_space<hbm>> -> memref<1x6x4x128xi32, #tpu.memory_space<hbm>>
      %dma_wait3A_50 = tpu.memref_squeeze %dma_wait3A_49 : memref<1x6x4x128xi32, #tpu.memory_space<hbm>> -> memref<6x4x128xi32, #tpu.memory_space<hbm>>
      %dma_wait3A_51 = arith.constant 0 : i32
      %dma_wait3A_52 = arith.constant 0 : i32
      %dma_wait3A_53 = arith.constant 0 : i32
      %dma_wait3A_54 = tpu.memref_slice %arg2[%add3A, %dma_wait3A_51, %dma_wait3A_52, %dma_wait3A_53] : memref<32x6x4x128xi32, #tpu.memory_space<hbm>> -> memref<1x6x4x128xi32, #tpu.memory_space<hbm>>
      %dma_wait3A_55 = tpu.memref_squeeze %dma_wait3A_54 : memref<1x6x4x128xi32, #tpu.memory_space<hbm>> -> memref<6x4x128xi32, #tpu.memory_space<hbm>>
      tpu.wait_dma2 semaphore(%run_scoped3A_36 : memref<!tpu.dma_semaphore, #tpu.memory_space<semaphore_mem>>) src(%dma_wait3A_55 : memref<6x4x128xi32, #tpu.memory_space<hbm>>) dst(%arg5 : memref<6x4x128xi32, #tpu.memory_space<vmem>>)
      tpu.yield
    }) : () -> ()
    %scan3A = arith.constant 0 : i32
    %scan3A_1 = arith.constant 0 : i32
    %scan3A_2 = arith.constant 6 : i32
    %scan3A_3 = arith.addi %scan3A_1, %scan3A_2 : i32
    %scan3A_4 = arith.constant 1 : i32
    scf.for %scan3A_36 = %scan3A_1 to %scan3A_3 step %scan3A_4  : i32 {
      %jit3A = arith.constant 3 : i32
      %eq3A = arith.constant 0 : i32
      %eq3A_37 = arith.cmpi eq, %jit3A, %eq3A : i32
      %jit3A_38 = arith.constant 1 : i32
      %select_n3A = arith.select %eq3A_37, %jit3A_38, %jit3A : i32
      %rem3A = arith.remsi %scan3A_36, %select_n3A : i32
      %ne3A = arith.constant 0 : i32
      %ne3A_39 = arith.cmpi ne, %rem3A, %ne3A : i32
      %lt3A = arith.constant 0 : i32
      %lt3A_40 = arith.cmpi slt, %rem3A, %lt3A : i32
      %lt3A_41 = arith.constant 0 : i32
      %lt3A_42 = arith.cmpi slt, %select_n3A, %lt3A_41 : i32
      %ne3A_43 = arith.xori %lt3A_40, %lt3A_42 : i1
      %and3A = arith.andi %ne3A_43, %ne3A_39 : i1
      %add3A_44 = arith.addi %rem3A, %select_n3A : i32
      %select_n3A_45 = arith.select %and3A, %add3A_44, %rem3A : i32
      %eq3A_46 = arith.constant 0 : i32
      %eq3A_47 = arith.cmpi eq, %select_n3A_45, %eq3A_46 : i32
      %convert_element_type3A = arith.extui %eq3A_47 : i1 to i32
      %cond3A = arith.constant 0 : i32
      %cond3A_48 = arith.cmpi ne, %convert_element_type3A, %cond3A : i32
      scf.if %cond3A_48 {
        %scan3A_162 = arith.constant 0 : i32
        %scan3A_163 = arith.constant 0 : i32
        %scan3A_164 = arith.constant 16 : i32
        %scan3A_165 = arith.addi %scan3A_163, %scan3A_164 : i32
        %scan3A_166 = arith.constant 1 : i32
        scf.for %scan3A_168 = %scan3A_163 to %scan3A_165 step %scan3A_166  : i32 {
          %mul3A_169 = arith.constant 16 : i32
          %mul3A_170 = arith.muli %scan3A_36, %mul3A_169 : i32
          %add3A_171 = arith.addi %mul3A_170, %scan3A_168 : i32
          %jit3A_172 = arith.constant 3 : i32
          %eq3A_173 = arith.constant 0 : i32
          %eq3A_174 = arith.cmpi eq, %jit3A_172, %eq3A_173 : i32
          %jit3A_175 = arith.constant 1 : i32
          %select_n3A_176 = arith.select %eq3A_174, %jit3A_175, %jit3A_172 : i32
          %rem3A_177 = arith.remsi %scan3A_36, %select_n3A_176 : i32
          %ne3A_178 = arith.constant 0 : i32
          %ne3A_179 = arith.cmpi ne, %rem3A_177, %ne3A_178 : i32
          %lt3A_180 = arith.constant 0 : i32
          %lt3A_181 = arith.cmpi slt, %rem3A_177, %lt3A_180 : i32
          %lt3A_182 = arith.constant 0 : i32
          %lt3A_183 = arith.cmpi slt, %select_n3A_176, %lt3A_182 : i32
          %ne3A_184 = arith.xori %lt3A_181, %lt3A_183 : i1
          %and3A_185 = arith.andi %ne3A_184, %ne3A_179 : i1
          %add3A_186 = arith.addi %rem3A_177, %select_n3A_176 : i32
          %select_n3A_187 = arith.select %and3A_185, %add3A_186, %rem3A_177 : i32
          %dma_start3A = arith.constant 0 : i32
          %dma_start3A_188 = arith.constant 0 : i32
          %dma_start3A_189 = tpu.memref_slice %arg6[%select_n3A_187, %scan3A_168, %dma_start3A_188] : memref<3x16x512xf32, #tpu.memory_space<vmem>> -> memref<1x1x128xf32, #tpu.memory_space<vmem>>
          %dma_start3A_190 = tpu.memref_squeeze %dma_start3A_189 : memref<1x1x128xf32, #tpu.memory_space<vmem>> -> memref<128xf32, #tpu.memory_space<vmem>>
          %dma_start3A_191 = arith.constant 0 : i32
          %dma_start3A_192 = tpu.memref_slice %arg5[%scan3A_36, %dma_start3A, %dma_start3A_191] : memref<6x4x128xi32, #tpu.memory_space<vmem>> -> memref<1x1x128xi32, #tpu.memory_space<vmem>>
          %dma_start3A_193 = tpu.memref_squeeze %dma_start3A_192 : memref<1x1x128xi32, #tpu.memory_space<vmem>> -> memref<128xi32, #tpu.memory_space<vmem>>
          %dma_start3A_194 = arith.constant 0 : i32
          %dma_start3A_195 = tpu.memref_slice %arg3[%add3A_171, %dma_start3A_194] : memref<96x100000xf32, #tpu.memory_space<hbm>> -> memref<1x100000xf32, #tpu.memory_space<hbm>>
          %dma_start3A_196 = tpu.memref_squeeze %dma_start3A_195 : memref<1x100000xf32, #tpu.memory_space<hbm>> -> memref<100000xf32, #tpu.memory_space<hbm>>
          %dma_start3A_197 = arith.constant 0 : i32
          %dma_start3A_198 = tpu.memref_slice %dma_start3A_196[%dma_start3A_197] : memref<100000xf32, #tpu.memory_space<hbm>> -> memref<100000xf32, #tpu.memory_space<hbm>>
          tpu.enqueue_indirect_dma source(%dma_start3A_198 : memref<100000xf32, #tpu.memory_space<hbm>>) target(%dma_start3A_190 : memref<128xf32, #tpu.memory_space<vmem>>) offsets(%dma_start3A_193 : memref<128xi32, #tpu.memory_space<vmem>>) semaphore(%arg7 : memref<!tpu.dma_semaphore, #tpu.memory_space<semaphore_mem>>)
          %jit3A_199 = arith.constant 3 : i32
          %eq3A_200 = arith.constant 0 : i32
          %eq3A_201 = arith.cmpi eq, %jit3A_199, %eq3A_200 : i32
          %jit3A_202 = arith.constant 1 : i32
          %select_n3A_203 = arith.select %eq3A_201, %jit3A_202, %jit3A_199 : i32
          %rem3A_204 = arith.remsi %scan3A_36, %select_n3A_203 : i32
          %ne3A_205 = arith.constant 0 : i32
          %ne3A_206 = arith.cmpi ne, %rem3A_204, %ne3A_205 : i32
          %lt3A_207 = arith.constant 0 : i32
          %lt3A_208 = arith.cmpi slt, %rem3A_204, %lt3A_207 : i32
          %lt3A_209 = arith.constant 0 : i32
          %lt3A_210 = arith.cmpi slt, %select_n3A_203, %lt3A_209 : i32
          %ne3A_211 = arith.xori %lt3A_208, %lt3A_210 : i1
          %and3A_212 = arith.andi %ne3A_211, %ne3A_206 : i1
          %add3A_213 = arith.addi %rem3A_204, %select_n3A_203 : i32
          %select_n3A_214 = arith.select %and3A_212, %add3A_213, %rem3A_204 : i32
          %dma_start3A_215 = arith.constant 1 : i32
          %dma_start3A_216 = arith.constant 128 : i32
          %dma_start3A_217 = tpu.memref_slice %arg6[%select_n3A_214, %scan3A_168, %dma_start3A_216] : memref<3x16x512xf32, #tpu.memory_space<vmem>> -> memref<1x1x128xf32, #tpu.memory_space<vmem>>
          %dma_start3A_218 = tpu.memref_squeeze %dma_start3A_217 : memref<1x1x128xf32, #tpu.memory_space<vmem>> -> memref<128xf32, #tpu.memory_space<vmem>>
          %dma_start3A_219 = arith.constant 0 : i32
          %dma_start3A_220 = tpu.memref_slice %arg5[%scan3A_36, %dma_start3A_215, %dma_start3A_219] : memref<6x4x128xi32, #tpu.memory_space<vmem>> -> memref<1x1x128xi32, #tpu.memory_space<vmem>>
          %dma_start3A_221 = tpu.memref_squeeze %dma_start3A_220 : memref<1x1x128xi32, #tpu.memory_space<vmem>> -> memref<128xi32, #tpu.memory_space<vmem>>
          %dma_start3A_222 = arith.constant 0 : i32
          %dma_start3A_223 = tpu.memref_slice %arg3[%add3A_171, %dma_start3A_222] : memref<96x100000xf32, #tpu.memory_space<hbm>> -> memref<1x100000xf32, #tpu.memory_space<hbm>>
          %dma_start3A_224 = tpu.memref_squeeze %dma_start3A_223 : memref<1x100000xf32, #tpu.memory_space<hbm>> -> memref<100000xf32, #tpu.memory_space<hbm>>
          %dma_start3A_225 = arith.constant 0 : i32
          %dma_start3A_226 = tpu.memref_slice %dma_start3A_224[%dma_start3A_225] : memref<100000xf32, #tpu.memory_space<hbm>> -> memref<100000xf32, #tpu.memory_space<hbm>>
          tpu.enqueue_indirect_dma source(%dma_start3A_226 : memref<100000xf32, #tpu.memory_space<hbm>>) target(%dma_start3A_218 : memref<128xf32, #tpu.memory_space<vmem>>) offsets(%dma_start3A_221 : memref<128xi32, #tpu.memory_space<vmem>>) semaphore(%arg7 : memref<!tpu.dma_semaphore, #tpu.memory_space<semaphore_mem>>)
          %jit3A_227 = arith.constant 3 : i32
          %eq3A_228 = arith.constant 0 : i32
          %eq3A_229 = arith.cmpi eq, %jit3A_227, %eq3A_228 : i32
          %jit3A_230 = arith.constant 1 : i32
          %select_n3A_231 = arith.select %eq3A_229, %jit3A_230, %jit3A_227 : i32
          %rem3A_232 = arith.remsi %scan3A_36, %select_n3A_231 : i32
          %ne3A_233 = arith.constant 0 : i32
          %ne3A_234 = arith.cmpi ne, %rem3A_232, %ne3A_233 : i32
          %lt3A_235 = arith.constant 0 : i32
          %lt3A_236 = arith.cmpi slt, %rem3A_232, %lt3A_235 : i32
          %lt3A_237 = arith.constant 0 : i32
          %lt3A_238 = arith.cmpi slt, %select_n3A_231, %lt3A_237 : i32
          %ne3A_239 = arith.xori %lt3A_236, %lt3A_238 : i1
          %and3A_240 = arith.andi %ne3A_239, %ne3A_234 : i1
          %add3A_241 = arith.addi %rem3A_232, %select_n3A_231 : i32
          %select_n3A_242 = arith.select %and3A_240, %add3A_241, %rem3A_232 : i32
          %dma_start3A_243 = arith.constant 2 : i32
          %dma_start3A_244 = arith.constant 256 : i32
          %dma_start3A_245 = tpu.memref_slice %arg6[%select_n3A_242, %scan3A_168, %dma_start3A_244] : memref<3x16x512xf32, #tpu.memory_space<vmem>> -> memref<1x1x128xf32, #tpu.memory_space<vmem>>
          %dma_start3A_246 = tpu.memref_squeeze %dma_start3A_245 : memref<1x1x128xf32, #tpu.memory_space<vmem>> -> memref<128xf32, #tpu.memory_space<vmem>>
          %dma_start3A_247 = arith.constant 0 : i32
          %dma_start3A_248 = tpu.memref_slice %arg5[%scan3A_36, %dma_start3A_243, %dma_start3A_247] : memref<6x4x128xi32, #tpu.memory_space<vmem>> -> memref<1x1x128xi32, #tpu.memory_space<vmem>>
          %dma_start3A_249 = tpu.memref_squeeze %dma_start3A_248 : memref<1x1x128xi32, #tpu.memory_space<vmem>> -> memref<128xi32, #tpu.memory_space<vmem>>
          %dma_start3A_250 = arith.constant 0 : i32
          %dma_start3A_251 = tpu.memref_slice %arg3[%add3A_171, %dma_start3A_250] : memref<96x100000xf32, #tpu.memory_space<hbm>> -> memref<1x100000xf32, #tpu.memory_space<hbm>>
          %dma_start3A_252 = tpu.memref_squeeze %dma_start3A_251 : memref<1x100000xf32, #tpu.memory_space<hbm>> -> memref<100000xf32, #tpu.memory_space<hbm>>
          %dma_start3A_253 = arith.constant 0 : i32
          %dma_start3A_254 = tpu.memref_slice %dma_start3A_252[%dma_start3A_253] : memref<100000xf32, #tpu.memory_space<hbm>> -> memref<100000xf32, #tpu.memory_space<hbm>>
          tpu.enqueue_indirect_dma source(%dma_start3A_254 : memref<100000xf32, #tpu.memory_space<hbm>>) target(%dma_start3A_246 : memref<128xf32, #tpu.memory_space<vmem>>) offsets(%dma_start3A_249 : memref<128xi32, #tpu.memory_space<vmem>>) semaphore(%arg7 : memref<!tpu.dma_semaphore, #tpu.memory_space<semaphore_mem>>)
          %jit3A_255 = arith.constant 3 : i32
          %eq3A_256 = arith.constant 0 : i32
          %eq3A_257 = arith.cmpi eq, %jit3A_255, %eq3A_256 : i32
          %jit3A_258 = arith.constant 1 : i32
          %select_n3A_259 = arith.select %eq3A_257, %jit3A_258, %jit3A_255 : i32
          %rem3A_260 = arith.remsi %scan3A_36, %select_n3A_259 : i32
          %ne3A_261 = arith.constant 0 : i32
          %ne3A_262 = arith.cmpi ne, %rem3A_260, %ne3A_261 : i32
          %lt3A_263 = arith.constant 0 : i32
          %lt3A_264 = arith.cmpi slt, %rem3A_260, %lt3A_263 : i32
          %lt3A_265 = arith.constant 0 : i32
          %lt3A_266 = arith.cmpi slt, %select_n3A_259, %lt3A_265 : i32
          %ne3A_267 = arith.xori %lt3A_264, %lt3A_266 : i1
          %and3A_268 = arith.andi %ne3A_267, %ne3A_262 : i1
          %add3A_269 = arith.addi %rem3A_260, %select_n3A_259 : i32
          %select_n3A_270 = arith.select %and3A_268, %add3A_269, %rem3A_260 : i32
          %dma_start3A_271 = arith.constant 3 : i32
          %dma_start3A_272 = arith.constant 384 : i32
          %dma_start3A_273 = tpu.memref_slice %arg6[%select_n3A_270, %scan3A_168, %dma_start3A_272] : memref<3x16x512xf32, #tpu.memory_space<vmem>> -> memref<1x1x128xf32, #tpu.memory_space<vmem>>
          %dma_start3A_274 = tpu.memref_squeeze %dma_start3A_273 : memref<1x1x128xf32, #tpu.memory_space<vmem>> -> memref<128xf32, #tpu.memory_space<vmem>>
          %dma_start3A_275 = arith.constant 0 : i32
          %dma_start3A_276 = tpu.memref_slice %arg5[%scan3A_36, %dma_start3A_271, %dma_start3A_275] : memref<6x4x128xi32, #tpu.memory_space<vmem>> -> memref<1x1x128xi32, #tpu.memory_space<vmem>>
          %dma_start3A_277 = tpu.memref_squeeze %dma_start3A_276 : memref<1x1x128xi32, #tpu.memory_space<vmem>> -> memref<128xi32, #tpu.memory_space<vmem>>
          %dma_start3A_278 = arith.constant 0 : i32
          %dma_start3A_279 = tpu.memref_slice %arg3[%add3A_171, %dma_start3A_278] : memref<96x100000xf32, #tpu.memory_space<hbm>> -> memref<1x100000xf32, #tpu.memory_space<hbm>>
          %dma_start3A_280 = tpu.memref_squeeze %dma_start3A_279 : memref<1x100000xf32, #tpu.memory_space<hbm>> -> memref<100000xf32, #tpu.memory_space<hbm>>
          %dma_start3A_281 = arith.constant 0 : i32
          %dma_start3A_282 = tpu.memref_slice %dma_start3A_280[%dma_start3A_281] : memref<100000xf32, #tpu.memory_space<hbm>> -> memref<100000xf32, #tpu.memory_space<hbm>>
          tpu.enqueue_indirect_dma source(%dma_start3A_282 : memref<100000xf32, #tpu.memory_space<hbm>>) target(%dma_start3A_274 : memref<128xf32, #tpu.memory_space<vmem>>) offsets(%dma_start3A_277 : memref<128xi32, #tpu.memory_space<vmem>>) semaphore(%arg7 : memref<!tpu.dma_semaphore, #tpu.memory_space<semaphore_mem>>)
        }
        %scan3A_167 = arith.constant 16 : i32
      } else {
      }
      %jit3A_49 = arith.constant 3 : i32
      %eq3A_50 = arith.constant 0 : i32
      %eq3A_51 = arith.cmpi eq, %jit3A_49, %eq3A_50 : i32
      %jit3A_52 = arith.constant 1 : i32
      %select_n3A_53 = arith.select %eq3A_51, %jit3A_52, %jit3A_49 : i32
      %rem3A_54 = arith.remsi %scan3A_36, %select_n3A_53 : i32
      %ne3A_55 = arith.constant 0 : i32
      %ne3A_56 = arith.cmpi ne, %rem3A_54, %ne3A_55 : i32
      %lt3A_57 = arith.constant 0 : i32
      %lt3A_58 = arith.cmpi slt, %rem3A_54, %lt3A_57 : i32
      %lt3A_59 = arith.constant 0 : i32
      %lt3A_60 = arith.cmpi slt, %select_n3A_53, %lt3A_59 : i32
      %ne3A_61 = arith.xori %lt3A_58, %lt3A_60 : i1
      %and3A_62 = arith.andi %ne3A_61, %ne3A_56 : i1
      %add3A_63 = arith.addi %rem3A_54, %select_n3A_53 : i32
      %select_n3A_64 = arith.select %and3A_62, %add3A_63, %rem3A_54 : i32
      %eq3A_65 = arith.constant 1 : i32
      %eq3A_66 = arith.cmpi eq, %select_n3A_64, %eq3A_65 : i32
      %convert_element_type3A_67 = arith.extui %eq3A_66 : i1 to i32
      %cond3A_68 = arith.constant 0 : i32
      %cond3A_69 = arith.cmpi ne, %convert_element_type3A_67, %cond3A_68 : i32
      scf.if %cond3A_69 {
        %scan3A_162 = arith.constant 0 : i32
        %scan3A_163 = arith.constant 0 : i32
        %scan3A_164 = arith.constant 16 : i32
        %scan3A_165 = arith.addi %scan3A_163, %scan3A_164 : i32
        %scan3A_166 = arith.constant 1 : i32
        scf.for %scan3A_168 = %scan3A_163 to %scan3A_165 step %scan3A_166  : i32 {
          %mul3A_169 = arith.constant 16 : i32
          %mul3A_170 = arith.muli %scan3A_36, %mul3A_169 : i32
          %add3A_171 = arith.addi %mul3A_170, %scan3A_168 : i32
          %jit3A_172 = arith.constant 3 : i32
          %eq3A_173 = arith.constant 0 : i32
          %eq3A_174 = arith.cmpi eq, %jit3A_172, %eq3A_173 : i32
          %jit3A_175 = arith.constant 1 : i32
          %select_n3A_176 = arith.select %eq3A_174, %jit3A_175, %jit3A_172 : i32
          %rem3A_177 = arith.remsi %scan3A_36, %select_n3A_176 : i32
          %ne3A_178 = arith.constant 0 : i32
          %ne3A_179 = arith.cmpi ne, %rem3A_177, %ne3A_178 : i32
          %lt3A_180 = arith.constant 0 : i32
          %lt3A_181 = arith.cmpi slt, %rem3A_177, %lt3A_180 : i32
          %lt3A_182 = arith.constant 0 : i32
          %lt3A_183 = arith.cmpi slt, %select_n3A_176, %lt3A_182 : i32
          %ne3A_184 = arith.xori %lt3A_181, %lt3A_183 : i1
          %and3A_185 = arith.andi %ne3A_184, %ne3A_179 : i1
          %add3A_186 = arith.addi %rem3A_177, %select_n3A_176 : i32
          %select_n3A_187 = arith.select %and3A_185, %add3A_186, %rem3A_177 : i32
          %dma_start3A = arith.constant 0 : i32
          %dma_start3A_188 = arith.constant 0 : i32
          %dma_start3A_189 = tpu.memref_slice %arg6[%select_n3A_187, %scan3A_168, %dma_start3A_188] : memref<3x16x512xf32, #tpu.memory_space<vmem>> -> memref<1x1x128xf32, #tpu.memory_space<vmem>>
          %dma_start3A_190 = tpu.memref_squeeze %dma_start3A_189 : memref<1x1x128xf32, #tpu.memory_space<vmem>> -> memref<128xf32, #tpu.memory_space<vmem>>
          %dma_start3A_191 = arith.constant 0 : i32
          %dma_start3A_192 = tpu.memref_slice %arg5[%scan3A_36, %dma_start3A, %dma_start3A_191] : memref<6x4x128xi32, #tpu.memory_space<vmem>> -> memref<1x1x128xi32, #tpu.memory_space<vmem>>
          %dma_start3A_193 = tpu.memref_squeeze %dma_start3A_192 : memref<1x1x128xi32, #tpu.memory_space<vmem>> -> memref<128xi32, #tpu.memory_space<vmem>>
          %dma_start3A_194 = arith.constant 0 : i32
          %dma_start3A_195 = tpu.memref_slice %arg3[%add3A_171, %dma_start3A_194] : memref<96x100000xf32, #tpu.memory_space<hbm>> -> memref<1x100000xf32, #tpu.memory_space<hbm>>
          %dma_start3A_196 = tpu.memref_squeeze %dma_start3A_195 : memref<1x100000xf32, #tpu.memory_space<hbm>> -> memref<100000xf32, #tpu.memory_space<hbm>>
          %dma_start3A_197 = arith.constant 0 : i32
          %dma_start3A_198 = tpu.memref_slice %dma_start3A_196[%dma_start3A_197] : memref<100000xf32, #tpu.memory_space<hbm>> -> memref<100000xf32, #tpu.memory_space<hbm>>
          tpu.enqueue_indirect_dma source(%dma_start3A_198 : memref<100000xf32, #tpu.memory_space<hbm>>) target(%dma_start3A_190 : memref<128xf32, #tpu.memory_space<vmem>>) offsets(%dma_start3A_193 : memref<128xi32, #tpu.memory_space<vmem>>) semaphore(%arg8 : memref<!tpu.dma_semaphore, #tpu.memory_space<semaphore_mem>>)
          %jit3A_199 = arith.constant 3 : i32
          %eq3A_200 = arith.constant 0 : i32
          %eq3A_201 = arith.cmpi eq, %jit3A_199, %eq3A_200 : i32
          %jit3A_202 = arith.constant 1 : i32
          %select_n3A_203 = arith.select %eq3A_201, %jit3A_202, %jit3A_199 : i32
          %rem3A_204 = arith.remsi %scan3A_36, %select_n3A_203 : i32
          %ne3A_205 = arith.constant 0 : i32
          %ne3A_206 = arith.cmpi ne, %rem3A_204, %ne3A_205 : i32
          %lt3A_207 = arith.constant 0 : i32
          %lt3A_208 = arith.cmpi slt, %rem3A_204, %lt3A_207 : i32
          %lt3A_209 = arith.constant 0 : i32
          %lt3A_210 = arith.cmpi slt, %select_n3A_203, %lt3A_209 : i32
          %ne3A_211 = arith.xori %lt3A_208, %lt3A_210 : i1
          %and3A_212 = arith.andi %ne3A_211, %ne3A_206 : i1
          %add3A_213 = arith.addi %rem3A_204, %select_n3A_203 : i32
          %select_n3A_214 = arith.select %and3A_212, %add3A_213, %rem3A_204 : i32
          %dma_start3A_215 = arith.constant 1 : i32
          %dma_start3A_216 = arith.constant 128 : i32
          %dma_start3A_217 = tpu.memref_slice %arg6[%select_n3A_214, %scan3A_168, %dma_start3A_216] : memref<3x16x512xf32, #tpu.memory_space<vmem>> -> memref<1x1x128xf32, #tpu.memory_space<vmem>>
          %dma_start3A_218 = tpu.memref_squeeze %dma_start3A_217 : memref<1x1x128xf32, #tpu.memory_space<vmem>> -> memref<128xf32, #tpu.memory_space<vmem>>
          %dma_start3A_219 = arith.constant 0 : i32
          %dma_start3A_220 = tpu.memref_slice %arg5[%scan3A_36, %dma_start3A_215, %dma_start3A_219] : memref<6x4x128xi32, #tpu.memory_space<vmem>> -> memref<1x1x128xi32, #tpu.memory_space<vmem>>
          %dma_start3A_221 = tpu.memref_squeeze %dma_start3A_220 : memref<1x1x128xi32, #tpu.memory_space<vmem>> -> memref<128xi32, #tpu.memory_space<vmem>>
          %dma_start3A_222 = arith.constant 0 : i32
          %dma_start3A_223 = tpu.memref_slice %arg3[%add3A_171, %dma_start3A_222] : memref<96x100000xf32, #tpu.memory_space<hbm>> -> memref<1x100000xf32, #tpu.memory_space<hbm>>
          %dma_start3A_224 = tpu.memref_squeeze %dma_start3A_223 : memref<1x100000xf32, #tpu.memory_space<hbm>> -> memref<100000xf32, #tpu.memory_space<hbm>>
          %dma_start3A_225 = arith.constant 0 : i32
          %dma_start3A_226 = tpu.memref_slice %dma_start3A_224[%dma_start3A_225] : memref<100000xf32, #tpu.memory_space<hbm>> -> memref<100000xf32, #tpu.memory_space<hbm>>
          tpu.enqueue_indirect_dma source(%dma_start3A_226 : memref<100000xf32, #tpu.memory_space<hbm>>) target(%dma_start3A_218 : memref<128xf32, #tpu.memory_space<vmem>>) offsets(%dma_start3A_221 : memref<128xi32, #tpu.memory_space<vmem>>) semaphore(%arg8 : memref<!tpu.dma_semaphore, #tpu.memory_space<semaphore_mem>>)
          %jit3A_227 = arith.constant 3 : i32
          %eq3A_228 = arith.constant 0 : i32
          %eq3A_229 = arith.cmpi eq, %jit3A_227, %eq3A_228 : i32
          %jit3A_230 = arith.constant 1 : i32
          %select_n3A_231 = arith.select %eq3A_229, %jit3A_230, %jit3A_227 : i32
          %rem3A_232 = arith.remsi %scan3A_36, %select_n3A_231 : i32
          %ne3A_233 = arith.constant 0 : i32
          %ne3A_234 = arith.cmpi ne, %rem3A_232, %ne3A_233 : i32
          %lt3A_235 = arith.constant 0 : i32
          %lt3A_236 = arith.cmpi slt, %rem3A_232, %lt3A_235 : i32
          %lt3A_237 = arith.constant 0 : i32
          %lt3A_238 = arith.cmpi slt, %select_n3A_231, %lt3A_237 : i32
          %ne3A_239 = arith.xori %lt3A_236, %lt3A_238 : i1
          %and3A_240 = arith.andi %ne3A_239, %ne3A_234 : i1
          %add3A_241 = arith.addi %rem3A_232, %select_n3A_231 : i32
          %select_n3A_242 = arith.select %and3A_240, %add3A_241, %rem3A_232 : i32
          %dma_start3A_243 = arith.constant 2 : i32
          %dma_start3A_244 = arith.constant 256 : i32
          %dma_start3A_245 = tpu.memref_slice %arg6[%select_n3A_242, %scan3A_168, %dma_start3A_244] : memref<3x16x512xf32, #tpu.memory_space<vmem>> -> memref<1x1x128xf32, #tpu.memory_space<vmem>>
          %dma_start3A_246 = tpu.memref_squeeze %dma_start3A_245 : memref<1x1x128xf32, #tpu.memory_space<vmem>> -> memref<128xf32, #tpu.memory_space<vmem>>
          %dma_start3A_247 = arith.constant 0 : i32
          %dma_start3A_248 = tpu.memref_slice %arg5[%scan3A_36, %dma_start3A_243, %dma_start3A_247] : memref<6x4x128xi32, #tpu.memory_space<vmem>> -> memref<1x1x128xi32, #tpu.memory_space<vmem>>
          %dma_start3A_249 = tpu.memref_squeeze %dma_start3A_248 : memref<1x1x128xi32, #tpu.memory_space<vmem>> -> memref<128xi32, #tpu.memory_space<vmem>>
          %dma_start3A_250 = arith.constant 0 : i32
          %dma_start3A_251 = tpu.memref_slice %arg3[%add3A_171, %dma_start3A_250] : memref<96x100000xf32, #tpu.memory_space<hbm>> -> memref<1x100000xf32, #tpu.memory_space<hbm>>
          %dma_start3A_252 = tpu.memref_squeeze %dma_start3A_251 : memref<1x100000xf32, #tpu.memory_space<hbm>> -> memref<100000xf32, #tpu.memory_space<hbm>>
          %dma_start3A_253 = arith.constant 0 : i32
          %dma_start3A_254 = tpu.memref_slice %dma_start3A_252[%dma_start3A_253] : memref<100000xf32, #tpu.memory_space<hbm>> -> memref<100000xf32, #tpu.memory_space<hbm>>
          tpu.enqueue_indirect_dma source(%dma_start3A_254 : memref<100000xf32, #tpu.memory_space<hbm>>) target(%dma_start3A_246 : memref<128xf32, #tpu.memory_space<vmem>>) offsets(%dma_start3A_249 : memref<128xi32, #tpu.memory_space<vmem>>) semaphore(%arg8 : memref<!tpu.dma_semaphore, #tpu.memory_space<semaphore_mem>>)
          %jit3A_255 = arith.constant 3 : i32
          %eq3A_256 = arith.constant 0 : i32
          %eq3A_257 = arith.cmpi eq, %jit3A_255, %eq3A_256 : i32
          %jit3A_258 = arith.constant 1 : i32
          %select_n3A_259 = arith.select %eq3A_257, %jit3A_258, %jit3A_255 : i32
          %rem3A_260 = arith.remsi %scan3A_36, %select_n3A_259 : i32
          %ne3A_261 = arith.constant 0 : i32
          %ne3A_262 = arith.cmpi ne, %rem3A_260, %ne3A_261 : i32
          %lt3A_263 = arith.constant 0 : i32
          %lt3A_264 = arith.cmpi slt, %rem3A_260, %lt3A_263 : i32
          %lt3A_265 = arith.constant 0 : i32
          %lt3A_266 = arith.cmpi slt, %select_n3A_259, %lt3A_265 : i32
          %ne3A_267 = arith.xori %lt3A_264, %lt3A_266 : i1
          %and3A_268 = arith.andi %ne3A_267, %ne3A_262 : i1
          %add3A_269 = arith.addi %rem3A_260, %select_n3A_259 : i32
          %select_n3A_270 = arith.select %and3A_268, %add3A_269, %rem3A_260 : i32
          %dma_start3A_271 = arith.constant 3 : i32
          %dma_start3A_272 = arith.constant 384 : i32
          %dma_start3A_273 = tpu.memref_slice %arg6[%select_n3A_270, %scan3A_168, %dma_start3A_272] : memref<3x16x512xf32, #tpu.memory_space<vmem>> -> memref<1x1x128xf32, #tpu.memory_space<vmem>>
          %dma_start3A_274 = tpu.memref_squeeze %dma_start3A_273 : memref<1x1x128xf32, #tpu.memory_space<vmem>> -> memref<128xf32, #tpu.memory_space<vmem>>
          %dma_start3A_275 = arith.constant 0 : i32
          %dma_start3A_276 = tpu.memref_slice %arg5[%scan3A_36, %dma_start3A_271, %dma_start3A_275] : memref<6x4x128xi32, #tpu.memory_space<vmem>> -> memref<1x1x128xi32, #tpu.memory_space<vmem>>
          %dma_start3A_277 = tpu.memref_squeeze %dma_start3A_276 : memref<1x1x128xi32, #tpu.memory_space<vmem>> -> memref<128xi32, #tpu.memory_space<vmem>>
          %dma_start3A_278 = arith.constant 0 : i32
          %dma_start3A_279 = tpu.memref_slice %arg3[%add3A_171, %dma_start3A_278] : memref<96x100000xf32, #tpu.memory_space<hbm>> -> memref<1x100000xf32, #tpu.memory_space<hbm>>
          %dma_start3A_280 = tpu.memref_squeeze %dma_start3A_279 : memref<1x100000xf32, #tpu.memory_space<hbm>> -> memref<100000xf32, #tpu.memory_space<hbm>>
          %dma_start3A_281 = arith.constant 0 : i32
          %dma_start3A_282 = tpu.memref_slice %dma_start3A_280[%dma_start3A_281] : memref<100000xf32, #tpu.memory_space<hbm>> -> memref<100000xf32, #tpu.memory_space<hbm>>
          tpu.enqueue_indirect_dma source(%dma_start3A_282 : memref<100000xf32, #tpu.memory_space<hbm>>) target(%dma_start3A_274 : memref<128xf32, #tpu.memory_space<vmem>>) offsets(%dma_start3A_277 : memref<128xi32, #tpu.memory_space<vmem>>) semaphore(%arg8 : memref<!tpu.dma_semaphore, #tpu.memory_space<semaphore_mem>>)
        }
        %scan3A_167 = arith.constant 16 : i32
      } else {
      }
      %jit3A_70 = arith.constant 3 : i32
      %eq3A_71 = arith.constant 0 : i32
      %eq3A_72 = arith.cmpi eq, %jit3A_70, %eq3A_71 : i32
      %jit3A_73 = arith.constant 1 : i32
      %select_n3A_74 = arith.select %eq3A_72, %jit3A_73, %jit3A_70 : i32
      %rem3A_75 = arith.remsi %scan3A_36, %select_n3A_74 : i32
      %ne3A_76 = arith.constant 0 : i32
      %ne3A_77 = arith.cmpi ne, %rem3A_75, %ne3A_76 : i32
      %lt3A_78 = arith.constant 0 : i32
      %lt3A_79 = arith.cmpi slt, %rem3A_75, %lt3A_78 : i32
      %lt3A_80 = arith.constant 0 : i32
      %lt3A_81 = arith.cmpi slt, %select_n3A_74, %lt3A_80 : i32
      %ne3A_82 = arith.xori %lt3A_79, %lt3A_81 : i1
      %and3A_83 = arith.andi %ne3A_82, %ne3A_77 : i1
      %add3A_84 = arith.addi %rem3A_75, %select_n3A_74 : i32
      %select_n3A_85 = arith.select %and3A_83, %add3A_84, %rem3A_75 : i32
      %eq3A_86 = arith.constant 2 : i32
      %eq3A_87 = arith.cmpi eq, %select_n3A_85, %eq3A_86 : i32
      %convert_element_type3A_88 = arith.extui %eq3A_87 : i1 to i32
      %cond3A_89 = arith.constant 0 : i32
      %cond3A_90 = arith.cmpi ne, %convert_element_type3A_88, %cond3A_89 : i32
      scf.if %cond3A_90 {
        %scan3A_162 = arith.constant 0 : i32
        %scan3A_163 = arith.constant 0 : i32
        %scan3A_164 = arith.constant 16 : i32
        %scan3A_165 = arith.addi %scan3A_163, %scan3A_164 : i32
        %scan3A_166 = arith.constant 1 : i32
        scf.for %scan3A_168 = %scan3A_163 to %scan3A_165 step %scan3A_166  : i32 {
          %mul3A_169 = arith.constant 16 : i32
          %mul3A_170 = arith.muli %scan3A_36, %mul3A_169 : i32
          %add3A_171 = arith.addi %mul3A_170, %scan3A_168 : i32
          %jit3A_172 = arith.constant 3 : i32
          %eq3A_173 = arith.constant 0 : i32
          %eq3A_174 = arith.cmpi eq, %jit3A_172, %eq3A_173 : i32
          %jit3A_175 = arith.constant 1 : i32
          %select_n3A_176 = arith.select %eq3A_174, %jit3A_175, %jit3A_172 : i32
          %rem3A_177 = arith.remsi %scan3A_36, %select_n3A_176 : i32
          %ne3A_178 = arith.constant 0 : i32
          %ne3A_179 = arith.cmpi ne, %rem3A_177, %ne3A_178 : i32
          %lt3A_180 = arith.constant 0 : i32
          %lt3A_181 = arith.cmpi slt, %rem3A_177, %lt3A_180 : i32
          %lt3A_182 = arith.constant 0 : i32
          %lt3A_183 = arith.cmpi slt, %select_n3A_176, %lt3A_182 : i32
          %ne3A_184 = arith.xori %lt3A_181, %lt3A_183 : i1
          %and3A_185 = arith.andi %ne3A_184, %ne3A_179 : i1
          %add3A_186 = arith.addi %rem3A_177, %select_n3A_176 : i32
          %select_n3A_187 = arith.select %and3A_185, %add3A_186, %rem3A_177 : i32
          %dma_start3A = arith.constant 0 : i32
          %dma_start3A_188 = arith.constant 0 : i32
          %dma_start3A_189 = tpu.memref_slice %arg6[%select_n3A_187, %scan3A_168, %dma_start3A_188] : memref<3x16x512xf32, #tpu.memory_space<vmem>> -> memref<1x1x128xf32, #tpu.memory_space<vmem>>
          %dma_start3A_190 = tpu.memref_squeeze %dma_start3A_189 : memref<1x1x128xf32, #tpu.memory_space<vmem>> -> memref<128xf32, #tpu.memory_space<vmem>>
          %dma_start3A_191 = arith.constant 0 : i32
          %dma_start3A_192 = tpu.memref_slice %arg5[%scan3A_36, %dma_start3A, %dma_start3A_191] : memref<6x4x128xi32, #tpu.memory_space<vmem>> -> memref<1x1x128xi32, #tpu.memory_space<vmem>>
          %dma_start3A_193 = tpu.memref_squeeze %dma_start3A_192 : memref<1x1x128xi32, #tpu.memory_space<vmem>> -> memref<128xi32, #tpu.memory_space<vmem>>
          %dma_start3A_194 = arith.constant 0 : i32
          %dma_start3A_195 = tpu.memref_slice %arg3[%add3A_171, %dma_start3A_194] : memref<96x100000xf32, #tpu.memory_space<hbm>> -> memref<1x100000xf32, #tpu.memory_space<hbm>>
          %dma_start3A_196 = tpu.memref_squeeze %dma_start3A_195 : memref<1x100000xf32, #tpu.memory_space<hbm>> -> memref<100000xf32, #tpu.memory_space<hbm>>
          %dma_start3A_197 = arith.constant 0 : i32
          %dma_start3A_198 = tpu.memref_slice %dma_start3A_196[%dma_start3A_197] : memref<100000xf32, #tpu.memory_space<hbm>> -> memref<100000xf32, #tpu.memory_space<hbm>>
          tpu.enqueue_indirect_dma source(%dma_start3A_198 : memref<100000xf32, #tpu.memory_space<hbm>>) target(%dma_start3A_190 : memref<128xf32, #tpu.memory_space<vmem>>) offsets(%dma_start3A_193 : memref<128xi32, #tpu.memory_space<vmem>>) semaphore(%arg9 : memref<!tpu.dma_semaphore, #tpu.memory_space<semaphore_mem>>)
          %jit3A_199 = arith.constant 3 : i32
          %eq3A_200 = arith.constant 0 : i32
          %eq3A_201 = arith.cmpi eq, %jit3A_199, %eq3A_200 : i32
          %jit3A_202 = arith.constant 1 : i32
          %select_n3A_203 = arith.select %eq3A_201, %jit3A_202, %jit3A_199 : i32
          %rem3A_204 = arith.remsi %scan3A_36, %select_n3A_203 : i32
          %ne3A_205 = arith.constant 0 : i32
          %ne3A_206 = arith.cmpi ne, %rem3A_204, %ne3A_205 : i32
          %lt3A_207 = arith.constant 0 : i32
          %lt3A_208 = arith.cmpi slt, %rem3A_204, %lt3A_207 : i32
          %lt3A_209 = arith.constant 0 : i32
          %lt3A_210 = arith.cmpi slt, %select_n3A_203, %lt3A_209 : i32
          %ne3A_211 = arith.xori %lt3A_208, %lt3A_210 : i1
          %and3A_212 = arith.andi %ne3A_211, %ne3A_206 : i1
          %add3A_213 = arith.addi %rem3A_204, %select_n3A_203 : i32
          %select_n3A_214 = arith.select %and3A_212, %add3A_213, %rem3A_204 : i32
          %dma_start3A_215 = arith.constant 1 : i32
          %dma_start3A_216 = arith.constant 128 : i32
          %dma_start3A_217 = tpu.memref_slice %arg6[%select_n3A_214, %scan3A_168, %dma_start3A_216] : memref<3x16x512xf32, #tpu.memory_space<vmem>> -> memref<1x1x128xf32, #tpu.memory_space<vmem>>
          %dma_start3A_218 = tpu.memref_squeeze %dma_start3A_217 : memref<1x1x128xf32, #tpu.memory_space<vmem>> -> memref<128xf32, #tpu.memory_space<vmem>>
          %dma_start3A_219 = arith.constant 0 : i32
          %dma_start3A_220 = tpu.memref_slice %arg5[%scan3A_36, %dma_start3A_215, %dma_start3A_219] : memref<6x4x128xi32, #tpu.memory_space<vmem>> -> memref<1x1x128xi32, #tpu.memory_space<vmem>>
          %dma_start3A_221 = tpu.memref_squeeze %dma_start3A_220 : memref<1x1x128xi32, #tpu.memory_space<vmem>> -> memref<128xi32, #tpu.memory_space<vmem>>
          %dma_start3A_222 = arith.constant 0 : i32
          %dma_start3A_223 = tpu.memref_slice %arg3[%add3A_171, %dma_start3A_222] : memref<96x100000xf32, #tpu.memory_space<hbm>> -> memref<1x100000xf32, #tpu.memory_space<hbm>>
          %dma_start3A_224 = tpu.memref_squeeze %dma_start3A_223 : memref<1x100000xf32, #tpu.memory_space<hbm>> -> memref<100000xf32, #tpu.memory_space<hbm>>
          %dma_start3A_225 = arith.constant 0 : i32
          %dma_start3A_226 = tpu.memref_slice %dma_start3A_224[%dma_start3A_225] : memref<100000xf32, #tpu.memory_space<hbm>> -> memref<100000xf32, #tpu.memory_space<hbm>>
          tpu.enqueue_indirect_dma source(%dma_start3A_226 : memref<100000xf32, #tpu.memory_space<hbm>>) target(%dma_start3A_218 : memref<128xf32, #tpu.memory_space<vmem>>) offsets(%dma_start3A_221 : memref<128xi32, #tpu.memory_space<vmem>>) semaphore(%arg9 : memref<!tpu.dma_semaphore, #tpu.memory_space<semaphore_mem>>)
          %jit3A_227 = arith.constant 3 : i32
          %eq3A_228 = arith.constant 0 : i32
          %eq3A_229 = arith.cmpi eq, %jit3A_227, %eq3A_228 : i32
          %jit3A_230 = arith.constant 1 : i32
          %select_n3A_231 = arith.select %eq3A_229, %jit3A_230, %jit3A_227 : i32
          %rem3A_232 = arith.remsi %scan3A_36, %select_n3A_231 : i32
          %ne3A_233 = arith.constant 0 : i32
          %ne3A_234 = arith.cmpi ne, %rem3A_232, %ne3A_233 : i32
          %lt3A_235 = arith.constant 0 : i32
          %lt3A_236 = arith.cmpi slt, %rem3A_232, %lt3A_235 : i32
          %lt3A_237 = arith.constant 0 : i32
          %lt3A_238 = arith.cmpi slt, %select_n3A_231, %lt3A_237 : i32
          %ne3A_239 = arith.xori %lt3A_236, %lt3A_238 : i1
          %and3A_240 = arith.andi %ne3A_239, %ne3A_234 : i1
          %add3A_241 = arith.addi %rem3A_232, %select_n3A_231 : i32
          %select_n3A_242 = arith.select %and3A_240, %add3A_241, %rem3A_232 : i32
          %dma_start3A_243 = arith.constant 2 : i32
          %dma_start3A_244 = arith.constant 256 : i32
          %dma_start3A_245 = tpu.memref_slice %arg6[%select_n3A_242, %scan3A_168, %dma_start3A_244] : memref<3x16x512xf32, #tpu.memory_space<vmem>> -> memref<1x1x128xf32, #tpu.memory_space<vmem>>
          %dma_start3A_246 = tpu.memref_squeeze %dma_start3A_245 : memref<1x1x128xf32, #tpu.memory_space<vmem>> -> memref<128xf32, #tpu.memory_space<vmem>>
          %dma_start3A_247 = arith.constant 0 : i32
          %dma_start3A_248 = tpu.memref_slice %arg5[%scan3A_36, %dma_start3A_243, %dma_start3A_247] : memref<6x4x128xi32, #tpu.memory_space<vmem>> -> memref<1x1x128xi32, #tpu.memory_space<vmem>>
          %dma_start3A_249 = tpu.memref_squeeze %dma_start3A_248 : memref<1x1x128xi32, #tpu.memory_space<vmem>> -> memref<128xi32, #tpu.memory_space<vmem>>
          %dma_start3A_250 = arith.constant 0 : i32
          %dma_start3A_251 = tpu.memref_slice %arg3[%add3A_171, %dma_start3A_250] : memref<96x100000xf32, #tpu.memory_space<hbm>> -> memref<1x100000xf32, #tpu.memory_space<hbm>>
          %dma_start3A_252 = tpu.memref_squeeze %dma_start3A_251 : memref<1x100000xf32, #tpu.memory_space<hbm>> -> memref<100000xf32, #tpu.memory_space<hbm>>
          %dma_start3A_253 = arith.constant 0 : i32
          %dma_start3A_254 = tpu.memref_slice %dma_start3A_252[%dma_start3A_253] : memref<100000xf32, #tpu.memory_space<hbm>> -> memref<100000xf32, #tpu.memory_space<hbm>>
          tpu.enqueue_indirect_dma source(%dma_start3A_254 : memref<100000xf32, #tpu.memory_space<hbm>>) target(%dma_start3A_246 : memref<128xf32, #tpu.memory_space<vmem>>) offsets(%dma_start3A_249 : memref<128xi32, #tpu.memory_space<vmem>>) semaphore(%arg9 : memref<!tpu.dma_semaphore, #tpu.memory_space<semaphore_mem>>)
          %jit3A_255 = arith.constant 3 : i32
          %eq3A_256 = arith.constant 0 : i32
          %eq3A_257 = arith.cmpi eq, %jit3A_255, %eq3A_256 : i32
          %jit3A_258 = arith.constant 1 : i32
          %select_n3A_259 = arith.select %eq3A_257, %jit3A_258, %jit3A_255 : i32
          %rem3A_260 = arith.remsi %scan3A_36, %select_n3A_259 : i32
          %ne3A_261 = arith.constant 0 : i32
          %ne3A_262 = arith.cmpi ne, %rem3A_260, %ne3A_261 : i32
          %lt3A_263 = arith.constant 0 : i32
          %lt3A_264 = arith.cmpi slt, %rem3A_260, %lt3A_263 : i32
          %lt3A_265 = arith.constant 0 : i32
          %lt3A_266 = arith.cmpi slt, %select_n3A_259, %lt3A_265 : i32
          %ne3A_267 = arith.xori %lt3A_264, %lt3A_266 : i1
          %and3A_268 = arith.andi %ne3A_267, %ne3A_262 : i1
          %add3A_269 = arith.addi %rem3A_260, %select_n3A_259 : i32
          %select_n3A_270 = arith.select %and3A_268, %add3A_269, %rem3A_260 : i32
          %dma_start3A_271 = arith.constant 3 : i32
          %dma_start3A_272 = arith.constant 384 : i32
          %dma_start3A_273 = tpu.memref_slice %arg6[%select_n3A_270, %scan3A_168, %dma_start3A_272] : memref<3x16x512xf32, #tpu.memory_space<vmem>> -> memref<1x1x128xf32, #tpu.memory_space<vmem>>
          %dma_start3A_274 = tpu.memref_squeeze %dma_start3A_273 : memref<1x1x128xf32, #tpu.memory_space<vmem>> -> memref<128xf32, #tpu.memory_space<vmem>>
          %dma_start3A_275 = arith.constant 0 : i32
          %dma_start3A_276 = tpu.memref_slice %arg5[%scan3A_36, %dma_start3A_271, %dma_start3A_275] : memref<6x4x128xi32, #tpu.memory_space<vmem>> -> memref<1x1x128xi32, #tpu.memory_space<vmem>>
          %dma_start3A_277 = tpu.memref_squeeze %dma_start3A_276 : memref<1x1x128xi32, #tpu.memory_space<vmem>> -> memref<128xi32, #tpu.memory_space<vmem>>
          %dma_start3A_278 = arith.constant 0 : i32
          %dma_start3A_279 = tpu.memref_slice %arg3[%add3A_171, %dma_start3A_278] : memref<96x100000xf32, #tpu.memory_space<hbm>> -> memref<1x100000xf32, #tpu.memory_space<hbm>>
          %dma_start3A_280 = tpu.memref_squeeze %dma_start3A_279 : memref<1x100000xf32, #tpu.memory_space<hbm>> -> memref<100000xf32, #tpu.memory_space<hbm>>
          %dma_start3A_281 = arith.constant 0 : i32
          %dma_start3A_282 = tpu.memref_slice %dma_start3A_280[%dma_start3A_281] : memref<100000xf32, #tpu.memory_space<hbm>> -> memref<100000xf32, #tpu.memory_space<hbm>>
          tpu.enqueue_indirect_dma source(%dma_start3A_282 : memref<100000xf32, #tpu.memory_space<hbm>>) target(%dma_start3A_274 : memref<128xf32, #tpu.memory_space<vmem>>) offsets(%dma_start3A_277 : memref<128xi32, #tpu.memory_space<vmem>>) semaphore(%arg9 : memref<!tpu.dma_semaphore, #tpu.memory_space<semaphore_mem>>)
        }
        %scan3A_167 = arith.constant 16 : i32
      } else {
      }
      %jit3A_91 = arith.constant 3 : i32
      %eq3A_92 = arith.constant 0 : i32
      %eq3A_93 = arith.cmpi eq, %jit3A_91, %eq3A_92 : i32
      %jit3A_94 = arith.constant 1 : i32
      %select_n3A_95 = arith.select %eq3A_93, %jit3A_94, %jit3A_91 : i32
      %rem3A_96 = arith.remsi %scan3A_36, %select_n3A_95 : i32
      %ne3A_97 = arith.constant 0 : i32
      %ne3A_98 = arith.cmpi ne, %rem3A_96, %ne3A_97 : i32
      %lt3A_99 = arith.constant 0 : i32
      %lt3A_100 = arith.cmpi slt, %rem3A_96, %lt3A_99 : i32
      %lt3A_101 = arith.constant 0 : i32
      %lt3A_102 = arith.cmpi slt, %select_n3A_95, %lt3A_101 : i32
      %ne3A_103 = arith.xori %lt3A_100, %lt3A_102 : i1
      %and3A_104 = arith.andi %ne3A_103, %ne3A_98 : i1
      %add3A_105 = arith.addi %rem3A_96, %select_n3A_95 : i32
      %select_n3A_106 = arith.select %and3A_104, %add3A_105, %rem3A_96 : i32
      %eq3A_107 = arith.constant 2 : i32
      %eq3A_108 = arith.cmpi eq, %select_n3A_106, %eq3A_107 : i32
      %ge3A = arith.constant 2 : i32
      %ge3A_109 = arith.cmpi sge, %scan3A_36, %ge3A : i32
      %and3A_110 = arith.andi %eq3A_108, %ge3A_109 : i1
      %convert_element_type3A_111 = arith.extui %and3A_110 : i1 to i32
      %cond3A_112 = arith.constant 0 : i32
      %cond3A_113 = arith.cmpi ne, %convert_element_type3A_111, %cond3A_112 : i32
      scf.if %cond3A_113 {
        %sub3A = arith.constant 2 : i32
        %sub3A_162 = arith.subi %scan3A_36, %sub3A : i32
        %mul3A_163 = arith.constant 16 : i32
        %mul3A_164 = arith.muli %sub3A_162, %mul3A_163 : i32
        %mul3A_165 = arith.constant 512 : i32
        %mul3A_166 = arith.muli %add3A, %mul3A_165 : i32
        %jit3A_167 = arith.constant 3 : i32
        %eq3A_168 = arith.constant 0 : i32
        %eq3A_169 = arith.cmpi eq, %jit3A_167, %eq3A_168 : i32
        %jit3A_170 = arith.constant 1 : i32
        %select_n3A_171 = arith.select %eq3A_169, %jit3A_170, %jit3A_167 : i32
        %rem3A_172 = arith.remsi %sub3A_162, %select_n3A_171 : i32
        %ne3A_173 = arith.constant 0 : i32
        %ne3A_174 = arith.cmpi ne, %rem3A_172, %ne3A_173 : i32
        %lt3A_175 = arith.constant 0 : i32
        %lt3A_176 = arith.cmpi slt, %rem3A_172, %lt3A_175 : i32
        %lt3A_177 = arith.constant 0 : i32
        %lt3A_178 = arith.cmpi slt, %select_n3A_171, %lt3A_177 : i32
        %ne3A_179 = arith.xori %lt3A_176, %lt3A_178 : i1
        %and3A_180 = arith.andi %ne3A_179, %ne3A_174 : i1
        %add3A_181 = arith.addi %rem3A_172, %select_n3A_171 : i32
        %select_n3A_182 = arith.select %and3A_180, %add3A_181, %rem3A_172 : i32
        %dma_wait3A_183 = arith.constant 0 : i32
        %dma_wait3A_184 = arith.constant 0 : i32
        %dma_wait3A_185 = tpu.memref_slice %arg6[%select_n3A_182, %dma_wait3A_183, %dma_wait3A_184] : memref<3x16x512xf32, #tpu.memory_space<vmem>> -> memref<1x16x512xf32, #tpu.memory_space<vmem>>
        %dma_wait3A_186 = tpu.memref_squeeze %dma_wait3A_185 : memref<1x16x512xf32, #tpu.memory_space<vmem>> -> memref<16x512xf32, #tpu.memory_space<vmem>>
        %dma_wait3A_187 = tpu.memref_slice %arg4[%mul3A_164, %mul3A_166] : memref<96x16384xf32, #tpu.memory_space<hbm>> -> memref<16x512xf32, #tpu.memory_space<hbm>>
        %dma_wait3A_188 = arith.constant 0 : i32
        %dma_wait3A_189 = arith.constant 0 : i32
        %dma_wait3A_190 = tpu.memref_slice %arg6[%select_n3A_182, %dma_wait3A_188, %dma_wait3A_189] : memref<3x16x512xf32, #tpu.memory_space<vmem>> -> memref<1x16x512xf32, #tpu.memory_space<vmem>>
        %dma_wait3A_191 = tpu.memref_squeeze %dma_wait3A_190 : memref<1x16x512xf32, #tpu.memory_space<vmem>> -> memref<16x512xf32, #tpu.memory_space<vmem>>
        %dma_wait3A_192 = tpu.memref_slice %arg4[%mul3A_164, %mul3A_166] : memref<96x16384xf32, #tpu.memory_space<hbm>> -> memref<16x512xf32, #tpu.memory_space<hbm>>
        tpu.wait_dma2 semaphore(%arg7 : memref<!tpu.dma_semaphore, #tpu.memory_space<semaphore_mem>>) src(%dma_wait3A_192 : memref<16x512xf32, #tpu.memory_space<hbm>>) dst(%dma_wait3A_191 : memref<16x512xf32, #tpu.memory_space<vmem>>)
        %jit3A_193 = arith.constant 3 : i32
        %eq3A_194 = arith.constant 0 : i32
        %eq3A_195 = arith.cmpi eq, %jit3A_193, %eq3A_194 : i32
        %jit3A_196 = arith.constant 1 : i32
        %select_n3A_197 = arith.select %eq3A_195, %jit3A_196, %jit3A_193 : i32
        %rem3A_198 = arith.remsi %sub3A_162, %select_n3A_197 : i32
        %ne3A_199 = arith.constant 0 : i32
        %ne3A_200 = arith.cmpi ne, %rem3A_198, %ne3A_199 : i32
        %lt3A_201 = arith.constant 0 : i32
        %lt3A_202 = arith.cmpi slt, %rem3A_198, %lt3A_201 : i32
        %lt3A_203 = arith.constant 0 : i32
        %lt3A_204 = arith.cmpi slt, %select_n3A_197, %lt3A_203 : i32
        %ne3A_205 = arith.xori %lt3A_202, %lt3A_204 : i1
        %and3A_206 = arith.andi %ne3A_205, %ne3A_200 : i1
        %add3A_207 = arith.addi %rem3A_198, %select_n3A_197 : i32
        %select_n3A_208 = arith.select %and3A_206, %add3A_207, %rem3A_198 : i32
        "tpu.region"() ({
          %run_scoped3A_209 = tpu.sem_alloc : memref<!tpu.dma_semaphore, #tpu.memory_space<semaphore_mem>>
          %dma_start3A = arith.constant 0 : i32
          %dma_start3A_210 = arith.constant 0 : i32
          %dma_start3A_211 = tpu.memref_slice %arg6[%select_n3A_208, %dma_start3A, %dma_start3A_210] : memref<3x16x512xf32, #tpu.memory_space<vmem>> -> memref<1x16x512xf32, #tpu.memory_space<vmem>>
          %dma_start3A_212 = tpu.memref_squeeze %dma_start3A_211 : memref<1x16x512xf32, #tpu.memory_space<vmem>> -> memref<16x512xf32, #tpu.memory_space<vmem>>
          %dma_start3A_213 = tpu.memref_slice %arg4[%mul3A_164, %mul3A_166] : memref<96x16384xf32, #tpu.memory_space<hbm>> -> memref<16x512xf32, #tpu.memory_space<hbm>>
          %dma_start3A_214 = tpu.memref_slice %arg4[%mul3A_164, %mul3A_166] : memref<96x16384xf32, #tpu.memory_space<hbm>> -> memref<16x512xf32, #tpu.memory_space<hbm>>
          %dma_start3A_215 = arith.constant 0 : i32
          %dma_start3A_216 = arith.constant 0 : i32
          %dma_start3A_217 = tpu.memref_slice %arg6[%select_n3A_208, %dma_start3A_215, %dma_start3A_216] : memref<3x16x512xf32, #tpu.memory_space<vmem>> -> memref<1x16x512xf32, #tpu.memory_space<vmem>>
          %dma_start3A_218 = tpu.memref_squeeze %dma_start3A_217 : memref<1x16x512xf32, #tpu.memory_space<vmem>> -> memref<16x512xf32, #tpu.memory_space<vmem>>
          tpu.enqueue_dma source(%dma_start3A_218 : memref<16x512xf32, #tpu.memory_space<vmem>>) target(%dma_start3A_214 : memref<16x512xf32, #tpu.memory_space<hbm>>) target_semaphore(%run_scoped3A_209 : memref<!tpu.dma_semaphore, #tpu.memory_space<semaphore_mem>>)
          %dma_wait3A_219 = arith.constant 0 : i32
          %dma_wait3A_220 = arith.constant 0 : i32
          %dma_wait3A_221 = tpu.memref_slice %arg6[%select_n3A_208, %dma_wait3A_219, %dma_wait3A_220] : memref<3x16x512xf32, #tpu.memory_space<vmem>> -> memref<1x16x512xf32, #tpu.memory_space<vmem>>
          %dma_wait3A_222 = tpu.memref_squeeze %dma_wait3A_221 : memref<1x16x512xf32, #tpu.memory_space<vmem>> -> memref<16x512xf32, #tpu.memory_space<vmem>>
          %dma_wait3A_223 = tpu.memref_slice %arg4[%mul3A_164, %mul3A_166] : memref<96x16384xf32, #tpu.memory_space<hbm>> -> memref<16x512xf32, #tpu.memory_space<hbm>>
          %dma_wait3A_224 = tpu.memref_slice %arg4[%mul3A_164, %mul3A_166] : memref<96x16384xf32, #tpu.memory_space<hbm>> -> memref<16x512xf32, #tpu.memory_space<hbm>>
          %dma_wait3A_225 = arith.constant 0 : i32
          %dma_wait3A_226 = arith.constant 0 : i32
          %dma_wait3A_227 = tpu.memref_slice %arg6[%select_n3A_208, %dma_wait3A_225, %dma_wait3A_226] : memref<3x16x512xf32, #tpu.memory_space<vmem>> -> memref<1x16x512xf32, #tpu.memory_space<vmem>>
          %dma_wait3A_228 = tpu.memref_squeeze %dma_wait3A_227 : memref<1x16x512xf32, #tpu.memory_space<vmem>> -> memref<16x512xf32, #tpu.memory_space<vmem>>
          tpu.wait_dma2 semaphore(%run_scoped3A_209 : memref<!tpu.dma_semaphore, #tpu.memory_space<semaphore_mem>>) src(%dma_wait3A_228 : memref<16x512xf32, #tpu.memory_space<vmem>>) dst(%dma_wait3A_224 : memref<16x512xf32, #tpu.memory_space<hbm>>)
          tpu.yield
        }) : () -> ()
      } else {
      }
      %jit3A_114 = arith.constant 3 : i32
      %eq3A_115 = arith.constant 0 : i32
      %eq3A_116 = arith.cmpi eq, %jit3A_114, %eq3A_115 : i32
      %jit3A_117 = arith.constant 1 : i32
      %select_n3A_118 = arith.select %eq3A_116, %jit3A_117, %jit3A_114 : i32
      %rem3A_119 = arith.remsi %scan3A_36, %select_n3A_118 : i32
      %ne3A_120 = arith.constant 0 : i32
      %ne3A_121 = arith.cmpi ne, %rem3A_119, %ne3A_120 : i32
      %lt3A_122 = arith.constant 0 : i32
      %lt3A_123 = arith.cmpi slt, %rem3A_119, %lt3A_122 : i32
      %lt3A_124 = arith.constant 0 : i32
      %lt3A_125 = arith.cmpi slt, %select_n3A_118, %lt3A_124 : i32
      %ne3A_126 = arith.xori %lt3A_123, %lt3A_125 : i1
      %and3A_127 = arith.andi %ne3A_126, %ne3A_121 : i1
      %add3A_128 = arith.addi %rem3A_119, %select_n3A_118 : i32
      %select_n3A_129 = arith.select %and3A_127, %add3A_128, %rem3A_119 : i32
      %eq3A_130 = arith.constant 0 : i32
      %eq3A_131 = arith.cmpi eq, %select_n3A_129, %eq3A_130 : i32
      %ge3A_132 = arith.constant 2 : i32
      %ge3A_133 = arith.cmpi sge, %scan3A_36, %ge3A_132 : i32
      %and3A_134 = arith.andi %eq3A_131, %ge3A_133 : i1
      %convert_element_type3A_135 = arith.extui %and3A_134 : i1 to i32
      %cond3A_136 = arith.constant 0 : i32
      %cond3A_137 = arith.cmpi ne, %convert_element_type3A_135, %cond3A_136 : i32
      scf.if %cond3A_137 {
        %sub3A = arith.constant 2 : i32
        %sub3A_162 = arith.subi %scan3A_36, %sub3A : i32
        %mul3A_163 = arith.constant 16 : i32
        %mul3A_164 = arith.muli %sub3A_162, %mul3A_163 : i32
        %mul3A_165 = arith.constant 512 : i32
        %mul3A_166 = arith.muli %add3A, %mul3A_165 : i32
        %jit3A_167 = arith.constant 3 : i32
        %eq3A_168 = arith.constant 0 : i32
        %eq3A_169 = arith.cmpi eq, %jit3A_167, %eq3A_168 : i32
        %jit3A_170 = arith.constant 1 : i32
        %select_n3A_171 = arith.select %eq3A_169, %jit3A_170, %jit3A_167 : i32
        %rem3A_172 = arith.remsi %sub3A_162, %select_n3A_171 : i32
        %ne3A_173 = arith.constant 0 : i32
        %ne3A_174 = arith.cmpi ne, %rem3A_172, %ne3A_173 : i32
        %lt3A_175 = arith.constant 0 : i32
        %lt3A_176 = arith.cmpi slt, %rem3A_172, %lt3A_175 : i32
        %lt3A_177 = arith.constant 0 : i32
        %lt3A_178 = arith.cmpi slt, %select_n3A_171, %lt3A_177 : i32
        %ne3A_179 = arith.xori %lt3A_176, %lt3A_178 : i1
        %and3A_180 = arith.andi %ne3A_179, %ne3A_174 : i1
        %add3A_181 = arith.addi %rem3A_172, %select_n3A_171 : i32
        %select_n3A_182 = arith.select %and3A_180, %add3A_181, %rem3A_172 : i32
        %dma_wait3A_183 = arith.constant 0 : i32
        %dma_wait3A_184 = arith.constant 0 : i32
        %dma_wait3A_185 = tpu.memref_slice %arg6[%select_n3A_182, %dma_wait3A_183, %dma_wait3A_184] : memref<3x16x512xf32, #tpu.memory_space<vmem>> -> memref<1x16x512xf32, #tpu.memory_space<vmem>>
        %dma_wait3A_186 = tpu.memref_squeeze %dma_wait3A_185 : memref<1x16x512xf32, #tpu.memory_space<vmem>> -> memref<16x512xf32, #tpu.memory_space<vmem>>
        %dma_wait3A_187 = tpu.memref_slice %arg4[%mul3A_164, %mul3A_166] : memref<96x16384xf32, #tpu.memory_space<hbm>> -> memref<16x512xf32, #tpu.memory_space<hbm>>
        %dma_wait3A_188 = arith.constant 0 : i32
        %dma_wait3A_189 = arith.constant 0 : i32
        %dma_wait3A_190 = tpu.memref_slice %arg6[%select_n3A_182, %dma_wait3A_188, %dma_wait3A_189] : memref<3x16x512xf32, #tpu.memory_space<vmem>> -> memref<1x16x512xf32, #tpu.memory_space<vmem>>
        %dma_wait3A_191 = tpu.memref_squeeze %dma_wait3A_190 : memref<1x16x512xf32, #tpu.memory_space<vmem>> -> memref<16x512xf32, #tpu.memory_space<vmem>>
        %dma_wait3A_192 = tpu.memref_slice %arg4[%mul3A_164, %mul3A_166] : memref<96x16384xf32, #tpu.memory_space<hbm>> -> memref<16x512xf32, #tpu.memory_space<hbm>>
        tpu.wait_dma2 semaphore(%arg8 : memref<!tpu.dma_semaphore, #tpu.memory_space<semaphore_mem>>) src(%dma_wait3A_192 : memref<16x512xf32, #tpu.memory_space<hbm>>) dst(%dma_wait3A_191 : memref<16x512xf32, #tpu.memory_space<vmem>>)
        %jit3A_193 = arith.constant 3 : i32
        %eq3A_194 = arith.constant 0 : i32
        %eq3A_195 = arith.cmpi eq, %jit3A_193, %eq3A_194 : i32
        %jit3A_196 = arith.constant 1 : i32
        %select_n3A_197 = arith.select %eq3A_195, %jit3A_196, %jit3A_193 : i32
        %rem3A_198 = arith.remsi %sub3A_162, %select_n3A_197 : i32
        %ne3A_199 = arith.constant 0 : i32
        %ne3A_200 = arith.cmpi ne, %rem3A_198, %ne3A_199 : i32
        %lt3A_201 = arith.constant 0 : i32
        %lt3A_202 = arith.cmpi slt, %rem3A_198, %lt3A_201 : i32
        %lt3A_203 = arith.constant 0 : i32
        %lt3A_204 = arith.cmpi slt, %select_n3A_197, %lt3A_203 : i32
        %ne3A_205 = arith.xori %lt3A_202, %lt3A_204 : i1
        %and3A_206 = arith.andi %ne3A_205, %ne3A_200 : i1
        %add3A_207 = arith.addi %rem3A_198, %select_n3A_197 : i32
        %select_n3A_208 = arith.select %and3A_206, %add3A_207, %rem3A_198 : i32
        "tpu.region"() ({
          %run_scoped3A_209 = tpu.sem_alloc : memref<!tpu.dma_semaphore, #tpu.memory_space<semaphore_mem>>
          %dma_start3A = arith.constant 0 : i32
          %dma_start3A_210 = arith.constant 0 : i32
          %dma_start3A_211 = tpu.memref_slice %arg6[%select_n3A_208, %dma_start3A, %dma_start3A_210] : memref<3x16x512xf32, #tpu.memory_space<vmem>> -> memref<1x16x512xf32, #tpu.memory_space<vmem>>
          %dma_start3A_212 = tpu.memref_squeeze %dma_start3A_211 : memref<1x16x512xf32, #tpu.memory_space<vmem>> -> memref<16x512xf32, #tpu.memory_space<vmem>>
          %dma_start3A_213 = tpu.memref_slice %arg4[%mul3A_164, %mul3A_166] : memref<96x16384xf32, #tpu.memory_space<hbm>> -> memref<16x512xf32, #tpu.memory_space<hbm>>
          %dma_start3A_214 = tpu.memref_slice %arg4[%mul3A_164, %mul3A_166] : memref<96x16384xf32, #tpu.memory_space<hbm>> -> memref<16x512xf32, #tpu.memory_space<hbm>>
          %dma_start3A_215 = arith.constant 0 : i32
          %dma_start3A_216 = arith.constant 0 : i32
          %dma_start3A_217 = tpu.memref_slice %arg6[%select_n3A_208, %dma_start3A_215, %dma_start3A_216] : memref<3x16x512xf32, #tpu.memory_space<vmem>> -> memref<1x16x512xf32, #tpu.memory_space<vmem>>
          %dma_start3A_218 = tpu.memref_squeeze %dma_start3A_217 : memref<1x16x512xf32, #tpu.memory_space<vmem>> -> memref<16x512xf32, #tpu.memory_space<vmem>>
          tpu.enqueue_dma source(%dma_start3A_218 : memref<16x512xf32, #tpu.memory_space<vmem>>) target(%dma_start3A_214 : memref<16x512xf32, #tpu.memory_space<hbm>>) target_semaphore(%run_scoped3A_209 : memref<!tpu.dma_semaphore, #tpu.memory_space<semaphore_mem>>)
          %dma_wait3A_219 = arith.constant 0 : i32
          %dma_wait3A_220 = arith.constant 0 : i32
          %dma_wait3A_221 = tpu.memref_slice %arg6[%select_n3A_208, %dma_wait3A_219, %dma_wait3A_220] : memref<3x16x512xf32, #tpu.memory_space<vmem>> -> memref<1x16x512xf32, #tpu.memory_space<vmem>>
          %dma_wait3A_222 = tpu.memref_squeeze %dma_wait3A_221 : memref<1x16x512xf32, #tpu.memory_space<vmem>> -> memref<16x512xf32, #tpu.memory_space<vmem>>
          %dma_wait3A_223 = tpu.memref_slice %arg4[%mul3A_164, %mul3A_166] : memref<96x16384xf32, #tpu.memory_space<hbm>> -> memref<16x512xf32, #tpu.memory_space<hbm>>
          %dma_wait3A_224 = tpu.memref_slice %arg4[%mul3A_164, %mul3A_166] : memref<96x16384xf32, #tpu.memory_space<hbm>> -> memref<16x512xf32, #tpu.memory_space<hbm>>
          %dma_wait3A_225 = arith.constant 0 : i32
          %dma_wait3A_226 = arith.constant 0 : i32
          %dma_wait3A_227 = tpu.memref_slice %arg6[%select_n3A_208, %dma_wait3A_225, %dma_wait3A_226] : memref<3x16x512xf32, #tpu.memory_space<vmem>> -> memref<1x16x512xf32, #tpu.memory_space<vmem>>
          %dma_wait3A_228 = tpu.memref_squeeze %dma_wait3A_227 : memref<1x16x512xf32, #tpu.memory_space<vmem>> -> memref<16x512xf32, #tpu.memory_space<vmem>>
          tpu.wait_dma2 semaphore(%run_scoped3A_209 : memref<!tpu.dma_semaphore, #tpu.memory_space<semaphore_mem>>) src(%dma_wait3A_228 : memref<16x512xf32, #tpu.memory_space<vmem>>) dst(%dma_wait3A_224 : memref<16x512xf32, #tpu.memory_space<hbm>>)
          tpu.yield
        }) : () -> ()
      } else {
      }
      %jit3A_138 = arith.constant 3 : i32
      %eq3A_139 = arith.constant 0 : i32
      %eq3A_140 = arith.cmpi eq, %jit3A_138, %eq3A_139 : i32
      %jit3A_141 = arith.constant 1 : i32
      %select_n3A_142 = arith.select %eq3A_140, %jit3A_141, %jit3A_138 : i32
      %rem3A_143 = arith.remsi %scan3A_36, %select_n3A_142 : i32
      %ne3A_144 = arith.constant 0 : i32
      %ne3A_145 = arith.cmpi ne, %rem3A_143, %ne3A_144 : i32
      %lt3A_146 = arith.constant 0 : i32
      %lt3A_147 = arith.cmpi slt, %rem3A_143, %lt3A_146 : i32
      %lt3A_148 = arith.constant 0 : i32
      %lt3A_149 = arith.cmpi slt, %select_n3A_142, %lt3A_148 : i32
      %ne3A_150 = arith.xori %lt3A_147, %lt3A_149 : i1
      %and3A_151 = arith.andi %ne3A_150, %ne3A_145 : i1
      %add3A_152 = arith.addi %rem3A_143, %select_n3A_142 : i32
      %select_n3A_153 = arith.select %and3A_151, %add3A_152, %rem3A_143 : i32
      %eq3A_154 = arith.constant 1 : i32
      %eq3A_155 = arith.cmpi eq, %select_n3A_153, %eq3A_154 : i32
      %ge3A_156 = arith.constant 2 : i32
      %ge3A_157 = arith.cmpi sge, %scan3A_36, %ge3A_156 : i32
      %and3A_158 = arith.andi %eq3A_155, %ge3A_157 : i1
      %convert_element_type3A_159 = arith.extui %and3A_158 : i1 to i32
      %cond3A_160 = arith.constant 0 : i32
      %cond3A_161 = arith.cmpi ne, %convert_element_type3A_159, %cond3A_160 : i32
      scf.if %cond3A_161 {
        %sub3A = arith.constant 2 : i32
        %sub3A_162 = arith.subi %scan3A_36, %sub3A : i32
        %mul3A_163 = arith.constant 16 : i32
        %mul3A_164 = arith.muli %sub3A_162, %mul3A_163 : i32
        %mul3A_165 = arith.constant 512 : i32
        %mul3A_166 = arith.muli %add3A, %mul3A_165 : i32
        %jit3A_167 = arith.constant 3 : i32
        %eq3A_168 = arith.constant 0 : i32
        %eq3A_169 = arith.cmpi eq, %jit3A_167, %eq3A_168 : i32
        %jit3A_170 = arith.constant 1 : i32
        %select_n3A_171 = arith.select %eq3A_169, %jit3A_170, %jit3A_167 : i32
        %rem3A_172 = arith.remsi %sub3A_162, %select_n3A_171 : i32
        %ne3A_173 = arith.constant 0 : i32
        %ne3A_174 = arith.cmpi ne, %rem3A_172, %ne3A_173 : i32
        %lt3A_175 = arith.constant 0 : i32
        %lt3A_176 = arith.cmpi slt, %rem3A_172, %lt3A_175 : i32
        %lt3A_177 = arith.constant 0 : i32
        %lt3A_178 = arith.cmpi slt, %select_n3A_171, %lt3A_177 : i32
        %ne3A_179 = arith.xori %lt3A_176, %lt3A_178 : i1
        %and3A_180 = arith.andi %ne3A_179, %ne3A_174 : i1
        %add3A_181 = arith.addi %rem3A_172, %select_n3A_171 : i32
        %select_n3A_182 = arith.select %and3A_180, %add3A_181, %rem3A_172 : i32
        %dma_wait3A_183 = arith.constant 0 : i32
        %dma_wait3A_184 = arith.constant 0 : i32
        %dma_wait3A_185 = tpu.memref_slice %arg6[%select_n3A_182, %dma_wait3A_183, %dma_wait3A_184] : memref<3x16x512xf32, #tpu.memory_space<vmem>> -> memref<1x16x512xf32, #tpu.memory_space<vmem>>
        %dma_wait3A_186 = tpu.memref_squeeze %dma_wait3A_185 : memref<1x16x512xf32, #tpu.memory_space<vmem>> -> memref<16x512xf32, #tpu.memory_space<vmem>>
        %dma_wait3A_187 = tpu.memref_slice %arg4[%mul3A_164, %mul3A_166] : memref<96x16384xf32, #tpu.memory_space<hbm>> -> memref<16x512xf32, #tpu.memory_space<hbm>>
        %dma_wait3A_188 = arith.constant 0 : i32
        %dma_wait3A_189 = arith.constant 0 : i32
        %dma_wait3A_190 = tpu.memref_slice %arg6[%select_n3A_182, %dma_wait3A_188, %dma_wait3A_189] : memref<3x16x512xf32, #tpu.memory_space<vmem>> -> memref<1x16x512xf32, #tpu.memory_space<vmem>>
        %dma_wait3A_191 = tpu.memref_squeeze %dma_wait3A_190 : memref<1x16x512xf32, #tpu.memory_space<vmem>> -> memref<16x512xf32, #tpu.memory_space<vmem>>
        %dma_wait3A_192 = tpu.memref_slice %arg4[%mul3A_164, %mul3A_166] : memref<96x16384xf32, #tpu.memory_space<hbm>> -> memref<16x512xf32, #tpu.memory_space<hbm>>
        tpu.wait_dma2 semaphore(%arg9 : memref<!tpu.dma_semaphore, #tpu.memory_space<semaphore_mem>>) src(%dma_wait3A_192 : memref<16x512xf32, #tpu.memory_space<hbm>>) dst(%dma_wait3A_191 : memref<16x512xf32, #tpu.memory_space<vmem>>)
        %jit3A_193 = arith.constant 3 : i32
        %eq3A_194 = arith.constant 0 : i32
        %eq3A_195 = arith.cmpi eq, %jit3A_193, %eq3A_194 : i32
        %jit3A_196 = arith.constant 1 : i32
        %select_n3A_197 = arith.select %eq3A_195, %jit3A_196, %jit3A_193 : i32
        %rem3A_198 = arith.remsi %sub3A_162, %select_n3A_197 : i32
        %ne3A_199 = arith.constant 0 : i32
        %ne3A_200 = arith.cmpi ne, %rem3A_198, %ne3A_199 : i32
        %lt3A_201 = arith.constant 0 : i32
        %lt3A_202 = arith.cmpi slt, %rem3A_198, %lt3A_201 : i32
        %lt3A_203 = arith.constant 0 : i32
        %lt3A_204 = arith.cmpi slt, %select_n3A_197, %lt3A_203 : i32
        %ne3A_205 = arith.xori %lt3A_202, %lt3A_204 : i1
        %and3A_206 = arith.andi %ne3A_205, %ne3A_200 : i1
        %add3A_207 = arith.addi %rem3A_198, %select_n3A_197 : i32
        %select_n3A_208 = arith.select %and3A_206, %add3A_207, %rem3A_198 : i32
        "tpu.region"() ({
          %run_scoped3A_209 = tpu.sem_alloc : memref<!tpu.dma_semaphore, #tpu.memory_space<semaphore_mem>>
          %dma_start3A = arith.constant 0 : i32
          %dma_start3A_210 = arith.constant 0 : i32
          %dma_start3A_211 = tpu.memref_slice %arg6[%select_n3A_208, %dma_start3A, %dma_start3A_210] : memref<3x16x512xf32, #tpu.memory_space<vmem>> -> memref<1x16x512xf32, #tpu.memory_space<vmem>>
          %dma_start3A_212 = tpu.memref_squeeze %dma_start3A_211 : memref<1x16x512xf32, #tpu.memory_space<vmem>> -> memref<16x512xf32, #tpu.memory_space<vmem>>
          %dma_start3A_213 = tpu.memref_slice %arg4[%mul3A_164, %mul3A_166] : memref<96x16384xf32, #tpu.memory_space<hbm>> -> memref<16x512xf32, #tpu.memory_space<hbm>>
          %dma_start3A_214 = tpu.memref_slice %arg4[%mul3A_164, %mul3A_166] : memref<96x16384xf32, #tpu.memory_space<hbm>> -> memref<16x512xf32, #tpu.memory_space<hbm>>
          %dma_start3A_215 = arith.constant 0 : i32
          %dma_start3A_216 = arith.constant 0 : i32
          %dma_start3A_217 = tpu.memref_slice %arg6[%select_n3A_208, %dma_start3A_215, %dma_start3A_216] : memref<3x16x512xf32, #tpu.memory_space<vmem>> -> memref<1x16x512xf32, #tpu.memory_space<vmem>>
          %dma_start3A_218 = tpu.memref_squeeze %dma_start3A_217 : memref<1x16x512xf32, #tpu.memory_space<vmem>> -> memref<16x512xf32, #tpu.memory_space<vmem>>
          tpu.enqueue_dma source(%dma_start3A_218 : memref<16x512xf32, #tpu.memory_space<vmem>>) target(%dma_start3A_214 : memref<16x512xf32, #tpu.memory_space<hbm>>) target_semaphore(%run_scoped3A_209 : memref<!tpu.dma_semaphore, #tpu.memory_space<semaphore_mem>>)
          %dma_wait3A_219 = arith.constant 0 : i32
          %dma_wait3A_220 = arith.constant 0 : i32
          %dma_wait3A_221 = tpu.memref_slice %arg6[%select_n3A_208, %dma_wait3A_219, %dma_wait3A_220] : memref<3x16x512xf32, #tpu.memory_space<vmem>> -> memref<1x16x512xf32, #tpu.memory_space<vmem>>
          %dma_wait3A_222 = tpu.memref_squeeze %dma_wait3A_221 : memref<1x16x512xf32, #tpu.memory_space<vmem>> -> memref<16x512xf32, #tpu.memory_space<vmem>>
          %dma_wait3A_223 = tpu.memref_slice %arg4[%mul3A_164, %mul3A_166] : memref<96x16384xf32, #tpu.memory_space<hbm>> -> memref<16x512xf32, #tpu.memory_space<hbm>>
          %dma_wait3A_224 = tpu.memref_slice %arg4[%mul3A_164, %mul3A_166] : memref<96x16384xf32, #tpu.memory_space<hbm>> -> memref<16x512xf32, #tpu.memory_space<hbm>>
          %dma_wait3A_225 = arith.constant 0 : i32
          %dma_wait3A_226 = arith.constant 0 : i32
          %dma_wait3A_227 = tpu.memref_slice %arg6[%select_n3A_208, %dma_wait3A_225, %dma_wait3A_226] : memref<3x16x512xf32, #tpu.memory_space<vmem>> -> memref<1x16x512xf32, #tpu.memory_space<vmem>>
          %dma_wait3A_228 = tpu.memref_squeeze %dma_wait3A_227 : memref<1x16x512xf32, #tpu.memory_space<vmem>> -> memref<16x512xf32, #tpu.memory_space<vmem>>
          tpu.wait_dma2 semaphore(%run_scoped3A_209 : memref<!tpu.dma_semaphore, #tpu.memory_space<semaphore_mem>>) src(%dma_wait3A_228 : memref<16x512xf32, #tpu.memory_space<vmem>>) dst(%dma_wait3A_224 : memref<16x512xf32, #tpu.memory_space<hbm>>)
          tpu.yield
        }) : () -> ()
      } else {
      }
    }
    %scan3A_5 = arith.constant 6 : i32
    %mul3A_6 = arith.constant 512 : i32
    %mul3A_7 = arith.muli %add3A, %mul3A_6 : i32
    %dma_wait3A = arith.constant 1 : i32
    %dma_wait3A_8 = arith.constant 0 : i32
    %dma_wait3A_9 = arith.constant 0 : i32
    %dma_wait3A_10 = tpu.memref_slice %arg6[%dma_wait3A, %dma_wait3A_8, %dma_wait3A_9] : memref<3x16x512xf32, #tpu.memory_space<vmem>> -> memref<1x16x512xf32, #tpu.memory_space<vmem>>
    %dma_wait3A_11 = tpu.memref_squeeze %dma_wait3A_10 : memref<1x16x512xf32, #tpu.memory_space<vmem>> -> memref<16x512xf32, #tpu.memory_space<vmem>>
    %dma_wait3A_12 = arith.constant 64 : i32
    %dma_wait3A_13 = tpu.memref_slice %arg4[%dma_wait3A_12, %mul3A_7] : memref<96x16384xf32, #tpu.memory_space<hbm>> -> memref<16x512xf32, #tpu.memory_space<hbm>>
    %dma_wait3A_14 = arith.constant 0 : i32
    %dma_wait3A_15 = arith.constant 0 : i32
    %dma_wait3A_16 = tpu.memref_slice %arg6[%dma_wait3A, %dma_wait3A_14, %dma_wait3A_15] : memref<3x16x512xf32, #tpu.memory_space<vmem>> -> memref<1x16x512xf32, #tpu.memory_space<vmem>>
    %dma_wait3A_17 = tpu.memref_squeeze %dma_wait3A_16 : memref<1x16x512xf32, #tpu.memory_space<vmem>> -> memref<16x512xf32, #tpu.memory_space<vmem>>
    %dma_wait3A_18 = arith.constant 64 : i32
    %dma_wait3A_19 = tpu.memref_slice %arg4[%dma_wait3A_18, %mul3A_7] : memref<96x16384xf32, #tpu.memory_space<hbm>> -> memref<16x512xf32, #tpu.memory_space<hbm>>
    tpu.wait_dma2 semaphore(%arg8 : memref<!tpu.dma_semaphore, #tpu.memory_space<semaphore_mem>>) src(%dma_wait3A_19 : memref<16x512xf32, #tpu.memory_space<hbm>>) dst(%dma_wait3A_17 : memref<16x512xf32, #tpu.memory_space<vmem>>)
    %run_scoped3A = arith.constant 1 : i32
    "tpu.region"() ({
      %run_scoped3A_36 = tpu.sem_alloc : memref<!tpu.dma_semaphore, #tpu.memory_space<semaphore_mem>>
      %dma_start3A = arith.constant 0 : i32
      %dma_start3A_37 = arith.constant 0 : i32
      %dma_start3A_38 = tpu.memref_slice %arg6[%run_scoped3A, %dma_start3A, %dma_start3A_37] : memref<3x16x512xf32, #tpu.memory_space<vmem>> -> memref<1x16x512xf32, #tpu.memory_space<vmem>>
      %dma_start3A_39 = tpu.memref_squeeze %dma_start3A_38 : memref<1x16x512xf32, #tpu.memory_space<vmem>> -> memref<16x512xf32, #tpu.memory_space<vmem>>
      %dma_start3A_40 = arith.constant 64 : i32
      %dma_start3A_41 = tpu.memref_slice %arg4[%dma_start3A_40, %mul3A_7] : memref<96x16384xf32, #tpu.memory_space<hbm>> -> memref<16x512xf32, #tpu.memory_space<hbm>>
      %dma_start3A_42 = arith.constant 64 : i32
      %dma_start3A_43 = tpu.memref_slice %arg4[%dma_start3A_42, %mul3A_7] : memref<96x16384xf32, #tpu.memory_space<hbm>> -> memref<16x512xf32, #tpu.memory_space<hbm>>
      %dma_start3A_44 = arith.constant 0 : i32
      %dma_start3A_45 = arith.constant 0 : i32
      %dma_start3A_46 = tpu.memref_slice %arg6[%run_scoped3A, %dma_start3A_44, %dma_start3A_45] : memref<3x16x512xf32, #tpu.memory_space<vmem>> -> memref<1x16x512xf32, #tpu.memory_space<vmem>>
      %dma_start3A_47 = tpu.memref_squeeze %dma_start3A_46 : memref<1x16x512xf32, #tpu.memory_space<vmem>> -> memref<16x512xf32, #tpu.memory_space<vmem>>
      tpu.enqueue_dma source(%dma_start3A_47 : memref<16x512xf32, #tpu.memory_space<vmem>>) target(%dma_start3A_43 : memref<16x512xf32, #tpu.memory_space<hbm>>) target_semaphore(%run_scoped3A_36 : memref<!tpu.dma_semaphore, #tpu.memory_space<semaphore_mem>>)
      %dma_wait3A_48 = arith.constant 0 : i32
      %dma_wait3A_49 = arith.constant 0 : i32
      %dma_wait3A_50 = tpu.memref_slice %arg6[%run_scoped3A, %dma_wait3A_48, %dma_wait3A_49] : memref<3x16x512xf32, #tpu.memory_space<vmem>> -> memref<1x16x512xf32, #tpu.memory_space<vmem>>
      %dma_wait3A_51 = tpu.memref_squeeze %dma_wait3A_50 : memref<1x16x512xf32, #tpu.memory_space<vmem>> -> memref<16x512xf32, #tpu.memory_space<vmem>>
      %dma_wait3A_52 = arith.constant 64 : i32
      %dma_wait3A_53 = tpu.memref_slice %arg4[%dma_wait3A_52, %mul3A_7] : memref<96x16384xf32, #tpu.memory_space<hbm>> -> memref<16x512xf32, #tpu.memory_space<hbm>>
      %dma_wait3A_54 = arith.constant 64 : i32
      %dma_wait3A_55 = tpu.memref_slice %arg4[%dma_wait3A_54, %mul3A_7] : memref<96x16384xf32, #tpu.memory_space<hbm>> -> memref<16x512xf32, #tpu.memory_space<hbm>>
      %dma_wait3A_56 = arith.constant 0 : i32
      %dma_wait3A_57 = arith.constant 0 : i32
      %dma_wait3A_58 = tpu.memref_slice %arg6[%run_scoped3A, %dma_wait3A_56, %dma_wait3A_57] : memref<3x16x512xf32, #tpu.memory_space<vmem>> -> memref<1x16x512xf32, #tpu.memory_space<vmem>>
      %dma_wait3A_59 = tpu.memref_squeeze %dma_wait3A_58 : memref<1x16x512xf32, #tpu.memory_space<vmem>> -> memref<16x512xf32, #tpu.memory_space<vmem>>
      tpu.wait_dma2 semaphore(%run_scoped3A_36 : memref<!tpu.dma_semaphore, #tpu.memory_space<semaphore_mem>>) src(%dma_wait3A_59 : memref<16x512xf32, #tpu.memory_space<vmem>>) dst(%dma_wait3A_55 : memref<16x512xf32, #tpu.memory_space<hbm>>)
      tpu.yield
    }) : () -> ()
    %mul3A_20 = arith.constant 512 : i32
    %mul3A_21 = arith.muli %add3A, %mul3A_20 : i32
    %dma_wait3A_22 = arith.constant 2 : i32
    %dma_wait3A_23 = arith.constant 0 : i32
    %dma_wait3A_24 = arith.constant 0 : i32
    %dma_wait3A_25 = tpu.memref_slice %arg6[%dma_wait3A_22, %dma_wait3A_23, %dma_wait3A_24] : memref<3x16x512xf32, #tpu.memory_space<vmem>> -> memref<1x16x512xf32, #tpu.memory_space<vmem>>
    %dma_wait3A_26 = tpu.memref_squeeze %dma_wait3A_25 : memref<1x16x512xf32, #tpu.memory_space<vmem>> -> memref<16x512xf32, #tpu.memory_space<vmem>>
    %dma_wait3A_27 = arith.constant 80 : i32
    %dma_wait3A_28 = tpu.memref_slice %arg4[%dma_wait3A_27, %mul3A_21] : memref<96x16384xf32, #tpu.memory_space<hbm>> -> memref<16x512xf32, #tpu.memory_space<hbm>>
    %dma_wait3A_29 = arith.constant 0 : i32
    %dma_wait3A_30 = arith.constant 0 : i32
    %dma_wait3A_31 = tpu.memref_slice %arg6[%dma_wait3A_22, %dma_wait3A_29, %dma_wait3A_30] : memref<3x16x512xf32, #tpu.memory_space<vmem>> -> memref<1x16x512xf32, #tpu.memory_space<vmem>>
    %dma_wait3A_32 = tpu.memref_squeeze %dma_wait3A_31 : memref<1x16x512xf32, #tpu.memory_space<vmem>> -> memref<16x512xf32, #tpu.memory_space<vmem>>
    %dma_wait3A_33 = arith.constant 80 : i32
    %dma_wait3A_34 = tpu.memref_slice %arg4[%dma_wait3A_33, %mul3A_21] : memref<96x16384xf32, #tpu.memory_space<hbm>> -> memref<16x512xf32, #tpu.memory_space<hbm>>
    tpu.wait_dma2 semaphore(%arg9 : memref<!tpu.dma_semaphore, #tpu.memory_space<semaphore_mem>>) src(%dma_wait3A_34 : memref<16x512xf32, #tpu.memory_space<hbm>>) dst(%dma_wait3A_32 : memref<16x512xf32, #tpu.memory_space<vmem>>)
    %run_scoped3A_35 = arith.constant 2 : i32
    "tpu.region"() ({
      %run_scoped3A_36 = tpu.sem_alloc : memref<!tpu.dma_semaphore, #tpu.memory_space<semaphore_mem>>
      %dma_start3A = arith.constant 0 : i32
      %dma_start3A_37 = arith.constant 0 : i32
      %dma_start3A_38 = tpu.memref_slice %arg6[%run_scoped3A_35, %dma_start3A, %dma_start3A_37] : memref<3x16x512xf32, #tpu.memory_space<vmem>> -> memref<1x16x512xf32, #tpu.memory_space<vmem>>
      %dma_start3A_39 = tpu.memref_squeeze %dma_start3A_38 : memref<1x16x512xf32, #tpu.memory_space<vmem>> -> memref<16x512xf32, #tpu.memory_space<vmem>>
      %dma_start3A_40 = arith.constant 80 : i32
      %dma_start3A_41 = tpu.memref_slice %arg4[%dma_start3A_40, %mul3A_21] : memref<96x16384xf32, #tpu.memory_space<hbm>> -> memref<16x512xf32, #tpu.memory_space<hbm>>
      %dma_start3A_42 = arith.constant 80 : i32
      %dma_start3A_43 = tpu.memref_slice %arg4[%dma_start3A_42, %mul3A_21] : memref<96x16384xf32, #tpu.memory_space<hbm>> -> memref<16x512xf32, #tpu.memory_space<hbm>>
      %dma_start3A_44 = arith.constant 0 : i32
      %dma_start3A_45 = arith.constant 0 : i32
      %dma_start3A_46 = tpu.memref_slice %arg6[%run_scoped3A_35, %dma_start3A_44, %dma_start3A_45] : memref<3x16x512xf32, #tpu.memory_space<vmem>> -> memref<1x16x512xf32, #tpu.memory_space<vmem>>
      %dma_start3A_47 = tpu.memref_squeeze %dma_start3A_46 : memref<1x16x512xf32, #tpu.memory_space<vmem>> -> memref<16x512xf32, #tpu.memory_space<vmem>>
      tpu.enqueue_dma source(%dma_start3A_47 : memref<16x512xf32, #tpu.memory_space<vmem>>) target(%dma_start3A_43 : memref<16x512xf32, #tpu.memory_space<hbm>>) target_semaphore(%run_scoped3A_36 : memref<!tpu.dma_semaphore, #tpu.memory_space<semaphore_mem>>)
      %dma_wait3A_48 = arith.constant 0 : i32
      %dma_wait3A_49 = arith.constant 0 : i32
      %dma_wait3A_50 = tpu.memref_slice %arg6[%run_scoped3A_35, %dma_wait3A_48, %dma_wait3A_49] : memref<3x16x512xf32, #tpu.memory_space<vmem>> -> memref<1x16x512xf32, #tpu.memory_space<vmem>>
      %dma_wait3A_51 = tpu.memref_squeeze %dma_wait3A_50 : memref<1x16x512xf32, #tpu.memory_space<vmem>> -> memref<16x512xf32, #tpu.memory_space<vmem>>
      %dma_wait3A_52 = arith.constant 80 : i32
      %dma_wait3A_53 = tpu.memref_slice %arg4[%dma_wait3A_52, %mul3A_21] : memref<96x16384xf32, #tpu.memory_space<hbm>> -> memref<16x512xf32, #tpu.memory_space<hbm>>
      %dma_wait3A_54 = arith.constant 80 : i32
      %dma_wait3A_55 = tpu.memref_slice %arg4[%dma_wait3A_54, %mul3A_21] : memref<96x16384xf32, #tpu.memory_space<hbm>> -> memref<16x512xf32, #tpu.memory_space<hbm>>
      %dma_wait3A_56 = arith.constant 0 : i32
      %dma_wait3A_57 = arith.constant 0 : i32
      %dma_wait3A_58 = tpu.memref_slice %arg6[%run_scoped3A_35, %dma_wait3A_56, %dma_wait3A_57] : memref<3x16x512xf32, #tpu.memory_space<vmem>> -> memref<1x16x512xf32, #tpu.memory_space<vmem>>
      %dma_wait3A_59 = tpu.memref_squeeze %dma_wait3A_58 : memref<1x16x512xf32, #tpu.memory_space<vmem>> -> memref<16x512xf32, #tpu.memory_space<vmem>>
      tpu.wait_dma2 semaphore(%run_scoped3A_36 : memref<!tpu.dma_semaphore, #tpu.memory_space<semaphore_mem>>) src(%dma_wait3A_59 : memref<16x512xf32, #tpu.memory_space<vmem>>) dst(%dma_wait3A_55 : memref<16x512xf32, #tpu.memory_space<hbm>>)
      tpu.yield
    }) : () -> ()
    return
  }
}

#map = affine_map<(d0, d1) -> (0, 0, 0, 0)>
#map1 = affine_map<(d0, d1) -> (0, 0)>
module attributes {stable_mosaic.version = 14 : i64} {
  func.func @_sc_gather_body(%arg0: i32, %arg1: i32, %arg2: memref<32x7x4x128xi32, #tpu.memory_space<hbm>>, %arg3: memref<112x100000xf32, #tpu.memory_space<hbm>>, %arg4: memref<112x16384xf32, #tpu.memory_space<hbm>>, %arg5: memref<7x4x128xi32, #tpu.memory_space<vmem>>, %arg6: memref<3x16x512xf32, #tpu.memory_space<vmem>>, %arg7: memref<!tpu.dma_semaphore, #tpu.memory_space<semaphore_mem>>, %arg8: memref<!tpu.dma_semaphore, #tpu.memory_space<semaphore_mem>>, %arg9: memref<!tpu.dma_semaphore, #tpu.memory_space<semaphore_mem>>) attributes {dimension_semantics = [#tpu.dimension_semantics<core_parallel>, #tpu.dimension_semantics<subcore_parallel>], iteration_bounds = array<i64: 2, 16>, scalar_prefetch = 0 : i64, scratch_operands = 5 : i64, tpu.core_type = #tpu.core_type<sc_vector_subcore>, window_params = [{transform_indices = #map}, {transform_indices = #map1}, {transform_indices = #map1}]} {
    %mul3A = arith.constant 2 : i32
    %mul3A_0 = arith.muli %arg1, %mul3A : i32
    %add3A = arith.addi %mul3A_0, %arg0 : i32
    "tpu.region"() ({
      %run_scoped3A_36 = tpu.sem_alloc : memref<!tpu.dma_semaphore, #tpu.memory_space<semaphore_mem>>
      %dma_start3A = arith.constant 0 : i32
      %dma_start3A_37 = arith.constant 0 : i32
      %dma_start3A_38 = arith.constant 0 : i32
      %dma_start3A_39 = tpu.memref_slice %arg2[%add3A, %dma_start3A, %dma_start3A_37, %dma_start3A_38] : memref<32x7x4x128xi32, #tpu.memory_space<hbm>> -> memref<1x7x4x128xi32, #tpu.memory_space<hbm>>
      %dma_start3A_40 = tpu.memref_squeeze %dma_start3A_39 : memref<1x7x4x128xi32, #tpu.memory_space<hbm>> -> memref<7x4x128xi32, #tpu.memory_space<hbm>>
      %dma_start3A_41 = arith.constant 0 : i32
      %dma_start3A_42 = arith.constant 0 : i32
      %dma_start3A_43 = arith.constant 0 : i32
      %dma_start3A_44 = tpu.memref_slice %arg2[%add3A, %dma_start3A_41, %dma_start3A_42, %dma_start3A_43] : memref<32x7x4x128xi32, #tpu.memory_space<hbm>> -> memref<1x7x4x128xi32, #tpu.memory_space<hbm>>
      %dma_start3A_45 = tpu.memref_squeeze %dma_start3A_44 : memref<1x7x4x128xi32, #tpu.memory_space<hbm>> -> memref<7x4x128xi32, #tpu.memory_space<hbm>>
      tpu.enqueue_dma source(%dma_start3A_45 : memref<7x4x128xi32, #tpu.memory_space<hbm>>) target(%arg5 : memref<7x4x128xi32, #tpu.memory_space<vmem>>) target_semaphore(%run_scoped3A_36 : memref<!tpu.dma_semaphore, #tpu.memory_space<semaphore_mem>>)
      %dma_wait3A_46 = arith.constant 0 : i32
      %dma_wait3A_47 = arith.constant 0 : i32
      %dma_wait3A_48 = arith.constant 0 : i32
      %dma_wait3A_49 = tpu.memref_slice %arg2[%add3A, %dma_wait3A_46, %dma_wait3A_47, %dma_wait3A_48] : memref<32x7x4x128xi32, #tpu.memory_space<hbm>> -> memref<1x7x4x128xi32, #tpu.memory_space<hbm>>
      %dma_wait3A_50 = tpu.memref_squeeze %dma_wait3A_49 : memref<1x7x4x128xi32, #tpu.memory_space<hbm>> -> memref<7x4x128xi32, #tpu.memory_space<hbm>>
      %dma_wait3A_51 = arith.constant 0 : i32
      %dma_wait3A_52 = arith.constant 0 : i32
      %dma_wait3A_53 = arith.constant 0 : i32
      %dma_wait3A_54 = tpu.memref_slice %arg2[%add3A, %dma_wait3A_51, %dma_wait3A_52, %dma_wait3A_53] : memref<32x7x4x128xi32, #tpu.memory_space<hbm>> -> memref<1x7x4x128xi32, #tpu.memory_space<hbm>>
      %dma_wait3A_55 = tpu.memref_squeeze %dma_wait3A_54 : memref<1x7x4x128xi32, #tpu.memory_space<hbm>> -> memref<7x4x128xi32, #tpu.memory_space<hbm>>
      tpu.wait_dma2 semaphore(%run_scoped3A_36 : memref<!tpu.dma_semaphore, #tpu.memory_space<semaphore_mem>>) src(%dma_wait3A_55 : memref<7x4x128xi32, #tpu.memory_space<hbm>>) dst(%arg5 : memref<7x4x128xi32, #tpu.memory_space<vmem>>)
      tpu.yield
    }) : () -> ()
    %scan3A = arith.constant 0 : i32
    %scan3A_1 = arith.constant 0 : i32
    %scan3A_2 = arith.constant 7 : i32
    %scan3A_3 = arith.addi %scan3A_1, %scan3A_2 : i32
    %scan3A_4 = arith.constant 1 : i32
    scf.for %scan3A_36 = %scan3A_1 to %scan3A_3 step %scan3A_4  : i32 {
      %jit3A = arith.constant 3 : i32
      %eq3A = arith.constant 0 : i32
      %eq3A_37 = arith.cmpi eq, %jit3A, %eq3A : i32
      %jit3A_38 = arith.constant 1 : i32
      %select_n3A = arith.select %eq3A_37, %jit3A_38, %jit3A : i32
      %rem3A = arith.remsi %scan3A_36, %select_n3A : i32
      %ne3A = arith.constant 0 : i32
      %ne3A_39 = arith.cmpi ne, %rem3A, %ne3A : i32
      %lt3A = arith.constant 0 : i32
      %lt3A_40 = arith.cmpi slt, %rem3A, %lt3A : i32
      %lt3A_41 = arith.constant 0 : i32
      %lt3A_42 = arith.cmpi slt, %select_n3A, %lt3A_41 : i32
      %ne3A_43 = arith.xori %lt3A_40, %lt3A_42 : i1
      %and3A = arith.andi %ne3A_43, %ne3A_39 : i1
      %add3A_44 = arith.addi %rem3A, %select_n3A : i32
      %select_n3A_45 = arith.select %and3A, %add3A_44, %rem3A : i32
      %eq3A_46 = arith.constant 0 : i32
      %eq3A_47 = arith.cmpi eq, %select_n3A_45, %eq3A_46 : i32
      %convert_element_type3A = arith.extui %eq3A_47 : i1 to i32
      %cond3A = arith.constant 0 : i32
      %cond3A_48 = arith.cmpi ne, %convert_element_type3A, %cond3A : i32
      scf.if %cond3A_48 {
        %scan3A_162 = arith.constant 0 : i32
        %scan3A_163 = arith.constant 0 : i32
        %scan3A_164 = arith.constant 16 : i32
        %scan3A_165 = arith.addi %scan3A_163, %scan3A_164 : i32
        %scan3A_166 = arith.constant 1 : i32
        scf.for %scan3A_168 = %scan3A_163 to %scan3A_165 step %scan3A_166  : i32 {
          %mul3A_169 = arith.constant 16 : i32
          %mul3A_170 = arith.muli %scan3A_36, %mul3A_169 : i32
          %add3A_171 = arith.addi %mul3A_170, %scan3A_168 : i32
          %jit3A_172 = arith.constant 3 : i32
          %eq3A_173 = arith.constant 0 : i32
          %eq3A_174 = arith.cmpi eq, %jit3A_172, %eq3A_173 : i32
          %jit3A_175 = arith.constant 1 : i32
          %select_n3A_176 = arith.select %eq3A_174, %jit3A_175, %jit3A_172 : i32
          %rem3A_177 = arith.remsi %scan3A_36, %select_n3A_176 : i32
          %ne3A_178 = arith.constant 0 : i32
          %ne3A_179 = arith.cmpi ne, %rem3A_177, %ne3A_178 : i32
          %lt3A_180 = arith.constant 0 : i32
          %lt3A_181 = arith.cmpi slt, %rem3A_177, %lt3A_180 : i32
          %lt3A_182 = arith.constant 0 : i32
          %lt3A_183 = arith.cmpi slt, %select_n3A_176, %lt3A_182 : i32
          %ne3A_184 = arith.xori %lt3A_181, %lt3A_183 : i1
          %and3A_185 = arith.andi %ne3A_184, %ne3A_179 : i1
          %add3A_186 = arith.addi %rem3A_177, %select_n3A_176 : i32
          %select_n3A_187 = arith.select %and3A_185, %add3A_186, %rem3A_177 : i32
          %dma_start3A = arith.constant 0 : i32
          %dma_start3A_188 = arith.constant 0 : i32
          %dma_start3A_189 = tpu.memref_slice %arg6[%select_n3A_187, %scan3A_168, %dma_start3A_188] : memref<3x16x512xf32, #tpu.memory_space<vmem>> -> memref<1x1x128xf32, #tpu.memory_space<vmem>>
          %dma_start3A_190 = tpu.memref_squeeze %dma_start3A_189 : memref<1x1x128xf32, #tpu.memory_space<vmem>> -> memref<128xf32, #tpu.memory_space<vmem>>
          %dma_start3A_191 = arith.constant 0 : i32
          %dma_start3A_192 = tpu.memref_slice %arg5[%scan3A_36, %dma_start3A, %dma_start3A_191] : memref<7x4x128xi32, #tpu.memory_space<vmem>> -> memref<1x1x128xi32, #tpu.memory_space<vmem>>
          %dma_start3A_193 = tpu.memref_squeeze %dma_start3A_192 : memref<1x1x128xi32, #tpu.memory_space<vmem>> -> memref<128xi32, #tpu.memory_space<vmem>>
          %dma_start3A_194 = arith.constant 0 : i32
          %dma_start3A_195 = tpu.memref_slice %arg3[%add3A_171, %dma_start3A_194] : memref<112x100000xf32, #tpu.memory_space<hbm>> -> memref<1x100000xf32, #tpu.memory_space<hbm>>
          %dma_start3A_196 = tpu.memref_squeeze %dma_start3A_195 : memref<1x100000xf32, #tpu.memory_space<hbm>> -> memref<100000xf32, #tpu.memory_space<hbm>>
          %dma_start3A_197 = arith.constant 0 : i32
          %dma_start3A_198 = tpu.memref_slice %dma_start3A_196[%dma_start3A_197] : memref<100000xf32, #tpu.memory_space<hbm>> -> memref<100000xf32, #tpu.memory_space<hbm>>
          tpu.enqueue_indirect_dma source(%dma_start3A_198 : memref<100000xf32, #tpu.memory_space<hbm>>) target(%dma_start3A_190 : memref<128xf32, #tpu.memory_space<vmem>>) offsets(%dma_start3A_193 : memref<128xi32, #tpu.memory_space<vmem>>) semaphore(%arg7 : memref<!tpu.dma_semaphore, #tpu.memory_space<semaphore_mem>>)
          %jit3A_199 = arith.constant 3 : i32
          %eq3A_200 = arith.constant 0 : i32
          %eq3A_201 = arith.cmpi eq, %jit3A_199, %eq3A_200 : i32
          %jit3A_202 = arith.constant 1 : i32
          %select_n3A_203 = arith.select %eq3A_201, %jit3A_202, %jit3A_199 : i32
          %rem3A_204 = arith.remsi %scan3A_36, %select_n3A_203 : i32
          %ne3A_205 = arith.constant 0 : i32
          %ne3A_206 = arith.cmpi ne, %rem3A_204, %ne3A_205 : i32
          %lt3A_207 = arith.constant 0 : i32
          %lt3A_208 = arith.cmpi slt, %rem3A_204, %lt3A_207 : i32
          %lt3A_209 = arith.constant 0 : i32
          %lt3A_210 = arith.cmpi slt, %select_n3A_203, %lt3A_209 : i32
          %ne3A_211 = arith.xori %lt3A_208, %lt3A_210 : i1
          %and3A_212 = arith.andi %ne3A_211, %ne3A_206 : i1
          %add3A_213 = arith.addi %rem3A_204, %select_n3A_203 : i32
          %select_n3A_214 = arith.select %and3A_212, %add3A_213, %rem3A_204 : i32
          %dma_start3A_215 = arith.constant 1 : i32
          %dma_start3A_216 = arith.constant 128 : i32
          %dma_start3A_217 = tpu.memref_slice %arg6[%select_n3A_214, %scan3A_168, %dma_start3A_216] : memref<3x16x512xf32, #tpu.memory_space<vmem>> -> memref<1x1x128xf32, #tpu.memory_space<vmem>>
          %dma_start3A_218 = tpu.memref_squeeze %dma_start3A_217 : memref<1x1x128xf32, #tpu.memory_space<vmem>> -> memref<128xf32, #tpu.memory_space<vmem>>
          %dma_start3A_219 = arith.constant 0 : i32
          %dma_start3A_220 = tpu.memref_slice %arg5[%scan3A_36, %dma_start3A_215, %dma_start3A_219] : memref<7x4x128xi32, #tpu.memory_space<vmem>> -> memref<1x1x128xi32, #tpu.memory_space<vmem>>
          %dma_start3A_221 = tpu.memref_squeeze %dma_start3A_220 : memref<1x1x128xi32, #tpu.memory_space<vmem>> -> memref<128xi32, #tpu.memory_space<vmem>>
          %dma_start3A_222 = arith.constant 0 : i32
          %dma_start3A_223 = tpu.memref_slice %arg3[%add3A_171, %dma_start3A_222] : memref<112x100000xf32, #tpu.memory_space<hbm>> -> memref<1x100000xf32, #tpu.memory_space<hbm>>
          %dma_start3A_224 = tpu.memref_squeeze %dma_start3A_223 : memref<1x100000xf32, #tpu.memory_space<hbm>> -> memref<100000xf32, #tpu.memory_space<hbm>>
          %dma_start3A_225 = arith.constant 0 : i32
          %dma_start3A_226 = tpu.memref_slice %dma_start3A_224[%dma_start3A_225] : memref<100000xf32, #tpu.memory_space<hbm>> -> memref<100000xf32, #tpu.memory_space<hbm>>
          tpu.enqueue_indirect_dma source(%dma_start3A_226 : memref<100000xf32, #tpu.memory_space<hbm>>) target(%dma_start3A_218 : memref<128xf32, #tpu.memory_space<vmem>>) offsets(%dma_start3A_221 : memref<128xi32, #tpu.memory_space<vmem>>) semaphore(%arg7 : memref<!tpu.dma_semaphore, #tpu.memory_space<semaphore_mem>>)
          %jit3A_227 = arith.constant 3 : i32
          %eq3A_228 = arith.constant 0 : i32
          %eq3A_229 = arith.cmpi eq, %jit3A_227, %eq3A_228 : i32
          %jit3A_230 = arith.constant 1 : i32
          %select_n3A_231 = arith.select %eq3A_229, %jit3A_230, %jit3A_227 : i32
          %rem3A_232 = arith.remsi %scan3A_36, %select_n3A_231 : i32
          %ne3A_233 = arith.constant 0 : i32
          %ne3A_234 = arith.cmpi ne, %rem3A_232, %ne3A_233 : i32
          %lt3A_235 = arith.constant 0 : i32
          %lt3A_236 = arith.cmpi slt, %rem3A_232, %lt3A_235 : i32
          %lt3A_237 = arith.constant 0 : i32
          %lt3A_238 = arith.cmpi slt, %select_n3A_231, %lt3A_237 : i32
          %ne3A_239 = arith.xori %lt3A_236, %lt3A_238 : i1
          %and3A_240 = arith.andi %ne3A_239, %ne3A_234 : i1
          %add3A_241 = arith.addi %rem3A_232, %select_n3A_231 : i32
          %select_n3A_242 = arith.select %and3A_240, %add3A_241, %rem3A_232 : i32
          %dma_start3A_243 = arith.constant 2 : i32
          %dma_start3A_244 = arith.constant 256 : i32
          %dma_start3A_245 = tpu.memref_slice %arg6[%select_n3A_242, %scan3A_168, %dma_start3A_244] : memref<3x16x512xf32, #tpu.memory_space<vmem>> -> memref<1x1x128xf32, #tpu.memory_space<vmem>>
          %dma_start3A_246 = tpu.memref_squeeze %dma_start3A_245 : memref<1x1x128xf32, #tpu.memory_space<vmem>> -> memref<128xf32, #tpu.memory_space<vmem>>
          %dma_start3A_247 = arith.constant 0 : i32
          %dma_start3A_248 = tpu.memref_slice %arg5[%scan3A_36, %dma_start3A_243, %dma_start3A_247] : memref<7x4x128xi32, #tpu.memory_space<vmem>> -> memref<1x1x128xi32, #tpu.memory_space<vmem>>
          %dma_start3A_249 = tpu.memref_squeeze %dma_start3A_248 : memref<1x1x128xi32, #tpu.memory_space<vmem>> -> memref<128xi32, #tpu.memory_space<vmem>>
          %dma_start3A_250 = arith.constant 0 : i32
          %dma_start3A_251 = tpu.memref_slice %arg3[%add3A_171, %dma_start3A_250] : memref<112x100000xf32, #tpu.memory_space<hbm>> -> memref<1x100000xf32, #tpu.memory_space<hbm>>
          %dma_start3A_252 = tpu.memref_squeeze %dma_start3A_251 : memref<1x100000xf32, #tpu.memory_space<hbm>> -> memref<100000xf32, #tpu.memory_space<hbm>>
          %dma_start3A_253 = arith.constant 0 : i32
          %dma_start3A_254 = tpu.memref_slice %dma_start3A_252[%dma_start3A_253] : memref<100000xf32, #tpu.memory_space<hbm>> -> memref<100000xf32, #tpu.memory_space<hbm>>
          tpu.enqueue_indirect_dma source(%dma_start3A_254 : memref<100000xf32, #tpu.memory_space<hbm>>) target(%dma_start3A_246 : memref<128xf32, #tpu.memory_space<vmem>>) offsets(%dma_start3A_249 : memref<128xi32, #tpu.memory_space<vmem>>) semaphore(%arg7 : memref<!tpu.dma_semaphore, #tpu.memory_space<semaphore_mem>>)
          %jit3A_255 = arith.constant 3 : i32
          %eq3A_256 = arith.constant 0 : i32
          %eq3A_257 = arith.cmpi eq, %jit3A_255, %eq3A_256 : i32
          %jit3A_258 = arith.constant 1 : i32
          %select_n3A_259 = arith.select %eq3A_257, %jit3A_258, %jit3A_255 : i32
          %rem3A_260 = arith.remsi %scan3A_36, %select_n3A_259 : i32
          %ne3A_261 = arith.constant 0 : i32
          %ne3A_262 = arith.cmpi ne, %rem3A_260, %ne3A_261 : i32
          %lt3A_263 = arith.constant 0 : i32
          %lt3A_264 = arith.cmpi slt, %rem3A_260, %lt3A_263 : i32
          %lt3A_265 = arith.constant 0 : i32
          %lt3A_266 = arith.cmpi slt, %select_n3A_259, %lt3A_265 : i32
          %ne3A_267 = arith.xori %lt3A_264, %lt3A_266 : i1
          %and3A_268 = arith.andi %ne3A_267, %ne3A_262 : i1
          %add3A_269 = arith.addi %rem3A_260, %select_n3A_259 : i32
          %select_n3A_270 = arith.select %and3A_268, %add3A_269, %rem3A_260 : i32
          %dma_start3A_271 = arith.constant 3 : i32
          %dma_start3A_272 = arith.constant 384 : i32
          %dma_start3A_273 = tpu.memref_slice %arg6[%select_n3A_270, %scan3A_168, %dma_start3A_272] : memref<3x16x512xf32, #tpu.memory_space<vmem>> -> memref<1x1x128xf32, #tpu.memory_space<vmem>>
          %dma_start3A_274 = tpu.memref_squeeze %dma_start3A_273 : memref<1x1x128xf32, #tpu.memory_space<vmem>> -> memref<128xf32, #tpu.memory_space<vmem>>
          %dma_start3A_275 = arith.constant 0 : i32
          %dma_start3A_276 = tpu.memref_slice %arg5[%scan3A_36, %dma_start3A_271, %dma_start3A_275] : memref<7x4x128xi32, #tpu.memory_space<vmem>> -> memref<1x1x128xi32, #tpu.memory_space<vmem>>
          %dma_start3A_277 = tpu.memref_squeeze %dma_start3A_276 : memref<1x1x128xi32, #tpu.memory_space<vmem>> -> memref<128xi32, #tpu.memory_space<vmem>>
          %dma_start3A_278 = arith.constant 0 : i32
          %dma_start3A_279 = tpu.memref_slice %arg3[%add3A_171, %dma_start3A_278] : memref<112x100000xf32, #tpu.memory_space<hbm>> -> memref<1x100000xf32, #tpu.memory_space<hbm>>
          %dma_start3A_280 = tpu.memref_squeeze %dma_start3A_279 : memref<1x100000xf32, #tpu.memory_space<hbm>> -> memref<100000xf32, #tpu.memory_space<hbm>>
          %dma_start3A_281 = arith.constant 0 : i32
          %dma_start3A_282 = tpu.memref_slice %dma_start3A_280[%dma_start3A_281] : memref<100000xf32, #tpu.memory_space<hbm>> -> memref<100000xf32, #tpu.memory_space<hbm>>
          tpu.enqueue_indirect_dma source(%dma_start3A_282 : memref<100000xf32, #tpu.memory_space<hbm>>) target(%dma_start3A_274 : memref<128xf32, #tpu.memory_space<vmem>>) offsets(%dma_start3A_277 : memref<128xi32, #tpu.memory_space<vmem>>) semaphore(%arg7 : memref<!tpu.dma_semaphore, #tpu.memory_space<semaphore_mem>>)
        }
        %scan3A_167 = arith.constant 16 : i32
      } else {
      }
      %jit3A_49 = arith.constant 3 : i32
      %eq3A_50 = arith.constant 0 : i32
      %eq3A_51 = arith.cmpi eq, %jit3A_49, %eq3A_50 : i32
      %jit3A_52 = arith.constant 1 : i32
      %select_n3A_53 = arith.select %eq3A_51, %jit3A_52, %jit3A_49 : i32
      %rem3A_54 = arith.remsi %scan3A_36, %select_n3A_53 : i32
      %ne3A_55 = arith.constant 0 : i32
      %ne3A_56 = arith.cmpi ne, %rem3A_54, %ne3A_55 : i32
      %lt3A_57 = arith.constant 0 : i32
      %lt3A_58 = arith.cmpi slt, %rem3A_54, %lt3A_57 : i32
      %lt3A_59 = arith.constant 0 : i32
      %lt3A_60 = arith.cmpi slt, %select_n3A_53, %lt3A_59 : i32
      %ne3A_61 = arith.xori %lt3A_58, %lt3A_60 : i1
      %and3A_62 = arith.andi %ne3A_61, %ne3A_56 : i1
      %add3A_63 = arith.addi %rem3A_54, %select_n3A_53 : i32
      %select_n3A_64 = arith.select %and3A_62, %add3A_63, %rem3A_54 : i32
      %eq3A_65 = arith.constant 1 : i32
      %eq3A_66 = arith.cmpi eq, %select_n3A_64, %eq3A_65 : i32
      %convert_element_type3A_67 = arith.extui %eq3A_66 : i1 to i32
      %cond3A_68 = arith.constant 0 : i32
      %cond3A_69 = arith.cmpi ne, %convert_element_type3A_67, %cond3A_68 : i32
      scf.if %cond3A_69 {
        %scan3A_162 = arith.constant 0 : i32
        %scan3A_163 = arith.constant 0 : i32
        %scan3A_164 = arith.constant 16 : i32
        %scan3A_165 = arith.addi %scan3A_163, %scan3A_164 : i32
        %scan3A_166 = arith.constant 1 : i32
        scf.for %scan3A_168 = %scan3A_163 to %scan3A_165 step %scan3A_166  : i32 {
          %mul3A_169 = arith.constant 16 : i32
          %mul3A_170 = arith.muli %scan3A_36, %mul3A_169 : i32
          %add3A_171 = arith.addi %mul3A_170, %scan3A_168 : i32
          %jit3A_172 = arith.constant 3 : i32
          %eq3A_173 = arith.constant 0 : i32
          %eq3A_174 = arith.cmpi eq, %jit3A_172, %eq3A_173 : i32
          %jit3A_175 = arith.constant 1 : i32
          %select_n3A_176 = arith.select %eq3A_174, %jit3A_175, %jit3A_172 : i32
          %rem3A_177 = arith.remsi %scan3A_36, %select_n3A_176 : i32
          %ne3A_178 = arith.constant 0 : i32
          %ne3A_179 = arith.cmpi ne, %rem3A_177, %ne3A_178 : i32
          %lt3A_180 = arith.constant 0 : i32
          %lt3A_181 = arith.cmpi slt, %rem3A_177, %lt3A_180 : i32
          %lt3A_182 = arith.constant 0 : i32
          %lt3A_183 = arith.cmpi slt, %select_n3A_176, %lt3A_182 : i32
          %ne3A_184 = arith.xori %lt3A_181, %lt3A_183 : i1
          %and3A_185 = arith.andi %ne3A_184, %ne3A_179 : i1
          %add3A_186 = arith.addi %rem3A_177, %select_n3A_176 : i32
          %select_n3A_187 = arith.select %and3A_185, %add3A_186, %rem3A_177 : i32
          %dma_start3A = arith.constant 0 : i32
          %dma_start3A_188 = arith.constant 0 : i32
          %dma_start3A_189 = tpu.memref_slice %arg6[%select_n3A_187, %scan3A_168, %dma_start3A_188] : memref<3x16x512xf32, #tpu.memory_space<vmem>> -> memref<1x1x128xf32, #tpu.memory_space<vmem>>
          %dma_start3A_190 = tpu.memref_squeeze %dma_start3A_189 : memref<1x1x128xf32, #tpu.memory_space<vmem>> -> memref<128xf32, #tpu.memory_space<vmem>>
          %dma_start3A_191 = arith.constant 0 : i32
          %dma_start3A_192 = tpu.memref_slice %arg5[%scan3A_36, %dma_start3A, %dma_start3A_191] : memref<7x4x128xi32, #tpu.memory_space<vmem>> -> memref<1x1x128xi32, #tpu.memory_space<vmem>>
          %dma_start3A_193 = tpu.memref_squeeze %dma_start3A_192 : memref<1x1x128xi32, #tpu.memory_space<vmem>> -> memref<128xi32, #tpu.memory_space<vmem>>
          %dma_start3A_194 = arith.constant 0 : i32
          %dma_start3A_195 = tpu.memref_slice %arg3[%add3A_171, %dma_start3A_194] : memref<112x100000xf32, #tpu.memory_space<hbm>> -> memref<1x100000xf32, #tpu.memory_space<hbm>>
          %dma_start3A_196 = tpu.memref_squeeze %dma_start3A_195 : memref<1x100000xf32, #tpu.memory_space<hbm>> -> memref<100000xf32, #tpu.memory_space<hbm>>
          %dma_start3A_197 = arith.constant 0 : i32
          %dma_start3A_198 = tpu.memref_slice %dma_start3A_196[%dma_start3A_197] : memref<100000xf32, #tpu.memory_space<hbm>> -> memref<100000xf32, #tpu.memory_space<hbm>>
          tpu.enqueue_indirect_dma source(%dma_start3A_198 : memref<100000xf32, #tpu.memory_space<hbm>>) target(%dma_start3A_190 : memref<128xf32, #tpu.memory_space<vmem>>) offsets(%dma_start3A_193 : memref<128xi32, #tpu.memory_space<vmem>>) semaphore(%arg8 : memref<!tpu.dma_semaphore, #tpu.memory_space<semaphore_mem>>)
          %jit3A_199 = arith.constant 3 : i32
          %eq3A_200 = arith.constant 0 : i32
          %eq3A_201 = arith.cmpi eq, %jit3A_199, %eq3A_200 : i32
          %jit3A_202 = arith.constant 1 : i32
          %select_n3A_203 = arith.select %eq3A_201, %jit3A_202, %jit3A_199 : i32
          %rem3A_204 = arith.remsi %scan3A_36, %select_n3A_203 : i32
          %ne3A_205 = arith.constant 0 : i32
          %ne3A_206 = arith.cmpi ne, %rem3A_204, %ne3A_205 : i32
          %lt3A_207 = arith.constant 0 : i32
          %lt3A_208 = arith.cmpi slt, %rem3A_204, %lt3A_207 : i32
          %lt3A_209 = arith.constant 0 : i32
          %lt3A_210 = arith.cmpi slt, %select_n3A_203, %lt3A_209 : i32
          %ne3A_211 = arith.xori %lt3A_208, %lt3A_210 : i1
          %and3A_212 = arith.andi %ne3A_211, %ne3A_206 : i1
          %add3A_213 = arith.addi %rem3A_204, %select_n3A_203 : i32
          %select_n3A_214 = arith.select %and3A_212, %add3A_213, %rem3A_204 : i32
          %dma_start3A_215 = arith.constant 1 : i32
          %dma_start3A_216 = arith.constant 128 : i32
          %dma_start3A_217 = tpu.memref_slice %arg6[%select_n3A_214, %scan3A_168, %dma_start3A_216] : memref<3x16x512xf32, #tpu.memory_space<vmem>> -> memref<1x1x128xf32, #tpu.memory_space<vmem>>
          %dma_start3A_218 = tpu.memref_squeeze %dma_start3A_217 : memref<1x1x128xf32, #tpu.memory_space<vmem>> -> memref<128xf32, #tpu.memory_space<vmem>>
          %dma_start3A_219 = arith.constant 0 : i32
          %dma_start3A_220 = tpu.memref_slice %arg5[%scan3A_36, %dma_start3A_215, %dma_start3A_219] : memref<7x4x128xi32, #tpu.memory_space<vmem>> -> memref<1x1x128xi32, #tpu.memory_space<vmem>>
          %dma_start3A_221 = tpu.memref_squeeze %dma_start3A_220 : memref<1x1x128xi32, #tpu.memory_space<vmem>> -> memref<128xi32, #tpu.memory_space<vmem>>
          %dma_start3A_222 = arith.constant 0 : i32
          %dma_start3A_223 = tpu.memref_slice %arg3[%add3A_171, %dma_start3A_222] : memref<112x100000xf32, #tpu.memory_space<hbm>> -> memref<1x100000xf32, #tpu.memory_space<hbm>>
          %dma_start3A_224 = tpu.memref_squeeze %dma_start3A_223 : memref<1x100000xf32, #tpu.memory_space<hbm>> -> memref<100000xf32, #tpu.memory_space<hbm>>
          %dma_start3A_225 = arith.constant 0 : i32
          %dma_start3A_226 = tpu.memref_slice %dma_start3A_224[%dma_start3A_225] : memref<100000xf32, #tpu.memory_space<hbm>> -> memref<100000xf32, #tpu.memory_space<hbm>>
          tpu.enqueue_indirect_dma source(%dma_start3A_226 : memref<100000xf32, #tpu.memory_space<hbm>>) target(%dma_start3A_218 : memref<128xf32, #tpu.memory_space<vmem>>) offsets(%dma_start3A_221 : memref<128xi32, #tpu.memory_space<vmem>>) semaphore(%arg8 : memref<!tpu.dma_semaphore, #tpu.memory_space<semaphore_mem>>)
          %jit3A_227 = arith.constant 3 : i32
          %eq3A_228 = arith.constant 0 : i32
          %eq3A_229 = arith.cmpi eq, %jit3A_227, %eq3A_228 : i32
          %jit3A_230 = arith.constant 1 : i32
          %select_n3A_231 = arith.select %eq3A_229, %jit3A_230, %jit3A_227 : i32
          %rem3A_232 = arith.remsi %scan3A_36, %select_n3A_231 : i32
          %ne3A_233 = arith.constant 0 : i32
          %ne3A_234 = arith.cmpi ne, %rem3A_232, %ne3A_233 : i32
          %lt3A_235 = arith.constant 0 : i32
          %lt3A_236 = arith.cmpi slt, %rem3A_232, %lt3A_235 : i32
          %lt3A_237 = arith.constant 0 : i32
          %lt3A_238 = arith.cmpi slt, %select_n3A_231, %lt3A_237 : i32
          %ne3A_239 = arith.xori %lt3A_236, %lt3A_238 : i1
          %and3A_240 = arith.andi %ne3A_239, %ne3A_234 : i1
          %add3A_241 = arith.addi %rem3A_232, %select_n3A_231 : i32
          %select_n3A_242 = arith.select %and3A_240, %add3A_241, %rem3A_232 : i32
          %dma_start3A_243 = arith.constant 2 : i32
          %dma_start3A_244 = arith.constant 256 : i32
          %dma_start3A_245 = tpu.memref_slice %arg6[%select_n3A_242, %scan3A_168, %dma_start3A_244] : memref<3x16x512xf32, #tpu.memory_space<vmem>> -> memref<1x1x128xf32, #tpu.memory_space<vmem>>
          %dma_start3A_246 = tpu.memref_squeeze %dma_start3A_245 : memref<1x1x128xf32, #tpu.memory_space<vmem>> -> memref<128xf32, #tpu.memory_space<vmem>>
          %dma_start3A_247 = arith.constant 0 : i32
          %dma_start3A_248 = tpu.memref_slice %arg5[%scan3A_36, %dma_start3A_243, %dma_start3A_247] : memref<7x4x128xi32, #tpu.memory_space<vmem>> -> memref<1x1x128xi32, #tpu.memory_space<vmem>>
          %dma_start3A_249 = tpu.memref_squeeze %dma_start3A_248 : memref<1x1x128xi32, #tpu.memory_space<vmem>> -> memref<128xi32, #tpu.memory_space<vmem>>
          %dma_start3A_250 = arith.constant 0 : i32
          %dma_start3A_251 = tpu.memref_slice %arg3[%add3A_171, %dma_start3A_250] : memref<112x100000xf32, #tpu.memory_space<hbm>> -> memref<1x100000xf32, #tpu.memory_space<hbm>>
          %dma_start3A_252 = tpu.memref_squeeze %dma_start3A_251 : memref<1x100000xf32, #tpu.memory_space<hbm>> -> memref<100000xf32, #tpu.memory_space<hbm>>
          %dma_start3A_253 = arith.constant 0 : i32
          %dma_start3A_254 = tpu.memref_slice %dma_start3A_252[%dma_start3A_253] : memref<100000xf32, #tpu.memory_space<hbm>> -> memref<100000xf32, #tpu.memory_space<hbm>>
          tpu.enqueue_indirect_dma source(%dma_start3A_254 : memref<100000xf32, #tpu.memory_space<hbm>>) target(%dma_start3A_246 : memref<128xf32, #tpu.memory_space<vmem>>) offsets(%dma_start3A_249 : memref<128xi32, #tpu.memory_space<vmem>>) semaphore(%arg8 : memref<!tpu.dma_semaphore, #tpu.memory_space<semaphore_mem>>)
          %jit3A_255 = arith.constant 3 : i32
          %eq3A_256 = arith.constant 0 : i32
          %eq3A_257 = arith.cmpi eq, %jit3A_255, %eq3A_256 : i32
          %jit3A_258 = arith.constant 1 : i32
          %select_n3A_259 = arith.select %eq3A_257, %jit3A_258, %jit3A_255 : i32
          %rem3A_260 = arith.remsi %scan3A_36, %select_n3A_259 : i32
          %ne3A_261 = arith.constant 0 : i32
          %ne3A_262 = arith.cmpi ne, %rem3A_260, %ne3A_261 : i32
          %lt3A_263 = arith.constant 0 : i32
          %lt3A_264 = arith.cmpi slt, %rem3A_260, %lt3A_263 : i32
          %lt3A_265 = arith.constant 0 : i32
          %lt3A_266 = arith.cmpi slt, %select_n3A_259, %lt3A_265 : i32
          %ne3A_267 = arith.xori %lt3A_264, %lt3A_266 : i1
          %and3A_268 = arith.andi %ne3A_267, %ne3A_262 : i1
          %add3A_269 = arith.addi %rem3A_260, %select_n3A_259 : i32
          %select_n3A_270 = arith.select %and3A_268, %add3A_269, %rem3A_260 : i32
          %dma_start3A_271 = arith.constant 3 : i32
          %dma_start3A_272 = arith.constant 384 : i32
          %dma_start3A_273 = tpu.memref_slice %arg6[%select_n3A_270, %scan3A_168, %dma_start3A_272] : memref<3x16x512xf32, #tpu.memory_space<vmem>> -> memref<1x1x128xf32, #tpu.memory_space<vmem>>
          %dma_start3A_274 = tpu.memref_squeeze %dma_start3A_273 : memref<1x1x128xf32, #tpu.memory_space<vmem>> -> memref<128xf32, #tpu.memory_space<vmem>>
          %dma_start3A_275 = arith.constant 0 : i32
          %dma_start3A_276 = tpu.memref_slice %arg5[%scan3A_36, %dma_start3A_271, %dma_start3A_275] : memref<7x4x128xi32, #tpu.memory_space<vmem>> -> memref<1x1x128xi32, #tpu.memory_space<vmem>>
          %dma_start3A_277 = tpu.memref_squeeze %dma_start3A_276 : memref<1x1x128xi32, #tpu.memory_space<vmem>> -> memref<128xi32, #tpu.memory_space<vmem>>
          %dma_start3A_278 = arith.constant 0 : i32
          %dma_start3A_279 = tpu.memref_slice %arg3[%add3A_171, %dma_start3A_278] : memref<112x100000xf32, #tpu.memory_space<hbm>> -> memref<1x100000xf32, #tpu.memory_space<hbm>>
          %dma_start3A_280 = tpu.memref_squeeze %dma_start3A_279 : memref<1x100000xf32, #tpu.memory_space<hbm>> -> memref<100000xf32, #tpu.memory_space<hbm>>
          %dma_start3A_281 = arith.constant 0 : i32
          %dma_start3A_282 = tpu.memref_slice %dma_start3A_280[%dma_start3A_281] : memref<100000xf32, #tpu.memory_space<hbm>> -> memref<100000xf32, #tpu.memory_space<hbm>>
          tpu.enqueue_indirect_dma source(%dma_start3A_282 : memref<100000xf32, #tpu.memory_space<hbm>>) target(%dma_start3A_274 : memref<128xf32, #tpu.memory_space<vmem>>) offsets(%dma_start3A_277 : memref<128xi32, #tpu.memory_space<vmem>>) semaphore(%arg8 : memref<!tpu.dma_semaphore, #tpu.memory_space<semaphore_mem>>)
        }
        %scan3A_167 = arith.constant 16 : i32
      } else {
      }
      %jit3A_70 = arith.constant 3 : i32
      %eq3A_71 = arith.constant 0 : i32
      %eq3A_72 = arith.cmpi eq, %jit3A_70, %eq3A_71 : i32
      %jit3A_73 = arith.constant 1 : i32
      %select_n3A_74 = arith.select %eq3A_72, %jit3A_73, %jit3A_70 : i32
      %rem3A_75 = arith.remsi %scan3A_36, %select_n3A_74 : i32
      %ne3A_76 = arith.constant 0 : i32
      %ne3A_77 = arith.cmpi ne, %rem3A_75, %ne3A_76 : i32
      %lt3A_78 = arith.constant 0 : i32
      %lt3A_79 = arith.cmpi slt, %rem3A_75, %lt3A_78 : i32
      %lt3A_80 = arith.constant 0 : i32
      %lt3A_81 = arith.cmpi slt, %select_n3A_74, %lt3A_80 : i32
      %ne3A_82 = arith.xori %lt3A_79, %lt3A_81 : i1
      %and3A_83 = arith.andi %ne3A_82, %ne3A_77 : i1
      %add3A_84 = arith.addi %rem3A_75, %select_n3A_74 : i32
      %select_n3A_85 = arith.select %and3A_83, %add3A_84, %rem3A_75 : i32
      %eq3A_86 = arith.constant 2 : i32
      %eq3A_87 = arith.cmpi eq, %select_n3A_85, %eq3A_86 : i32
      %convert_element_type3A_88 = arith.extui %eq3A_87 : i1 to i32
      %cond3A_89 = arith.constant 0 : i32
      %cond3A_90 = arith.cmpi ne, %convert_element_type3A_88, %cond3A_89 : i32
      scf.if %cond3A_90 {
        %scan3A_162 = arith.constant 0 : i32
        %scan3A_163 = arith.constant 0 : i32
        %scan3A_164 = arith.constant 16 : i32
        %scan3A_165 = arith.addi %scan3A_163, %scan3A_164 : i32
        %scan3A_166 = arith.constant 1 : i32
        scf.for %scan3A_168 = %scan3A_163 to %scan3A_165 step %scan3A_166  : i32 {
          %mul3A_169 = arith.constant 16 : i32
          %mul3A_170 = arith.muli %scan3A_36, %mul3A_169 : i32
          %add3A_171 = arith.addi %mul3A_170, %scan3A_168 : i32
          %jit3A_172 = arith.constant 3 : i32
          %eq3A_173 = arith.constant 0 : i32
          %eq3A_174 = arith.cmpi eq, %jit3A_172, %eq3A_173 : i32
          %jit3A_175 = arith.constant 1 : i32
          %select_n3A_176 = arith.select %eq3A_174, %jit3A_175, %jit3A_172 : i32
          %rem3A_177 = arith.remsi %scan3A_36, %select_n3A_176 : i32
          %ne3A_178 = arith.constant 0 : i32
          %ne3A_179 = arith.cmpi ne, %rem3A_177, %ne3A_178 : i32
          %lt3A_180 = arith.constant 0 : i32
          %lt3A_181 = arith.cmpi slt, %rem3A_177, %lt3A_180 : i32
          %lt3A_182 = arith.constant 0 : i32
          %lt3A_183 = arith.cmpi slt, %select_n3A_176, %lt3A_182 : i32
          %ne3A_184 = arith.xori %lt3A_181, %lt3A_183 : i1
          %and3A_185 = arith.andi %ne3A_184, %ne3A_179 : i1
          %add3A_186 = arith.addi %rem3A_177, %select_n3A_176 : i32
          %select_n3A_187 = arith.select %and3A_185, %add3A_186, %rem3A_177 : i32
          %dma_start3A = arith.constant 0 : i32
          %dma_start3A_188 = arith.constant 0 : i32
          %dma_start3A_189 = tpu.memref_slice %arg6[%select_n3A_187, %scan3A_168, %dma_start3A_188] : memref<3x16x512xf32, #tpu.memory_space<vmem>> -> memref<1x1x128xf32, #tpu.memory_space<vmem>>
          %dma_start3A_190 = tpu.memref_squeeze %dma_start3A_189 : memref<1x1x128xf32, #tpu.memory_space<vmem>> -> memref<128xf32, #tpu.memory_space<vmem>>
          %dma_start3A_191 = arith.constant 0 : i32
          %dma_start3A_192 = tpu.memref_slice %arg5[%scan3A_36, %dma_start3A, %dma_start3A_191] : memref<7x4x128xi32, #tpu.memory_space<vmem>> -> memref<1x1x128xi32, #tpu.memory_space<vmem>>
          %dma_start3A_193 = tpu.memref_squeeze %dma_start3A_192 : memref<1x1x128xi32, #tpu.memory_space<vmem>> -> memref<128xi32, #tpu.memory_space<vmem>>
          %dma_start3A_194 = arith.constant 0 : i32
          %dma_start3A_195 = tpu.memref_slice %arg3[%add3A_171, %dma_start3A_194] : memref<112x100000xf32, #tpu.memory_space<hbm>> -> memref<1x100000xf32, #tpu.memory_space<hbm>>
          %dma_start3A_196 = tpu.memref_squeeze %dma_start3A_195 : memref<1x100000xf32, #tpu.memory_space<hbm>> -> memref<100000xf32, #tpu.memory_space<hbm>>
          %dma_start3A_197 = arith.constant 0 : i32
          %dma_start3A_198 = tpu.memref_slice %dma_start3A_196[%dma_start3A_197] : memref<100000xf32, #tpu.memory_space<hbm>> -> memref<100000xf32, #tpu.memory_space<hbm>>
          tpu.enqueue_indirect_dma source(%dma_start3A_198 : memref<100000xf32, #tpu.memory_space<hbm>>) target(%dma_start3A_190 : memref<128xf32, #tpu.memory_space<vmem>>) offsets(%dma_start3A_193 : memref<128xi32, #tpu.memory_space<vmem>>) semaphore(%arg9 : memref<!tpu.dma_semaphore, #tpu.memory_space<semaphore_mem>>)
          %jit3A_199 = arith.constant 3 : i32
          %eq3A_200 = arith.constant 0 : i32
          %eq3A_201 = arith.cmpi eq, %jit3A_199, %eq3A_200 : i32
          %jit3A_202 = arith.constant 1 : i32
          %select_n3A_203 = arith.select %eq3A_201, %jit3A_202, %jit3A_199 : i32
          %rem3A_204 = arith.remsi %scan3A_36, %select_n3A_203 : i32
          %ne3A_205 = arith.constant 0 : i32
          %ne3A_206 = arith.cmpi ne, %rem3A_204, %ne3A_205 : i32
          %lt3A_207 = arith.constant 0 : i32
          %lt3A_208 = arith.cmpi slt, %rem3A_204, %lt3A_207 : i32
          %lt3A_209 = arith.constant 0 : i32
          %lt3A_210 = arith.cmpi slt, %select_n3A_203, %lt3A_209 : i32
          %ne3A_211 = arith.xori %lt3A_208, %lt3A_210 : i1
          %and3A_212 = arith.andi %ne3A_211, %ne3A_206 : i1
          %add3A_213 = arith.addi %rem3A_204, %select_n3A_203 : i32
          %select_n3A_214 = arith.select %and3A_212, %add3A_213, %rem3A_204 : i32
          %dma_start3A_215 = arith.constant 1 : i32
          %dma_start3A_216 = arith.constant 128 : i32
          %dma_start3A_217 = tpu.memref_slice %arg6[%select_n3A_214, %scan3A_168, %dma_start3A_216] : memref<3x16x512xf32, #tpu.memory_space<vmem>> -> memref<1x1x128xf32, #tpu.memory_space<vmem>>
          %dma_start3A_218 = tpu.memref_squeeze %dma_start3A_217 : memref<1x1x128xf32, #tpu.memory_space<vmem>> -> memref<128xf32, #tpu.memory_space<vmem>>
          %dma_start3A_219 = arith.constant 0 : i32
          %dma_start3A_220 = tpu.memref_slice %arg5[%scan3A_36, %dma_start3A_215, %dma_start3A_219] : memref<7x4x128xi32, #tpu.memory_space<vmem>> -> memref<1x1x128xi32, #tpu.memory_space<vmem>>
          %dma_start3A_221 = tpu.memref_squeeze %dma_start3A_220 : memref<1x1x128xi32, #tpu.memory_space<vmem>> -> memref<128xi32, #tpu.memory_space<vmem>>
          %dma_start3A_222 = arith.constant 0 : i32
          %dma_start3A_223 = tpu.memref_slice %arg3[%add3A_171, %dma_start3A_222] : memref<112x100000xf32, #tpu.memory_space<hbm>> -> memref<1x100000xf32, #tpu.memory_space<hbm>>
          %dma_start3A_224 = tpu.memref_squeeze %dma_start3A_223 : memref<1x100000xf32, #tpu.memory_space<hbm>> -> memref<100000xf32, #tpu.memory_space<hbm>>
          %dma_start3A_225 = arith.constant 0 : i32
          %dma_start3A_226 = tpu.memref_slice %dma_start3A_224[%dma_start3A_225] : memref<100000xf32, #tpu.memory_space<hbm>> -> memref<100000xf32, #tpu.memory_space<hbm>>
          tpu.enqueue_indirect_dma source(%dma_start3A_226 : memref<100000xf32, #tpu.memory_space<hbm>>) target(%dma_start3A_218 : memref<128xf32, #tpu.memory_space<vmem>>) offsets(%dma_start3A_221 : memref<128xi32, #tpu.memory_space<vmem>>) semaphore(%arg9 : memref<!tpu.dma_semaphore, #tpu.memory_space<semaphore_mem>>)
          %jit3A_227 = arith.constant 3 : i32
          %eq3A_228 = arith.constant 0 : i32
          %eq3A_229 = arith.cmpi eq, %jit3A_227, %eq3A_228 : i32
          %jit3A_230 = arith.constant 1 : i32
          %select_n3A_231 = arith.select %eq3A_229, %jit3A_230, %jit3A_227 : i32
          %rem3A_232 = arith.remsi %scan3A_36, %select_n3A_231 : i32
          %ne3A_233 = arith.constant 0 : i32
          %ne3A_234 = arith.cmpi ne, %rem3A_232, %ne3A_233 : i32
          %lt3A_235 = arith.constant 0 : i32
          %lt3A_236 = arith.cmpi slt, %rem3A_232, %lt3A_235 : i32
          %lt3A_237 = arith.constant 0 : i32
          %lt3A_238 = arith.cmpi slt, %select_n3A_231, %lt3A_237 : i32
          %ne3A_239 = arith.xori %lt3A_236, %lt3A_238 : i1
          %and3A_240 = arith.andi %ne3A_239, %ne3A_234 : i1
          %add3A_241 = arith.addi %rem3A_232, %select_n3A_231 : i32
          %select_n3A_242 = arith.select %and3A_240, %add3A_241, %rem3A_232 : i32
          %dma_start3A_243 = arith.constant 2 : i32
          %dma_start3A_244 = arith.constant 256 : i32
          %dma_start3A_245 = tpu.memref_slice %arg6[%select_n3A_242, %scan3A_168, %dma_start3A_244] : memref<3x16x512xf32, #tpu.memory_space<vmem>> -> memref<1x1x128xf32, #tpu.memory_space<vmem>>
          %dma_start3A_246 = tpu.memref_squeeze %dma_start3A_245 : memref<1x1x128xf32, #tpu.memory_space<vmem>> -> memref<128xf32, #tpu.memory_space<vmem>>
          %dma_start3A_247 = arith.constant 0 : i32
          %dma_start3A_248 = tpu.memref_slice %arg5[%scan3A_36, %dma_start3A_243, %dma_start3A_247] : memref<7x4x128xi32, #tpu.memory_space<vmem>> -> memref<1x1x128xi32, #tpu.memory_space<vmem>>
          %dma_start3A_249 = tpu.memref_squeeze %dma_start3A_248 : memref<1x1x128xi32, #tpu.memory_space<vmem>> -> memref<128xi32, #tpu.memory_space<vmem>>
          %dma_start3A_250 = arith.constant 0 : i32
          %dma_start3A_251 = tpu.memref_slice %arg3[%add3A_171, %dma_start3A_250] : memref<112x100000xf32, #tpu.memory_space<hbm>> -> memref<1x100000xf32, #tpu.memory_space<hbm>>
          %dma_start3A_252 = tpu.memref_squeeze %dma_start3A_251 : memref<1x100000xf32, #tpu.memory_space<hbm>> -> memref<100000xf32, #tpu.memory_space<hbm>>
          %dma_start3A_253 = arith.constant 0 : i32
          %dma_start3A_254 = tpu.memref_slice %dma_start3A_252[%dma_start3A_253] : memref<100000xf32, #tpu.memory_space<hbm>> -> memref<100000xf32, #tpu.memory_space<hbm>>
          tpu.enqueue_indirect_dma source(%dma_start3A_254 : memref<100000xf32, #tpu.memory_space<hbm>>) target(%dma_start3A_246 : memref<128xf32, #tpu.memory_space<vmem>>) offsets(%dma_start3A_249 : memref<128xi32, #tpu.memory_space<vmem>>) semaphore(%arg9 : memref<!tpu.dma_semaphore, #tpu.memory_space<semaphore_mem>>)
          %jit3A_255 = arith.constant 3 : i32
          %eq3A_256 = arith.constant 0 : i32
          %eq3A_257 = arith.cmpi eq, %jit3A_255, %eq3A_256 : i32
          %jit3A_258 = arith.constant 1 : i32
          %select_n3A_259 = arith.select %eq3A_257, %jit3A_258, %jit3A_255 : i32
          %rem3A_260 = arith.remsi %scan3A_36, %select_n3A_259 : i32
          %ne3A_261 = arith.constant 0 : i32
          %ne3A_262 = arith.cmpi ne, %rem3A_260, %ne3A_261 : i32
          %lt3A_263 = arith.constant 0 : i32
          %lt3A_264 = arith.cmpi slt, %rem3A_260, %lt3A_263 : i32
          %lt3A_265 = arith.constant 0 : i32
          %lt3A_266 = arith.cmpi slt, %select_n3A_259, %lt3A_265 : i32
          %ne3A_267 = arith.xori %lt3A_264, %lt3A_266 : i1
          %and3A_268 = arith.andi %ne3A_267, %ne3A_262 : i1
          %add3A_269 = arith.addi %rem3A_260, %select_n3A_259 : i32
          %select_n3A_270 = arith.select %and3A_268, %add3A_269, %rem3A_260 : i32
          %dma_start3A_271 = arith.constant 3 : i32
          %dma_start3A_272 = arith.constant 384 : i32
          %dma_start3A_273 = tpu.memref_slice %arg6[%select_n3A_270, %scan3A_168, %dma_start3A_272] : memref<3x16x512xf32, #tpu.memory_space<vmem>> -> memref<1x1x128xf32, #tpu.memory_space<vmem>>
          %dma_start3A_274 = tpu.memref_squeeze %dma_start3A_273 : memref<1x1x128xf32, #tpu.memory_space<vmem>> -> memref<128xf32, #tpu.memory_space<vmem>>
          %dma_start3A_275 = arith.constant 0 : i32
          %dma_start3A_276 = tpu.memref_slice %arg5[%scan3A_36, %dma_start3A_271, %dma_start3A_275] : memref<7x4x128xi32, #tpu.memory_space<vmem>> -> memref<1x1x128xi32, #tpu.memory_space<vmem>>
          %dma_start3A_277 = tpu.memref_squeeze %dma_start3A_276 : memref<1x1x128xi32, #tpu.memory_space<vmem>> -> memref<128xi32, #tpu.memory_space<vmem>>
          %dma_start3A_278 = arith.constant 0 : i32
          %dma_start3A_279 = tpu.memref_slice %arg3[%add3A_171, %dma_start3A_278] : memref<112x100000xf32, #tpu.memory_space<hbm>> -> memref<1x100000xf32, #tpu.memory_space<hbm>>
          %dma_start3A_280 = tpu.memref_squeeze %dma_start3A_279 : memref<1x100000xf32, #tpu.memory_space<hbm>> -> memref<100000xf32, #tpu.memory_space<hbm>>
          %dma_start3A_281 = arith.constant 0 : i32
          %dma_start3A_282 = tpu.memref_slice %dma_start3A_280[%dma_start3A_281] : memref<100000xf32, #tpu.memory_space<hbm>> -> memref<100000xf32, #tpu.memory_space<hbm>>
          tpu.enqueue_indirect_dma source(%dma_start3A_282 : memref<100000xf32, #tpu.memory_space<hbm>>) target(%dma_start3A_274 : memref<128xf32, #tpu.memory_space<vmem>>) offsets(%dma_start3A_277 : memref<128xi32, #tpu.memory_space<vmem>>) semaphore(%arg9 : memref<!tpu.dma_semaphore, #tpu.memory_space<semaphore_mem>>)
        }
        %scan3A_167 = arith.constant 16 : i32
      } else {
      }
      %jit3A_91 = arith.constant 3 : i32
      %eq3A_92 = arith.constant 0 : i32
      %eq3A_93 = arith.cmpi eq, %jit3A_91, %eq3A_92 : i32
      %jit3A_94 = arith.constant 1 : i32
      %select_n3A_95 = arith.select %eq3A_93, %jit3A_94, %jit3A_91 : i32
      %rem3A_96 = arith.remsi %scan3A_36, %select_n3A_95 : i32
      %ne3A_97 = arith.constant 0 : i32
      %ne3A_98 = arith.cmpi ne, %rem3A_96, %ne3A_97 : i32
      %lt3A_99 = arith.constant 0 : i32
      %lt3A_100 = arith.cmpi slt, %rem3A_96, %lt3A_99 : i32
      %lt3A_101 = arith.constant 0 : i32
      %lt3A_102 = arith.cmpi slt, %select_n3A_95, %lt3A_101 : i32
      %ne3A_103 = arith.xori %lt3A_100, %lt3A_102 : i1
      %and3A_104 = arith.andi %ne3A_103, %ne3A_98 : i1
      %add3A_105 = arith.addi %rem3A_96, %select_n3A_95 : i32
      %select_n3A_106 = arith.select %and3A_104, %add3A_105, %rem3A_96 : i32
      %eq3A_107 = arith.constant 2 : i32
      %eq3A_108 = arith.cmpi eq, %select_n3A_106, %eq3A_107 : i32
      %ge3A = arith.constant 2 : i32
      %ge3A_109 = arith.cmpi sge, %scan3A_36, %ge3A : i32
      %and3A_110 = arith.andi %eq3A_108, %ge3A_109 : i1
      %convert_element_type3A_111 = arith.extui %and3A_110 : i1 to i32
      %cond3A_112 = arith.constant 0 : i32
      %cond3A_113 = arith.cmpi ne, %convert_element_type3A_111, %cond3A_112 : i32
      scf.if %cond3A_113 {
        %sub3A = arith.constant 2 : i32
        %sub3A_162 = arith.subi %scan3A_36, %sub3A : i32
        %mul3A_163 = arith.constant 16 : i32
        %mul3A_164 = arith.muli %sub3A_162, %mul3A_163 : i32
        %mul3A_165 = arith.constant 512 : i32
        %mul3A_166 = arith.muli %add3A, %mul3A_165 : i32
        %jit3A_167 = arith.constant 3 : i32
        %eq3A_168 = arith.constant 0 : i32
        %eq3A_169 = arith.cmpi eq, %jit3A_167, %eq3A_168 : i32
        %jit3A_170 = arith.constant 1 : i32
        %select_n3A_171 = arith.select %eq3A_169, %jit3A_170, %jit3A_167 : i32
        %rem3A_172 = arith.remsi %sub3A_162, %select_n3A_171 : i32
        %ne3A_173 = arith.constant 0 : i32
        %ne3A_174 = arith.cmpi ne, %rem3A_172, %ne3A_173 : i32
        %lt3A_175 = arith.constant 0 : i32
        %lt3A_176 = arith.cmpi slt, %rem3A_172, %lt3A_175 : i32
        %lt3A_177 = arith.constant 0 : i32
        %lt3A_178 = arith.cmpi slt, %select_n3A_171, %lt3A_177 : i32
        %ne3A_179 = arith.xori %lt3A_176, %lt3A_178 : i1
        %and3A_180 = arith.andi %ne3A_179, %ne3A_174 : i1
        %add3A_181 = arith.addi %rem3A_172, %select_n3A_171 : i32
        %select_n3A_182 = arith.select %and3A_180, %add3A_181, %rem3A_172 : i32
        %dma_wait3A_183 = arith.constant 0 : i32
        %dma_wait3A_184 = arith.constant 0 : i32
        %dma_wait3A_185 = tpu.memref_slice %arg6[%select_n3A_182, %dma_wait3A_183, %dma_wait3A_184] : memref<3x16x512xf32, #tpu.memory_space<vmem>> -> memref<1x16x512xf32, #tpu.memory_space<vmem>>
        %dma_wait3A_186 = tpu.memref_squeeze %dma_wait3A_185 : memref<1x16x512xf32, #tpu.memory_space<vmem>> -> memref<16x512xf32, #tpu.memory_space<vmem>>
        %dma_wait3A_187 = tpu.memref_slice %arg4[%mul3A_164, %mul3A_166] : memref<112x16384xf32, #tpu.memory_space<hbm>> -> memref<16x512xf32, #tpu.memory_space<hbm>>
        %dma_wait3A_188 = arith.constant 0 : i32
        %dma_wait3A_189 = arith.constant 0 : i32
        %dma_wait3A_190 = tpu.memref_slice %arg6[%select_n3A_182, %dma_wait3A_188, %dma_wait3A_189] : memref<3x16x512xf32, #tpu.memory_space<vmem>> -> memref<1x16x512xf32, #tpu.memory_space<vmem>>
        %dma_wait3A_191 = tpu.memref_squeeze %dma_wait3A_190 : memref<1x16x512xf32, #tpu.memory_space<vmem>> -> memref<16x512xf32, #tpu.memory_space<vmem>>
        %dma_wait3A_192 = tpu.memref_slice %arg4[%mul3A_164, %mul3A_166] : memref<112x16384xf32, #tpu.memory_space<hbm>> -> memref<16x512xf32, #tpu.memory_space<hbm>>
        tpu.wait_dma2 semaphore(%arg7 : memref<!tpu.dma_semaphore, #tpu.memory_space<semaphore_mem>>) src(%dma_wait3A_192 : memref<16x512xf32, #tpu.memory_space<hbm>>) dst(%dma_wait3A_191 : memref<16x512xf32, #tpu.memory_space<vmem>>)
        %jit3A_193 = arith.constant 3 : i32
        %eq3A_194 = arith.constant 0 : i32
        %eq3A_195 = arith.cmpi eq, %jit3A_193, %eq3A_194 : i32
        %jit3A_196 = arith.constant 1 : i32
        %select_n3A_197 = arith.select %eq3A_195, %jit3A_196, %jit3A_193 : i32
        %rem3A_198 = arith.remsi %sub3A_162, %select_n3A_197 : i32
        %ne3A_199 = arith.constant 0 : i32
        %ne3A_200 = arith.cmpi ne, %rem3A_198, %ne3A_199 : i32
        %lt3A_201 = arith.constant 0 : i32
        %lt3A_202 = arith.cmpi slt, %rem3A_198, %lt3A_201 : i32
        %lt3A_203 = arith.constant 0 : i32
        %lt3A_204 = arith.cmpi slt, %select_n3A_197, %lt3A_203 : i32
        %ne3A_205 = arith.xori %lt3A_202, %lt3A_204 : i1
        %and3A_206 = arith.andi %ne3A_205, %ne3A_200 : i1
        %add3A_207 = arith.addi %rem3A_198, %select_n3A_197 : i32
        %select_n3A_208 = arith.select %and3A_206, %add3A_207, %rem3A_198 : i32
        "tpu.region"() ({
          %run_scoped3A_209 = tpu.sem_alloc : memref<!tpu.dma_semaphore, #tpu.memory_space<semaphore_mem>>
          %dma_start3A = arith.constant 0 : i32
          %dma_start3A_210 = arith.constant 0 : i32
          %dma_start3A_211 = tpu.memref_slice %arg6[%select_n3A_208, %dma_start3A, %dma_start3A_210] : memref<3x16x512xf32, #tpu.memory_space<vmem>> -> memref<1x16x512xf32, #tpu.memory_space<vmem>>
          %dma_start3A_212 = tpu.memref_squeeze %dma_start3A_211 : memref<1x16x512xf32, #tpu.memory_space<vmem>> -> memref<16x512xf32, #tpu.memory_space<vmem>>
          %dma_start3A_213 = tpu.memref_slice %arg4[%mul3A_164, %mul3A_166] : memref<112x16384xf32, #tpu.memory_space<hbm>> -> memref<16x512xf32, #tpu.memory_space<hbm>>
          %dma_start3A_214 = tpu.memref_slice %arg4[%mul3A_164, %mul3A_166] : memref<112x16384xf32, #tpu.memory_space<hbm>> -> memref<16x512xf32, #tpu.memory_space<hbm>>
          %dma_start3A_215 = arith.constant 0 : i32
          %dma_start3A_216 = arith.constant 0 : i32
          %dma_start3A_217 = tpu.memref_slice %arg6[%select_n3A_208, %dma_start3A_215, %dma_start3A_216] : memref<3x16x512xf32, #tpu.memory_space<vmem>> -> memref<1x16x512xf32, #tpu.memory_space<vmem>>
          %dma_start3A_218 = tpu.memref_squeeze %dma_start3A_217 : memref<1x16x512xf32, #tpu.memory_space<vmem>> -> memref<16x512xf32, #tpu.memory_space<vmem>>
          tpu.enqueue_dma source(%dma_start3A_218 : memref<16x512xf32, #tpu.memory_space<vmem>>) target(%dma_start3A_214 : memref<16x512xf32, #tpu.memory_space<hbm>>) target_semaphore(%run_scoped3A_209 : memref<!tpu.dma_semaphore, #tpu.memory_space<semaphore_mem>>)
          %dma_wait3A_219 = arith.constant 0 : i32
          %dma_wait3A_220 = arith.constant 0 : i32
          %dma_wait3A_221 = tpu.memref_slice %arg6[%select_n3A_208, %dma_wait3A_219, %dma_wait3A_220] : memref<3x16x512xf32, #tpu.memory_space<vmem>> -> memref<1x16x512xf32, #tpu.memory_space<vmem>>
          %dma_wait3A_222 = tpu.memref_squeeze %dma_wait3A_221 : memref<1x16x512xf32, #tpu.memory_space<vmem>> -> memref<16x512xf32, #tpu.memory_space<vmem>>
          %dma_wait3A_223 = tpu.memref_slice %arg4[%mul3A_164, %mul3A_166] : memref<112x16384xf32, #tpu.memory_space<hbm>> -> memref<16x512xf32, #tpu.memory_space<hbm>>
          %dma_wait3A_224 = tpu.memref_slice %arg4[%mul3A_164, %mul3A_166] : memref<112x16384xf32, #tpu.memory_space<hbm>> -> memref<16x512xf32, #tpu.memory_space<hbm>>
          %dma_wait3A_225 = arith.constant 0 : i32
          %dma_wait3A_226 = arith.constant 0 : i32
          %dma_wait3A_227 = tpu.memref_slice %arg6[%select_n3A_208, %dma_wait3A_225, %dma_wait3A_226] : memref<3x16x512xf32, #tpu.memory_space<vmem>> -> memref<1x16x512xf32, #tpu.memory_space<vmem>>
          %dma_wait3A_228 = tpu.memref_squeeze %dma_wait3A_227 : memref<1x16x512xf32, #tpu.memory_space<vmem>> -> memref<16x512xf32, #tpu.memory_space<vmem>>
          tpu.wait_dma2 semaphore(%run_scoped3A_209 : memref<!tpu.dma_semaphore, #tpu.memory_space<semaphore_mem>>) src(%dma_wait3A_228 : memref<16x512xf32, #tpu.memory_space<vmem>>) dst(%dma_wait3A_224 : memref<16x512xf32, #tpu.memory_space<hbm>>)
          tpu.yield
        }) : () -> ()
      } else {
      }
      %jit3A_114 = arith.constant 3 : i32
      %eq3A_115 = arith.constant 0 : i32
      %eq3A_116 = arith.cmpi eq, %jit3A_114, %eq3A_115 : i32
      %jit3A_117 = arith.constant 1 : i32
      %select_n3A_118 = arith.select %eq3A_116, %jit3A_117, %jit3A_114 : i32
      %rem3A_119 = arith.remsi %scan3A_36, %select_n3A_118 : i32
      %ne3A_120 = arith.constant 0 : i32
      %ne3A_121 = arith.cmpi ne, %rem3A_119, %ne3A_120 : i32
      %lt3A_122 = arith.constant 0 : i32
      %lt3A_123 = arith.cmpi slt, %rem3A_119, %lt3A_122 : i32
      %lt3A_124 = arith.constant 0 : i32
      %lt3A_125 = arith.cmpi slt, %select_n3A_118, %lt3A_124 : i32
      %ne3A_126 = arith.xori %lt3A_123, %lt3A_125 : i1
      %and3A_127 = arith.andi %ne3A_126, %ne3A_121 : i1
      %add3A_128 = arith.addi %rem3A_119, %select_n3A_118 : i32
      %select_n3A_129 = arith.select %and3A_127, %add3A_128, %rem3A_119 : i32
      %eq3A_130 = arith.constant 0 : i32
      %eq3A_131 = arith.cmpi eq, %select_n3A_129, %eq3A_130 : i32
      %ge3A_132 = arith.constant 2 : i32
      %ge3A_133 = arith.cmpi sge, %scan3A_36, %ge3A_132 : i32
      %and3A_134 = arith.andi %eq3A_131, %ge3A_133 : i1
      %convert_element_type3A_135 = arith.extui %and3A_134 : i1 to i32
      %cond3A_136 = arith.constant 0 : i32
      %cond3A_137 = arith.cmpi ne, %convert_element_type3A_135, %cond3A_136 : i32
      scf.if %cond3A_137 {
        %sub3A = arith.constant 2 : i32
        %sub3A_162 = arith.subi %scan3A_36, %sub3A : i32
        %mul3A_163 = arith.constant 16 : i32
        %mul3A_164 = arith.muli %sub3A_162, %mul3A_163 : i32
        %mul3A_165 = arith.constant 512 : i32
        %mul3A_166 = arith.muli %add3A, %mul3A_165 : i32
        %jit3A_167 = arith.constant 3 : i32
        %eq3A_168 = arith.constant 0 : i32
        %eq3A_169 = arith.cmpi eq, %jit3A_167, %eq3A_168 : i32
        %jit3A_170 = arith.constant 1 : i32
        %select_n3A_171 = arith.select %eq3A_169, %jit3A_170, %jit3A_167 : i32
        %rem3A_172 = arith.remsi %sub3A_162, %select_n3A_171 : i32
        %ne3A_173 = arith.constant 0 : i32
        %ne3A_174 = arith.cmpi ne, %rem3A_172, %ne3A_173 : i32
        %lt3A_175 = arith.constant 0 : i32
        %lt3A_176 = arith.cmpi slt, %rem3A_172, %lt3A_175 : i32
        %lt3A_177 = arith.constant 0 : i32
        %lt3A_178 = arith.cmpi slt, %select_n3A_171, %lt3A_177 : i32
        %ne3A_179 = arith.xori %lt3A_176, %lt3A_178 : i1
        %and3A_180 = arith.andi %ne3A_179, %ne3A_174 : i1
        %add3A_181 = arith.addi %rem3A_172, %select_n3A_171 : i32
        %select_n3A_182 = arith.select %and3A_180, %add3A_181, %rem3A_172 : i32
        %dma_wait3A_183 = arith.constant 0 : i32
        %dma_wait3A_184 = arith.constant 0 : i32
        %dma_wait3A_185 = tpu.memref_slice %arg6[%select_n3A_182, %dma_wait3A_183, %dma_wait3A_184] : memref<3x16x512xf32, #tpu.memory_space<vmem>> -> memref<1x16x512xf32, #tpu.memory_space<vmem>>
        %dma_wait3A_186 = tpu.memref_squeeze %dma_wait3A_185 : memref<1x16x512xf32, #tpu.memory_space<vmem>> -> memref<16x512xf32, #tpu.memory_space<vmem>>
        %dma_wait3A_187 = tpu.memref_slice %arg4[%mul3A_164, %mul3A_166] : memref<112x16384xf32, #tpu.memory_space<hbm>> -> memref<16x512xf32, #tpu.memory_space<hbm>>
        %dma_wait3A_188 = arith.constant 0 : i32
        %dma_wait3A_189 = arith.constant 0 : i32
        %dma_wait3A_190 = tpu.memref_slice %arg6[%select_n3A_182, %dma_wait3A_188, %dma_wait3A_189] : memref<3x16x512xf32, #tpu.memory_space<vmem>> -> memref<1x16x512xf32, #tpu.memory_space<vmem>>
        %dma_wait3A_191 = tpu.memref_squeeze %dma_wait3A_190 : memref<1x16x512xf32, #tpu.memory_space<vmem>> -> memref<16x512xf32, #tpu.memory_space<vmem>>
        %dma_wait3A_192 = tpu.memref_slice %arg4[%mul3A_164, %mul3A_166] : memref<112x16384xf32, #tpu.memory_space<hbm>> -> memref<16x512xf32, #tpu.memory_space<hbm>>
        tpu.wait_dma2 semaphore(%arg8 : memref<!tpu.dma_semaphore, #tpu.memory_space<semaphore_mem>>) src(%dma_wait3A_192 : memref<16x512xf32, #tpu.memory_space<hbm>>) dst(%dma_wait3A_191 : memref<16x512xf32, #tpu.memory_space<vmem>>)
        %jit3A_193 = arith.constant 3 : i32
        %eq3A_194 = arith.constant 0 : i32
        %eq3A_195 = arith.cmpi eq, %jit3A_193, %eq3A_194 : i32
        %jit3A_196 = arith.constant 1 : i32
        %select_n3A_197 = arith.select %eq3A_195, %jit3A_196, %jit3A_193 : i32
        %rem3A_198 = arith.remsi %sub3A_162, %select_n3A_197 : i32
        %ne3A_199 = arith.constant 0 : i32
        %ne3A_200 = arith.cmpi ne, %rem3A_198, %ne3A_199 : i32
        %lt3A_201 = arith.constant 0 : i32
        %lt3A_202 = arith.cmpi slt, %rem3A_198, %lt3A_201 : i32
        %lt3A_203 = arith.constant 0 : i32
        %lt3A_204 = arith.cmpi slt, %select_n3A_197, %lt3A_203 : i32
        %ne3A_205 = arith.xori %lt3A_202, %lt3A_204 : i1
        %and3A_206 = arith.andi %ne3A_205, %ne3A_200 : i1
        %add3A_207 = arith.addi %rem3A_198, %select_n3A_197 : i32
        %select_n3A_208 = arith.select %and3A_206, %add3A_207, %rem3A_198 : i32
        "tpu.region"() ({
          %run_scoped3A_209 = tpu.sem_alloc : memref<!tpu.dma_semaphore, #tpu.memory_space<semaphore_mem>>
          %dma_start3A = arith.constant 0 : i32
          %dma_start3A_210 = arith.constant 0 : i32
          %dma_start3A_211 = tpu.memref_slice %arg6[%select_n3A_208, %dma_start3A, %dma_start3A_210] : memref<3x16x512xf32, #tpu.memory_space<vmem>> -> memref<1x16x512xf32, #tpu.memory_space<vmem>>
          %dma_start3A_212 = tpu.memref_squeeze %dma_start3A_211 : memref<1x16x512xf32, #tpu.memory_space<vmem>> -> memref<16x512xf32, #tpu.memory_space<vmem>>
          %dma_start3A_213 = tpu.memref_slice %arg4[%mul3A_164, %mul3A_166] : memref<112x16384xf32, #tpu.memory_space<hbm>> -> memref<16x512xf32, #tpu.memory_space<hbm>>
          %dma_start3A_214 = tpu.memref_slice %arg4[%mul3A_164, %mul3A_166] : memref<112x16384xf32, #tpu.memory_space<hbm>> -> memref<16x512xf32, #tpu.memory_space<hbm>>
          %dma_start3A_215 = arith.constant 0 : i32
          %dma_start3A_216 = arith.constant 0 : i32
          %dma_start3A_217 = tpu.memref_slice %arg6[%select_n3A_208, %dma_start3A_215, %dma_start3A_216] : memref<3x16x512xf32, #tpu.memory_space<vmem>> -> memref<1x16x512xf32, #tpu.memory_space<vmem>>
          %dma_start3A_218 = tpu.memref_squeeze %dma_start3A_217 : memref<1x16x512xf32, #tpu.memory_space<vmem>> -> memref<16x512xf32, #tpu.memory_space<vmem>>
          tpu.enqueue_dma source(%dma_start3A_218 : memref<16x512xf32, #tpu.memory_space<vmem>>) target(%dma_start3A_214 : memref<16x512xf32, #tpu.memory_space<hbm>>) target_semaphore(%run_scoped3A_209 : memref<!tpu.dma_semaphore, #tpu.memory_space<semaphore_mem>>)
          %dma_wait3A_219 = arith.constant 0 : i32
          %dma_wait3A_220 = arith.constant 0 : i32
          %dma_wait3A_221 = tpu.memref_slice %arg6[%select_n3A_208, %dma_wait3A_219, %dma_wait3A_220] : memref<3x16x512xf32, #tpu.memory_space<vmem>> -> memref<1x16x512xf32, #tpu.memory_space<vmem>>
          %dma_wait3A_222 = tpu.memref_squeeze %dma_wait3A_221 : memref<1x16x512xf32, #tpu.memory_space<vmem>> -> memref<16x512xf32, #tpu.memory_space<vmem>>
          %dma_wait3A_223 = tpu.memref_slice %arg4[%mul3A_164, %mul3A_166] : memref<112x16384xf32, #tpu.memory_space<hbm>> -> memref<16x512xf32, #tpu.memory_space<hbm>>
          %dma_wait3A_224 = tpu.memref_slice %arg4[%mul3A_164, %mul3A_166] : memref<112x16384xf32, #tpu.memory_space<hbm>> -> memref<16x512xf32, #tpu.memory_space<hbm>>
          %dma_wait3A_225 = arith.constant 0 : i32
          %dma_wait3A_226 = arith.constant 0 : i32
          %dma_wait3A_227 = tpu.memref_slice %arg6[%select_n3A_208, %dma_wait3A_225, %dma_wait3A_226] : memref<3x16x512xf32, #tpu.memory_space<vmem>> -> memref<1x16x512xf32, #tpu.memory_space<vmem>>
          %dma_wait3A_228 = tpu.memref_squeeze %dma_wait3A_227 : memref<1x16x512xf32, #tpu.memory_space<vmem>> -> memref<16x512xf32, #tpu.memory_space<vmem>>
          tpu.wait_dma2 semaphore(%run_scoped3A_209 : memref<!tpu.dma_semaphore, #tpu.memory_space<semaphore_mem>>) src(%dma_wait3A_228 : memref<16x512xf32, #tpu.memory_space<vmem>>) dst(%dma_wait3A_224 : memref<16x512xf32, #tpu.memory_space<hbm>>)
          tpu.yield
        }) : () -> ()
      } else {
      }
      %jit3A_138 = arith.constant 3 : i32
      %eq3A_139 = arith.constant 0 : i32
      %eq3A_140 = arith.cmpi eq, %jit3A_138, %eq3A_139 : i32
      %jit3A_141 = arith.constant 1 : i32
      %select_n3A_142 = arith.select %eq3A_140, %jit3A_141, %jit3A_138 : i32
      %rem3A_143 = arith.remsi %scan3A_36, %select_n3A_142 : i32
      %ne3A_144 = arith.constant 0 : i32
      %ne3A_145 = arith.cmpi ne, %rem3A_143, %ne3A_144 : i32
      %lt3A_146 = arith.constant 0 : i32
      %lt3A_147 = arith.cmpi slt, %rem3A_143, %lt3A_146 : i32
      %lt3A_148 = arith.constant 0 : i32
      %lt3A_149 = arith.cmpi slt, %select_n3A_142, %lt3A_148 : i32
      %ne3A_150 = arith.xori %lt3A_147, %lt3A_149 : i1
      %and3A_151 = arith.andi %ne3A_150, %ne3A_145 : i1
      %add3A_152 = arith.addi %rem3A_143, %select_n3A_142 : i32
      %select_n3A_153 = arith.select %and3A_151, %add3A_152, %rem3A_143 : i32
      %eq3A_154 = arith.constant 1 : i32
      %eq3A_155 = arith.cmpi eq, %select_n3A_153, %eq3A_154 : i32
      %ge3A_156 = arith.constant 2 : i32
      %ge3A_157 = arith.cmpi sge, %scan3A_36, %ge3A_156 : i32
      %and3A_158 = arith.andi %eq3A_155, %ge3A_157 : i1
      %convert_element_type3A_159 = arith.extui %and3A_158 : i1 to i32
      %cond3A_160 = arith.constant 0 : i32
      %cond3A_161 = arith.cmpi ne, %convert_element_type3A_159, %cond3A_160 : i32
      scf.if %cond3A_161 {
        %sub3A = arith.constant 2 : i32
        %sub3A_162 = arith.subi %scan3A_36, %sub3A : i32
        %mul3A_163 = arith.constant 16 : i32
        %mul3A_164 = arith.muli %sub3A_162, %mul3A_163 : i32
        %mul3A_165 = arith.constant 512 : i32
        %mul3A_166 = arith.muli %add3A, %mul3A_165 : i32
        %jit3A_167 = arith.constant 3 : i32
        %eq3A_168 = arith.constant 0 : i32
        %eq3A_169 = arith.cmpi eq, %jit3A_167, %eq3A_168 : i32
        %jit3A_170 = arith.constant 1 : i32
        %select_n3A_171 = arith.select %eq3A_169, %jit3A_170, %jit3A_167 : i32
        %rem3A_172 = arith.remsi %sub3A_162, %select_n3A_171 : i32
        %ne3A_173 = arith.constant 0 : i32
        %ne3A_174 = arith.cmpi ne, %rem3A_172, %ne3A_173 : i32
        %lt3A_175 = arith.constant 0 : i32
        %lt3A_176 = arith.cmpi slt, %rem3A_172, %lt3A_175 : i32
        %lt3A_177 = arith.constant 0 : i32
        %lt3A_178 = arith.cmpi slt, %select_n3A_171, %lt3A_177 : i32
        %ne3A_179 = arith.xori %lt3A_176, %lt3A_178 : i1
        %and3A_180 = arith.andi %ne3A_179, %ne3A_174 : i1
        %add3A_181 = arith.addi %rem3A_172, %select_n3A_171 : i32
        %select_n3A_182 = arith.select %and3A_180, %add3A_181, %rem3A_172 : i32
        %dma_wait3A_183 = arith.constant 0 : i32
        %dma_wait3A_184 = arith.constant 0 : i32
        %dma_wait3A_185 = tpu.memref_slice %arg6[%select_n3A_182, %dma_wait3A_183, %dma_wait3A_184] : memref<3x16x512xf32, #tpu.memory_space<vmem>> -> memref<1x16x512xf32, #tpu.memory_space<vmem>>
        %dma_wait3A_186 = tpu.memref_squeeze %dma_wait3A_185 : memref<1x16x512xf32, #tpu.memory_space<vmem>> -> memref<16x512xf32, #tpu.memory_space<vmem>>
        %dma_wait3A_187 = tpu.memref_slice %arg4[%mul3A_164, %mul3A_166] : memref<112x16384xf32, #tpu.memory_space<hbm>> -> memref<16x512xf32, #tpu.memory_space<hbm>>
        %dma_wait3A_188 = arith.constant 0 : i32
        %dma_wait3A_189 = arith.constant 0 : i32
        %dma_wait3A_190 = tpu.memref_slice %arg6[%select_n3A_182, %dma_wait3A_188, %dma_wait3A_189] : memref<3x16x512xf32, #tpu.memory_space<vmem>> -> memref<1x16x512xf32, #tpu.memory_space<vmem>>
        %dma_wait3A_191 = tpu.memref_squeeze %dma_wait3A_190 : memref<1x16x512xf32, #tpu.memory_space<vmem>> -> memref<16x512xf32, #tpu.memory_space<vmem>>
        %dma_wait3A_192 = tpu.memref_slice %arg4[%mul3A_164, %mul3A_166] : memref<112x16384xf32, #tpu.memory_space<hbm>> -> memref<16x512xf32, #tpu.memory_space<hbm>>
        tpu.wait_dma2 semaphore(%arg9 : memref<!tpu.dma_semaphore, #tpu.memory_space<semaphore_mem>>) src(%dma_wait3A_192 : memref<16x512xf32, #tpu.memory_space<hbm>>) dst(%dma_wait3A_191 : memref<16x512xf32, #tpu.memory_space<vmem>>)
        %jit3A_193 = arith.constant 3 : i32
        %eq3A_194 = arith.constant 0 : i32
        %eq3A_195 = arith.cmpi eq, %jit3A_193, %eq3A_194 : i32
        %jit3A_196 = arith.constant 1 : i32
        %select_n3A_197 = arith.select %eq3A_195, %jit3A_196, %jit3A_193 : i32
        %rem3A_198 = arith.remsi %sub3A_162, %select_n3A_197 : i32
        %ne3A_199 = arith.constant 0 : i32
        %ne3A_200 = arith.cmpi ne, %rem3A_198, %ne3A_199 : i32
        %lt3A_201 = arith.constant 0 : i32
        %lt3A_202 = arith.cmpi slt, %rem3A_198, %lt3A_201 : i32
        %lt3A_203 = arith.constant 0 : i32
        %lt3A_204 = arith.cmpi slt, %select_n3A_197, %lt3A_203 : i32
        %ne3A_205 = arith.xori %lt3A_202, %lt3A_204 : i1
        %and3A_206 = arith.andi %ne3A_205, %ne3A_200 : i1
        %add3A_207 = arith.addi %rem3A_198, %select_n3A_197 : i32
        %select_n3A_208 = arith.select %and3A_206, %add3A_207, %rem3A_198 : i32
        "tpu.region"() ({
          %run_scoped3A_209 = tpu.sem_alloc : memref<!tpu.dma_semaphore, #tpu.memory_space<semaphore_mem>>
          %dma_start3A = arith.constant 0 : i32
          %dma_start3A_210 = arith.constant 0 : i32
          %dma_start3A_211 = tpu.memref_slice %arg6[%select_n3A_208, %dma_start3A, %dma_start3A_210] : memref<3x16x512xf32, #tpu.memory_space<vmem>> -> memref<1x16x512xf32, #tpu.memory_space<vmem>>
          %dma_start3A_212 = tpu.memref_squeeze %dma_start3A_211 : memref<1x16x512xf32, #tpu.memory_space<vmem>> -> memref<16x512xf32, #tpu.memory_space<vmem>>
          %dma_start3A_213 = tpu.memref_slice %arg4[%mul3A_164, %mul3A_166] : memref<112x16384xf32, #tpu.memory_space<hbm>> -> memref<16x512xf32, #tpu.memory_space<hbm>>
          %dma_start3A_214 = tpu.memref_slice %arg4[%mul3A_164, %mul3A_166] : memref<112x16384xf32, #tpu.memory_space<hbm>> -> memref<16x512xf32, #tpu.memory_space<hbm>>
          %dma_start3A_215 = arith.constant 0 : i32
          %dma_start3A_216 = arith.constant 0 : i32
          %dma_start3A_217 = tpu.memref_slice %arg6[%select_n3A_208, %dma_start3A_215, %dma_start3A_216] : memref<3x16x512xf32, #tpu.memory_space<vmem>> -> memref<1x16x512xf32, #tpu.memory_space<vmem>>
          %dma_start3A_218 = tpu.memref_squeeze %dma_start3A_217 : memref<1x16x512xf32, #tpu.memory_space<vmem>> -> memref<16x512xf32, #tpu.memory_space<vmem>>
          tpu.enqueue_dma source(%dma_start3A_218 : memref<16x512xf32, #tpu.memory_space<vmem>>) target(%dma_start3A_214 : memref<16x512xf32, #tpu.memory_space<hbm>>) target_semaphore(%run_scoped3A_209 : memref<!tpu.dma_semaphore, #tpu.memory_space<semaphore_mem>>)
          %dma_wait3A_219 = arith.constant 0 : i32
          %dma_wait3A_220 = arith.constant 0 : i32
          %dma_wait3A_221 = tpu.memref_slice %arg6[%select_n3A_208, %dma_wait3A_219, %dma_wait3A_220] : memref<3x16x512xf32, #tpu.memory_space<vmem>> -> memref<1x16x512xf32, #tpu.memory_space<vmem>>
          %dma_wait3A_222 = tpu.memref_squeeze %dma_wait3A_221 : memref<1x16x512xf32, #tpu.memory_space<vmem>> -> memref<16x512xf32, #tpu.memory_space<vmem>>
          %dma_wait3A_223 = tpu.memref_slice %arg4[%mul3A_164, %mul3A_166] : memref<112x16384xf32, #tpu.memory_space<hbm>> -> memref<16x512xf32, #tpu.memory_space<hbm>>
          %dma_wait3A_224 = tpu.memref_slice %arg4[%mul3A_164, %mul3A_166] : memref<112x16384xf32, #tpu.memory_space<hbm>> -> memref<16x512xf32, #tpu.memory_space<hbm>>
          %dma_wait3A_225 = arith.constant 0 : i32
          %dma_wait3A_226 = arith.constant 0 : i32
          %dma_wait3A_227 = tpu.memref_slice %arg6[%select_n3A_208, %dma_wait3A_225, %dma_wait3A_226] : memref<3x16x512xf32, #tpu.memory_space<vmem>> -> memref<1x16x512xf32, #tpu.memory_space<vmem>>
          %dma_wait3A_228 = tpu.memref_squeeze %dma_wait3A_227 : memref<1x16x512xf32, #tpu.memory_space<vmem>> -> memref<16x512xf32, #tpu.memory_space<vmem>>
          tpu.wait_dma2 semaphore(%run_scoped3A_209 : memref<!tpu.dma_semaphore, #tpu.memory_space<semaphore_mem>>) src(%dma_wait3A_228 : memref<16x512xf32, #tpu.memory_space<vmem>>) dst(%dma_wait3A_224 : memref<16x512xf32, #tpu.memory_space<hbm>>)
          tpu.yield
        }) : () -> ()
      } else {
      }
    }
    %scan3A_5 = arith.constant 7 : i32
    %mul3A_6 = arith.constant 512 : i32
    %mul3A_7 = arith.muli %add3A, %mul3A_6 : i32
    %dma_wait3A = arith.constant 2 : i32
    %dma_wait3A_8 = arith.constant 0 : i32
    %dma_wait3A_9 = arith.constant 0 : i32
    %dma_wait3A_10 = tpu.memref_slice %arg6[%dma_wait3A, %dma_wait3A_8, %dma_wait3A_9] : memref<3x16x512xf32, #tpu.memory_space<vmem>> -> memref<1x16x512xf32, #tpu.memory_space<vmem>>
    %dma_wait3A_11 = tpu.memref_squeeze %dma_wait3A_10 : memref<1x16x512xf32, #tpu.memory_space<vmem>> -> memref<16x512xf32, #tpu.memory_space<vmem>>
    %dma_wait3A_12 = arith.constant 80 : i32
    %dma_wait3A_13 = tpu.memref_slice %arg4[%dma_wait3A_12, %mul3A_7] : memref<112x16384xf32, #tpu.memory_space<hbm>> -> memref<16x512xf32, #tpu.memory_space<hbm>>
    %dma_wait3A_14 = arith.constant 0 : i32
    %dma_wait3A_15 = arith.constant 0 : i32
    %dma_wait3A_16 = tpu.memref_slice %arg6[%dma_wait3A, %dma_wait3A_14, %dma_wait3A_15] : memref<3x16x512xf32, #tpu.memory_space<vmem>> -> memref<1x16x512xf32, #tpu.memory_space<vmem>>
    %dma_wait3A_17 = tpu.memref_squeeze %dma_wait3A_16 : memref<1x16x512xf32, #tpu.memory_space<vmem>> -> memref<16x512xf32, #tpu.memory_space<vmem>>
    %dma_wait3A_18 = arith.constant 80 : i32
    %dma_wait3A_19 = tpu.memref_slice %arg4[%dma_wait3A_18, %mul3A_7] : memref<112x16384xf32, #tpu.memory_space<hbm>> -> memref<16x512xf32, #tpu.memory_space<hbm>>
    tpu.wait_dma2 semaphore(%arg9 : memref<!tpu.dma_semaphore, #tpu.memory_space<semaphore_mem>>) src(%dma_wait3A_19 : memref<16x512xf32, #tpu.memory_space<hbm>>) dst(%dma_wait3A_17 : memref<16x512xf32, #tpu.memory_space<vmem>>)
    %run_scoped3A = arith.constant 2 : i32
    "tpu.region"() ({
      %run_scoped3A_36 = tpu.sem_alloc : memref<!tpu.dma_semaphore, #tpu.memory_space<semaphore_mem>>
      %dma_start3A = arith.constant 0 : i32
      %dma_start3A_37 = arith.constant 0 : i32
      %dma_start3A_38 = tpu.memref_slice %arg6[%run_scoped3A, %dma_start3A, %dma_start3A_37] : memref<3x16x512xf32, #tpu.memory_space<vmem>> -> memref<1x16x512xf32, #tpu.memory_space<vmem>>
      %dma_start3A_39 = tpu.memref_squeeze %dma_start3A_38 : memref<1x16x512xf32, #tpu.memory_space<vmem>> -> memref<16x512xf32, #tpu.memory_space<vmem>>
      %dma_start3A_40 = arith.constant 80 : i32
      %dma_start3A_41 = tpu.memref_slice %arg4[%dma_start3A_40, %mul3A_7] : memref<112x16384xf32, #tpu.memory_space<hbm>> -> memref<16x512xf32, #tpu.memory_space<hbm>>
      %dma_start3A_42 = arith.constant 80 : i32
      %dma_start3A_43 = tpu.memref_slice %arg4[%dma_start3A_42, %mul3A_7] : memref<112x16384xf32, #tpu.memory_space<hbm>> -> memref<16x512xf32, #tpu.memory_space<hbm>>
      %dma_start3A_44 = arith.constant 0 : i32
      %dma_start3A_45 = arith.constant 0 : i32
      %dma_start3A_46 = tpu.memref_slice %arg6[%run_scoped3A, %dma_start3A_44, %dma_start3A_45] : memref<3x16x512xf32, #tpu.memory_space<vmem>> -> memref<1x16x512xf32, #tpu.memory_space<vmem>>
      %dma_start3A_47 = tpu.memref_squeeze %dma_start3A_46 : memref<1x16x512xf32, #tpu.memory_space<vmem>> -> memref<16x512xf32, #tpu.memory_space<vmem>>
      tpu.enqueue_dma source(%dma_start3A_47 : memref<16x512xf32, #tpu.memory_space<vmem>>) target(%dma_start3A_43 : memref<16x512xf32, #tpu.memory_space<hbm>>) target_semaphore(%run_scoped3A_36 : memref<!tpu.dma_semaphore, #tpu.memory_space<semaphore_mem>>)
      %dma_wait3A_48 = arith.constant 0 : i32
      %dma_wait3A_49 = arith.constant 0 : i32
      %dma_wait3A_50 = tpu.memref_slice %arg6[%run_scoped3A, %dma_wait3A_48, %dma_wait3A_49] : memref<3x16x512xf32, #tpu.memory_space<vmem>> -> memref<1x16x512xf32, #tpu.memory_space<vmem>>
      %dma_wait3A_51 = tpu.memref_squeeze %dma_wait3A_50 : memref<1x16x512xf32, #tpu.memory_space<vmem>> -> memref<16x512xf32, #tpu.memory_space<vmem>>
      %dma_wait3A_52 = arith.constant 80 : i32
      %dma_wait3A_53 = tpu.memref_slice %arg4[%dma_wait3A_52, %mul3A_7] : memref<112x16384xf32, #tpu.memory_space<hbm>> -> memref<16x512xf32, #tpu.memory_space<hbm>>
      %dma_wait3A_54 = arith.constant 80 : i32
      %dma_wait3A_55 = tpu.memref_slice %arg4[%dma_wait3A_54, %mul3A_7] : memref<112x16384xf32, #tpu.memory_space<hbm>> -> memref<16x512xf32, #tpu.memory_space<hbm>>
      %dma_wait3A_56 = arith.constant 0 : i32
      %dma_wait3A_57 = arith.constant 0 : i32
      %dma_wait3A_58 = tpu.memref_slice %arg6[%run_scoped3A, %dma_wait3A_56, %dma_wait3A_57] : memref<3x16x512xf32, #tpu.memory_space<vmem>> -> memref<1x16x512xf32, #tpu.memory_space<vmem>>
      %dma_wait3A_59 = tpu.memref_squeeze %dma_wait3A_58 : memref<1x16x512xf32, #tpu.memory_space<vmem>> -> memref<16x512xf32, #tpu.memory_space<vmem>>
      tpu.wait_dma2 semaphore(%run_scoped3A_36 : memref<!tpu.dma_semaphore, #tpu.memory_space<semaphore_mem>>) src(%dma_wait3A_59 : memref<16x512xf32, #tpu.memory_space<vmem>>) dst(%dma_wait3A_55 : memref<16x512xf32, #tpu.memory_space<hbm>>)
      tpu.yield
    }) : () -> ()
    %mul3A_20 = arith.constant 512 : i32
    %mul3A_21 = arith.muli %add3A, %mul3A_20 : i32
    %dma_wait3A_22 = arith.constant 0 : i32
    %dma_wait3A_23 = arith.constant 0 : i32
    %dma_wait3A_24 = arith.constant 0 : i32
    %dma_wait3A_25 = tpu.memref_slice %arg6[%dma_wait3A_22, %dma_wait3A_23, %dma_wait3A_24] : memref<3x16x512xf32, #tpu.memory_space<vmem>> -> memref<1x16x512xf32, #tpu.memory_space<vmem>>
    %dma_wait3A_26 = tpu.memref_squeeze %dma_wait3A_25 : memref<1x16x512xf32, #tpu.memory_space<vmem>> -> memref<16x512xf32, #tpu.memory_space<vmem>>
    %dma_wait3A_27 = arith.constant 96 : i32
    %dma_wait3A_28 = tpu.memref_slice %arg4[%dma_wait3A_27, %mul3A_21] : memref<112x16384xf32, #tpu.memory_space<hbm>> -> memref<16x512xf32, #tpu.memory_space<hbm>>
    %dma_wait3A_29 = arith.constant 0 : i32
    %dma_wait3A_30 = arith.constant 0 : i32
    %dma_wait3A_31 = tpu.memref_slice %arg6[%dma_wait3A_22, %dma_wait3A_29, %dma_wait3A_30] : memref<3x16x512xf32, #tpu.memory_space<vmem>> -> memref<1x16x512xf32, #tpu.memory_space<vmem>>
    %dma_wait3A_32 = tpu.memref_squeeze %dma_wait3A_31 : memref<1x16x512xf32, #tpu.memory_space<vmem>> -> memref<16x512xf32, #tpu.memory_space<vmem>>
    %dma_wait3A_33 = arith.constant 96 : i32
    %dma_wait3A_34 = tpu.memref_slice %arg4[%dma_wait3A_33, %mul3A_21] : memref<112x16384xf32, #tpu.memory_space<hbm>> -> memref<16x512xf32, #tpu.memory_space<hbm>>
    tpu.wait_dma2 semaphore(%arg7 : memref<!tpu.dma_semaphore, #tpu.memory_space<semaphore_mem>>) src(%dma_wait3A_34 : memref<16x512xf32, #tpu.memory_space<hbm>>) dst(%dma_wait3A_32 : memref<16x512xf32, #tpu.memory_space<vmem>>)
    %run_scoped3A_35 = arith.constant 0 : i32
    "tpu.region"() ({
      %run_scoped3A_36 = tpu.sem_alloc : memref<!tpu.dma_semaphore, #tpu.memory_space<semaphore_mem>>
      %dma_start3A = arith.constant 0 : i32
      %dma_start3A_37 = arith.constant 0 : i32
      %dma_start3A_38 = tpu.memref_slice %arg6[%run_scoped3A_35, %dma_start3A, %dma_start3A_37] : memref<3x16x512xf32, #tpu.memory_space<vmem>> -> memref<1x16x512xf32, #tpu.memory_space<vmem>>
      %dma_start3A_39 = tpu.memref_squeeze %dma_start3A_38 : memref<1x16x512xf32, #tpu.memory_space<vmem>> -> memref<16x512xf32, #tpu.memory_space<vmem>>
      %dma_start3A_40 = arith.constant 96 : i32
      %dma_start3A_41 = tpu.memref_slice %arg4[%dma_start3A_40, %mul3A_21] : memref<112x16384xf32, #tpu.memory_space<hbm>> -> memref<16x512xf32, #tpu.memory_space<hbm>>
      %dma_start3A_42 = arith.constant 96 : i32
      %dma_start3A_43 = tpu.memref_slice %arg4[%dma_start3A_42, %mul3A_21] : memref<112x16384xf32, #tpu.memory_space<hbm>> -> memref<16x512xf32, #tpu.memory_space<hbm>>
      %dma_start3A_44 = arith.constant 0 : i32
      %dma_start3A_45 = arith.constant 0 : i32
      %dma_start3A_46 = tpu.memref_slice %arg6[%run_scoped3A_35, %dma_start3A_44, %dma_start3A_45] : memref<3x16x512xf32, #tpu.memory_space<vmem>> -> memref<1x16x512xf32, #tpu.memory_space<vmem>>
      %dma_start3A_47 = tpu.memref_squeeze %dma_start3A_46 : memref<1x16x512xf32, #tpu.memory_space<vmem>> -> memref<16x512xf32, #tpu.memory_space<vmem>>
      tpu.enqueue_dma source(%dma_start3A_47 : memref<16x512xf32, #tpu.memory_space<vmem>>) target(%dma_start3A_43 : memref<16x512xf32, #tpu.memory_space<hbm>>) target_semaphore(%run_scoped3A_36 : memref<!tpu.dma_semaphore, #tpu.memory_space<semaphore_mem>>)
      %dma_wait3A_48 = arith.constant 0 : i32
      %dma_wait3A_49 = arith.constant 0 : i32
      %dma_wait3A_50 = tpu.memref_slice %arg6[%run_scoped3A_35, %dma_wait3A_48, %dma_wait3A_49] : memref<3x16x512xf32, #tpu.memory_space<vmem>> -> memref<1x16x512xf32, #tpu.memory_space<vmem>>
      %dma_wait3A_51 = tpu.memref_squeeze %dma_wait3A_50 : memref<1x16x512xf32, #tpu.memory_space<vmem>> -> memref<16x512xf32, #tpu.memory_space<vmem>>
      %dma_wait3A_52 = arith.constant 96 : i32
      %dma_wait3A_53 = tpu.memref_slice %arg4[%dma_wait3A_52, %mul3A_21] : memref<112x16384xf32, #tpu.memory_space<hbm>> -> memref<16x512xf32, #tpu.memory_space<hbm>>
      %dma_wait3A_54 = arith.constant 96 : i32
      %dma_wait3A_55 = tpu.memref_slice %arg4[%dma_wait3A_54, %mul3A_21] : memref<112x16384xf32, #tpu.memory_space<hbm>> -> memref<16x512xf32, #tpu.memory_space<hbm>>
      %dma_wait3A_56 = arith.constant 0 : i32
      %dma_wait3A_57 = arith.constant 0 : i32
      %dma_wait3A_58 = tpu.memref_slice %arg6[%run_scoped3A_35, %dma_wait3A_56, %dma_wait3A_57] : memref<3x16x512xf32, #tpu.memory_space<vmem>> -> memref<1x16x512xf32, #tpu.memory_space<vmem>>
      %dma_wait3A_59 = tpu.memref_squeeze %dma_wait3A_58 : memref<1x16x512xf32, #tpu.memory_space<vmem>> -> memref<16x512xf32, #tpu.memory_space<vmem>>
      tpu.wait_dma2 semaphore(%run_scoped3A_36 : memref<!tpu.dma_semaphore, #tpu.memory_space<semaphore_mem>>) src(%dma_wait3A_59 : memref<16x512xf32, #tpu.memory_space<vmem>>) dst(%dma_wait3A_55 : memref<16x512xf32, #tpu.memory_space<hbm>>)
      tpu.yield
    }) : () -> ()
    return
  }
}

module attributes {stable_mosaic.version = 14 : i64} {
  func.func @_tc_body(%arg0: i32, %arg1: memref<112x1024xf32, #tpu.memory_space<vmem>>, %arg2: memref<112x1024xf32, #tpu.memory_space<vmem>>, %arg3: memref<96x1024xf32, #tpu.memory_space<vmem>>, %arg4: memref<96x1024xf32, #tpu.memory_space<vmem>>, %arg5: memref<112x128xf32, #tpu.memory_space<vmem>>, %arg6: memref<112x128xf32, #tpu.memory_space<vmem>>, %arg7: memref<96x128xf32, #tpu.memory_space<vmem>>, %arg8: memref<96x128xf32, #tpu.memory_space<vmem>>, %arg9: memref<1x1x1024xi32, #tpu.memory_space<vmem>>, %arg10: memref<128x1xf32, #tpu.memory_space<vmem>>, %arg11: memref<128x32xf32, #tpu.memory_space<vmem>>, %arg12: memref<32x1xf32, #tpu.memory_space<vmem>>, %arg13: memref<32x4xf32, #tpu.memory_space<vmem>>, %arg14: memref<4x1xf32, #tpu.memory_space<vmem>>, %arg15: memref<1x1x1024xf32, #tpu.memory_space<vmem>>) attributes {dimension_semantics = [#tpu.dimension_semantics<arbitrary>], iteration_bounds = array<i64: 16>, scalar_prefetch = 0 : i64, scratch_operands = 0 : i64, tpu.core_type = #tpu.core_type<tc>, window_params = [{transform_indices = @transform_0, window_bounds = array<i64: 112, 1024>}, {transform_indices = @transform_1, window_bounds = array<i64: 112, 1024>}, {transform_indices = @transform_2, window_bounds = array<i64: 96, 1024>}, {transform_indices = @transform_3, window_bounds = array<i64: 96, 1024>}, {pipeline_mode = #tpu.pipeline_mode<synchronous>, transform_indices = @transform_4, window_bounds = array<i64: 112, 128>}, {pipeline_mode = #tpu.pipeline_mode<synchronous>, transform_indices = @transform_5, window_bounds = array<i64: 112, 128>}, {pipeline_mode = #tpu.pipeline_mode<synchronous>, transform_indices = @transform_6, window_bounds = array<i64: 96, 128>}, {pipeline_mode = #tpu.pipeline_mode<synchronous>, transform_indices = @transform_7, window_bounds = array<i64: 96, 128>}, {transform_indices = @transform_8, window_bounds = array<i64: 1, 1, 1024>}, {pipeline_mode = #tpu.pipeline_mode<synchronous>, transform_indices = @transform_9, window_bounds = array<i64: 128, 1>}, {pipeline_mode = #tpu.pipeline_mode<synchronous>, transform_indices = @transform_10, window_bounds = array<i64: 128, 32>}, {pipeline_mode = #tpu.pipeline_mode<synchronous>, transform_indices = @transform_11, window_bounds = array<i64: 32, 1>}, {pipeline_mode = #tpu.pipeline_mode<synchronous>, transform_indices = @transform_12, window_bounds = array<i64: 32, 4>}, {pipeline_mode = #tpu.pipeline_mode<synchronous>, transform_indices = @transform_13, window_bounds = array<i64: 4, 1>}, {transform_indices = @transform_14, window_bounds = array<i64: 1, 1, 1024>}]} {
    %get3A = arith.constant 0 : index
    %get3A_0 = arith.constant 0 : index
    %get3A_1 = vector.load %arg10[%get3A, %get3A_0] : memref<128x1xf32, #tpu.memory_space<vmem>>, vector<128x1xf32>
    %get3A_2 = arith.constant 0 : index
    %get3A_3 = arith.constant 0 : index
    %get3A_4 = vector.load %arg5[%get3A_2, %get3A_3] : memref<112x128xf32, #tpu.memory_space<vmem>>, vector<112x128xf32>
    %get3A_5 = arith.constant 0 : index
    %get3A_6 = arith.constant 0 : index
    %get3A_7 = vector.load %arg1[%get3A_5, %get3A_6] : memref<112x1024xf32, #tpu.memory_space<vmem>>, vector<112x1024xf32>
    %dot_general3A = arith.constant dense<0.000000e+00> : vector<128x1024xf32>
    %dot_general3A_8 = tpu.matmul %get3A_4, %get3A_7, %dot_general3A {dimension_numbers = #tpu.dot_dimension_numbers<[0], [0], [1], [1], [0, 1, 1, 1], [], []>, transpose_lhs_hint = false} : vector<112x128xf32>, vector<112x1024xf32>, vector<128x1024xf32> -> vector<128x1024xf32>
    %add3A = vector.broadcast %get3A_1 : vector<128x1xf32> to vector<128x1024xf32>
    %add3A_9 = arith.addf %add3A, %dot_general3A_8 : vector<128x1024xf32>
    %get3A_10 = arith.constant 0 : index
    %get3A_11 = arith.constant 0 : index
    %get3A_12 = vector.load %arg6[%get3A_10, %get3A_11] : memref<112x128xf32, #tpu.memory_space<vmem>>, vector<112x128xf32>
    %get3A_13 = arith.constant 0 : index
    %get3A_14 = arith.constant 0 : index
    %get3A_15 = vector.load %arg2[%get3A_13, %get3A_14] : memref<112x1024xf32, #tpu.memory_space<vmem>>, vector<112x1024xf32>
    %dot_general3A_16 = arith.constant dense<0.000000e+00> : vector<128x1024xf32>
    %dot_general3A_17 = tpu.matmul %get3A_12, %get3A_15, %dot_general3A_16 {dimension_numbers = #tpu.dot_dimension_numbers<[0], [0], [1], [1], [0, 1, 1, 1], [], []>, transpose_lhs_hint = false} : vector<112x128xf32>, vector<112x1024xf32>, vector<128x1024xf32> -> vector<128x1024xf32>
    %add3A_18 = arith.addf %add3A_9, %dot_general3A_17 : vector<128x1024xf32>
    %get3A_19 = arith.constant 0 : index
    %get3A_20 = arith.constant 0 : index
    %get3A_21 = vector.load %arg7[%get3A_19, %get3A_20] : memref<96x128xf32, #tpu.memory_space<vmem>>, vector<96x128xf32>
    %get3A_22 = arith.constant 0 : index
    %get3A_23 = arith.constant 0 : index
    %get3A_24 = vector.load %arg3[%get3A_22, %get3A_23] : memref<96x1024xf32, #tpu.memory_space<vmem>>, vector<96x1024xf32>
    %dot_general3A_25 = arith.constant dense<0.000000e+00> : vector<128x1024xf32>
    %dot_general3A_26 = tpu.matmul %get3A_21, %get3A_24, %dot_general3A_25 {dimension_numbers = #tpu.dot_dimension_numbers<[0], [0], [1], [1], [0, 1, 1, 1], [], []>, transpose_lhs_hint = false} : vector<96x128xf32>, vector<96x1024xf32>, vector<128x1024xf32> -> vector<128x1024xf32>
    %add3A_27 = arith.addf %add3A_18, %dot_general3A_26 : vector<128x1024xf32>
    %get3A_28 = arith.constant 0 : index
    %get3A_29 = arith.constant 0 : index
    %get3A_30 = vector.load %arg8[%get3A_28, %get3A_29] : memref<96x128xf32, #tpu.memory_space<vmem>>, vector<96x128xf32>
    %get3A_31 = arith.constant 0 : index
    %get3A_32 = arith.constant 0 : index
    %get3A_33 = vector.load %arg4[%get3A_31, %get3A_32] : memref<96x1024xf32, #tpu.memory_space<vmem>>, vector<96x1024xf32>
    %dot_general3A_34 = arith.constant dense<0.000000e+00> : vector<128x1024xf32>
    %dot_general3A_35 = tpu.matmul %get3A_30, %get3A_33, %dot_general3A_34 {dimension_numbers = #tpu.dot_dimension_numbers<[0], [0], [1], [1], [0, 1, 1, 1], [], []>, transpose_lhs_hint = false} : vector<96x128xf32>, vector<96x1024xf32>, vector<128x1024xf32> -> vector<128x1024xf32>
    %add3A_36 = arith.addf %add3A_27, %dot_general3A_35 : vector<128x1024xf32>
    %max3A = arith.constant 0.000000e+00 : f32
    %max3A_37 = vector.broadcast %max3A : f32 to vector<128x1024xf32>
    %max3A_38 = arith.maximumf %add3A_36, %max3A_37 : vector<128x1024xf32>
    %get3A_39 = arith.constant 0 : index
    %get3A_40 = arith.constant 0 : index
    %get3A_41 = vector.load %arg11[%get3A_39, %get3A_40] : memref<128x32xf32, #tpu.memory_space<vmem>>, vector<128x32xf32>
    %dot_general3A_42 = arith.constant dense<0.000000e+00> : vector<32x1024xf32>
    %dot_general3A_43 = tpu.matmul %get3A_41, %max3A_38, %dot_general3A_42 {dimension_numbers = #tpu.dot_dimension_numbers<[0], [0], [1], [1], [0, 1, 1, 1], [], []>, transpose_lhs_hint = false} : vector<128x32xf32>, vector<128x1024xf32>, vector<32x1024xf32> -> vector<32x1024xf32>
    %get3A_44 = arith.constant 0 : index
    %get3A_45 = arith.constant 0 : index
    %get3A_46 = vector.load %arg12[%get3A_44, %get3A_45] : memref<32x1xf32, #tpu.memory_space<vmem>>, vector<32x1xf32>
    %add3A_47 = vector.broadcast %get3A_46 : vector<32x1xf32> to vector<32x1024xf32>
    %add3A_48 = arith.addf %dot_general3A_43, %add3A_47 : vector<32x1024xf32>
    %max3A_49 = arith.constant 0.000000e+00 : f32
    %max3A_50 = vector.broadcast %max3A_49 : f32 to vector<32x1024xf32>
    %max3A_51 = arith.maximumf %add3A_48, %max3A_50 : vector<32x1024xf32>
    %get3A_52 = arith.constant 0 : index
    %get3A_53 = arith.constant 0 : index
    %get3A_54 = vector.load %arg13[%get3A_52, %get3A_53] : memref<32x4xf32, #tpu.memory_space<vmem>>, vector<32x4xf32>
    %dot_general3A_55 = arith.constant dense<0.000000e+00> : vector<4x1024xf32>
    %dot_general3A_56 = tpu.matmul %get3A_54, %max3A_51, %dot_general3A_55 {dimension_numbers = #tpu.dot_dimension_numbers<[0], [0], [1], [1], [0, 1, 1, 1], [], []>, transpose_lhs_hint = false} : vector<32x4xf32>, vector<32x1024xf32>, vector<4x1024xf32> -> vector<4x1024xf32>
    %get3A_57 = arith.constant 0 : index
    %get3A_58 = arith.constant 0 : index
    %get3A_59 = vector.load %arg14[%get3A_57, %get3A_58] : memref<4x1xf32, #tpu.memory_space<vmem>>, vector<4x1xf32>
    %add3A_60 = vector.broadcast %get3A_59 : vector<4x1xf32> to vector<4x1024xf32>
    %add3A_61 = arith.addf %dot_general3A_56, %add3A_60 : vector<4x1024xf32>
    %get3A_62 = arith.constant 0 : index
    %get3A_63 = arith.constant 0 : index
    %get3A_64 = arith.constant 0 : index
    %get3A_65 = vector.load %arg9[%get3A_62, %get3A_63, %get3A_64] : memref<1x1x1024xi32, #tpu.memory_space<vmem>>, vector<1x1x1024xi32>
    %reshape3A = vector.shape_cast %get3A_65 : vector<1x1x1024xi32> to vector<1x1024xi32>
    %iota3A = tpu.iota {dimensions = array<i32: 0>} : vector<4x1xi32>
    %eq3A = vector.broadcast %reshape3A : vector<1x1024xi32> to vector<4x1024xi32>
    %eq3A_66 = vector.broadcast %iota3A : vector<4x1xi32> to vector<4x1024xi32>
    %eq3A_67 = arith.cmpi eq, %eq3A, %eq3A_66 : vector<4x1024xi32>
    %jit3A = arith.constant 0.000000e+00 : f32
    %broadcast_in_dim3A = vector.broadcast %jit3A : f32 to vector<4x1024xf32>
    %select_n3A = arith.select %eq3A_67, %add3A_61, %broadcast_in_dim3A : vector<4x1024xi1>, vector<4x1024xf32>
    %reduce_sum3A = arith.constant dense<0.000000e+00> : vector<1024xf32>
    %reduce_sum3A_68 = vector.multi_reduction <add>, %select_n3A, %reduce_sum3A [0] : vector<4x1024xf32> to vector<1024xf32>
    %neg3A = arith.constant 0.000000e+00 : f32
    %neg3A_69 = vector.broadcast %neg3A : f32 to vector<1024xf32>
    %neg3A_70 = arith.subf %neg3A_69, %reduce_sum3A_68 : vector<1024xf32>
    %exp3A = math.exp %neg3A_70 : vector<1024xf32>
    %add3A_71 = arith.constant 1.000000e+00 : f32
    %add3A_72 = vector.broadcast %add3A_71 : f32 to vector<1024xf32>
    %add3A_73 = arith.addf %add3A_72, %exp3A : vector<1024xf32>
    %div3A = arith.constant 1.000000e+00 : f32
    %div3A_74 = vector.broadcast %div3A : f32 to vector<1024xf32>
    %div3A_75 = arith.divf %div3A_74, %add3A_73 : vector<1024xf32>
    %reshape3A_76 = vector.shape_cast %div3A_75 : vector<1024xf32> to vector<1x1x1024xf32>
    %swap3A = arith.constant 0 : index
    %swap3A_77 = arith.constant 0 : index
    %swap3A_78 = arith.constant 0 : index
    %swap3A_79 = vector.load %arg15[%swap3A, %swap3A_77, %swap3A_78] : memref<1x1x1024xf32, #tpu.memory_space<vmem>>, vector<1x1x1024xf32>
    tpu.vector_store %arg15[%swap3A, %swap3A_77, %swap3A_78], %reshape3A_76 {strides = array<i32>} : memref<1x1x1024xf32, #tpu.memory_space<vmem>>, vector<1x1x1024xf32>,
    return
  }
  func.func @transform_0(%arg0: i32) -> (i32, i32) {
    %c0_i32 = arith.constant 0 : i32
    %c0_i32_0 = arith.constant 0 : i32
    return %c0_i32, %arg0 : i32, i32
  }
  func.func @transform_1(%arg0: i32) -> (i32, i32) {
    %c0_i32 = arith.constant 0 : i32
    %c0_i32_0 = arith.constant 0 : i32
    return %c0_i32, %arg0 : i32, i32
  }
  func.func @transform_2(%arg0: i32) -> (i32, i32) {
    %c0_i32 = arith.constant 0 : i32
    %c0_i32_0 = arith.constant 0 : i32
    return %c0_i32, %arg0 : i32, i32
  }
  func.func @transform_3(%arg0: i32) -> (i32, i32) {
    %c0_i32 = arith.constant 0 : i32
    %c0_i32_0 = arith.constant 0 : i32
    return %c0_i32, %arg0 : i32, i32
  }
  func.func @transform_4(%arg0: i32) -> (i32, i32) {
    %c0_i32 = arith.constant 0 : i32
    %c0_i32_0 = arith.constant 0 : i32
    %c0_i32_1 = arith.constant 0 : i32
    return %c0_i32, %c0_i32_0 : i32, i32
  }
  func.func @transform_5(%arg0: i32) -> (i32, i32) {
    %c0_i32 = arith.constant 0 : i32
    %c0_i32_0 = arith.constant 0 : i32
    %c0_i32_1 = arith.constant 0 : i32
    return %c0_i32, %c0_i32_0 : i32, i32
  }
  func.func @transform_6(%arg0: i32) -> (i32, i32) {
    %c0_i32 = arith.constant 0 : i32
    %c0_i32_0 = arith.constant 0 : i32
    %c0_i32_1 = arith.constant 0 : i32
    return %c0_i32, %c0_i32_0 : i32, i32
  }
  func.func @transform_7(%arg0: i32) -> (i32, i32) {
    %c0_i32 = arith.constant 0 : i32
    %c0_i32_0 = arith.constant 0 : i32
    %c0_i32_1 = arith.constant 0 : i32
    return %c0_i32, %c0_i32_0 : i32, i32
  }
  func.func @transform_8(%arg0: i32) -> (i32, i32, i32) {
    %c0_i32 = arith.constant 0 : i32
    %c0_i32_0 = arith.constant 0 : i32
    %c0_i32_1 = arith.constant 0 : i32
    return %arg0, %c0_i32, %c0_i32_0 : i32, i32, i32
  }
  func.func @transform_9(%arg0: i32) -> (i32, i32) {
    %c0_i32 = arith.constant 0 : i32
    %c0_i32_0 = arith.constant 0 : i32
    %c0_i32_1 = arith.constant 0 : i32
    return %c0_i32, %c0_i32_0 : i32, i32
  }
  func.func @transform_10(%arg0: i32) -> (i32, i32) {
    %c0_i32 = arith.constant 0 : i32
    %c0_i32_0 = arith.constant 0 : i32
    %c0_i32_1 = arith.constant 0 : i32
    return %c0_i32, %c0_i32_0 : i32, i32
  }
  func.func @transform_11(%arg0: i32) -> (i32, i32) {
    %c0_i32 = arith.constant 0 : i32
    %c0_i32_0 = arith.constant 0 : i32
    %c0_i32_1 = arith.constant 0 : i32
    return %c0_i32, %c0_i32_0 : i32, i32
  }
  func.func @transform_12(%arg0: i32) -> (i32, i32) {
    %c0_i32 = arith.constant 0 : i32
    %c0_i32_0 = arith.constant 0 : i32
    %c0_i32_1 = arith.constant 0 : i32
    return %c0_i32, %c0_i32_0 : i32, i32
  }
  func.func @transform_13(%arg0: i32) -> (i32, i32) {
    %c0_i32 = arith.constant 0 : i32
    %c0_i32_0 = arith.constant 0 : i32
    %c0_i32_1 = arith.constant 0 : i32
    return %c0_i32, %c0_i32_0 : i32, i32
  }
  func.func @transform_14(%arg0: i32) -> (i32, i32, i32) {
    %c0_i32 = arith.constant 0 : i32
    %c0_i32_0 = arith.constant 0 : i32
    %c0_i32_1 = arith.constant 0 : i32
    return %arg0, %c0_i32, %c0_i32_0 : i32, i32, i32
  }
}

</mosaic_0001>

<sc_bundles>
// kernel: kernel.10.cloned.1.call-start
scs
__scs_entry_jumppad:
0x0: {  	(pc) =	sbr.rel $0x88, $3  }
0x1: {  	(tag) =	ssettag $0x0;
	lr =	simm.s32 $0x1  }
0x2: {  	[smem:$0x3F98] =	sst lr;
	_ =	strace $0xD0000000  }
0x3: {  	_ = 	snop  }
0x4: {  	_ = 	snop  }
0x5: {  	_ = 	snop  }
0x6: {  	_ = 	snop  }
0x7: {  	_ = 	snop  }
__scs_overlays_trampoline_lowered:
0x8: {  	[smem:$0x3FA7] =	sst s0  }
0x9: {  	[smem:$0x3FA8] =	sst s1  }
0xa: {  	[smem:$0x3FA9] =	sst s2  }
0xb: {  	[smem:$0x3FAA] =	sst s3  }
0xc: {  	[smem:$0x3FAB] =	sst s4  }
0xd: {  	[smem:$0x3FAC] =	sst s5  }
0xe: {  	[smem:$0x3FAD] =	sst s6  }
0xf: {  	[smem:$0x3FAE] =	sst s7  }
0x10: {  	[smem:$0x3FAF] =	sst s8  }
0x11: {  	[smem:$0x3FB0] =	sst s9;
	s0 =	simm.s32 @!p0 $0x0  }
0x12: {  	s1 =	sld [smem:$0x3F96];
	s0 =	simm.s32 @p0 $0x1  }
0x13: {  	[smem:$0x3FB1] =	sst s0;
	s0 =	simm.s32 @!p1 $0x0  }
0x14: {  	s2 =	sld [smem:$0x3F95];
	s0 =	simm.s32 @p1 $0x1  }
0x15: {  	[smem:$0x3FB2] =	sst s0;
	s0 =	simm.s32 @!p2 $0x0  }
0x16: {  	s3 =	sld [smem:$0x3FDB];
	s0 =	simm.s32 @p2 $0x1  }
0x17: {  	s4 =	simm.s32 $0x1BF5;
	[smem:$0x3FB4] =	sst s0  }
0x18: {  	s0 =	sld [smem:$0x3F97];
	_ =	swait.ge [sflag:s4], $0x0  }
0x19: {  	s7 =	sld [smem:$0x3F98]  }
0x1a: {  	s8 =	sadd.s32 $0xFFFFE003, lr  }
0x1b: {  	s9 =	sadd.s32 $0xFFFFFEF7, lr;
	s5 =	simm.s32 $0xFFFFFFFF;
	p2 =	slt.u32 s8, $0xFFFFF086  }
0x1c: {  	p1 =	slt.u32 s9, $0xF7A;
	s5 =	simm.s32 @!p2 $0x0  }
0x1d: {  	s5 =	simm.s32 @p1 $0x1;
	p0 =	seq.s32 s7, s2  }
0x1e: {  	s7 =	smul.u32 @!p0 $0xF7A, s2;
	p2 =	seq.s32 @!p0 s5, $0x0  }
0x1f: {  	s9 =	smul.u32 $0xF7A, s1;
	s8 =	simm.s32 @!p0 $0x1BF5;
	p2 =	por !p2, p0  }
0x20: {  	[sflag:s8] =	ssyncset.s32 @!p0 $0xFFFFF086;
	s6 =	sadd.s32 @!p0 s3, s7;
	s7 =	simm.s32 @!p0 $0x108  }
0x21: {  	s3 =	sadd.s32 s3, s9;
	s6 =	sadd.s32 @!p0 $0x88, s6;
	s7 =	simm.s32 @p2 $0x1082  }
0x22: {  	[simem:s7], [sflag:s8] =	dma.local @!p0 [hbm:s6], $0xF7A  }
0x23: {  	s9 =	sor.u32 $0xD0000000, s2;
	s6 =	simm.s32 $0x108;
	_ =	swait.ge @!p0 [sflag:s8], $0x0  }
0x24: {  	s3 =	sadd.s32 $0x88, s3;
	s6 =	simm.s32 @!p1 $0x1082;
	[sflag:s4] =	ssyncset.s32 $0xFFFFF086  }
0x25: {  	[simem:s6], [sflag:s4] =	dma.local [hbm:s3], $0xF7A  }
0x26: {  	[smem:$0x3F98] =	sst s1;
	(tag) =	ssettag s2;
	_ =	strace s9  }
0x27: {  	s1 =	sld [smem:$0x3FA8]  }
0x28: {  	s2 =	sld [smem:$0x3FA9]  }
0x29: {  	s4 =	sld [smem:$0x3FAB]  }
0x2a: {  	p0 =	seq.s32 s5, $0x0;
	s5 =	sld [smem:$0x3FAC]  }
0x2b: {  	s6 =	sld [smem:$0x3FAD]  }
0x2c: {  	s7 =	sld [smem:$0x3FAE]  }
0x2d: {  	s3 =	simm.s32 $0x108;
	s8 =	sld [smem:$0x3FAF]  }
0x2e: {  	s3 =	simm.s32 @!p0 $0x1082;
	s9 =	sld [smem:$0x3FB0]  }
0x2f: {  	lr =	sadd.s32 s0, s3;
	s0 =	sld [smem:$0x3FA7]  }
0x30: {  	s3 =	sld [smem:$0x3FAA]  }
0x31: {  	[smem:$0x3FB3] =	sst s10  }
0x32: {  	s10 =	sld [smem:$0x3FB1];
	_ =	sdelay $0x3  }
0x33: {  	p0 =	seq.s32 s10, $0x1;
	s10 =	sld [smem:$0x3FB3];
	_ =	sdelay $0x3  }
0x34: {  	[smem:$0x3FB3] =	sst s10  }
0x35: {  	s10 =	sld [smem:$0x3FB2];
	_ =	sdelay $0x3  }
0x36: {  	p1 =	seq.s32 s10, $0x1;
	s10 =	sld [smem:$0x3FB3];
	_ =	sdelay $0x3  }
0x37: {  	[smem:$0x3FB3] =	sst s10  }
0x38: {  	s10 =	sld [smem:$0x3FB4]  }
0x39: {  	_ = 	snop;
	(pc) =	sbr.ind lr, $3  }
0x3a: {  	_ = 	snop  }
0x3b: {  	_ = 	snop  }
0x3c: {  	p2 =	seq.s32 s10, $0x1;
	s10 =	sld [smem:$0x3FB3]  }
0x3d: {  	_ =	shalt  }
0x3e: {  	_ =	shalt  }
0x3f: {  	_ =	shalt  }
0x40: {  	_ =	shalt  }
0x41: {  	_ =	shalt  }
0x42: {  	_ =	shalt  }
0x43: {  	_ =	shalt  }
0x44: {  	_ =	shalt  }
0x45: {  	_ =	shalt  }
0x46: {  	_ =	shalt  }
0x47: {  	_ =	shalt  }
0x48: {  	_ =	shalt  }
0x49: {  	_ =	shalt  }
0x4a: {  	_ =	shalt  }
0x4b: {  	_ =	shalt  }
0x4c: {  	_ =	shalt  }
0x4d: {  	_ =	shalt  }
0x4e: {  	_ =	shalt  }
0x4f: {  	_ =	shalt  }
0x50: {  	_ =	shalt  }
0x51: {  	_ =	shalt  }
0x52: {  	_ =	shalt  }
0x53: {  	_ =	shalt  }
0x54: {  	_ =	shalt  }
0x55: {  	_ =	shalt  }
0x56: {  	_ =	shalt  }
0x57: {  	_ =	shalt  }
0x58: {  	_ =	shalt  }
0x59: {  	_ =	shalt  }
0x5a: {  	_ =	shalt  }
0x5b: {  	_ =	shalt  }
0x5c: {  	_ =	shalt  }
0x5d: {  	_ =	shalt  }
0x5e: {  	_ =	shalt  }
0x5f: {  	_ =	shalt  }
0x60: {  	_ =	shalt  }
0x61: {  	_ =	shalt  }
0x62: {  	_ =	shalt  }
0x63: {  	_ =	shalt  }
0x64: {  	_ =	shalt  }
0x65: {  	_ =	shalt  }
0x66: {  	_ =	shalt  }
0x67: {  	_ =	shalt  }
0x68: {  	_ =	shalt  }
0x69: {  	_ =	shalt  }
0x6a: {  	_ =	shalt  }
0x6b: {  	_ =	shalt  }
0x6c: {  	_ =	shalt  }
0x6d: {  	_ =	shalt  }
0x6e: {  	_ =	shalt  }
0x6f: {  	_ =	shalt  }
0x70: {  	_ =	shalt  }
0x71: {  	_ =	shalt  }
0x72: {  	_ =	shalt  }
0x73: {  	_ =	shalt  }
0x74: {  	_ =	shalt  }
0x75: {  	_ =	shalt  }
0x76: {  	_ =	shalt  }
0x77: {  	_ =	shalt  }
0x78: {  	_ =	shalt  }
0x79: {  	_ =	shalt  }
0x7a: {  	_ =	shalt  }
0x7b: {  	_ =	shalt  }
0x7c: {  	_ =	shalt  }
0x7d: {  	_ =	shalt  }
0x7e: {  	_ =	shalt  }
0x7f: {  	_ =	shalt  }
0x80: {  	_ =	shalt  }
0x81: {  	_ =	shalt  }
0x82: {  	_ =	shalt  }
0x83: {  	_ =	shalt  }
0x84: {  	_ =	shalt  }
0x85: {  	_ =	shalt  }
0x86: {  	_ =	shalt  }
0x87: {  	_ =	shalt  }
.Lfunc_end0:
.L_simem_size_0:
called_computation.1_lowered:
.L_overlay_start_0:
0x88: {  	s2 =	sld [smem:$0x3FD9]  }
0x89: {  	s3 =	sld [smem:$0x3FFE];
	_ =	sdelay $0x1  }
0x8a: {  	s1 =	srdreg.scid  }
0x8b: {  	s0 =	sand.u32 $0x1, s1  }
0x8c: {  	s17 =	sshll.u32 s0, $0xA;
	s2 =	sadd.s32 s3, s2  }
0x8d: {  	s2 =	sadd.s32 s2, s17  }
0x8e: {  	[smem:$0x3FBF] =	sst s2  }
0x8f: {  	_ = 	snop  }
0x90: {  	(tm) =	ssettm $0x1  }
0x91: {  	s18 =	sld [smem:$0x3FFB];
	_ =	sdelay $0x3  }
0x92: {  	_ =	strace s18  }
0x93: {  	s2 =	sld [smem:$0x3FFC];
	_ =	sdelay $0x3  }
0x94: {  	_ =	strace s2  }
0x95: {  	s2 =	sld [smem:$0x3FFD];
	_ =	sdelay $0x3  }
0x96: {  	_ =	strace s2  }
0x97: {  	_ =	strace $0x8FFFFFFF  }
0x98: {  	s19 =	sld [smem:$0x3FDB];
	_ =	sdelay $0x1  }
0x99: {  	s20 =	simm.s32 $_scs_section_size  }
0x9a: {  	s4 =	simm.s32 $_size__tile_overlayer_lowered;
	s5 =	simm.s32 $_tile_overlayer_lowered  }
0x9b: {  	s6 =	simm.s32 $0x1BFF;
	s21 =	sshll.u32 s5, $0x1;
	s3 =	sadd.s32 s20, s19  }
0x9c: {  	s22 =	simm.s32 $0x0;
	s4 =	sshll.u32 s4, $0x1;
	s5 =	sadd.s32 s21, s3  }
0x9d: {  	[timem:s22], [sflag:s6] =	dma.local [hbm:s5], s4  }
0x9e: {  	_ =	swait.ge [sflag:s6], s4  }
0x9f: {  	s4 =	ssub.s32 $0x0, s4;
	[sflag:s6] =	ssyncset.done $0x0  }
0xa0: {  	[sflag:s6] =	ssyncadd.s32 s4;
	_ =	sdelay $0x1  }
0xa1: {  	s23 =	simm.s32 $0x1B8B  }
0xa2: {  	_ =	swait.ge [sflag:s23], $0x1  }
0xa3: {  	[sflag:s23] =	ssyncset.done $0x0  }
0xa4: {  	[sflag:s23] =	ssyncadd.s32 $0xFFFFFFFF  }
0xa5: {  	s4 =	sld [smem:$0x0]  }
0xa6: {  	s5 =	sand.u32 $0xFFFFFFFE, s1  }
0xa7: {  	p0 =	sne.s32 s1, s5  }
0xa8: {  	s5 =	sshll.u32 @p0 s5, $0xE  }
0xa9: {  	s5 =	sadd.s32 @p0 $0x11B8D, s5;
	s6 =	sshll.u32 @p0 s4, $0x11  }
0xaa: {  	s5 =	sor.u32 @p0 s6, s5  }
0xab: {  	[sflag:s5] =	ssyncadd.remote.s32 @p0 $0x1;
	_ =	sdelay $0x1  }
0xac: {  	s5 =	simm.s32 @p0 $0x1B8D  }
0xad: {  	_ =	swait.eq @p0 [sflag:s5], $0x1  }
0xae: {  	[sflag:s5] =	ssyncadd.s32 @p0 $0xFFFFFFFF  }
0xaf: {  	s6 =	sshll.u32 @!p0 s1, $0xE  }
0xb0: {  	s6 =	sor.u32 @!p0 $0x4000, s6;
	s5 =	simm.s32 @!p0 $0x1B8D  }
0xb1: {  	s4 =	sshll.u32 @!p0 s4, $0x11;
	s6 =	sadd.s32 @!p0 $0x11B8D, s6;
	_ =	swait.eq @!p0 [sflag:s5], $0x1  }
0xb2: {  	s4 =	sor.u32 @!p0 s4, s6;
	[sflag:s5] =	ssyncadd.s32 @!p0 $0xFFFFFFFF  }
0xb3: {  	s25 =	simm.s32 $0x1B8E;
	s24 =	sld [smem:$0x3FFE];
	[sflag:s4] =	ssyncadd.remote.s32 @!p0 $0x1  }
0xb4: {  	s26 =	simm.s32 $execute0_lowered;
	[smem:$0x3FD2] =	sst s25  }
0xb5: {  	s5 =	sshll.u32 s26, $0x1;
	_ =	strace $0x8000004C;
	[dreg:$0x1] =	wrdreg $0xFFFFFFFF  }
0xb6: {  	s28 =	simm.s32 $_size_execute0_lowered;
	s3 =	sadd.s32 s3, s5;
	[dreg:$0x0] =	wrdreg $0x0  }
0xb7: {  	s5 =	sshll.u32 s28, $0x1;
	[dreg:$0x2] =	wrdreg s3  }
0xb8: {  	[dreg:$0x3] =	wrdreg s5  }
0xb9: {  	[dreg:$0x4] =	wrdreg $0xC0  }
0xba: {  	_ =	task [dreg:s22], $0x5FFFF  }
0xbb: {  	[dreg:$0x1] =	wrdreg $0xFFFFFFFF  }
0xbc: {  	[dreg:$0x0] =	wrdreg $0x60  }
0xbd: {  	[dreg:$0x2] =	wrdreg s24  }
0xbe: {  	[dreg:$0x3] =	wrdreg $0xA  }
0xbf: {  	_ =	task.clear_ibuf [dreg:s22], $0x4FFFF;
	_ =	strace $0x9000004C  }
0xc0: {  	s29 =	simm.s32 $0xA;
	_ =	strace $0x8000004E  }
0xc1: {  	_ =	swait.ge [sflag:s29], $0x1  }
0xc2: {  	[sflag:s29] =	ssyncadd.s32 $0xFFFFFFFF  }
0xc3: {  	_ =	strace $0x9000004E  }
0xc4: {  	_ =	sfence  }
0xc5: {  	s30 =	sld [smem:$0x0];
	_ =	sdelay $0x2  }
0xc6: {  	s31 =	sshll.u32 s1, $0xD;
	s1 =	sshrl.u32 s1, $0x2  }
0xc7: {  	s4 =	sand.u32 $0x4000, s31;
	s1 =	sadd.s32 s1, s30  }
0xc8: {  	s0 =	sor.u32 s4, s0;
	s1 =	sshll.u32 s1, $0x11  }
0xc9: {  	s0 =	sor.u32 s1, s0  }
0xca: {  	s0 =	sadd.s32 $0x8F2B, s0  }
0xcb: {  	[sflag:s0] =	ssyncadd.remote.s32 $0x1  }
0xcc: {  	_ =	sfence.sel $0xFFFF  }
0xcd: {  	[dreg:$0x0] =	wrdreg $0xFFFFFFFF;
	(pc) =	sbr.abs _section_cstart, $3  }
0xce: {  	[dreg:$0x1] =	wrdreg $0xFFFFFFFF  }
0xcf: {  	_ =	task.clear_ibuf [dreg:s22], $0x2FFFF;
	_ =	strace $0x9FFFFFFF  }
0xd0: {  	(tm) =	ssettm $0x7FFFFFFF  }
0xd1: {  	_ =	shalt  }
tec
execute0_lowered:
.L_overlay_start_1:
0x0: {  	(tag) =	ssettag $0x1  }
0x1: {  	s1 =	srdreg.scid;
	s0 =	stileid.u32  }
0x2: {  	s4 =	rddreg [dreg:$0x0];
	s2 =	simm.s32 $0x0;
	s11 =	simm.s32 $0x80  }
0x3: {  	s12 =	simm.s32 $0x2;
	s13 =	simm.s32 $0x200;
	s14 =	simm.s32 $0x4000  }
0x4: {  	s15 =	simm.s32 $0x3;
	s16 =	simm.s32 $0x4E00;
	s17 =	simm.s32 $0x1  }
0x5: {  	s18 =	simm.s32 $0xE00;
	s3 =	sand.u32 $0x1, s1;
	s30 =	sshll.u32 s0, $0x1  }
0x6: {  	s19 =	simm.s32 $0x0;
	[smem:$0x7FF] =	sst s2;
	s6 =	sor.u32 s3, s30  }
0x7: {  	s1 =	rddreg [dreg:$0x1];
	_ =	strace $0x8000004D;
	s5 =	smul.u32 $0x1C0, s6  }
.Ltmp0:
0x8: {  	s7 =	ssub.s32 $0x2, s3;
	s3 =	sadd.s32 $0x1C2000, s4;
	(pc) =	sbr.rel .LBB2_1-.Ltmp0, $4  }
0x9: {  	s8 =	sshrl.u32 s7, $0x1;
	s9 =	sshll.u32 s6, $0x6;
	s6 =	sshll.u32 s6, $0x9  }
0xa: {  	s10 =	ssub.s32 s7, s8;
	s31 =	sadd.s32 s9, s3;
	s5 =	sadd.s32 s5, s4  }
0xb: {  	s4 =	sadd.s32 $0x496E00, s4;
	s7 =	sadd.s32 $0x28000, s31;
	s8 =	sadd.s32 $0x30000, s31  }
0xc: {  	s9 =	smax.u32 s10, $0x1;
	s10 =	simm.s32 $0x4;
	s5 =	sadd.s32 $0x1BE800, s5  }
.LBB2_17:
0xd: {  	_ =	swait.ge [sflag:s15], $0x2000  }
0xe: {  	[sflag:s15] =	ssyncset.done $0x0  }
0xf: {  	[sflag:s15] =	ssyncadd.s32 $0xFFFFE000  }
0x10: {  	[hbm4b:s7+s13] =	stream.strided.scatter [tilespmem:s16], [sflag:$0x4], $0x2000, s14, s13, $0x38;
	[tilespmem:$0x6E00] =	vst v63  }
0x11: {  	_ =	swait.ge [sflag:s10], $0x2000  }
0x12: {  	[sflag:s10] =	ssyncset.done $0x0  }
0x13: {  	[sflag:s10] =	ssyncadd.s32 $0xFFFFE000  }
0x14: {  	s19 =	sadd.s32 $0x1, s19;
	_ =	swait.ge [sflag:s17], $0x2000  }
0x15: {  	p0 =	sne.s32 s19, s9;
	[sflag:s17] =	ssyncset.done $0x0  }
.Ltmp1:
0x16: {  	[sflag:s17] =	ssyncadd.s32 $0xFFFFE000;
	(pc) =	sbr.rel @!p0 .LBB2_18-.Ltmp1, $4  }
0x17: {  	[hbm4b:s8+s13] =	stream.strided.scatter [tilespmem:s18], [sflag:$0x4], $0x2000, s14, s13, $0x38;
	[tilespmem:$0x6E00] =	vst v63  }
0x18: {  	_ =	swait.ge [sflag:s10], $0x2000  }
0x19: {  	[sflag:s10] =	ssyncset.done $0x0  }
0x1a: {  	[sflag:s10] =	ssyncadd.s32 $0xFFFFE000  }
.LBB2_1:
.Ltmp2:
0x1b: {  	(pc) =	sbr.rel .LBB2_2-.Ltmp2, $4  }
0x1c: {  	[tilespmem:s2], [sflag:$0x4] =	stream.linear.gather [hbm4b:s5+s2], $0xE00, $0x38;
	[tilespmem:$0x6E00] =	vst v63  }
0x1d: {  	_ =	swait.ge [sflag:s10], $0xE00  }
0x1e: {  	[sflag:s10] =	ssyncset.done $0x0  }
0x1f: {  	s20 =	smov.u32 s4;
	s21 =	simm.s32 $0x0;
	[sflag:s10] =	ssyncadd.s32 $0xFFFFF200  }
.LBB2_14:
0x20: {  	s22 =	sadd.s32 $0xFFFFFFFE, s21  }
0x21: {  	s24 =	smulhi.u32 $0xAAAAAAAB, s22  }
0x22: {  	[tilespmem:s30], [sflag:$0x3] =	stream.indirect.gather [hbm4b:s26+s11], $0x1, s23, s11, $0xb8;
	[tilespmem:$0x6E00] =	vst v63  }
0x23: {  	s29 =	sshrl.u32 s24, $0x1  }
0x24: {  	s23 =	smul.u32 $0x3, s29  }
0x25: {  	s30 =	sshll.u32 s22, $0x12  }
0x26: {  	_ =	swait.ge [sflag:s17], $0x2000;
	s24 =	sor.u32 s6, s30;
	s22 =	ssub.s32 s22, s23  }
0x27: {  	[sflag:s17] =	ssyncset.done $0x0;
	s31 =	sshrl.u32 s24, $0x3;
	s22 =	sshll.u32 s22, $0xD  }
0x28: {  	[sflag:s17] =	ssyncadd.s32 $0xFFFFE000;
	s23 =	sadd.s32 s3, s31;
	s22 =	sor.u32 $0xE00, s22  }
0x29: {  	[hbm4b:s23+s13] =	stream.strided.scatter [tilespmem:s22], [sflag:$0x5], $0x2000, s14, s13, $0x38;
	[tilespmem:$0x6E00] =	vst v63  }
0x2a: {  	s22 =	simm.s32 $0x5  }
.LBB2_15:
0x2b: {  	_ =	swait.ge [sflag:s22], $0x2000  }
0x2c: {  	[sflag:s22] =	ssyncset.done $0x0  }
0x2d: {  	[sflag:s22] =	ssyncadd.s32 $0xFFFFE000  }
.LBB2_16:
0x2e: {  	s21 =	sadd.s32 $0x1, s21  }
0x2f: {  	p0 =	sne.s32 s21, $0x7  }
.Ltmp3:
0x30: {  	_ = 	snop;
	(pc) =	sbr.rel @!p0 .LBB2_17-.Ltmp3, $2  }
0x31: {  	_ =	sdelay $0x2  }
0x32: {  	s20 =	sadd.s32 $0x30D40, s20  }
.LBB2_2:
0x33: {  	s22 =	smul.u32 $0xAB, s21;
	_ =	sdelay $0x1  }
0x34: {  	s22 =	sshrl.u32 s22, $0x9  }
0x35: {  	s22 =	sand.u32 $0x7F, s22  }
0x36: {  	s22 =	smul.u32 $0x3, s22;
	_ =	sdelay $0x1  }
0x37: {  	s22 =	ssub.s32 s21, s22  }
0x38: {  	s23 =	sand.u32 $0xFF, s22  }
0x39: {  	p0 =	sne.s32 s23, $0x0  }
.Ltmp4:
0x3a: {  	_ = 	snop;
	(pc) =	sbr.rel @!p0 .LBB2_3-.Ltmp4, $3  }
0x3b: {  	_ =	sdelay $0x1  }
0x3c: {  	s31 =	sshll.u32 s21, $0x9  }
0x3d: {  	s22 =	sand.u32 $0x3FFFFE00, s31  }
0x3e: {  	p0 =	sne.s32 s23, $0x1  }
.Ltmp5:
0x3f: {  	_ = 	snop;
	(pc) =	sbr.rel @p0 .LBB2_12-.Ltmp5, $4  }
0x40: {  	_ = 	snop  }
0x41: {  	s24 =	sor.u32 $0x80, s22  }
0x42: {  	s25 =	sor.u32 $0x100, s22;
	s23 =	sor.u32 $0x180, s22;
	s28 =	simm.s32 $0x0  }
0x43: {  	s29 =	simm.s32 $0x4E00;
	s30 =	simm.s32 $0x2E00;
	s26 =	sadd.s32 s28, s20  }
0x44: {  	[tilespmem:s30], [sflag:$0x2] =	stream.indirect.gather [hbm4b:s26+s11], $0x1, s22, s11, $0xb8;
	[tilespmem:$0x6E00] =	vst v63  }
0x45: {  	s29 =	sadd.s32 $0x80, s30  }
0x46: {  	[tilespmem:s29], [sflag:$0x2] =	stream.indirect.gather [hbm4b:s26+s11], $0x1, s24, s11, $0xb8;
	[tilespmem:$0x6E00] =	vst v63  }
0x47: {  	s29 =	sadd.s32 $0x100, s30  }
0x48: {  	[tilespmem:s29], [sflag:$0x2] =	stream.indirect.gather [hbm4b:s26+s11], $0x1, s25, s11, $0xb8;
	[tilespmem:$0x6E00] =	vst v63  }
0x49: {  	s28 =	sadd.s32 $0x30D4, s28;
	s31 =	sadd.s32 $0x180, s30;
	s29 =	sadd.s32 $0x200, s30  }
.LBB2_9:
0x4a: {  	[tilespmem:s31], [sflag:$0x2] =	stream.indirect.gather [hbm4b:s26+s11], $0x1, s23, s11, $0xb8;
	[tilespmem:$0x6E00] =	vst v63  }
0x4b: {  	s26 =	sadd.s32 s28, s20;
	p0 =	sne.s32 s28, $0x2DC6C;
	s28 =	sadd.s32 $0x30D4, s28  }
0x4c: {  	[tilespmem:s29], [sflag:$0x2] =	stream.indirect.gather [hbm4b:s26+s11], $0x1, s22, s11, $0xb8;
	[tilespmem:$0x6E00] =	vst v63  }
.Ltmp6:
0x4d: {  	s30 =	sadd.s32 $0x80, s29;
	(pc) =	sbr.rel @p0 .LBB2_9-.Ltmp6, $4  }
0x4e: {  	[tilespmem:s30], [sflag:$0x2] =	stream.indirect.gather [hbm4b:s26+s11], $0x1, s24, s11, $0xb8;
	[tilespmem:$0x6E00] =	vst v63  }
0x4f: {  	s30 =	sadd.s32 $0x100, s29  }
0x50: {  	[tilespmem:s30], [sflag:$0x2] =	stream.indirect.gather [hbm4b:s26+s11], $0x1, s25, s11, $0xb8;
	[tilespmem:$0x6E00] =	vst v63  }
0x51: {  	s31 =	sadd.s32 $0x180, s29;
	s29 =	sadd.s32 $0x200, s29  }
0x52: {  	p0 =	sgt.u32 s21, $0x1  }
.Ltmp7:
0x53: {  	_ = 	snop;
	(pc) =	sbr.rel @!p0 .LBB2_16-.Ltmp7, $2  }
0x54: {  	_ =	sdelay $0x2  }
0x55: {  	[tilespmem:s31], [sflag:$0x2] =	stream.indirect.gather [hbm4b:s26+s11], $0x1, s23, s11, $0xb8;
	[tilespmem:$0x6E00] =	vst v63  }
0x56: {  	s22 =	sadd.s32 $0xFFFFFFFE, s21  }
0x57: {  	s23 =	smulhi.u32 $0xAAAAAAAB, s22;
	_ =	sdelay $0x1  }
0x58: {  	s23 =	sshrl.u32 s23, $0x1  }
0x59: {  	s23 =	smul.u32 $0x3, s23  }
0x5a: {  	_ =	swait.ge [sflag:s15], $0x2000;
	s24 =	sshll.u32 s22, $0x12  }
.Ltmp8:
0x5b: {  	s24 =	sor.u32 s6, s24;
	s22 =	ssub.s32 s22, s23;
	(pc) =	sbr.rel .LBB2_15-.Ltmp8, $4  }
0x5c: {  	[sflag:s15] =	ssyncset.done $0x0;
	s31 =	sshrl.u32 s24, $0x3;
	s22 =	sshll.u32 s22, $0xD  }
0x5d: {  	[sflag:s15] =	ssyncadd.s32 $0xFFFFE000;
	s23 =	sadd.s32 s3, s31;
	s22 =	sor.u32 $0xE00, s22  }
0x5e: {  	[hbm4b:s23+s13] =	stream.strided.scatter [tilespmem:s22], [sflag:$0x4], $0x2000, s14, s13, $0x38;
	[tilespmem:$0x6E00] =	vst v63  }
0x5f: {  	s22 =	simm.s32 $0x4  }
.LBB2_3:
0x60: {  	s24 =	simm.s32 $0xE00;
	s23 =	sadd.s32 $0x0, s20  }
0x61: {  	[tilespmem:s24], [sflag:$0x1] =	stream.indirect.gather [hbm4b:s23+s11], $0x1, s22, s11, $0xb8;
	[tilespmem:$0x6E00] =	vst v63  }
0x62: {  	s25 =	simm.s32 $0xE80;
	s24 =	sor.u32 $0x80, s22  }
0x63: {  	[tilespmem:s25], [sflag:$0x1] =	stream.indirect.gather [hbm4b:s23+s11], $0x1, s24, s11, $0xb8;
	[tilespmem:$0x6E00] =	vst v63  }
0x64: {  	s26 =	simm.s32 $0xF00;
	s28 =	simm.s32 $0x30D4;
	s25 =	sor.u32 $0x100, s22  }
0x65: {  	[tilespmem:s26], [sflag:$0x1] =	stream.indirect.gather [hbm4b:s23+s11], $0x1, s25, s11, $0xb8;
	[tilespmem:$0x6E00] =	vst v63  }
0x66: {  	s30 =	simm.s32 $0xF80;
	s29 =	simm.s32 $0x1000;
	s26 =	sor.u32 $0x180, s22  }
.LBB2_4:
0x67: {  	[tilespmem:s30], [sflag:$0x1] =	stream.indirect.gather [hbm4b:s23+s11], $0x1, s26, s11, $0xb8;
	[tilespmem:$0x6E00] =	vst v63  }
0x68: {  	s23 =	sadd.s32 s28, s20;
	p0 =	seq.s32 s28, $0x2DC6C;
	s28 =	sadd.s32 $0x30D4, s28  }
0x69: {  	[tilespmem:s29], [sflag:$0x1] =	stream.indirect.gather [hbm4b:s23+s11], $0x1, s22, s11, $0xb8;
	[tilespmem:$0x6E00] =	vst v63  }
.Ltmp9:
0x6a: {  	s30 =	sadd.s32 $0x80, s29;
	(pc) =	sbr.rel @!p0 .LBB2_4-.Ltmp9, $4  }
0x6b: {  	[tilespmem:s30], [sflag:$0x1] =	stream.indirect.gather [hbm4b:s23+s11], $0x1, s24, s11, $0xb8;
	[tilespmem:$0x6E00] =	vst v63  }
0x6c: {  	s30 =	sadd.s32 $0x100, s29  }
0x6d: {  	[tilespmem:s30], [sflag:$0x1] =	stream.indirect.gather [hbm4b:s23+s11], $0x1, s25, s11, $0xb8;
	[tilespmem:$0x6E00] =	vst v63  }
0x6e: {  	s30 =	sadd.s32 $0x180, s29;
	s29 =	sadd.s32 $0x200, s29  }
0x6f: {  	p0 =	sgt.u32 s21, $0x1  }
.Ltmp10:
0x70: {  	_ = 	snop;
	(pc) =	sbr.rel @!p0 .LBB2_16-.Ltmp10, $2  }
0x71: {  	_ =	sdelay $0x2  }
0x72: {  	[tilespmem:s30], [sflag:$0x1] =	stream.indirect.gather [hbm4b:s23+s11], $0x1, s26, s11, $0xb8;
	[tilespmem:$0x6E00] =	vst v63  }
0x73: {  	s22 =	sadd.s32 $0xFFFFFFFE, s21  }
0x74: {  	s23 =	smulhi.u32 $0xAAAAAAAB, s22;
	_ =	sdelay $0x1  }
0x75: {  	s23 =	sshrl.u32 s23, $0x1  }
0x76: {  	s23 =	smul.u32 $0x3, s23  }
0x77: {  	_ =	swait.ge [sflag:s12], $0x2000;
	s24 =	sshll.u32 s22, $0x12  }
.Ltmp11:
0x78: {  	s24 =	sor.u32 s6, s24;
	s22 =	ssub.s32 s22, s23;
	(pc) =	sbr.rel .LBB2_15-.Ltmp11, $4  }
0x79: {  	[sflag:s12] =	ssyncset.done $0x0;
	s31 =	sshrl.u32 s24, $0x3;
	s22 =	sshll.u32 s22, $0xD  }
0x7a: {  	[sflag:s12] =	ssyncadd.s32 $0xFFFFE000;
	s23 =	sadd.s32 s3, s31;
	s22 =	sor.u32 $0xE00, s22  }
0x7b: {  	[hbm4b:s23+s13] =	stream.strided.scatter [tilespmem:s22], [sflag:$0x5], $0x2000, s14, s13, $0x38;
	[tilespmem:$0x6E00] =	vst v63  }
0x7c: {  	s22 =	simm.s32 $0x5  }
.LBB2_12:
0x7d: {  	[tilespmem:s29], [sflag:$0x3] =	stream.indirect.gather [hbm4b:s26+s11], $0x1, s22, s11, $0xb8;
	[tilespmem:$0x6E00] =	vst v63  }
0x7e: {  	s30 =	sadd.s32 $0x80, s29  }
0x7f: {  	[tilespmem:s30], [sflag:$0x3] =	stream.indirect.gather [hbm4b:s26+s11], $0x1, s24, s11, $0xb8;
	[tilespmem:$0x6E00] =	vst v63  }
0x80: {  	s30 =	sadd.s32 $0x100, s29  }
0x81: {  	[tilespmem:s30], [sflag:$0x3] =	stream.indirect.gather [hbm4b:s26+s11], $0x1, s25, s11, $0xb8;
	[tilespmem:$0x6E00] =	vst v63  }
0x82: {  	s28 =	sadd.s32 $0x30D4, s28;
	s30 =	sadd.s32 $0x180, s29;
	s29 =	sadd.s32 $0x200, s29  }
.LBB2_13:
0x83: {  	[tilespmem:s30], [sflag:$0x3] =	stream.indirect.gather [hbm4b:s26+s11], $0x1, s23, s11, $0xb8;
	[tilespmem:$0x6E00] =	vst v63  }
0x84: {  	s26 =	sadd.s32 s28, s20;
	p0 =	sne.s32 s28, $0x2DC6C;
	s28 =	sadd.s32 $0x30D4, s28  }
0x85: {  	[tilespmem:s29], [sflag:$0x3] =	stream.indirect.gather [hbm4b:s26+s11], $0x1, s22, s11, $0xb8;
	[tilespmem:$0x6E00] =	vst v63  }
.Ltmp12:
0x86: {  	s30 =	sadd.s32 $0x80, s29;
	(pc) =	sbr.rel @p0 .LBB2_13-.Ltmp12, $4  }
0x87: {  	[tilespmem:s30], [sflag:$0x3] =	stream.indirect.gather [hbm4b:s26+s11], $0x1, s24, s11, $0xb8;
	[tilespmem:$0x6E00] =	vst v63  }
0x88: {  	s30 =	sadd.s32 $0x100, s29  }
0x89: {  	[tilespmem:s30], [sflag:$0x3] =	stream.indirect.gather [hbm4b:s26+s11], $0x1, s25, s11, $0xb8;
	[tilespmem:$0x6E00] =	vst v63  }
0x8a: {  	s30 =	sadd.s32 $0x180, s29;
	s29 =	sadd.s32 $0x200, s29  }
.Ltmp13:
0x8b: {  	_ = 	snop;
	(pc) =	sbr.rel .LBB2_14-.Ltmp13, $1  }
0x8c: {  	_ =	sdelay $0x3  }
.LBB2_18:
0x8d: {  	_ =	sfence.sel $0x180000  }
0x8e: {  	[bflag:$0x0] =	sbarrier.arrive $0xFFFF  }
0x8f: {  	p0 =	sne.s32 s0, $0x0;
	_ =	strace $0x9000004D  }
0x90: {  	s0 =	sadd.s32 @!p0 $0x100000, s1;
	[bflag:$0x2] =	sbarrier.arrive $0xFFFF  }
0x91: {  	[sflag:s0] =	ssyncadd.tile.s32 @!p0 $0x1;
	_ =	shalt  }
.Lfunc_end2:
_tile_overlayer_lowered:
.L_overlay_start_2:
0x92: {  	(tag) =	ssettag $0x2  }
0x93: {  	s0 =	rddreg [dreg:$0x0];
	s2 =	stileid.u32  }
0x94: {  	s1 =	rddreg [dreg:$0x1];
	p0 =	sne.s32 s2, $0x0  }
0x95: {  	s3 =	rddreg [dreg:$0x2];
	[bflag:$0x3] =	sbarrier.arrive $0xFFFF;
	s2 =	simm.s32 @!p0 $0x1C04  }
0x96: {  	[timem:s3], [sflag:s2] =	dma.local @!p0 [hbm:s0], s1  }
0x97: {  	s0 =	simm.s32 @!p0 $0x4  }
0x98: {  	_ =	swait.ge @!p0 [sflag:s0], s1  }
0x99: {  	s1 =	ssub.s32 @!p0 $0x0, s1;
	[sflag:s0] =	ssyncset.done @!p0 $0x0  }
0x9a: {  	[sflag:s0] =	ssyncadd.s32 @!p0 s1  }
0x9b: {  	[bflag:$0x3] =	sbarrier.arrive $0xFFFF  }
0x9c: {  	_ =	shalt  }

// kernel: kernel.13.cloned.1.call-start
scs
__scs_entry_jumppad:
0x0: {  	(pc) =	sbr.rel $0x88, $3  }
0x1: {  	(tag) =	ssettag $0x0;
	lr =	simm.s32 $0x1  }
0x2: {  	[smem:$0x3F98] =	sst lr;
	_ =	strace $0xD0000000  }
0x3: {  	_ = 	snop  }
0x4: {  	_ = 	snop  }
0x5: {  	_ = 	snop  }
0x6: {  	_ = 	snop  }
0x7: {  	_ = 	snop  }
__scs_overlays_trampoline_lowered:
0x8: {  	[smem:$0x3FA7] =	sst s0  }
0x9: {  	[smem:$0x3FA8] =	sst s1  }
0xa: {  	[smem:$0x3FA9] =	sst s2  }
0xb: {  	[smem:$0x3FAA] =	sst s3  }
0xc: {  	[smem:$0x3FAB] =	sst s4  }
0xd: {  	[smem:$0x3FAC] =	sst s5  }
0xe: {  	[smem:$0x3FAD] =	sst s6  }
0xf: {  	[smem:$0x3FAE] =	sst s7  }
0x10: {  	[smem:$0x3FAF] =	sst s8  }
0x11: {  	[smem:$0x3FB0] =	sst s9;
	s0 =	simm.s32 @!p0 $0x0  }
0x12: {  	s1 =	sld [smem:$0x3F96];
	s0 =	simm.s32 @p0 $0x1  }
0x13: {  	[smem:$0x3FB1] =	sst s0;
	s0 =	simm.s32 @!p1 $0x0  }
0x14: {  	s2 =	sld [smem:$0x3F95];
	s0 =	simm.s32 @p1 $0x1  }
0x15: {  	[smem:$0x3FB2] =	sst s0;
	s0 =	simm.s32 @!p2 $0x0  }
0x16: {  	s3 =	sld [smem:$0x3FDB];
	s0 =	simm.s32 @p2 $0x1  }
0x17: {  	s4 =	simm.s32 $0x1BF5;
	[smem:$0x3FB4] =	sst s0  }
0x18: {  	s0 =	sld [smem:$0x3F97];
	_ =	swait.ge [sflag:s4], $0x0  }
0x19: {  	s7 =	sld [smem:$0x3F98]  }
0x1a: {  	s8 =	sadd.s32 $0xFFFFE003, lr  }
0x1b: {  	s9 =	sadd.s32 $0xFFFFFEF7, lr;
	s5 =	simm.s32 $0xFFFFFFFF;
	p2 =	slt.u32 s8, $0xFFFFF086  }
0x1c: {  	p1 =	slt.u32 s9, $0xF7A;
	s5 =	simm.s32 @!p2 $0x0  }
0x1d: {  	s5 =	simm.s32 @p1 $0x1;
	p0 =	seq.s32 s7, s2  }
0x1e: {  	s7 =	smul.u32 @!p0 $0xF7A, s2;
	p2 =	seq.s32 @!p0 s5, $0x0  }
0x1f: {  	s9 =	smul.u32 $0xF7A, s1;
	s8 =	simm.s32 @!p0 $0x1BF5;
	p2 =	por !p2, p0  }
0x20: {  	[sflag:s8] =	ssyncset.s32 @!p0 $0xFFFFF086;
	s6 =	sadd.s32 @!p0 s3, s7;
	s7 =	simm.s32 @!p0 $0x108  }
0x21: {  	s3 =	sadd.s32 s3, s9;
	s6 =	sadd.s32 @!p0 $0x88, s6;
	s7 =	simm.s32 @p2 $0x1082  }
0x22: {  	[simem:s7], [sflag:s8] =	dma.local @!p0 [hbm:s6], $0xF7A  }
0x23: {  	s9 =	sor.u32 $0xD0000000, s2;
	s6 =	simm.s32 $0x108;
	_ =	swait.ge @!p0 [sflag:s8], $0x0  }
0x24: {  	s3 =	sadd.s32 $0x88, s3;
	s6 =	simm.s32 @!p1 $0x1082;
	[sflag:s4] =	ssyncset.s32 $0xFFFFF086  }
0x25: {  	[simem:s6], [sflag:s4] =	dma.local [hbm:s3], $0xF7A  }
0x26: {  	[smem:$0x3F98] =	sst s1;
	(tag) =	ssettag s2;
	_ =	strace s9  }
0x27: {  	s1 =	sld [smem:$0x3FA8]  }
0x28: {  	s2 =	sld [smem:$0x3FA9]  }
0x29: {  	s4 =	sld [smem:$0x3FAB]  }
0x2a: {  	p0 =	seq.s32 s5, $0x0;
	s5 =	sld [smem:$0x3FAC]  }
0x2b: {  	s6 =	sld [smem:$0x3FAD]  }
0x2c: {  	s7 =	sld [smem:$0x3FAE]  }
0x2d: {  	s3 =	simm.s32 $0x108;
	s8 =	sld [smem:$0x3FAF]  }
0x2e: {  	s3 =	simm.s32 @!p0 $0x1082;
	s9 =	sld [smem:$0x3FB0]  }
0x2f: {  	lr =	sadd.s32 s0, s3;
	s0 =	sld [smem:$0x3FA7]  }
0x30: {  	s3 =	sld [smem:$0x3FAA]  }
0x31: {  	[smem:$0x3FB3] =	sst s10  }
0x32: {  	s10 =	sld [smem:$0x3FB1];
	_ =	sdelay $0x3  }
0x33: {  	p0 =	seq.s32 s10, $0x1;
	s10 =	sld [smem:$0x3FB3];
	_ =	sdelay $0x3  }
0x34: {  	[smem:$0x3FB3] =	sst s10  }
0x35: {  	s10 =	sld [smem:$0x3FB2];
	_ =	sdelay $0x3  }
0x36: {  	p1 =	seq.s32 s10, $0x1;
	s10 =	sld [smem:$0x3FB3];
	_ =	sdelay $0x3  }
0x37: {  	[smem:$0x3FB3] =	sst s10  }
0x38: {  	s10 =	sld [smem:$0x3FB4]  }
0x39: {  	_ = 	snop;
	(pc) =	sbr.ind lr, $3  }
0x3a: {  	_ = 	snop  }
0x3b: {  	_ = 	snop  }
0x3c: {  	p2 =	seq.s32 s10, $0x1;
	s10 =	sld [smem:$0x3FB3]  }
0x3d: {  	_ =	shalt  }
0x3e: {  	_ =	shalt  }
0x3f: {  	_ =	shalt  }
0x40: {  	_ =	shalt  }
0x41: {  	_ =	shalt  }
0x42: {  	_ =	shalt  }
0x43: {  	_ =	shalt  }
0x44: {  	_ =	shalt  }
0x45: {  	_ =	shalt  }
0x46: {  	_ =	shalt  }
0x47: {  	_ =	shalt  }
0x48: {  	_ =	shalt  }
0x49: {  	_ =	shalt  }
0x4a: {  	_ =	shalt  }
0x4b: {  	_ =	shalt  }
0x4c: {  	_ =	shalt  }
0x4d: {  	_ =	shalt  }
0x4e: {  	_ =	shalt  }
0x4f: {  	_ =	shalt  }
0x50: {  	_ =	shalt  }
0x51: {  	_ =	shalt  }
0x52: {  	_ =	shalt  }
0x53: {  	_ =	shalt  }
0x54: {  	_ =	shalt  }
0x55: {  	_ =	shalt  }
0x56: {  	_ =	shalt  }
0x57: {  	_ =	shalt  }
0x58: {  	_ =	shalt  }
0x59: {  	_ =	shalt  }
0x5a: {  	_ =	shalt  }
0x5b: {  	_ =	shalt  }
0x5c: {  	_ =	shalt  }
0x5d: {  	_ =	shalt  }
0x5e: {  	_ =	shalt  }
0x5f: {  	_ =	shalt  }
0x60: {  	_ =	shalt  }
0x61: {  	_ =	shalt  }
0x62: {  	_ =	shalt  }
0x63: {  	_ =	shalt  }
0x64: {  	_ =	shalt  }
0x65: {  	_ =	shalt  }
0x66: {  	_ =	shalt  }
0x67: {  	_ =	shalt  }
0x68: {  	_ =	shalt  }
0x69: {  	_ =	shalt  }
0x6a: {  	_ =	shalt  }
0x6b: {  	_ =	shalt  }
0x6c: {  	_ =	shalt  }
0x6d: {  	_ =	shalt  }
0x6e: {  	_ =	shalt  }
0x6f: {  	_ =	shalt  }
0x70: {  	_ =	shalt  }
0x71: {  	_ =	shalt  }
0x72: {  	_ =	shalt  }
0x73: {  	_ =	shalt  }
0x74: {  	_ =	shalt  }
0x75: {  	_ =	shalt  }
0x76: {  	_ =	shalt  }
0x77: {  	_ =	shalt  }
0x78: {  	_ =	shalt  }
0x79: {  	_ =	shalt  }
0x7a: {  	_ =	shalt  }
0x7b: {  	_ =	shalt  }
0x7c: {  	_ =	shalt  }
0x7d: {  	_ =	shalt  }
0x7e: {  	_ =	shalt  }
0x7f: {  	_ =	shalt  }
0x80: {  	_ =	shalt  }
0x81: {  	_ =	shalt  }
0x82: {  	_ =	shalt  }
0x83: {  	_ =	shalt  }
0x84: {  	_ =	shalt  }
0x85: {  	_ =	shalt  }
0x86: {  	_ =	shalt  }
0x87: {  	_ =	shalt  }
.Lfunc_end0:
.L_simem_size_0:
called_computation.2_lowered:
.L_overlay_start_0:
0x88: {  	s2 =	sld [smem:$0x3FD9]  }
0x89: {  	s3 =	sld [smem:$0x3FFE];
	_ =	sdelay $0x1  }
0x8a: {  	s1 =	srdreg.scid  }
0x8b: {  	s0 =	sand.u32 $0x1, s1  }
0x8c: {  	s17 =	sshll.u32 s0, $0xA;
	s2 =	sadd.s32 s3, s2  }
0x8d: {  	s2 =	sadd.s32 s2, s17  }
0x8e: {  	[smem:$0x3FBF] =	sst s2  }
0x8f: {  	_ = 	snop  }
0x90: {  	(tm) =	ssettm $0x1  }
0x91: {  	s18 =	sld [smem:$0x3FFB];
	_ =	sdelay $0x3  }
0x92: {  	_ =	strace s18  }
0x93: {  	s2 =	sld [smem:$0x3FFC];
	_ =	sdelay $0x3  }
0x94: {  	_ =	strace s2  }
0x95: {  	s2 =	sld [smem:$0x3FFD];
	_ =	sdelay $0x3  }
0x96: {  	_ =	strace s2  }
0x97: {  	_ =	strace $0x8FFFFFFF  }
0x98: {  	s19 =	sld [smem:$0x3FDB];
	_ =	sdelay $0x1  }
0x99: {  	s20 =	simm.s32 $_scs_section_size  }
0x9a: {  	s4 =	simm.s32 $_size__tile_overlayer_lowered;
	s5 =	simm.s32 $_tile_overlayer_lowered  }
0x9b: {  	s6 =	simm.s32 $0x1BFF;
	s21 =	sshll.u32 s5, $0x1;
	s3 =	sadd.s32 s20, s19  }
0x9c: {  	s22 =	simm.s32 $0x0;
	s4 =	sshll.u32 s4, $0x1;
	s5 =	sadd.s32 s21, s3  }
0x9d: {  	[timem:s22], [sflag:s6] =	dma.local [hbm:s5], s4  }
0x9e: {  	_ =	swait.ge [sflag:s6], s4  }
0x9f: {  	s4 =	ssub.s32 $0x0, s4;
	[sflag:s6] =	ssyncset.done $0x0  }
0xa0: {  	[sflag:s6] =	ssyncadd.s32 s4;
	_ =	sdelay $0x1  }
0xa1: {  	s23 =	simm.s32 $0x1B8B  }
0xa2: {  	_ =	swait.ge [sflag:s23], $0x1  }
0xa3: {  	[sflag:s23] =	ssyncset.done $0x0  }
0xa4: {  	[sflag:s23] =	ssyncadd.s32 $0xFFFFFFFF  }
0xa5: {  	s4 =	sld [smem:$0x0]  }
0xa6: {  	s5 =	sand.u32 $0xFFFFFFFE, s1  }
0xa7: {  	p0 =	sne.s32 s1, s5  }
0xa8: {  	s5 =	sshll.u32 @p0 s5, $0xE  }
0xa9: {  	s5 =	sadd.s32 @p0 $0x11B8D, s5;
	s6 =	sshll.u32 @p0 s4, $0x11  }
0xaa: {  	s5 =	sor.u32 @p0 s6, s5  }
0xab: {  	[sflag:s5] =	ssyncadd.remote.s32 @p0 $0x1;
	_ =	sdelay $0x1  }
0xac: {  	s5 =	simm.s32 @p0 $0x1B8D  }
0xad: {  	_ =	swait.eq @p0 [sflag:s5], $0x1  }
0xae: {  	[sflag:s5] =	ssyncadd.s32 @p0 $0xFFFFFFFF  }
0xaf: {  	s6 =	sshll.u32 @!p0 s1, $0xE  }
0xb0: {  	s6 =	sor.u32 @!p0 $0x4000, s6;
	s5 =	simm.s32 @!p0 $0x1B8D  }
0xb1: {  	s4 =	sshll.u32 @!p0 s4, $0x11;
	s6 =	sadd.s32 @!p0 $0x11B8D, s6;
	_ =	swait.eq @!p0 [sflag:s5], $0x1  }
0xb2: {  	s4 =	sor.u32 @!p0 s4, s6;
	[sflag:s5] =	ssyncadd.s32 @!p0 $0xFFFFFFFF  }
0xb3: {  	s25 =	simm.s32 $0x1B8E;
	s24 =	sld [smem:$0x3FFE];
	[sflag:s4] =	ssyncadd.remote.s32 @!p0 $0x1  }
0xb4: {  	s26 =	simm.s32 $execute0_lowered;
	[smem:$0x3FD2] =	sst s25  }
0xb5: {  	s5 =	sshll.u32 s26, $0x1;
	_ =	strace $0x80000049;
	[dreg:$0x1] =	wrdreg $0xFFFFFFFF  }
0xb6: {  	s28 =	simm.s32 $_size_execute0_lowered;
	s3 =	sadd.s32 s3, s5;
	[dreg:$0x0] =	wrdreg $0x0  }
0xb7: {  	s5 =	sshll.u32 s28, $0x1;
	[dreg:$0x2] =	wrdreg s3  }
0xb8: {  	[dreg:$0x3] =	wrdreg s5  }
0xb9: {  	[dreg:$0x4] =	wrdreg $0xC0  }
0xba: {  	_ =	task [dreg:s22], $0x5FFFF  }
0xbb: {  	[dreg:$0x1] =	wrdreg $0xFFFFFFFF  }
0xbc: {  	[dreg:$0x0] =	wrdreg $0x60  }
0xbd: {  	[dreg:$0x2] =	wrdreg s24  }
0xbe: {  	[dreg:$0x3] =	wrdreg $0xB  }
0xbf: {  	_ =	task.clear_ibuf [dreg:s22], $0x4FFFF;
	_ =	strace $0x90000049  }
0xc0: {  	s29 =	simm.s32 $0xB;
	_ =	strace $0x8000004B  }
0xc1: {  	_ =	swait.ge [sflag:s29], $0x1  }
0xc2: {  	[sflag:s29] =	ssyncadd.s32 $0xFFFFFFFF  }
0xc3: {  	_ =	strace $0x9000004B  }
0xc4: {  	_ =	sfence  }
0xc5: {  	s30 =	sld [smem:$0x0];
	_ =	sdelay $0x2  }
0xc6: {  	s31 =	sshll.u32 s1, $0xD;
	s1 =	sshrl.u32 s1, $0x2  }
0xc7: {  	s4 =	sand.u32 $0x4000, s31;
	s1 =	sadd.s32 s1, s30  }
0xc8: {  	s0 =	sor.u32 s4, s0;
	s1 =	sshll.u32 s1, $0x11  }
0xc9: {  	s0 =	sor.u32 s1, s0  }
0xca: {  	s0 =	sadd.s32 $0x8F2B, s0  }
0xcb: {  	[sflag:s0] =	ssyncadd.remote.s32 $0x1  }
0xcc: {  	_ =	sfence.sel $0xFFFF  }
0xcd: {  	[dreg:$0x0] =	wrdreg $0xFFFFFFFF;
	(pc) =	sbr.abs _section_cstart, $3  }
0xce: {  	[dreg:$0x1] =	wrdreg $0xFFFFFFFF  }
0xcf: {  	_ =	task.clear_ibuf [dreg:s22], $0x2FFFF;
	_ =	strace $0x9FFFFFFF  }
0xd0: {  	(tm) =	ssettm $0x7FFFFFFF  }
0xd1: {  	_ =	shalt  }
tec
execute0_lowered:
.L_overlay_start_1:
0x0: {  	(tag) =	ssettag $0x1  }
0x1: {  	s1 =	srdreg.scid;
	s0 =	stileid.u32  }
0x2: {  	s4 =	rddreg [dreg:$0x0];
	s2 =	simm.s32 $0x0;
	s11 =	simm.s32 $0x80  }
0x3: {  	s12 =	simm.s32 $0x1;
	s13 =	simm.s32 $0x200;
	s14 =	simm.s32 $0x4000  }
0x4: {  	s15 =	simm.s32 $0x2;
	s16 =	simm.s32 $0x2C00;
	s17 =	simm.s32 $0x3  }
0x5: {  	s18 =	simm.s32 $0x4C00;
	s3 =	sand.u32 $0x1, s1;
	s30 =	sshll.u32 s0, $0x1  }
0x6: {  	s19 =	simm.s32 $0x0;
	[smem:$0x7FF] =	sst s2;
	s6 =	sor.u32 s3, s30  }
0x7: {  	s1 =	rddreg [dreg:$0x1];
	_ =	strace $0x8000004A;
	s5 =	smul.u32 $0x180, s6  }
.Ltmp0:
0x8: {  	s7 =	ssub.s32 $0x2, s3;
	s3 =	sadd.s32 $0x38600, s4;
	(pc) =	sbr.rel .LBB2_1-.Ltmp0, $4  }
0x9: {  	s8 =	sshrl.u32 s7, $0x1;
	s9 =	sshll.u32 s6, $0x6;
	s6 =	sshll.u32 s6, $0x9  }
0xa: {  	s10 =	ssub.s32 s7, s8;
	s31 =	sadd.s32 s9, s3;
	s5 =	sadd.s32 s5, s4  }
0xb: {  	s4 =	sadd.s32 $0x371E00, s4;
	s7 =	sadd.s32 $0x20000, s31;
	s8 =	sadd.s32 $0x28000, s31  }
0xc: {  	s9 =	smax.u32 s10, $0x1;
	s10 =	simm.s32 $0x4;
	s5 =	sadd.s32 $0x35600, s5  }
.LBB2_19:
0xd: {  	_ =	swait.ge [sflag:s15], $0x2000  }
0xe: {  	[sflag:s15] =	ssyncset.done $0x0  }
0xf: {  	[sflag:s15] =	ssyncadd.s32 $0xFFFFE000  }
0x10: {  	[hbm4b:s7+s13] =	stream.strided.scatter [tilespmem:s16], [sflag:$0x4], $0x2000, s14, s13, $0x38;
	[tilespmem:$0x6C00] =	vst v63  }
0x11: {  	_ =	swait.ge [sflag:s10], $0x2000  }
0x12: {  	[sflag:s10] =	ssyncset.done $0x0  }
0x13: {  	[sflag:s10] =	ssyncadd.s32 $0xFFFFE000  }
0x14: {  	s19 =	sadd.s32 $0x1, s19;
	_ =	swait.ge [sflag:s17], $0x2000  }
0x15: {  	p0 =	sne.s32 s19, s9;
	[sflag:s17] =	ssyncset.done $0x0  }
.Ltmp1:
0x16: {  	[sflag:s17] =	ssyncadd.s32 $0xFFFFE000;
	(pc) =	sbr.rel @!p0 .LBB2_20-.Ltmp1, $4  }
0x17: {  	[hbm4b:s8+s13] =	stream.strided.scatter [tilespmem:s18], [sflag:$0x4], $0x2000, s14, s13, $0x38;
	[tilespmem:$0x6C00] =	vst v63  }
0x18: {  	_ =	swait.ge [sflag:s10], $0x2000  }
0x19: {  	[sflag:s10] =	ssyncset.done $0x0  }
0x1a: {  	[sflag:s10] =	ssyncadd.s32 $0xFFFFE000  }
.LBB2_1:
.Ltmp2:
0x1b: {  	(pc) =	sbr.rel .LBB2_2-.Ltmp2, $4  }
0x1c: {  	[tilespmem:s2], [sflag:$0x4] =	stream.linear.gather [hbm4b:s5+s2], $0xC00, $0x38;
	[tilespmem:$0x6C00] =	vst v63  }
0x1d: {  	_ =	swait.ge [sflag:s10], $0xC00  }
0x1e: {  	[sflag:s10] =	ssyncset.done $0x0  }
0x1f: {  	s20 =	smov.u32 s4;
	s21 =	simm.s32 $0x0;
	[sflag:s10] =	ssyncadd.s32 $0xFFFFF400  }
.LBB2_17:
0x20: {  	_ =	swait.ge [sflag:s22], $0x2000  }
0x21: {  	[sflag:s22] =	ssyncset.done $0x0  }
0x22: {  	[sflag:s22] =	ssyncadd.s32 $0xFFFFE000  }
.LBB2_18:
0x23: {  	s21 =	sadd.s32 $0x1, s21  }
0x24: {  	p0 =	sne.s32 s21, $0x6  }
.Ltmp3:
0x25: {  	_ = 	snop;
	(pc) =	sbr.rel @!p0 .LBB2_19-.Ltmp3, $2  }
0x26: {  	_ =	sdelay $0x2  }
0x27: {  	s20 =	sadd.s32 $0x30D40, s20  }
.LBB2_2:
0x28: {  	s22 =	sadd.s32 $0xFFFFFFFD, s21  }
0x29: {  	s22 =	smin.u32 s21, s22  }
0x2a: {  	p0 =	seq.s32 s22, $0x2  }
.Ltmp4:
0x2b: {  	_ = 	snop;
	(pc) =	sbr.rel @p0 .LBB2_13-.Ltmp4, $1  }
0x2c: {  	_ =	sdelay $0x3  }
0x2d: {  	p0 =	seq.s32 s22, $0x1  }
.Ltmp5:
0x2e: {  	_ = 	snop;
	(pc) =	sbr.rel @p0 .LBB2_9-.Ltmp5, $1  }
0x2f: {  	_ =	sdelay $0x3  }
0x30: {  	p0 =	sne.s32 s22, $0x0  }
.Ltmp6:
0x31: {  	_ = 	snop;
	(pc) =	sbr.rel @p0 .LBB2_18-.Ltmp6, $1  }
0x32: {  	_ =	sdelay $0x3  }
0x33: {  	s22 =	sshll.u32 s21, $0x9  }
0x34: {  	s24 =	simm.s32 $0xC00;
	s23 =	sadd.s32 $0x0, s20;
	s22 =	sand.u32 $0x3FFFFE00, s22  }
0x35: {  	[tilespmem:s24], [sflag:$0x1] =	stream.indirect.gather [hbm4b:s23+s11], $0x1, s22, s11, $0xb8;
	[tilespmem:$0x6C00] =	vst v63  }
0x36: {  	s25 =	simm.s32 $0xC80;
	s24 =	sor.u32 $0x80, s22  }
0x37: {  	[tilespmem:s25], [sflag:$0x1] =	stream.indirect.gather [hbm4b:s23+s11], $0x1, s24, s11, $0xb8;
	[tilespmem:$0x6C00] =	vst v63  }
0x38: {  	s26 =	simm.s32 $0xD00;
	s28 =	simm.s32 $0x30D4;
	s25 =	sor.u32 $0x100, s22  }
0x39: {  	[tilespmem:s26], [sflag:$0x1] =	stream.indirect.gather [hbm4b:s23+s11], $0x1, s25, s11, $0xb8;
	[tilespmem:$0x6C00] =	vst v63  }
0x3a: {  	s30 =	simm.s32 $0xD80;
	s29 =	simm.s32 $0xE00;
	s26 =	sor.u32 $0x180, s22  }
.LBB2_6:
0x3b: {  	[tilespmem:s30], [sflag:$0x1] =	stream.indirect.gather [hbm4b:s23+s11], $0x1, s26, s11, $0xb8;
	[tilespmem:$0x6C00] =	vst v63  }
0x3c: {  	s23 =	sadd.s32 s28, s20;
	p0 =	seq.s32 s28, $0x2DC6C;
	s28 =	sadd.s32 $0x30D4, s28  }
0x3d: {  	[tilespmem:s29], [sflag:$0x1] =	stream.indirect.gather [hbm4b:s23+s11], $0x1, s22, s11, $0xb8;
	[tilespmem:$0x6C00] =	vst v63  }
.Ltmp7:
0x3e: {  	s30 =	sadd.s32 $0x80, s29;
	(pc) =	sbr.rel @!p0 .LBB2_6-.Ltmp7, $4  }
0x3f: {  	[tilespmem:s30], [sflag:$0x1] =	stream.indirect.gather [hbm4b:s23+s11], $0x1, s24, s11, $0xb8;
	[tilespmem:$0x6C00] =	vst v63  }
0x40: {  	s30 =	sadd.s32 $0x100, s29  }
0x41: {  	[tilespmem:s30], [sflag:$0x1] =	stream.indirect.gather [hbm4b:s23+s11], $0x1, s25, s11, $0xb8;
	[tilespmem:$0x6C00] =	vst v63  }
0x42: {  	s30 =	sadd.s32 $0x180, s29;
	s29 =	sadd.s32 $0x200, s29  }
0x43: {  	p0 =	slt.u32 s21, $0x2  }
.Ltmp8:
0x44: {  	_ = 	snop;
	(pc) =	sbr.rel @p0 .LBB2_18-.Ltmp8, $2  }
0x45: {  	_ =	sdelay $0x2  }
0x46: {  	[tilespmem:s30], [sflag:$0x1] =	stream.indirect.gather [hbm4b:s23+s11], $0x1, s26, s11, $0xb8;
	[tilespmem:$0x6C00] =	vst v63  }
0x47: {  	s22 =	sadd.s32 $0xFFFFFFFE, s21  }
0x48: {  	s23 =	smulhi.u32 $0xAAAAAAAB, s22;
	_ =	sdelay $0x1  }
0x49: {  	s23 =	sshrl.u32 s23, $0x1  }
0x4a: {  	s23 =	smul.u32 $0x3, s23  }
0x4b: {  	_ =	swait.ge [sflag:s15], $0x2000;
	s24 =	sshll.u32 s22, $0x12  }
.Ltmp9:
0x4c: {  	s24 =	sor.u32 s6, s24;
	s22 =	ssub.s32 s22, s23;
	(pc) =	sbr.rel .LBB2_17-.Ltmp9, $4  }
0x4d: {  	[sflag:s15] =	ssyncset.done $0x0;
	s31 =	sshrl.u32 s24, $0x3;
	s22 =	sshll.u32 s22, $0xD  }
0x4e: {  	[sflag:s15] =	ssyncadd.s32 $0xFFFFE000;
	s23 =	sadd.s32 s3, s31;
	s22 =	sor.u32 $0xC00, s22  }
0x4f: {  	[hbm4b:s23+s13] =	stream.strided.scatter [tilespmem:s22], [sflag:$0x5], $0x2000, s14, s13, $0x38;
	[tilespmem:$0x6C00] =	vst v63  }
0x50: {  	s22 =	simm.s32 $0x5  }
.LBB2_9:
0x51: {  	s22 =	sshll.u32 s21, $0x9  }
0x52: {  	s24 =	simm.s32 $0x2C00;
	s23 =	sadd.s32 $0x0, s20;
	s22 =	sand.u32 $0x3FFFFE00, s22  }
0x53: {  	[tilespmem:s24], [sflag:$0x2] =	stream.indirect.gather [hbm4b:s23+s11], $0x1, s22, s11, $0xb8;
	[tilespmem:$0x6C00] =	vst v63  }
0x54: {  	s25 =	simm.s32 $0x2C80;
	s24 =	sor.u32 $0x80, s22  }
0x55: {  	[tilespmem:s25], [sflag:$0x2] =	stream.indirect.gather [hbm4b:s23+s11], $0x1, s24, s11, $0xb8;
	[tilespmem:$0x6C00] =	vst v63  }
0x56: {  	s26 =	simm.s32 $0x2D00;
	s28 =	simm.s32 $0x30D4;
	s25 =	sor.u32 $0x100, s22  }
0x57: {  	[tilespmem:s26], [sflag:$0x2] =	stream.indirect.gather [hbm4b:s23+s11], $0x1, s25, s11, $0xb8;
	[tilespmem:$0x6C00] =	vst v63  }
0x58: {  	s30 =	simm.s32 $0x2D80;
	s29 =	simm.s32 $0x2E00;
	s26 =	sor.u32 $0x180, s22  }
.LBB2_10:
0x59: {  	[tilespmem:s30], [sflag:$0x2] =	stream.indirect.gather [hbm4b:s23+s11], $0x1, s26, s11, $0xb8;
	[tilespmem:$0x6C00] =	vst v63  }
0x5a: {  	s23 =	sadd.s32 s28, s20;
	p0 =	sne.s32 s28, $0x2DC6C;
	s28 =	sadd.s32 $0x30D4, s28  }
0x5b: {  	[tilespmem:s29], [sflag:$0x2] =	stream.indirect.gather [hbm4b:s23+s11], $0x1, s22, s11, $0xb8;
	[tilespmem:$0x6C00] =	vst v63  }
.Ltmp10:
0x5c: {  	s30 =	sadd.s32 $0x80, s29;
	(pc) =	sbr.rel @p0 .LBB2_10-.Ltmp10, $4  }
0x5d: {  	[tilespmem:s30], [sflag:$0x2] =	stream.indirect.gather [hbm4b:s23+s11], $0x1, s24, s11, $0xb8;
	[tilespmem:$0x6C00] =	vst v63  }
0x5e: {  	s30 =	sadd.s32 $0x100, s29  }
0x5f: {  	[tilespmem:s30], [sflag:$0x2] =	stream.indirect.gather [hbm4b:s23+s11], $0x1, s25, s11, $0xb8;
	[tilespmem:$0x6C00] =	vst v63  }
0x60: {  	s30 =	sadd.s32 $0x180, s29;
	s29 =	sadd.s32 $0x200, s29  }
0x61: {  	p0 =	sgt.u32 s21, $0x1  }
.Ltmp11:
0x62: {  	_ = 	snop;
	(pc) =	sbr.rel @!p0 .LBB2_18-.Ltmp11, $2  }
0x63: {  	_ =	sdelay $0x2  }
0x64: {  	[tilespmem:s30], [sflag:$0x2] =	stream.indirect.gather [hbm4b:s23+s11], $0x1, s26, s11, $0xb8;
	[tilespmem:$0x6C00] =	vst v63  }
0x65: {  	s22 =	sadd.s32 $0xFFFFFFFE, s21  }
0x66: {  	s23 =	smulhi.u32 $0xAAAAAAAB, s22;
	_ =	sdelay $0x1  }
0x67: {  	s23 =	sshrl.u32 s23, $0x1  }
0x68: {  	s23 =	smul.u32 $0x3, s23  }
0x69: {  	_ =	swait.ge [sflag:s17], $0x2000;
	s24 =	sshll.u32 s22, $0x12  }
.Ltmp12:
0x6a: {  	s24 =	sor.u32 s6, s24;
	s22 =	ssub.s32 s22, s23;
	(pc) =	sbr.rel .LBB2_17-.Ltmp12, $4  }
0x6b: {  	[sflag:s17] =	ssyncset.done $0x0;
	s31 =	sshrl.u32 s24, $0x3;
	s22 =	sshll.u32 s22, $0xD  }
0x6c: {  	[sflag:s17] =	ssyncadd.s32 $0xFFFFE000;
	s23 =	sadd.s32 s3, s31;
	s22 =	sor.u32 $0xC00, s22  }
0x6d: {  	[hbm4b:s23+s13] =	stream.strided.scatter [tilespmem:s22], [sflag:$0x4], $0x2000, s14, s13, $0x38;
	[tilespmem:$0x6C00] =	vst v63  }
0x6e: {  	s22 =	simm.s32 $0x4  }
.LBB2_13:
0x6f: {  	s22 =	sshll.u32 s21, $0x9  }
0x70: {  	s24 =	simm.s32 $0x4C00;
	s23 =	sadd.s32 $0x0, s20;
	s22 =	sand.u32 $0x3FFFFE00, s22  }
0x71: {  	[tilespmem:s24], [sflag:$0x3] =	stream.indirect.gather [hbm4b:s23+s11], $0x1, s22, s11, $0xb8;
	[tilespmem:$0x6C00] =	vst v63  }
0x72: {  	s25 =	simm.s32 $0x4C80;
	s24 =	sor.u32 $0x80, s22  }
0x73: {  	[tilespmem:s25], [sflag:$0x3] =	stream.indirect.gather [hbm4b:s23+s11], $0x1, s24, s11, $0xb8;
	[tilespmem:$0x6C00] =	vst v63  }
0x74: {  	s26 =	simm.s32 $0x4D00;
	s28 =	simm.s32 $0x30D4;
	s25 =	sor.u32 $0x100, s22  }
0x75: {  	[tilespmem:s26], [sflag:$0x3] =	stream.indirect.gather [hbm4b:s23+s11], $0x1, s25, s11, $0xb8;
	[tilespmem:$0x6C00] =	vst v63  }
0x76: {  	s30 =	simm.s32 $0x4D80;
	s29 =	simm.s32 $0x4E00;
	s26 =	sor.u32 $0x180, s22  }
.LBB2_14:
0x77: {  	[tilespmem:s30], [sflag:$0x3] =	stream.indirect.gather [hbm4b:s23+s11], $0x1, s26, s11, $0xb8;
	[tilespmem:$0x6C00] =	vst v63  }
0x78: {  	s23 =	sadd.s32 s28, s20;
	p0 =	sne.s32 s28, $0x2DC6C;
	s28 =	sadd.s32 $0x30D4, s28  }
0x79: {  	[tilespmem:s29], [sflag:$0x3] =	stream.indirect.gather [hbm4b:s23+s11], $0x1, s22, s11, $0xb8;
	[tilespmem:$0x6C00] =	vst v63  }
.Ltmp13:
0x7a: {  	s30 =	sadd.s32 $0x80, s29;
	(pc) =	sbr.rel @p0 .LBB2_14-.Ltmp13, $4  }
0x7b: {  	[tilespmem:s30], [sflag:$0x3] =	stream.indirect.gather [hbm4b:s23+s11], $0x1, s24, s11, $0xb8;
	[tilespmem:$0x6C00] =	vst v63  }
0x7c: {  	s30 =	sadd.s32 $0x100, s29  }
0x7d: {  	[tilespmem:s30], [sflag:$0x3] =	stream.indirect.gather [hbm4b:s23+s11], $0x1, s25, s11, $0xb8;
	[tilespmem:$0x6C00] =	vst v63  }
0x7e: {  	s30 =	sadd.s32 $0x180, s29;
	s29 =	sadd.s32 $0x200, s29  }
0x7f: {  	p0 =	slt.u32 s21, $0x2  }
.Ltmp14:
0x80: {  	_ = 	snop;
	(pc) =	sbr.rel @p0 .LBB2_18-.Ltmp14, $2  }
0x81: {  	_ =	sdelay $0x2  }
0x82: {  	[tilespmem:s30], [sflag:$0x3] =	stream.indirect.gather [hbm4b:s23+s11], $0x1, s26, s11, $0xb8;
	[tilespmem:$0x6C00] =	vst v63  }
0x83: {  	s22 =	sadd.s32 $0xFFFFFFFE, s21  }
0x84: {  	s23 =	smulhi.u32 $0xAAAAAAAB, s22;
	_ =	sdelay $0x1  }
0x85: {  	s23 =	sshrl.u32 s23, $0x1  }
0x86: {  	s23 =	smul.u32 $0x3, s23  }
0x87: {  	_ =	swait.ge [sflag:s12], $0x2000;
	s24 =	sshll.u32 s22, $0x12  }
.Ltmp15:
0x88: {  	s24 =	sor.u32 s6, s24;
	s22 =	ssub.s32 s22, s23;
	(pc) =	sbr.rel .LBB2_17-.Ltmp15, $4  }
0x89: {  	[sflag:s12] =	ssyncset.done $0x0;
	s31 =	sshrl.u32 s24, $0x3;
	s22 =	sshll.u32 s22, $0xD  }
0x8a: {  	[sflag:s12] =	ssyncadd.s32 $0xFFFFE000;
	s23 =	sadd.s32 s3, s31;
	s22 =	sor.u32 $0xC00, s22  }
0x8b: {  	[hbm4b:s23+s13] =	stream.strided.scatter [tilespmem:s22], [sflag:$0x5], $0x2000, s14, s13, $0x38;
	[tilespmem:$0x6C00] =	vst v63  }
0x8c: {  	s22 =	simm.s32 $0x5  }
.LBB2_20:
0x8d: {  	_ =	sfence.sel $0x180000  }
0x8e: {  	[bflag:$0x0] =	sbarrier.arrive $0xFFFF  }
0x8f: {  	p0 =	sne.s32 s0, $0x0;
	_ =	strace $0x9000004A  }
0x90: {  	s0 =	sadd.s32 @!p0 $0x100000, s1;
	[bflag:$0x2] =	sbarrier.arrive $0xFFFF  }
0x91: {  	[sflag:s0] =	ssyncadd.tile.s32 @!p0 $0x1;
	_ =	shalt  }
.Lfunc_end2:
_tile_overlayer_lowered:
.L_overlay_start_2:
0x92: {  	(tag) =	ssettag $0x2  }
0x93: {  	s0 =	rddreg [dreg:$0x0];
	s2 =	stileid.u32  }
0x94: {  	s1 =	rddreg [dreg:$0x1];
	p0 =	sne.s32 s2, $0x0  }
0x95: {  	s3 =	rddreg [dreg:$0x2];
	[bflag:$0x3] =	sbarrier.arrive $0xFFFF;
	s2 =	simm.s32 @!p0 $0x1C04  }
0x96: {  	[timem:s3], [sflag:s2] =	dma.local @!p0 [hbm:s0], s1  }
0x97: {  	s0 =	simm.s32 @!p0 $0x4  }
0x98: {  	_ =	swait.ge @!p0 [sflag:s0], s1  }
0x99: {  	s1 =	ssub.s32 @!p0 $0x0, s1;
	[sflag:s0] =	ssyncset.done @!p0 $0x0  }
0x9a: {  	[sflag:s0] =	ssyncadd.s32 @!p0 s1  }
0x9b: {  	[bflag:$0x3] =	sbarrier.arrive $0xFFFF  }
0x9c: {  	_ =	shalt  }

// kernel: kernel.16.cloned.1.call-start
scs
__scs_entry_jumppad:
0x0: {  	(pc) =	sbr.rel $0x88, $3  }
0x1: {  	(tag) =	ssettag $0x0;
	lr =	simm.s32 $0x1  }
0x2: {  	[smem:$0x3F98] =	sst lr;
	_ =	strace $0xD0000000  }
0x3: {  	_ = 	snop  }
0x4: {  	_ = 	snop  }
0x5: {  	_ = 	snop  }
0x6: {  	_ = 	snop  }
0x7: {  	_ = 	snop  }
__scs_overlays_trampoline_lowered:
0x8: {  	[smem:$0x3FA7] =	sst s0  }
0x9: {  	[smem:$0x3FA8] =	sst s1  }
0xa: {  	[smem:$0x3FA9] =	sst s2  }
0xb: {  	[smem:$0x3FAA] =	sst s3  }
0xc: {  	[smem:$0x3FAB] =	sst s4  }
0xd: {  	[smem:$0x3FAC] =	sst s5  }
0xe: {  	[smem:$0x3FAD] =	sst s6  }
0xf: {  	[smem:$0x3FAE] =	sst s7  }
0x10: {  	[smem:$0x3FAF] =	sst s8  }
0x11: {  	[smem:$0x3FB0] =	sst s9;
	s0 =	simm.s32 @!p0 $0x0  }
0x12: {  	s1 =	sld [smem:$0x3F96];
	s0 =	simm.s32 @p0 $0x1  }
0x13: {  	[smem:$0x3FB1] =	sst s0;
	s0 =	simm.s32 @!p1 $0x0  }
0x14: {  	s2 =	sld [smem:$0x3F95];
	s0 =	simm.s32 @p1 $0x1  }
0x15: {  	[smem:$0x3FB2] =	sst s0;
	s0 =	simm.s32 @!p2 $0x0  }
0x16: {  	s3 =	sld [smem:$0x3FDB];
	s0 =	simm.s32 @p2 $0x1  }
0x17: {  	s4 =	simm.s32 $0x1BF5;
	[smem:$0x3FB4] =	sst s0  }
0x18: {  	s0 =	sld [smem:$0x3F97];
	_ =	swait.ge [sflag:s4], $0x0  }
0x19: {  	s7 =	sld [smem:$0x3F98]  }
0x1a: {  	s8 =	sadd.s32 $0xFFFFE003, lr  }
0x1b: {  	s9 =	sadd.s32 $0xFFFFFEF7, lr;
	s5 =	simm.s32 $0xFFFFFFFF;
	p2 =	slt.u32 s8, $0xFFFFF086  }
0x1c: {  	p1 =	slt.u32 s9, $0xF7A;
	s5 =	simm.s32 @!p2 $0x0  }
0x1d: {  	s5 =	simm.s32 @p1 $0x1;
	p0 =	seq.s32 s7, s2  }
0x1e: {  	s7 =	smul.u32 @!p0 $0xF7A, s2;
	p2 =	seq.s32 @!p0 s5, $0x0  }
0x1f: {  	s9 =	smul.u32 $0xF7A, s1;
	s8 =	simm.s32 @!p0 $0x1BF5;
	p2 =	por !p2, p0  }
0x20: {  	[sflag:s8] =	ssyncset.s32 @!p0 $0xFFFFF086;
	s6 =	sadd.s32 @!p0 s3, s7;
	s7 =	simm.s32 @!p0 $0x108  }
0x21: {  	s3 =	sadd.s32 s3, s9;
	s6 =	sadd.s32 @!p0 $0x88, s6;
	s7 =	simm.s32 @p2 $0x1082  }
0x22: {  	[simem:s7], [sflag:s8] =	dma.local @!p0 [hbm:s6], $0xF7A  }
0x23: {  	s9 =	sor.u32 $0xD0000000, s2;
	s6 =	simm.s32 $0x108;
	_ =	swait.ge @!p0 [sflag:s8], $0x0  }
0x24: {  	s3 =	sadd.s32 $0x88, s3;
	s6 =	simm.s32 @!p1 $0x1082;
	[sflag:s4] =	ssyncset.s32 $0xFFFFF086  }
0x25: {  	[simem:s6], [sflag:s4] =	dma.local [hbm:s3], $0xF7A  }
0x26: {  	[smem:$0x3F98] =	sst s1;
	(tag) =	ssettag s2;
	_ =	strace s9  }
0x27: {  	s1 =	sld [smem:$0x3FA8]  }
0x28: {  	s2 =	sld [smem:$0x3FA9]  }
0x29: {  	s4 =	sld [smem:$0x3FAB]  }
0x2a: {  	p0 =	seq.s32 s5, $0x0;
	s5 =	sld [smem:$0x3FAC]  }
0x2b: {  	s6 =	sld [smem:$0x3FAD]  }
0x2c: {  	s7 =	sld [smem:$0x3FAE]  }
0x2d: {  	s3 =	simm.s32 $0x108;
	s8 =	sld [smem:$0x3FAF]  }
0x2e: {  	s3 =	simm.s32 @!p0 $0x1082;
	s9 =	sld [smem:$0x3FB0]  }
0x2f: {  	lr =	sadd.s32 s0, s3;
	s0 =	sld [smem:$0x3FA7]  }
0x30: {  	s3 =	sld [smem:$0x3FAA]  }
0x31: {  	[smem:$0x3FB3] =	sst s10  }
0x32: {  	s10 =	sld [smem:$0x3FB1];
	_ =	sdelay $0x3  }
0x33: {  	p0 =	seq.s32 s10, $0x1;
	s10 =	sld [smem:$0x3FB3];
	_ =	sdelay $0x3  }
0x34: {  	[smem:$0x3FB3] =	sst s10  }
0x35: {  	s10 =	sld [smem:$0x3FB2];
	_ =	sdelay $0x3  }
0x36: {  	p1 =	seq.s32 s10, $0x1;
	s10 =	sld [smem:$0x3FB3];
	_ =	sdelay $0x3  }
0x37: {  	[smem:$0x3FB3] =	sst s10  }
0x38: {  	s10 =	sld [smem:$0x3FB4]  }
0x39: {  	_ = 	snop;
	(pc) =	sbr.ind lr, $3  }
0x3a: {  	_ = 	snop  }
0x3b: {  	_ = 	snop  }
0x3c: {  	p2 =	seq.s32 s10, $0x1;
	s10 =	sld [smem:$0x3FB3]  }
0x3d: {  	_ =	shalt  }
0x3e: {  	_ =	shalt  }
0x3f: {  	_ =	shalt  }
0x40: {  	_ =	shalt  }
0x41: {  	_ =	shalt  }
0x42: {  	_ =	shalt  }
0x43: {  	_ =	shalt  }
0x44: {  	_ =	shalt  }
0x45: {  	_ =	shalt  }
0x46: {  	_ =	shalt  }
0x47: {  	_ =	shalt  }
0x48: {  	_ =	shalt  }
0x49: {  	_ =	shalt  }
0x4a: {  	_ =	shalt  }
0x4b: {  	_ =	shalt  }
0x4c: {  	_ =	shalt  }
0x4d: {  	_ =	shalt  }
0x4e: {  	_ =	shalt  }
0x4f: {  	_ =	shalt  }
0x50: {  	_ =	shalt  }
0x51: {  	_ =	shalt  }
0x52: {  	_ =	shalt  }
0x53: {  	_ =	shalt  }
0x54: {  	_ =	shalt  }
0x55: {  	_ =	shalt  }
0x56: {  	_ =	shalt  }
0x57: {  	_ =	shalt  }
0x58: {  	_ =	shalt  }
0x59: {  	_ =	shalt  }
0x5a: {  	_ =	shalt  }
0x5b: {  	_ =	shalt  }
0x5c: {  	_ =	shalt  }
0x5d: {  	_ =	shalt  }
0x5e: {  	_ =	shalt  }
0x5f: {  	_ =	shalt  }
0x60: {  	_ =	shalt  }
0x61: {  	_ =	shalt  }
0x62: {  	_ =	shalt  }
0x63: {  	_ =	shalt  }
0x64: {  	_ =	shalt  }
0x65: {  	_ =	shalt  }
0x66: {  	_ =	shalt  }
0x67: {  	_ =	shalt  }
0x68: {  	_ =	shalt  }
0x69: {  	_ =	shalt  }
0x6a: {  	_ =	shalt  }
0x6b: {  	_ =	shalt  }
0x6c: {  	_ =	shalt  }
0x6d: {  	_ =	shalt  }
0x6e: {  	_ =	shalt  }
0x6f: {  	_ =	shalt  }
0x70: {  	_ =	shalt  }
0x71: {  	_ =	shalt  }
0x72: {  	_ =	shalt  }
0x73: {  	_ =	shalt  }
0x74: {  	_ =	shalt  }
0x75: {  	_ =	shalt  }
0x76: {  	_ =	shalt  }
0x77: {  	_ =	shalt  }
0x78: {  	_ =	shalt  }
0x79: {  	_ =	shalt  }
0x7a: {  	_ =	shalt  }
0x7b: {  	_ =	shalt  }
0x7c: {  	_ =	shalt  }
0x7d: {  	_ =	shalt  }
0x7e: {  	_ =	shalt  }
0x7f: {  	_ =	shalt  }
0x80: {  	_ =	shalt  }
0x81: {  	_ =	shalt  }
0x82: {  	_ =	shalt  }
0x83: {  	_ =	shalt  }
0x84: {  	_ =	shalt  }
0x85: {  	_ =	shalt  }
0x86: {  	_ =	shalt  }
0x87: {  	_ =	shalt  }
.Lfunc_end0:
.L_simem_size_0:
called_computation.3_lowered:
.L_overlay_start_0:
0x88: {  	s2 =	sld [smem:$0x3FD9]  }
0x89: {  	s3 =	sld [smem:$0x3FFE];
	_ =	sdelay $0x1  }
0x8a: {  	s1 =	srdreg.scid  }
0x8b: {  	s0 =	sand.u32 $0x1, s1  }
0x8c: {  	s16 =	sshll.u32 s0, $0xA;
	s2 =	sadd.s32 s3, s2  }
0x8d: {  	s2 =	sadd.s32 s2, s16  }
0x8e: {  	[smem:$0x3FBF] =	sst s2  }
0x8f: {  	_ = 	snop  }
0x90: {  	(tm) =	ssettm $0x1  }
0x91: {  	s17 =	sld [smem:$0x3FFB];
	_ =	sdelay $0x3  }
0x92: {  	_ =	strace s17  }
0x93: {  	s2 =	sld [smem:$0x3FFC];
	_ =	sdelay $0x3  }
0x94: {  	_ =	strace s2  }
0x95: {  	s2 =	sld [smem:$0x3FFD];
	_ =	sdelay $0x3  }
0x96: {  	_ =	strace s2  }
0x97: {  	_ =	strace $0x8FFFFFFF  }
0x98: {  	s18 =	sld [smem:$0x3FDB];
	_ =	sdelay $0x1  }
0x99: {  	s19 =	simm.s32 $_scs_section_size  }
0x9a: {  	s4 =	simm.s32 $_size__tile_overlayer_lowered;
	s5 =	simm.s32 $_tile_overlayer_lowered  }
0x9b: {  	s22 =	simm.s32 $0x1BFF;
	s21 =	sshll.u32 s5, $0x1;
	s2 =	sadd.s32 s19, s18  }
0x9c: {  	s6 =	simm.s32 $0x0;
	s20 =	sshll.u32 s4, $0x1;
	s4 =	sadd.s32 s21, s2  }
0x9d: {  	[timem:s6], [sflag:s22] =	dma.local [hbm:s4], s20  }
0x9e: {  	_ =	swait.ge [sflag:s22], s20  }
0x9f: {  	s3 =	ssub.s32 $0x0, s20;
	[sflag:s22] =	ssyncset.done $0x0  }
0xa0: {  	[sflag:s22] =	ssyncadd.s32 s3;
	_ =	sdelay $0x1  }
0xa1: {  	s23 =	simm.s32 $0x1B8B  }
0xa2: {  	_ =	swait.ge [sflag:s23], $0x1  }
0xa3: {  	[sflag:s23] =	ssyncset.done $0x0  }
0xa4: {  	s25 =	simm.s32 $0x1B8E;
	s24 =	sld [smem:$0x3FFE];
	[sflag:s23] =	ssyncadd.s32 $0xFFFFFFFF  }
0xa5: {  	s26 =	simm.s32 $execute0_lowered;
	[smem:$0x3FD2] =	sst s25  }
0xa6: {  	s4 =	sshll.u32 s26, $0x1;
	_ =	strace $0x80000046;
	[dreg:$0x1] =	wrdreg $0xFFFFFFFF  }
0xa7: {  	s28 =	simm.s32 $_size_execute0_lowered;
	s2 =	sadd.s32 s2, s4;
	[dreg:$0x0] =	wrdreg $0x0  }
0xa8: {  	s4 =	sshll.u32 s28, $0x1;
	[dreg:$0x2] =	wrdreg s2  }
0xa9: {  	[dreg:$0x3] =	wrdreg s4  }
0xaa: {  	[dreg:$0x4] =	wrdreg $0xC0  }
0xab: {  	_ =	task [dreg:s6], $0x5FFFF  }
0xac: {  	[dreg:$0x1] =	wrdreg $0xFFFFFFFF  }
0xad: {  	[dreg:$0x0] =	wrdreg $0x60  }
0xae: {  	[dreg:$0x2] =	wrdreg s24  }
0xaf: {  	[dreg:$0x3] =	wrdreg $0xC  }
0xb0: {  	_ =	task.clear_ibuf [dreg:s6], $0x4FFFF;
	_ =	strace $0x90000046  }
0xb1: {  	s29 =	simm.s32 $0xC;
	_ =	strace $0x80000048  }
0xb2: {  	_ =	swait.ge [sflag:s29], $0x1  }
0xb3: {  	[sflag:s29] =	ssyncadd.s32 $0xFFFFFFFF  }
0xb4: {  	_ =	strace $0x90000048  }
0xb5: {  	_ =	sfence  }
0xb6: {  	s30 =	sld [smem:$0x0];
	_ =	sdelay $0x2  }
0xb7: {  	s31 =	sshll.u32 s1, $0xD;
	s1 =	sshrl.u32 s1, $0x2  }
0xb8: {  	s3 =	sand.u32 $0x4000, s31;
	s1 =	sadd.s32 s1, s30  }
0xb9: {  	s0 =	sor.u32 s3, s0;
	s1 =	sshll.u32 s1, $0x11  }
0xba: {  	s0 =	sor.u32 s1, s0  }
0xbb: {  	s0 =	sadd.s32 $0x8F2B, s0  }
0xbc: {  	[sflag:s0] =	ssyncadd.remote.s32 $0x1  }
0xbd: {  	_ =	sfence.sel $0xFFFF  }
0xbe: {  	[dreg:$0x0] =	wrdreg $0xFFFFFFFF;
	(pc) =	sbr.abs _section_cstart, $3  }
0xbf: {  	[dreg:$0x1] =	wrdreg $0xFFFFFFFF  }
0xc0: {  	_ =	task.clear_ibuf [dreg:s6], $0x2FFFF;
	_ =	strace $0x9FFFFFFF  }
0xc1: {  	(tm) =	ssettm $0x7FFFFFFF  }
tec
execute0_lowered:
.L_overlay_start_1:
0x0: {  	(tag) =	ssettag $0x1  }
0x1: {  	s1 =	srdreg.scid;
	s0 =	stileid.u32  }
0x2: {  	s4 =	rddreg [dreg:$0x0];
	s2 =	simm.s32 $0x0;
	s11 =	simm.s32 $0x80  }
0x3: {  	s12 =	simm.s32 $0x1;
	s13 =	simm.s32 $0x200;
	s14 =	simm.s32 $0x4000  }
0x4: {  	s15 =	simm.s32 $0x2;
	s16 =	simm.s32 $0x2C00;
	s17 =	simm.s32 $0x3  }
0x5: {  	s18 =	simm.s32 $0x4C00;
	s3 =	sand.u32 $0x1, s1;
	s30 =	sshll.u32 s0, $0x1  }
0x6: {  	s19 =	simm.s32 $0x0;
	[smem:$0x7FF] =	sst s2;
	s6 =	sor.u32 s3, s30  }
0x7: {  	s1 =	rddreg [dreg:$0x1];
	_ =	strace $0x80000047;
	s5 =	smul.u32 $0x180, s6  }
.Ltmp0:
0x8: {  	s7 =	ssub.s32 $0x2, s3;
	s3 =	sadd.s32 $0x5600, s4;
	(pc) =	sbr.rel .LBB2_1-.Ltmp0, $4  }
0x9: {  	s8 =	sshrl.u32 s7, $0x1;
	s9 =	sshll.u32 s6, $0x6;
	s6 =	sshll.u32 s6, $0x9  }
0xa: {  	s10 =	ssub.s32 s7, s8;
	s31 =	sadd.s32 s9, s3;
	s5 =	sadd.s32 s5, s4  }
0xb: {  	s4 =	sadd.s32 $0x24CE00, s4;
	s7 =	sadd.s32 $0x20000, s31;
	s8 =	sadd.s32 $0x28000, s31  }
0xc: {  	s9 =	smax.u32 s10, $0x1;
	s10 =	simm.s32 $0x4;
	s5 =	sadd.s32 $0x2600, s5  }
.LBB2_19:
0xd: {  	_ =	swait.ge [sflag:s15], $0x2000  }
0xe: {  	[sflag:s15] =	ssyncset.done $0x0  }
0xf: {  	[sflag:s15] =	ssyncadd.s32 $0xFFFFE000  }
0x10: {  	[hbm4b:s7+s13] =	stream.strided.scatter [tilespmem:s16], [sflag:$0x4], $0x2000, s14, s13, $0x38;
	[tilespmem:$0x6C00] =	vst v63  }
0x11: {  	_ =	swait.ge [sflag:s10], $0x2000  }
0x12: {  	[sflag:s10] =	ssyncset.done $0x0  }
0x13: {  	[sflag:s10] =	ssyncadd.s32 $0xFFFFE000  }
0x14: {  	s19 =	sadd.s32 $0x1, s19;
	_ =	swait.ge [sflag:s17], $0x2000  }
0x15: {  	p0 =	sne.s32 s19, s9;
	[sflag:s17] =	ssyncset.done $0x0  }
.Ltmp1:
0x16: {  	[sflag:s17] =	ssyncadd.s32 $0xFFFFE000;
	(pc) =	sbr.rel @!p0 .LBB2_20-.Ltmp1, $4  }
0x17: {  	[hbm4b:s8+s13] =	stream.strided.scatter [tilespmem:s18], [sflag:$0x4], $0x2000, s14, s13, $0x38;
	[tilespmem:$0x6C00] =	vst v63  }
0x18: {  	_ =	swait.ge [sflag:s10], $0x2000  }
0x19: {  	[sflag:s10] =	ssyncset.done $0x0  }
0x1a: {  	[sflag:s10] =	ssyncadd.s32 $0xFFFFE000  }
.LBB2_1:
.Ltmp2:
0x1b: {  	(pc) =	sbr.rel .LBB2_2-.Ltmp2, $4  }
0x1c: {  	[tilespmem:s2], [sflag:$0x4] =	stream.linear.gather [hbm4b:s5+s2], $0xC00, $0x38;
	[tilespmem:$0x6C00] =	vst v63  }
0x1d: {  	_ =	swait.ge [sflag:s10], $0xC00  }
0x1e: {  	[sflag:s10] =	ssyncset.done $0x0  }
0x1f: {  	s20 =	smov.u32 s4;
	s21 =	simm.s32 $0x0;
	[sflag:s10] =	ssyncadd.s32 $0xFFFFF400  }
.LBB2_17:
0x20: {  	_ =	swait.ge [sflag:s22], $0x2000  }
0x21: {  	[sflag:s22] =	ssyncset.done $0x0  }
0x22: {  	[sflag:s22] =	ssyncadd.s32 $0xFFFFE000  }
.LBB2_18:
0x23: {  	s21 =	sadd.s32 $0x1, s21  }
0x24: {  	p0 =	sne.s32 s21, $0x6  }
.Ltmp3:
0x25: {  	_ = 	snop;
	(pc) =	sbr.rel @!p0 .LBB2_19-.Ltmp3, $2  }
0x26: {  	_ =	sdelay $0x2  }
0x27: {  	s20 =	sadd.s32 $0x30D40, s20  }
.LBB2_2:
0x28: {  	s22 =	sadd.s32 $0xFFFFFFFD, s21  }
0x29: {  	s22 =	smin.u32 s21, s22  }
0x2a: {  	p0 =	seq.s32 s22, $0x2  }
.Ltmp4:
0x2b: {  	_ = 	snop;
	(pc) =	sbr.rel @p0 .LBB2_13-.Ltmp4, $1  }
0x2c: {  	_ =	sdelay $0x3  }
0x2d: {  	p0 =	seq.s32 s22, $0x1  }
.Ltmp5:
0x2e: {  	_ = 	snop;
	(pc) =	sbr.rel @p0 .LBB2_9-.Ltmp5, $1  }
0x2f: {  	_ =	sdelay $0x3  }
0x30: {  	p0 =	sne.s32 s22, $0x0  }
.Ltmp6:
0x31: {  	_ = 	snop;
	(pc) =	sbr.rel @p0 .LBB2_18-.Ltmp6, $1  }
0x32: {  	_ =	sdelay $0x3  }
0x33: {  	s22 =	sshll.u32 s21, $0x9  }
0x34: {  	s24 =	simm.s32 $0xC00;
	s23 =	sadd.s32 $0x0, s20;
	s22 =	sand.u32 $0x3FFFFE00, s22  }
0x35: {  	[tilespmem:s24], [sflag:$0x1] =	stream.indirect.gather [hbm4b:s23+s11], $0x1, s22, s11, $0xb8;
	[tilespmem:$0x6C00] =	vst v63  }
0x36: {  	s25 =	simm.s32 $0xC80;
	s24 =	sor.u32 $0x80, s22  }
0x37: {  	[tilespmem:s25], [sflag:$0x1] =	stream.indirect.gather [hbm4b:s23+s11], $0x1, s24, s11, $0xb8;
	[tilespmem:$0x6C00] =	vst v63  }
0x38: {  	s26 =	simm.s32 $0xD00;
	s28 =	simm.s32 $0x30D4;
	s25 =	sor.u32 $0x100, s22  }
0x39: {  	[tilespmem:s26], [sflag:$0x1] =	stream.indirect.gather [hbm4b:s23+s11], $0x1, s25, s11, $0xb8;
	[tilespmem:$0x6C00] =	vst v63  }
0x3a: {  	s30 =	simm.s32 $0xD80;
	s29 =	simm.s32 $0xE00;
	s26 =	sor.u32 $0x180, s22  }
.LBB2_6:
0x3b: {  	[tilespmem:s30], [sflag:$0x1] =	stream.indirect.gather [hbm4b:s23+s11], $0x1, s26, s11, $0xb8;
	[tilespmem:$0x6C00] =	vst v63  }
0x3c: {  	s23 =	sadd.s32 s28, s20;
	p0 =	seq.s32 s28, $0x2DC6C;
	s28 =	sadd.s32 $0x30D4, s28  }
0x3d: {  	[tilespmem:s29], [sflag:$0x1] =	stream.indirect.gather [hbm4b:s23+s11], $0x1, s22, s11, $0xb8;
	[tilespmem:$0x6C00] =	vst v63  }
.Ltmp7:
0x3e: {  	s30 =	sadd.s32 $0x80, s29;
	(pc) =	sbr.rel @!p0 .LBB2_6-.Ltmp7, $4  }
0x3f: {  	[tilespmem:s30], [sflag:$0x1] =	stream.indirect.gather [hbm4b:s23+s11], $0x1, s24, s11, $0xb8;
	[tilespmem:$0x6C00] =	vst v63  }
0x40: {  	s30 =	sadd.s32 $0x100, s29  }
0x41: {  	[tilespmem:s30], [sflag:$0x1] =	stream.indirect.gather [hbm4b:s23+s11], $0x1, s25, s11, $0xb8;
	[tilespmem:$0x6C00] =	vst v63  }
0x42: {  	s30 =	sadd.s32 $0x180, s29;
	s29 =	sadd.s32 $0x200, s29  }
0x43: {  	p0 =	slt.u32 s21, $0x2  }
.Ltmp8:
0x44: {  	_ = 	snop;
	(pc) =	sbr.rel @p0 .LBB2_18-.Ltmp8, $2  }
0x45: {  	_ =	sdelay $0x2  }
0x46: {  	[tilespmem:s30], [sflag:$0x1] =	stream.indirect.gather [hbm4b:s23+s11], $0x1, s26, s11, $0xb8;
	[tilespmem:$0x6C00] =	vst v63  }
0x47: {  	s22 =	sadd.s32 $0xFFFFFFFE, s21  }
0x48: {  	s23 =	smulhi.u32 $0xAAAAAAAB, s22;
	_ =	sdelay $0x1  }
0x49: {  	s23 =	sshrl.u32 s23, $0x1  }
0x4a: {  	s23 =	smul.u32 $0x3, s23  }
0x4b: {  	_ =	swait.ge [sflag:s15], $0x2000;
	s24 =	sshll.u32 s22, $0x12  }
.Ltmp9:
0x4c: {  	s24 =	sor.u32 s6, s24;
	s22 =	ssub.s32 s22, s23;
	(pc) =	sbr.rel .LBB2_17-.Ltmp9, $4  }
0x4d: {  	[sflag:s15] =	ssyncset.done $0x0;
	s31 =	sshrl.u32 s24, $0x3;
	s22 =	sshll.u32 s22, $0xD  }
0x4e: {  	[sflag:s15] =	ssyncadd.s32 $0xFFFFE000;
	s23 =	sadd.s32 s3, s31;
	s22 =	sor.u32 $0xC00, s22  }
0x4f: {  	[hbm4b:s23+s13] =	stream.strided.scatter [tilespmem:s22], [sflag:$0x5], $0x2000, s14, s13, $0x38;
	[tilespmem:$0x6C00] =	vst v63  }
0x50: {  	s22 =	simm.s32 $0x5  }
.LBB2_9:
0x51: {  	s22 =	sshll.u32 s21, $0x9  }
0x52: {  	s24 =	simm.s32 $0x2C00;
	s23 =	sadd.s32 $0x0, s20;
	s22 =	sand.u32 $0x3FFFFE00, s22  }
0x53: {  	[tilespmem:s24], [sflag:$0x2] =	stream.indirect.gather [hbm4b:s23+s11], $0x1, s22, s11, $0xb8;
	[tilespmem:$0x6C00] =	vst v63  }
0x54: {  	s25 =	simm.s32 $0x2C80;
	s24 =	sor.u32 $0x80, s22  }
0x55: {  	[tilespmem:s25], [sflag:$0x2] =	stream.indirect.gather [hbm4b:s23+s11], $0x1, s24, s11, $0xb8;
	[tilespmem:$0x6C00] =	vst v63  }
0x56: {  	s26 =	simm.s32 $0x2D00;
	s28 =	simm.s32 $0x30D4;
	s25 =	sor.u32 $0x100, s22  }
0x57: {  	[tilespmem:s26], [sflag:$0x2] =	stream.indirect.gather [hbm4b:s23+s11], $0x1, s25, s11, $0xb8;
	[tilespmem:$0x6C00] =	vst v63  }
0x58: {  	s30 =	simm.s32 $0x2D80;
	s29 =	simm.s32 $0x2E00;
	s26 =	sor.u32 $0x180, s22  }
.LBB2_10:
0x59: {  	[tilespmem:s30], [sflag:$0x2] =	stream.indirect.gather [hbm4b:s23+s11], $0x1, s26, s11, $0xb8;
	[tilespmem:$0x6C00] =	vst v63  }
0x5a: {  	s23 =	sadd.s32 s28, s20;
	p0 =	sne.s32 s28, $0x2DC6C;
	s28 =	sadd.s32 $0x30D4, s28  }
0x5b: {  	[tilespmem:s29], [sflag:$0x2] =	stream.indirect.gather [hbm4b:s23+s11], $0x1, s22, s11, $0xb8;
	[tilespmem:$0x6C00] =	vst v63  }
.Ltmp10:
0x5c: {  	s30 =	sadd.s32 $0x80, s29;
	(pc) =	sbr.rel @p0 .LBB2_10-.Ltmp10, $4  }
0x5d: {  	[tilespmem:s30], [sflag:$0x2] =	stream.indirect.gather [hbm4b:s23+s11], $0x1, s24, s11, $0xb8;
	[tilespmem:$0x6C00] =	vst v63  }
0x5e: {  	s30 =	sadd.s32 $0x100, s29  }
0x5f: {  	[tilespmem:s30], [sflag:$0x2] =	stream.indirect.gather [hbm4b:s23+s11], $0x1, s25, s11, $0xb8;
	[tilespmem:$0x6C00] =	vst v63  }
0x60: {  	s30 =	sadd.s32 $0x180, s29;
	s29 =	sadd.s32 $0x200, s29  }
0x61: {  	p0 =	sgt.u32 s21, $0x1  }
.Ltmp11:
0x62: {  	_ = 	snop;
	(pc) =	sbr.rel @!p0 .LBB2_18-.Ltmp11, $2  }
0x63: {  	_ =	sdelay $0x2  }
0x64: {  	[tilespmem:s30], [sflag:$0x2] =	stream.indirect.gather [hbm4b:s23+s11], $0x1, s26, s11, $0xb8;
	[tilespmem:$0x6C00] =	vst v63  }
0x65: {  	s22 =	sadd.s32 $0xFFFFFFFE, s21  }
0x66: {  	s23 =	smulhi.u32 $0xAAAAAAAB, s22;
	_ =	sdelay $0x1  }
0x67: {  	s23 =	sshrl.u32 s23, $0x1  }
0x68: {  	s23 =	smul.u32 $0x3, s23  }
0x69: {  	_ =	swait.ge [sflag:s17], $0x2000;
	s24 =	sshll.u32 s22, $0x12  }
.Ltmp12:
0x6a: {  	s24 =	sor.u32 s6, s24;
	s22 =	ssub.s32 s22, s23;
	(pc) =	sbr.rel .LBB2_17-.Ltmp12, $4  }
0x6b: {  	[sflag:s17] =	ssyncset.done $0x0;
	s31 =	sshrl.u32 s24, $0x3;
	s22 =	sshll.u32 s22, $0xD  }
0x6c: {  	[sflag:s17] =	ssyncadd.s32 $0xFFFFE000;
	s23 =	sadd.s32 s3, s31;
	s22 =	sor.u32 $0xC00, s22  }
0x6d: {  	[hbm4b:s23+s13] =	stream.strided.scatter [tilespmem:s22], [sflag:$0x4], $0x2000, s14, s13, $0x38;
	[tilespmem:$0x6C00] =	vst v63  }
0x6e: {  	s22 =	simm.s32 $0x4  }
.LBB2_13:
0x6f: {  	s22 =	sshll.u32 s21, $0x9  }
0x70: {  	s24 =	simm.s32 $0x4C00;
	s23 =	sadd.s32 $0x0, s20;
	s22 =	sand.u32 $0x3FFFFE00, s22  }
0x71: {  	[tilespmem:s24], [sflag:$0x3] =	stream.indirect.gather [hbm4b:s23+s11], $0x1, s22, s11, $0xb8;
	[tilespmem:$0x6C00] =	vst v63  }
0x72: {  	s25 =	simm.s32 $0x4C80;
	s24 =	sor.u32 $0x80, s22  }
0x73: {  	[tilespmem:s25], [sflag:$0x3] =	stream.indirect.gather [hbm4b:s23+s11], $0x1, s24, s11, $0xb8;
	[tilespmem:$0x6C00] =	vst v63  }
0x74: {  	s26 =	simm.s32 $0x4D00;
	s28 =	simm.s32 $0x30D4;
	s25 =	sor.u32 $0x100, s22  }
0x75: {  	[tilespmem:s26], [sflag:$0x3] =	stream.indirect.gather [hbm4b:s23+s11], $0x1, s25, s11, $0xb8;
	[tilespmem:$0x6C00] =	vst v63  }
0x76: {  	s30 =	simm.s32 $0x4D80;
	s29 =	simm.s32 $0x4E00;
	s26 =	sor.u32 $0x180, s22  }
.LBB2_14:
0x77: {  	[tilespmem:s30], [sflag:$0x3] =	stream.indirect.gather [hbm4b:s23+s11], $0x1, s26, s11, $0xb8;
	[tilespmem:$0x6C00] =	vst v63  }
0x78: {  	s23 =	sadd.s32 s28, s20;
	p0 =	sne.s32 s28, $0x2DC6C;
	s28 =	sadd.s32 $0x30D4, s28  }
0x79: {  	[tilespmem:s29], [sflag:$0x3] =	stream.indirect.gather [hbm4b:s23+s11], $0x1, s22, s11, $0xb8;
	[tilespmem:$0x6C00] =	vst v63  }
.Ltmp13:
0x7a: {  	s30 =	sadd.s32 $0x80, s29;
	(pc) =	sbr.rel @p0 .LBB2_14-.Ltmp13, $4  }
0x7b: {  	[tilespmem:s30], [sflag:$0x3] =	stream.indirect.gather [hbm4b:s23+s11], $0x1, s24, s11, $0xb8;
	[tilespmem:$0x6C00] =	vst v63  }
0x7c: {  	s30 =	sadd.s32 $0x100, s29  }
0x7d: {  	[tilespmem:s30], [sflag:$0x3] =	stream.indirect.gather [hbm4b:s23+s11], $0x1, s25, s11, $0xb8;
	[tilespmem:$0x6C00] =	vst v63  }
0x7e: {  	s30 =	sadd.s32 $0x180, s29;
	s29 =	sadd.s32 $0x200, s29  }
0x7f: {  	p0 =	slt.u32 s21, $0x2  }
.Ltmp14:
0x80: {  	_ = 	snop;
	(pc) =	sbr.rel @p0 .LBB2_18-.Ltmp14, $2  }
0x81: {  	_ =	sdelay $0x2  }
0x82: {  	[tilespmem:s30], [sflag:$0x3] =	stream.indirect.gather [hbm4b:s23+s11], $0x1, s26, s11, $0xb8;
	[tilespmem:$0x6C00] =	vst v63  }
0x83: {  	s22 =	sadd.s32 $0xFFFFFFFE, s21  }
0x84: {  	s23 =	smulhi.u32 $0xAAAAAAAB, s22;
	_ =	sdelay $0x1  }
0x85: {  	s23 =	sshrl.u32 s23, $0x1  }
0x86: {  	s23 =	smul.u32 $0x3, s23  }
0x87: {  	_ =	swait.ge [sflag:s12], $0x2000;
	s24 =	sshll.u32 s22, $0x12  }
.Ltmp15:
0x88: {  	s24 =	sor.u32 s6, s24;
	s22 =	ssub.s32 s22, s23;
	(pc) =	sbr.rel .LBB2_17-.Ltmp15, $4  }
0x89: {  	[sflag:s12] =	ssyncset.done $0x0;
	s31 =	sshrl.u32 s24, $0x3;
	s22 =	sshll.u32 s22, $0xD  }
0x8a: {  	[sflag:s12] =	ssyncadd.s32 $0xFFFFE000;
	s23 =	sadd.s32 s3, s31;
	s22 =	sor.u32 $0xC00, s22  }
0x8b: {  	[hbm4b:s23+s13] =	stream.strided.scatter [tilespmem:s22], [sflag:$0x5], $0x2000, s14, s13, $0x38;
	[tilespmem:$0x6C00] =	vst v63  }
0x8c: {  	s22 =	simm.s32 $0x5  }
.LBB2_20:
0x8d: {  	_ =	sfence.sel $0x180000  }
0x8e: {  	[bflag:$0x0] =	sbarrier.arrive $0xFFFF  }
0x8f: {  	p0 =	sne.s32 s0, $0x0;
	_ =	strace $0x90000047  }
0x90: {  	s0 =	sadd.s32 @!p0 $0x100000, s1;
	[bflag:$0x2] =	sbarrier.arrive $0xFFFF  }
0x91: {  	[sflag:s0] =	ssyncadd.tile.s32 @!p0 $0x1;
	_ =	shalt  }
.Lfunc_end2:
_tile_overlayer_lowered:
.L_overlay_start_2:
0x92: {  	(tag) =	ssettag $0x2  }
0x93: {  	s0 =	rddreg [dreg:$0x0];
	s2 =	stileid.u32  }
0x94: {  	s1 =	rddreg [dreg:$0x1];
	p0 =	sne.s32 s2, $0x0  }
0x95: {  	s3 =	rddreg [dreg:$0x2];
	[bflag:$0x3] =	sbarrier.arrive $0xFFFF;
	s2 =	simm.s32 @!p0 $0x1C04  }
0x96: {  	[timem:s3], [sflag:s2] =	dma.local @!p0 [hbm:s0], s1  }
0x97: {  	s0 =	simm.s32 @!p0 $0x4  }
0x98: {  	_ =	swait.ge @!p0 [sflag:s0], s1  }
0x99: {  	s1 =	ssub.s32 @!p0 $0x0, s1;
	[sflag:s0] =	ssyncset.done @!p0 $0x0  }
0x9a: {  	[sflag:s0] =	ssyncadd.s32 @!p0 s1  }
0x9b: {  	[bflag:$0x3] =	sbarrier.arrive $0xFFFF  }
0x9c: {  	_ =	shalt  }

// kernel: kernel.7.cloned.1.call-start
scs
__scs_entry_jumppad:
0x0: {  	(pc) =	sbr.rel $0x88, $3  }
0x1: {  	(tag) =	ssettag $0x0;
	lr =	simm.s32 $0x1  }
0x2: {  	[smem:$0x3F98] =	sst lr;
	_ =	strace $0xD0000000  }
0x3: {  	_ = 	snop  }
0x4: {  	_ = 	snop  }
0x5: {  	_ = 	snop  }
0x6: {  	_ = 	snop  }
0x7: {  	_ = 	snop  }
__scs_overlays_trampoline_lowered:
0x8: {  	[smem:$0x3FA7] =	sst s0  }
0x9: {  	[smem:$0x3FA8] =	sst s1  }
0xa: {  	[smem:$0x3FA9] =	sst s2  }
0xb: {  	[smem:$0x3FAA] =	sst s3  }
0xc: {  	[smem:$0x3FAB] =	sst s4  }
0xd: {  	[smem:$0x3FAC] =	sst s5  }
0xe: {  	[smem:$0x3FAD] =	sst s6  }
0xf: {  	[smem:$0x3FAE] =	sst s7  }
0x10: {  	[smem:$0x3FAF] =	sst s8  }
0x11: {  	[smem:$0x3FB0] =	sst s9;
	s0 =	simm.s32 @!p0 $0x0  }
0x12: {  	s1 =	sld [smem:$0x3F96];
	s0 =	simm.s32 @p0 $0x1  }
0x13: {  	[smem:$0x3FB1] =	sst s0;
	s0 =	simm.s32 @!p1 $0x0  }
0x14: {  	s2 =	sld [smem:$0x3F95];
	s0 =	simm.s32 @p1 $0x1  }
0x15: {  	[smem:$0x3FB2] =	sst s0;
	s0 =	simm.s32 @!p2 $0x0  }
0x16: {  	s3 =	sld [smem:$0x3FDB];
	s0 =	simm.s32 @p2 $0x1  }
0x17: {  	s4 =	simm.s32 $0x1BF5;
	[smem:$0x3FB4] =	sst s0  }
0x18: {  	s0 =	sld [smem:$0x3F97];
	_ =	swait.ge [sflag:s4], $0x0  }
0x19: {  	s7 =	sld [smem:$0x3F98]  }
0x1a: {  	s8 =	sadd.s32 $0xFFFFE003, lr  }
0x1b: {  	s9 =	sadd.s32 $0xFFFFFEF7, lr;
	s5 =	simm.s32 $0xFFFFFFFF;
	p2 =	slt.u32 s8, $0xFFFFF086  }
0x1c: {  	p1 =	slt.u32 s9, $0xF7A;
	s5 =	simm.s32 @!p2 $0x0  }
0x1d: {  	s5 =	simm.s32 @p1 $0x1;
	p0 =	seq.s32 s7, s2  }
0x1e: {  	s7 =	smul.u32 @!p0 $0xF7A, s2;
	p2 =	seq.s32 @!p0 s5, $0x0  }
0x1f: {  	s9 =	smul.u32 $0xF7A, s1;
	s8 =	simm.s32 @!p0 $0x1BF5;
	p2 =	por !p2, p0  }
0x20: {  	[sflag:s8] =	ssyncset.s32 @!p0 $0xFFFFF086;
	s6 =	sadd.s32 @!p0 s3, s7;
	s7 =	simm.s32 @!p0 $0x108  }
0x21: {  	s3 =	sadd.s32 s3, s9;
	s6 =	sadd.s32 @!p0 $0x88, s6;
	s7 =	simm.s32 @p2 $0x1082  }
0x22: {  	[simem:s7], [sflag:s8] =	dma.local @!p0 [hbm:s6], $0xF7A  }
0x23: {  	s9 =	sor.u32 $0xD0000000, s2;
	s6 =	simm.s32 $0x108;
	_ =	swait.ge @!p0 [sflag:s8], $0x0  }
0x24: {  	s3 =	sadd.s32 $0x88, s3;
	s6 =	simm.s32 @!p1 $0x1082;
	[sflag:s4] =	ssyncset.s32 $0xFFFFF086  }
0x25: {  	[simem:s6], [sflag:s4] =	dma.local [hbm:s3], $0xF7A  }
0x26: {  	[smem:$0x3F98] =	sst s1;
	(tag) =	ssettag s2;
	_ =	strace s9  }
0x27: {  	s1 =	sld [smem:$0x3FA8]  }
0x28: {  	s2 =	sld [smem:$0x3FA9]  }
0x29: {  	s4 =	sld [smem:$0x3FAB]  }
0x2a: {  	p0 =	seq.s32 s5, $0x0;
	s5 =	sld [smem:$0x3FAC]  }
0x2b: {  	s6 =	sld [smem:$0x3FAD]  }
0x2c: {  	s7 =	sld [smem:$0x3FAE]  }
0x2d: {  	s3 =	simm.s32 $0x108;
	s8 =	sld [smem:$0x3FAF]  }
0x2e: {  	s3 =	simm.s32 @!p0 $0x1082;
	s9 =	sld [smem:$0x3FB0]  }
0x2f: {  	lr =	sadd.s32 s0, s3;
	s0 =	sld [smem:$0x3FA7]  }
0x30: {  	s3 =	sld [smem:$0x3FAA]  }
0x31: {  	[smem:$0x3FB3] =	sst s10  }
0x32: {  	s10 =	sld [smem:$0x3FB1];
	_ =	sdelay $0x3  }
0x33: {  	p0 =	seq.s32 s10, $0x1;
	s10 =	sld [smem:$0x3FB3];
	_ =	sdelay $0x3  }
0x34: {  	[smem:$0x3FB3] =	sst s10  }
0x35: {  	s10 =	sld [smem:$0x3FB2];
	_ =	sdelay $0x3  }
0x36: {  	p1 =	seq.s32 s10, $0x1;
	s10 =	sld [smem:$0x3FB3];
	_ =	sdelay $0x3  }
0x37: {  	[smem:$0x3FB3] =	sst s10  }
0x38: {  	s10 =	sld [smem:$0x3FB4]  }
0x39: {  	_ = 	snop;
	(pc) =	sbr.ind lr, $3  }
0x3a: {  	_ = 	snop  }
0x3b: {  	_ = 	snop  }
0x3c: {  	p2 =	seq.s32 s10, $0x1;
	s10 =	sld [smem:$0x3FB3]  }
0x3d: {  	_ =	shalt  }
0x3e: {  	_ =	shalt  }
0x3f: {  	_ =	shalt  }
0x40: {  	_ =	shalt  }
0x41: {  	_ =	shalt  }
0x42: {  	_ =	shalt  }
0x43: {  	_ =	shalt  }
0x44: {  	_ =	shalt  }
0x45: {  	_ =	shalt  }
0x46: {  	_ =	shalt  }
0x47: {  	_ =	shalt  }
0x48: {  	_ =	shalt  }
0x49: {  	_ =	shalt  }
0x4a: {  	_ =	shalt  }
0x4b: {  	_ =	shalt  }
0x4c: {  	_ =	shalt  }
0x4d: {  	_ =	shalt  }
0x4e: {  	_ =	shalt  }
0x4f: {  	_ =	shalt  }
0x50: {  	_ =	shalt  }
0x51: {  	_ =	shalt  }
0x52: {  	_ =	shalt  }
0x53: {  	_ =	shalt  }
0x54: {  	_ =	shalt  }
0x55: {  	_ =	shalt  }
0x56: {  	_ =	shalt  }
0x57: {  	_ =	shalt  }
0x58: {  	_ =	shalt  }
0x59: {  	_ =	shalt  }
0x5a: {  	_ =	shalt  }
0x5b: {  	_ =	shalt  }
0x5c: {  	_ =	shalt  }
0x5d: {  	_ =	shalt  }
0x5e: {  	_ =	shalt  }
0x5f: {  	_ =	shalt  }
0x60: {  	_ =	shalt  }
0x61: {  	_ =	shalt  }
0x62: {  	_ =	shalt  }
0x63: {  	_ =	shalt  }
0x64: {  	_ =	shalt  }
0x65: {  	_ =	shalt  }
0x66: {  	_ =	shalt  }
0x67: {  	_ =	shalt  }
0x68: {  	_ =	shalt  }
0x69: {  	_ =	shalt  }
0x6a: {  	_ =	shalt  }
0x6b: {  	_ =	shalt  }
0x6c: {  	_ =	shalt  }
0x6d: {  	_ =	shalt  }
0x6e: {  	_ =	shalt  }
0x6f: {  	_ =	shalt  }
0x70: {  	_ =	shalt  }
0x71: {  	_ =	shalt  }
0x72: {  	_ =	shalt  }
0x73: {  	_ =	shalt  }
0x74: {  	_ =	shalt  }
0x75: {  	_ =	shalt  }
0x76: {  	_ =	shalt  }
0x77: {  	_ =	shalt  }
0x78: {  	_ =	shalt  }
0x79: {  	_ =	shalt  }
0x7a: {  	_ =	shalt  }
0x7b: {  	_ =	shalt  }
0x7c: {  	_ =	shalt  }
0x7d: {  	_ =	shalt  }
0x7e: {  	_ =	shalt  }
0x7f: {  	_ =	shalt  }
0x80: {  	_ =	shalt  }
0x81: {  	_ =	shalt  }
0x82: {  	_ =	shalt  }
0x83: {  	_ =	shalt  }
0x84: {  	_ =	shalt  }
0x85: {  	_ =	shalt  }
0x86: {  	_ =	shalt  }
0x87: {  	_ =	shalt  }
.Lfunc_end0:
.L_simem_size_0:
called_computation_lowered:
.L_overlay_start_0:
0x88: {  	s2 =	sld [smem:$0x3FD9]  }
0x89: {  	s3 =	sld [smem:$0x3FFE];
	_ =	sdelay $0x1  }
0x8a: {  	s1 =	srdreg.scid  }
0x8b: {  	s0 =	sand.u32 $0x1, s1  }
0x8c: {  	s17 =	sshll.u32 s0, $0xA;
	s2 =	sadd.s32 s3, s2  }
0x8d: {  	s2 =	sadd.s32 s2, s17  }
0x8e: {  	[smem:$0x3FBF] =	sst s2  }
0x8f: {  	_ = 	snop  }
0x90: {  	(tm) =	ssettm $0x1  }
0x91: {  	s18 =	sld [smem:$0x3FFB];
	_ =	sdelay $0x3  }
0x92: {  	_ =	strace s18  }
0x93: {  	s2 =	sld [smem:$0x3FFC];
	_ =	sdelay $0x3  }
0x94: {  	_ =	strace s2  }
0x95: {  	s2 =	sld [smem:$0x3FFD];
	_ =	sdelay $0x3  }
0x96: {  	_ =	strace s2  }
0x97: {  	_ =	strace $0x8FFFFFFF  }
0x98: {  	s19 =	sld [smem:$0x3FDB];
	_ =	sdelay $0x1  }
0x99: {  	s20 =	simm.s32 $_scs_section_size  }
0x9a: {  	s4 =	simm.s32 $_size__tile_overlayer_lowered;
	s5 =	simm.s32 $_tile_overlayer_lowered  }
0x9b: {  	s6 =	simm.s32 $0x1BFF;
	s21 =	sshll.u32 s5, $0x1;
	s3 =	sadd.s32 s20, s19  }
0x9c: {  	s22 =	simm.s32 $0x0;
	s4 =	sshll.u32 s4, $0x1;
	s5 =	sadd.s32 s21, s3  }
0x9d: {  	[timem:s22], [sflag:s6] =	dma.local [hbm:s5], s4  }
0x9e: {  	_ =	swait.ge [sflag:s6], s4  }
0x9f: {  	s4 =	ssub.s32 $0x0, s4;
	[sflag:s6] =	ssyncset.done $0x0  }
0xa0: {  	[sflag:s6] =	ssyncadd.s32 s4;
	_ =	sdelay $0x1  }
0xa1: {  	s23 =	simm.s32 $0x1B8B  }
0xa2: {  	_ =	swait.ge [sflag:s23], $0x1  }
0xa3: {  	[sflag:s23] =	ssyncset.done $0x0  }
0xa4: {  	[sflag:s23] =	ssyncadd.s32 $0xFFFFFFFF  }
0xa5: {  	s4 =	sld [smem:$0x0]  }
0xa6: {  	s5 =	sand.u32 $0xFFFFFFFE, s1  }
0xa7: {  	p0 =	sne.s32 s1, s5  }
0xa8: {  	s5 =	sshll.u32 @p0 s5, $0xE  }
0xa9: {  	s5 =	sadd.s32 @p0 $0x11B8D, s5;
	s6 =	sshll.u32 @p0 s4, $0x11  }
0xaa: {  	s5 =	sor.u32 @p0 s6, s5  }
0xab: {  	[sflag:s5] =	ssyncadd.remote.s32 @p0 $0x1;
	_ =	sdelay $0x1  }
0xac: {  	s5 =	simm.s32 @p0 $0x1B8D  }
0xad: {  	_ =	swait.eq @p0 [sflag:s5], $0x1  }
0xae: {  	[sflag:s5] =	ssyncadd.s32 @p0 $0xFFFFFFFF  }
0xaf: {  	s6 =	sshll.u32 @!p0 s1, $0xE  }
0xb0: {  	s6 =	sor.u32 @!p0 $0x4000, s6;
	s5 =	simm.s32 @!p0 $0x1B8D  }
0xb1: {  	s4 =	sshll.u32 @!p0 s4, $0x11;
	s6 =	sadd.s32 @!p0 $0x11B8D, s6;
	_ =	swait.eq @!p0 [sflag:s5], $0x1  }
0xb2: {  	s4 =	sor.u32 @!p0 s4, s6;
	[sflag:s5] =	ssyncadd.s32 @!p0 $0xFFFFFFFF  }
0xb3: {  	s25 =	simm.s32 $0x1B8E;
	s24 =	sld [smem:$0x3FFE];
	[sflag:s4] =	ssyncadd.remote.s32 @!p0 $0x1  }
0xb4: {  	s26 =	simm.s32 $execute0_lowered;
	[smem:$0x3FD2] =	sst s25  }
0xb5: {  	s5 =	sshll.u32 s26, $0x1;
	_ =	strace $0x8000004F;
	[dreg:$0x1] =	wrdreg $0xFFFFFFFF  }
0xb6: {  	s28 =	simm.s32 $_size_execute0_lowered;
	s3 =	sadd.s32 s3, s5;
	[dreg:$0x0] =	wrdreg $0x0  }
0xb7: {  	s5 =	sshll.u32 s28, $0x1;
	[dreg:$0x2] =	wrdreg s3  }
0xb8: {  	[dreg:$0x3] =	wrdreg s5  }
0xb9: {  	[dreg:$0x4] =	wrdreg $0xC0  }
0xba: {  	_ =	task [dreg:s22], $0x5FFFF  }
0xbb: {  	[dreg:$0x1] =	wrdreg $0xFFFFFFFF  }
0xbc: {  	[dreg:$0x0] =	wrdreg $0x60  }
0xbd: {  	[dreg:$0x2] =	wrdreg s24  }
0xbe: {  	[dreg:$0x3] =	wrdreg $0x9  }
0xbf: {  	_ =	task.clear_ibuf [dreg:s22], $0x4FFFF;
	_ =	strace $0x9000004F  }
0xc0: {  	s29 =	simm.s32 $0x9;
	_ =	strace $0x80000051  }
0xc1: {  	_ =	swait.ge [sflag:s29], $0x1  }
0xc2: {  	[sflag:s29] =	ssyncadd.s32 $0xFFFFFFFF  }
0xc3: {  	_ =	strace $0x90000051  }
0xc4: {  	_ =	sfence  }
0xc5: {  	s30 =	sld [smem:$0x0];
	_ =	sdelay $0x2  }
0xc6: {  	s31 =	sshll.u32 s1, $0xD;
	s1 =	sshrl.u32 s1, $0x2  }
0xc7: {  	s4 =	sand.u32 $0x4000, s31;
	s1 =	sadd.s32 s1, s30  }
0xc8: {  	s0 =	sor.u32 s4, s0;
	s1 =	sshll.u32 s1, $0x11  }
0xc9: {  	s0 =	sor.u32 s1, s0  }
0xca: {  	s0 =	sadd.s32 $0x8F2B, s0  }
0xcb: {  	[sflag:s0] =	ssyncadd.remote.s32 $0x1  }
0xcc: {  	_ =	sfence.sel $0xFFFF  }
0xcd: {  	[dreg:$0x0] =	wrdreg $0xFFFFFFFF;
	(pc) =	sbr.abs _section_cstart, $3  }
0xce: {  	[dreg:$0x1] =	wrdreg $0xFFFFFFFF  }
0xcf: {  	_ =	task.clear_ibuf [dreg:s22], $0x2FFFF;
	_ =	strace $0x9FFFFFFF  }
0xd0: {  	(tm) =	ssettm $0x7FFFFFFF  }
0xd1: {  	_ =	shalt  }
tec
execute0_lowered:
.L_overlay_start_1:
0x0: {  	(tag) =	ssettag $0x1  }
0x1: {  	s1 =	srdreg.scid;
	s0 =	stileid.u32  }
0x2: {  	s4 =	rddreg [dreg:$0x0];
	s2 =	simm.s32 $0x0;
	s11 =	simm.s32 $0x80  }
0x3: {  	s12 =	simm.s32 $0x2;
	s13 =	simm.s32 $0x200;
	s14 =	simm.s32 $0x4000  }
0x4: {  	s15 =	simm.s32 $0x3;
	s16 =	simm.s32 $0x4E00;
	s17 =	simm.s32 $0x1  }
0x5: {  	s18 =	simm.s32 $0xE00;
	s3 =	sand.u32 $0x1, s1;
	s30 =	sshll.u32 s0, $0x1  }
0x6: {  	s19 =	simm.s32 $0x0;
	[smem:$0x7FF] =	sst s2;
	s6 =	sor.u32 s3, s30  }
0x7: {  	s1 =	rddreg [dreg:$0x1];
	_ =	strace $0x80000050;
	s5 =	smul.u32 $0x1C0, s6  }
.Ltmp0:
0x8: {  	s7 =	ssub.s32 $0x2, s3;
	s3 =	sadd.s32 $0x1FD800, s4;
	(pc) =	sbr.rel .LBB2_1-.Ltmp0, $4  }
0x9: {  	s8 =	sshrl.u32 s7, $0x1;
	s9 =	sshll.u32 s6, $0x6;
	s6 =	sshll.u32 s6, $0x9  }
0xa: {  	s10 =	ssub.s32 s7, s8;
	s31 =	sadd.s32 s9, s3;
	s5 =	sadd.s32 s5, s4  }
0xb: {  	s4 =	sadd.s32 $0x5ECC00, s4;
	s7 =	sadd.s32 $0x28000, s31;
	s8 =	sadd.s32 $0x30000, s31  }
0xc: {  	s9 =	smax.u32 s10, $0x1;
	s10 =	simm.s32 $0x4;
	s5 =	sadd.s32 $0x1FA000, s5  }
.LBB2_17:
0xd: {  	_ =	swait.ge [sflag:s15], $0x2000  }
0xe: {  	[sflag:s15] =	ssyncset.done $0x0  }
0xf: {  	[sflag:s15] =	ssyncadd.s32 $0xFFFFE000  }
0x10: {  	[hbm4b:s7+s13] =	stream.strided.scatter [tilespmem:s16], [sflag:$0x4], $0x2000, s14, s13, $0x38;
	[tilespmem:$0x6E00] =	vst v63  }
0x11: {  	_ =	swait.ge [sflag:s10], $0x2000  }
0x12: {  	[sflag:s10] =	ssyncset.done $0x0  }
0x13: {  	[sflag:s10] =	ssyncadd.s32 $0xFFFFE000  }
0x14: {  	s19 =	sadd.s32 $0x1, s19;
	_ =	swait.ge [sflag:s17], $0x2000  }
0x15: {  	p0 =	sne.s32 s19, s9;
	[sflag:s17] =	ssyncset.done $0x0  }
.Ltmp1:
0x16: {  	[sflag:s17] =	ssyncadd.s32 $0xFFFFE000;
	(pc) =	sbr.rel @!p0 .LBB2_18-.Ltmp1, $4  }
0x17: {  	[hbm4b:s8+s13] =	stream.strided.scatter [tilespmem:s18], [sflag:$0x4], $0x2000, s14, s13, $0x38;
	[tilespmem:$0x6E00] =	vst v63  }
0x18: {  	_ =	swait.ge [sflag:s10], $0x2000  }
0x19: {  	[sflag:s10] =	ssyncset.done $0x0  }
0x1a: {  	[sflag:s10] =	ssyncadd.s32 $0xFFFFE000  }
.LBB2_1:
.Ltmp2:
0x1b: {  	(pc) =	sbr.rel .LBB2_2-.Ltmp2, $4  }
0x1c: {  	[tilespmem:s2], [sflag:$0x4] =	stream.linear.gather [hbm4b:s5+s2], $0xE00, $0x38;
	[tilespmem:$0x6E00] =	vst v63  }
0x1d: {  	_ =	swait.ge [sflag:s10], $0xE00  }
0x1e: {  	[sflag:s10] =	ssyncset.done $0x0  }
0x1f: {  	s20 =	smov.u32 s4;
	s21 =	simm.s32 $0x0;
	[sflag:s10] =	ssyncadd.s32 $0xFFFFF200  }
.LBB2_14:
0x20: {  	s22 =	sadd.s32 $0xFFFFFFFE, s21  }
0x21: {  	s24 =	smulhi.u32 $0xAAAAAAAB, s22  }
0x22: {  	[tilespmem:s30], [sflag:$0x3] =	stream.indirect.gather [hbm4b:s26+s11], $0x1, s23, s11, $0xb8;
	[tilespmem:$0x6E00] =	vst v63  }
0x23: {  	s29 =	sshrl.u32 s24, $0x1  }
0x24: {  	s23 =	smul.u32 $0x3, s29  }
0x25: {  	s30 =	sshll.u32 s22, $0x12  }
0x26: {  	_ =	swait.ge [sflag:s17], $0x2000;
	s24 =	sor.u32 s6, s30;
	s22 =	ssub.s32 s22, s23  }
0x27: {  	[sflag:s17] =	ssyncset.done $0x0;
	s31 =	sshrl.u32 s24, $0x3;
	s22 =	sshll.u32 s22, $0xD  }
0x28: {  	[sflag:s17] =	ssyncadd.s32 $0xFFFFE000;
	s23 =	sadd.s32 s3, s31;
	s22 =	sor.u32 $0xE00, s22  }
0x29: {  	[hbm4b:s23+s13] =	stream.strided.scatter [tilespmem:s22], [sflag:$0x5], $0x2000, s14, s13, $0x38;
	[tilespmem:$0x6E00] =	vst v63  }
0x2a: {  	s22 =	simm.s32 $0x5  }
.LBB2_15:
0x2b: {  	_ =	swait.ge [sflag:s22], $0x2000  }
0x2c: {  	[sflag:s22] =	ssyncset.done $0x0  }
0x2d: {  	[sflag:s22] =	ssyncadd.s32 $0xFFFFE000  }
.LBB2_16:
0x2e: {  	s21 =	sadd.s32 $0x1, s21  }
0x2f: {  	p0 =	sne.s32 s21, $0x7  }
.Ltmp3:
0x30: {  	_ = 	snop;
	(pc) =	sbr.rel @!p0 .LBB2_17-.Ltmp3, $2  }
0x31: {  	_ =	sdelay $0x2  }
0x32: {  	s20 =	sadd.s32 $0x30D40, s20  }
.LBB2_2:
0x33: {  	s22 =	smul.u32 $0xAB, s21;
	_ =	sdelay $0x1  }
0x34: {  	s22 =	sshrl.u32 s22, $0x9  }
0x35: {  	s22 =	sand.u32 $0x7F, s22  }
0x36: {  	s22 =	smul.u32 $0x3, s22;
	_ =	sdelay $0x1  }
0x37: {  	s22 =	ssub.s32 s21, s22  }
0x38: {  	s23 =	sand.u32 $0xFF, s22  }
0x39: {  	p0 =	sne.s32 s23, $0x0  }
.Ltmp4:
0x3a: {  	_ = 	snop;
	(pc) =	sbr.rel @!p0 .LBB2_3-.Ltmp4, $3  }
0x3b: {  	_ =	sdelay $0x1  }
0x3c: {  	s31 =	sshll.u32 s21, $0x9  }
0x3d: {  	s22 =	sand.u32 $0x3FFFFE00, s31  }
0x3e: {  	p0 =	sne.s32 s23, $0x1  }
.Ltmp5:
0x3f: {  	_ = 	snop;
	(pc) =	sbr.rel @p0 .LBB2_12-.Ltmp5, $4  }
0x40: {  	_ = 	snop  }
0x41: {  	s24 =	sor.u32 $0x80, s22  }
0x42: {  	s25 =	sor.u32 $0x100, s22;
	s23 =	sor.u32 $0x180, s22;
	s28 =	simm.s32 $0x0  }
0x43: {  	s29 =	simm.s32 $0x4E00;
	s30 =	simm.s32 $0x2E00;
	s26 =	sadd.s32 s28, s20  }
0x44: {  	[tilespmem:s30], [sflag:$0x2] =	stream.indirect.gather [hbm4b:s26+s11], $0x1, s22, s11, $0xb8;
	[tilespmem:$0x6E00] =	vst v63  }
0x45: {  	s29 =	sadd.s32 $0x80, s30  }
0x46: {  	[tilespmem:s29], [sflag:$0x2] =	stream.indirect.gather [hbm4b:s26+s11], $0x1, s24, s11, $0xb8;
	[tilespmem:$0x6E00] =	vst v63  }
0x47: {  	s29 =	sadd.s32 $0x100, s30  }
0x48: {  	[tilespmem:s29], [sflag:$0x2] =	stream.indirect.gather [hbm4b:s26+s11], $0x1, s25, s11, $0xb8;
	[tilespmem:$0x6E00] =	vst v63  }
0x49: {  	s28 =	sadd.s32 $0x30D4, s28;
	s31 =	sadd.s32 $0x180, s30;
	s29 =	sadd.s32 $0x200, s30  }
.LBB2_9:
0x4a: {  	[tilespmem:s31], [sflag:$0x2] =	stream.indirect.gather [hbm4b:s26+s11], $0x1, s23, s11, $0xb8;
	[tilespmem:$0x6E00] =	vst v63  }
0x4b: {  	s26 =	sadd.s32 s28, s20;
	p0 =	sne.s32 s28, $0x2DC6C;
	s28 =	sadd.s32 $0x30D4, s28  }
0x4c: {  	[tilespmem:s29], [sflag:$0x2] =	stream.indirect.gather [hbm4b:s26+s11], $0x1, s22, s11, $0xb8;
	[tilespmem:$0x6E00] =	vst v63  }
.Ltmp6:
0x4d: {  	s30 =	sadd.s32 $0x80, s29;
	(pc) =	sbr.rel @p0 .LBB2_9-.Ltmp6, $4  }
0x4e: {  	[tilespmem:s30], [sflag:$0x2] =	stream.indirect.gather [hbm4b:s26+s11], $0x1, s24, s11, $0xb8;
	[tilespmem:$0x6E00] =	vst v63  }
0x4f: {  	s30 =	sadd.s32 $0x100, s29  }
0x50: {  	[tilespmem:s30], [sflag:$0x2] =	stream.indirect.gather [hbm4b:s26+s11], $0x1, s25, s11, $0xb8;
	[tilespmem:$0x6E00] =	vst v63  }
0x51: {  	s31 =	sadd.s32 $0x180, s29;
	s29 =	sadd.s32 $0x200, s29  }
0x52: {  	p0 =	sgt.u32 s21, $0x1  }
.Ltmp7:
0x53: {  	_ = 	snop;
	(pc) =	sbr.rel @!p0 .LBB2_16-.Ltmp7, $2  }
0x54: {  	_ =	sdelay $0x2  }
0x55: {  	[tilespmem:s31], [sflag:$0x2] =	stream.indirect.gather [hbm4b:s26+s11], $0x1, s23, s11, $0xb8;
	[tilespmem:$0x6E00] =	vst v63  }
0x56: {  	s22 =	sadd.s32 $0xFFFFFFFE, s21  }
0x57: {  	s23 =	smulhi.u32 $0xAAAAAAAB, s22;
	_ =	sdelay $0x1  }
0x58: {  	s23 =	sshrl.u32 s23, $0x1  }
0x59: {  	s23 =	smul.u32 $0x3, s23  }
0x5a: {  	_ =	swait.ge [sflag:s15], $0x2000;
	s24 =	sshll.u32 s22, $0x12  }
.Ltmp8:
0x5b: {  	s24 =	sor.u32 s6, s24;
	s22 =	ssub.s32 s22, s23;
	(pc) =	sbr.rel .LBB2_15-.Ltmp8, $4  }
0x5c: {  	[sflag:s15] =	ssyncset.done $0x0;
	s31 =	sshrl.u32 s24, $0x3;
	s22 =	sshll.u32 s22, $0xD  }
0x5d: {  	[sflag:s15] =	ssyncadd.s32 $0xFFFFE000;
	s23 =	sadd.s32 s3, s31;
	s22 =	sor.u32 $0xE00, s22  }
0x5e: {  	[hbm4b:s23+s13] =	stream.strided.scatter [tilespmem:s22], [sflag:$0x4], $0x2000, s14, s13, $0x38;
	[tilespmem:$0x6E00] =	vst v63  }
0x5f: {  	s22 =	simm.s32 $0x4  }
.LBB2_3:
0x60: {  	s24 =	simm.s32 $0xE00;
	s23 =	sadd.s32 $0x0, s20  }
0x61: {  	[tilespmem:s24], [sflag:$0x1] =	stream.indirect.gather [hbm4b:s23+s11], $0x1, s22, s11, $0xb8;
	[tilespmem:$0x6E00] =	vst v63  }
0x62: {  	s25 =	simm.s32 $0xE80;
	s24 =	sor.u32 $0x80, s22  }
0x63: {  	[tilespmem:s25], [sflag:$0x1] =	stream.indirect.gather [hbm4b:s23+s11], $0x1, s24, s11, $0xb8;
	[tilespmem:$0x6E00] =	vst v63  }
0x64: {  	s26 =	simm.s32 $0xF00;
	s28 =	simm.s32 $0x30D4;
	s25 =	sor.u32 $0x100, s22  }
0x65: {  	[tilespmem:s26], [sflag:$0x1] =	stream.indirect.gather [hbm4b:s23+s11], $0x1, s25, s11, $0xb8;
	[tilespmem:$0x6E00] =	vst v63  }
0x66: {  	s30 =	simm.s32 $0xF80;
	s29 =	simm.s32 $0x1000;
	s26 =	sor.u32 $0x180, s22  }
.LBB2_4:
0x67: {  	[tilespmem:s30], [sflag:$0x1] =	stream.indirect.gather [hbm4b:s23+s11], $0x1, s26, s11, $0xb8;
	[tilespmem:$0x6E00] =	vst v63  }
0x68: {  	s23 =	sadd.s32 s28, s20;
	p0 =	seq.s32 s28, $0x2DC6C;
	s28 =	sadd.s32 $0x30D4, s28  }
0x69: {  	[tilespmem:s29], [sflag:$0x1] =	stream.indirect.gather [hbm4b:s23+s11], $0x1, s22, s11, $0xb8;
	[tilespmem:$0x6E00] =	vst v63  }
.Ltmp9:
0x6a: {  	s30 =	sadd.s32 $0x80, s29;
	(pc) =	sbr.rel @!p0 .LBB2_4-.Ltmp9, $4  }
0x6b: {  	[tilespmem:s30], [sflag:$0x1] =	stream.indirect.gather [hbm4b:s23+s11], $0x1, s24, s11, $0xb8;
	[tilespmem:$0x6E00] =	vst v63  }
0x6c: {  	s30 =	sadd.s32 $0x100, s29  }
0x6d: {  	[tilespmem:s30], [sflag:$0x1] =	stream.indirect.gather [hbm4b:s23+s11], $0x1, s25, s11, $0xb8;
	[tilespmem:$0x6E00] =	vst v63  }
0x6e: {  	s30 =	sadd.s32 $0x180, s29;
	s29 =	sadd.s32 $0x200, s29  }
0x6f: {  	p0 =	sgt.u32 s21, $0x1  }
.Ltmp10:
0x70: {  	_ = 	snop;
	(pc) =	sbr.rel @!p0 .LBB2_16-.Ltmp10, $2  }
0x71: {  	_ =	sdelay $0x2  }
0x72: {  	[tilespmem:s30], [sflag:$0x1] =	stream.indirect.gather [hbm4b:s23+s11], $0x1, s26, s11, $0xb8;
	[tilespmem:$0x6E00] =	vst v63  }
0x73: {  	s22 =	sadd.s32 $0xFFFFFFFE, s21  }
0x74: {  	s23 =	smulhi.u32 $0xAAAAAAAB, s22;
	_ =	sdelay $0x1  }
0x75: {  	s23 =	sshrl.u32 s23, $0x1  }
0x76: {  	s23 =	smul.u32 $0x3, s23  }
0x77: {  	_ =	swait.ge [sflag:s12], $0x2000;
	s24 =	sshll.u32 s22, $0x12  }
.Ltmp11:
0x78: {  	s24 =	sor.u32 s6, s24;
	s22 =	ssub.s32 s22, s23;
	(pc) =	sbr.rel .LBB2_15-.Ltmp11, $4  }
0x79: {  	[sflag:s12] =	ssyncset.done $0x0;
	s31 =	sshrl.u32 s24, $0x3;
	s22 =	sshll.u32 s22, $0xD  }
0x7a: {  	[sflag:s12] =	ssyncadd.s32 $0xFFFFE000;
	s23 =	sadd.s32 s3, s31;
	s22 =	sor.u32 $0xE00, s22  }
0x7b: {  	[hbm4b:s23+s13] =	stream.strided.scatter [tilespmem:s22], [sflag:$0x5], $0x2000, s14, s13, $0x38;
	[tilespmem:$0x6E00] =	vst v63  }
0x7c: {  	s22 =	simm.s32 $0x5  }
.LBB2_12:
0x7d: {  	[tilespmem:s29], [sflag:$0x3] =	stream.indirect.gather [hbm4b:s26+s11], $0x1, s22, s11, $0xb8;
	[tilespmem:$0x6E00] =	vst v63  }
0x7e: {  	s30 =	sadd.s32 $0x80, s29  }
0x7f: {  	[tilespmem:s30], [sflag:$0x3] =	stream.indirect.gather [hbm4b:s26+s11], $0x1, s24, s11, $0xb8;
	[tilespmem:$0x6E00] =	vst v63  }
0x80: {  	s30 =	sadd.s32 $0x100, s29  }
0x81: {  	[tilespmem:s30], [sflag:$0x3] =	stream.indirect.gather [hbm4b:s26+s11], $0x1, s25, s11, $0xb8;
	[tilespmem:$0x6E00] =	vst v63  }
0x82: {  	s28 =	sadd.s32 $0x30D4, s28;
	s30 =	sadd.s32 $0x180, s29;
	s29 =	sadd.s32 $0x200, s29  }
.LBB2_13:
0x83: {  	[tilespmem:s30], [sflag:$0x3] =	stream.indirect.gather [hbm4b:s26+s11], $0x1, s23, s11, $0xb8;
	[tilespmem:$0x6E00] =	vst v63  }
0x84: {  	s26 =	sadd.s32 s28, s20;
	p0 =	sne.s32 s28, $0x2DC6C;
	s28 =	sadd.s32 $0x30D4, s28  }
0x85: {  	[tilespmem:s29], [sflag:$0x3] =	stream.indirect.gather [hbm4b:s26+s11], $0x1, s22, s11, $0xb8;
	[tilespmem:$0x6E00] =	vst v63  }
.Ltmp12:
0x86: {  	s30 =	sadd.s32 $0x80, s29;
	(pc) =	sbr.rel @p0 .LBB2_13-.Ltmp12, $4  }
0x87: {  	[tilespmem:s30], [sflag:$0x3] =	stream.indirect.gather [hbm4b:s26+s11], $0x1, s24, s11, $0xb8;
	[tilespmem:$0x6E00] =	vst v63  }
0x88: {  	s30 =	sadd.s32 $0x100, s29  }
0x89: {  	[tilespmem:s30], [sflag:$0x3] =	stream.indirect.gather [hbm4b:s26+s11], $0x1, s25, s11, $0xb8;
	[tilespmem:$0x6E00] =	vst v63  }
0x8a: {  	s30 =	sadd.s32 $0x180, s29;
	s29 =	sadd.s32 $0x200, s29  }
.Ltmp13:
0x8b: {  	_ = 	snop;
	(pc) =	sbr.rel .LBB2_14-.Ltmp13, $1  }
0x8c: {  	_ =	sdelay $0x3  }
.LBB2_18:
0x8d: {  	_ =	sfence.sel $0x180000  }
0x8e: {  	[bflag:$0x0] =	sbarrier.arrive $0xFFFF  }
0x8f: {  	p0 =	sne.s32 s0, $0x0;
	_ =	strace $0x90000050  }
0x90: {  	s0 =	sadd.s32 @!p0 $0x100000, s1;
	[bflag:$0x2] =	sbarrier.arrive $0xFFFF  }
0x91: {  	[sflag:s0] =	ssyncadd.tile.s32 @!p0 $0x1;
	_ =	shalt  }
.Lfunc_end2:
_tile_overlayer_lowered:
.L_overlay_start_2:
0x92: {  	(tag) =	ssettag $0x2  }
0x93: {  	s0 =	rddreg [dreg:$0x0];
	s2 =	stileid.u32  }
0x94: {  	s1 =	rddreg [dreg:$0x1];
	p0 =	sne.s32 s2, $0x0  }
0x95: {  	s3 =	rddreg [dreg:$0x2];
	[bflag:$0x3] =	sbarrier.arrive $0xFFFF;
	s2 =	simm.s32 @!p0 $0x1C04  }
0x96: {  	[timem:s3], [sflag:s2] =	dma.local @!p0 [hbm:s0], s1  }
0x97: {  	s0 =	simm.s32 @!p0 $0x4  }
0x98: {  	_ =	swait.ge @!p0 [sflag:s0], s1  }
0x99: {  	s1 =	ssub.s32 @!p0 $0x0, s1;
	[sflag:s0] =	ssyncset.done @!p0 $0x0  }
0x9a: {  	[sflag:s0] =	ssyncadd.s32 @!p0 s1  }
0x9b: {  	[bflag:$0x3] =	sbarrier.arrive $0xFFFF  }
0x9c: {  	_ =	shalt  }

</sc_bundles>
